<compile_context>
chip_gen: v7x
topology: tpu7x:2x2x1
jax: 0.10.2.dev20260603
libtpu: 0.0.44.dev20260713+nightly
codegen_flags: <defaults>
</compile_context>

<pallas_src>
import dataclasses
import functools

import jax
import jax.numpy as jnp
from jax import lax
from jax.experimental import pallas as pl
from jax.experimental.pallas import tpu as pltpu
from jax.experimental.pallas import tpu_sc as plsc

N_NODES = 10000
D_FEAT = 128
DIM_H = 128
DIM_EXT = 144
N_EDGES = 320000
CHUNK = 80
EDGES_PER_TILE = N_EDGES // 32
NCHUNKS = EDGES_PER_TILE // CHUNK
ROWS_PER_SUB = N_NODES // 16


def _dot(a, b):
    return lax.dot_general(a, b, (((1,), (0,)), ((), ())),
                           preferred_element_type=jnp.float32)



def _pre_body(x_ref, ws_ref, wd_ref, atts_ref, attd_ref, xe_ref, ad_ref):
    x = x_ref[...]
    xs = _dot(x, ws_ref[...])
    asrc16 = _dot(xs, atts_ref[...])
    xe_ref[...] = jnp.concatenate([xs, asrc16], axis=1)
    xd = _dot(x, wd_ref[...])
    ad_ref[...] = _dot(xd, attd_ref[...])


def _tc_pre(x, W_src, W_dst, atts16, attd16):
    blk = 2000
    grid = (N_NODES // blk,)
    return pl.pallas_call(
        _pre_body,
        grid=grid,
        in_specs=[
            pl.BlockSpec((blk, D_FEAT), lambda i: (i, 0)),
            pl.BlockSpec((D_FEAT, DIM_H), lambda i: (0, 0)),
            pl.BlockSpec((D_FEAT, DIM_H), lambda i: (0, 0)),
            pl.BlockSpec((DIM_H, 16), lambda i: (0, 0)),
            pl.BlockSpec((DIM_H, 16), lambda i: (0, 0)),
        ],
        out_specs=[
            pl.BlockSpec((blk, DIM_EXT), lambda i: (i, 0)),
            pl.BlockSpec((blk, 16), lambda i: (i, 0)),
        ],
        out_shape=[
            jax.ShapeDtypeStruct((N_NODES, DIM_EXT), jnp.float32),
            jax.ShapeDtypeStruct((N_NODES, 16), jnp.float32),
        ],
    )(x, W_src, W_dst, atts16, attd16)



def _sc_body(xe_hbm, ad2_hbm, ei_hbm, feat_hbm, den_hbm,
             rows0, rows1, arows0, arows1, sidx0, sidx1, didx0, didx1,
             dsc0, dsc1, p_v, out_sh,
             gsem0, gsem1, ssem0, ssem1, isem0, isem1):
    c = lax.axis_index("c")
    s = lax.axis_index("s")
    wid = c * 16 + s
    edge0 = wid * EDGES_PER_TILE

    rows = (rows0, rows1)
    arows = (arows0, arows1)
    sidx = (sidx0, sidx1)
    didx = (didx0, didx1)
    dsc = (dsc0, dsc1)
    gsem = (gsem0, gsem1)
    ssem = (ssem0, ssem1)
    isem = (isem0, isem1)

    zf = jnp.zeros((16,), jnp.float32)
    lane = lax.iota(jnp.int32, 16)
    c128 = jnp.full((16,), DIM_H, jnp.int32)
    c0 = jnp.zeros((16,), jnp.int32)

    @pl.loop(0, CHUNK)
    def _zero(r):
        for k in range(DIM_EXT // 16):
            rows0[r, pl.ds(k * 16, 16)] = zf

    base_row = s * ROWS_PER_SUB
    for t in range(7):
        pltpu.sync_copy(rows0, out_sh.at[pl.ds(base_row + t * CHUNK, CHUNK)])
    pltpu.sync_copy(rows0.at[pl.ds(0, 65)],
                    out_sh.at[pl.ds(base_row + 7 * CHUNK, 65)])
    plsc.subcore_barrier()

    def issue_idx(i, b, sync=False):
        off = edge0 + i * CHUNK
        if sync:
            pltpu.sync_copy(ei_hbm.at[0, pl.ds(off, CHUNK)], sidx[b])
            pltpu.sync_copy(ei_hbm.at[1, pl.ds(off, CHUNK)], didx[b])
        else:
            pltpu.async_copy(ei_hbm.at[0, pl.ds(off, CHUNK)], sidx[b], isem[b])
            pltpu.async_copy(ei_hbm.at[1, pl.ds(off, CHUNK)], didx[b], isem[b])

    def wait_idx(i, b):
        off = edge0 + i * CHUNK
        pltpu.make_async_copy(ei_hbm.at[0, pl.ds(off, CHUNK)], sidx[b], isem[b]).wait()
        pltpu.make_async_copy(ei_hbm.at[1, pl.ds(off, CHUNK)], didx[b], isem[b]).wait()

    def issue_gather(b):
        pltpu.async_copy(xe_hbm.at[sidx[b]], rows[b], gsem[b])
        pltpu.async_copy(ad2_hbm.at[didx[b]], arows[b], gsem[b])

    def wait_gather(b):
        pltpu.make_async_copy(xe_hbm.at[sidx[b]], rows[b], gsem[b]).wait()
        pltpu.make_async_copy(ad2_hbm.at[didx[b]], arows[b], gsem[b]).wait()

    def issue_scatter(b):
        pltpu.async_copy(rows[b], out_sh.at[dsc[b]], ssem[b], add=True)

    def wait_scatter(b):
        pltpu.make_async_copy(rows[b], out_sh.at[dsc[b]], ssem[b]).wait()

    def compute(b):
        rb = rows[b]
        ab = arows[b]
        for j in range(CHUNK // 16):
            ridx = lane + j * 16
            a = plsc.load_gather(rb, [ridx, c128]) + plsc.load_gather(ab, [ridx, c0])
            e = jnp.where(a >= 0.0, a, 0.2 * a)
            p = jnp.exp(e)
            p_v[pl.ds(j * 16, 16)] = p
            plsc.store_scatter(rb, [ridx, c128], p)

        @pl.loop(0, CHUNK, step=8)
        def _scale(r0):
            for rr in range(8):
                pb = plsc.load_gather(p_v, [jnp.full((16,), r0 + rr, jnp.int32)])
                for k in range(DIM_H // 16):
                    rb[r0 + rr, pl.ds(k * 16, 16)] = rb[r0 + rr, pl.ds(k * 16, 16)] * pb

    def half(i, b):
        b1 = 1 - b
        wait_idx(i + 1, b1)

        @pl.when(i >= 1)
        def _():
            wait_scatter(b1)

        issue_gather(b1)
        wait_gather(b)
        for k in range(CHUNK // 16):
            dsc[b][pl.ds(k * 16, 16)] = didx[b][pl.ds(k * 16, 16)]

        @pl.when(i + 2 < NCHUNKS)
        def _():
            issue_idx(i + 2, b)

        compute(b)
        issue_scatter(b)

    issue_idx(0, 0, sync=True)
    issue_gather(0)
    issue_idx(1, 1)

    @pl.loop(0, NCHUNKS - 1, step=2)
    def _main(i):
        half(i, 0)
        half(i + 1, 1)

    wait_scatter(1)
    wait_gather(0)
    for k in range(CHUNK // 16):
        dsc0[pl.ds(k * 16, 16)] = didx0[pl.ds(k * 16, 16)]
    compute(0)
    issue_scatter(0)
    wait_scatter(0)

    plsc.subcore_barrier()
    pltpu.sync_copy(out_sh.at[pl.ds(base_row, ROWS_PER_SUB), pl.ds(0, DIM_H)],
                    feat_hbm.at[pl.ds(c * N_NODES + base_row, ROWS_PER_SUB)])
    pltpu.sync_copy(out_sh.at[pl.ds(base_row, ROWS_PER_SUB), pl.ds(DIM_H, 16)],
                    den_hbm.at[pl.ds(c * N_NODES + base_row, ROWS_PER_SUB)])


def _sc_gat(xe, ad2, ei):
    mesh = plsc.VectorSubcoreMesh(core_axis_name="c", subcore_axis_name="s")
    cp = pltpu.CompilerParams(use_tc_tiling_on_sc=False)
    if "needs_layout_passes" in pltpu.CompilerParams.__dataclass_fields__:
        cp = dataclasses.replace(cp, needs_layout_passes=False)
    kern = pl.kernel(
        _sc_body,
        out_type=[
            jax.ShapeDtypeStruct((2 * N_NODES, DIM_H), jnp.float32),
            jax.ShapeDtypeStruct((2 * N_NODES, 16), jnp.float32),
        ],
        mesh=mesh,
        scratch_types=[
            pltpu.VMEM((CHUNK, DIM_EXT), jnp.float32),
            pltpu.VMEM((CHUNK, DIM_EXT), jnp.float32),
            pltpu.VMEM((CHUNK, 16), jnp.float32),
            pltpu.VMEM((CHUNK, 16), jnp.float32),
            pltpu.VMEM((CHUNK,), jnp.int32),
            pltpu.VMEM((CHUNK,), jnp.int32),
            pltpu.VMEM((CHUNK,), jnp.int32),
            pltpu.VMEM((CHUNK,), jnp.int32),
            pltpu.VMEM((CHUNK,), jnp.int32),
            pltpu.VMEM((CHUNK,), jnp.int32),
            pltpu.VMEM((CHUNK,), jnp.float32),
            pltpu.VMEM_SHARED((N_NODES, DIM_EXT), jnp.float32),
            pltpu.SemaphoreType.DMA,
            pltpu.SemaphoreType.DMA,
            pltpu.SemaphoreType.DMA,
            pltpu.SemaphoreType.DMA,
            pltpu.SemaphoreType.DMA,
            pltpu.SemaphoreType.DMA,
        ],
        compiler_params=cp,
    )
    return kern(xe, ad2, ei)



def _post_body(f0_ref, f1_ref, d0_ref, d1_ref, bias_ref, wl_ref, bl_ref,
               o_ref):
    acc = f0_ref[...] + f1_ref[...]
    den = jnp.sum(d0_ref[...] + d1_ref[...], axis=1, keepdims=True)
    h = jnp.maximum(acc / (den + 1e-16) + bias_ref[...], 0.0)
    o_ref[...] = _dot(h, wl_ref[...]) + bl_ref[...]


def _tc_post(feat, den, bias, W_lin, b_lin):
    blk = 2000
    grid = (N_NODES // blk,)
    half_off = N_NODES // blk
    return pl.pallas_call(
        _post_body,
        grid=grid,
        in_specs=[
            pl.BlockSpec((blk, DIM_H), lambda i: (i, 0)),
            pl.BlockSpec((blk, DIM_H), lambda i, o=half_off: (i + o, 0)),
            pl.BlockSpec((blk, 16), lambda i: (i, 0)),
            pl.BlockSpec((blk, 16), lambda i, o=half_off: (i + o, 0)),
            pl.BlockSpec((1, DIM_H), lambda i: (0, 0)),
            pl.BlockSpec((DIM_H, DIM_H), lambda i: (0, 0)),
            pl.BlockSpec((1, DIM_H), lambda i: (0, 0)),
        ],
        out_specs=pl.BlockSpec((blk, DIM_H), lambda i: (i, 0)),
        out_shape=jax.ShapeDtypeStruct((N_NODES, DIM_H), jnp.float32),
    )(feat, feat, den, den, bias, W_lin, b_lin)



def kernel(x, edge_index, W_src, W_dst, att_src, att_dst, bias_conv,
           W_lin, b_lin):
    ei = edge_index.astype(jnp.int32)

    atts16 = jnp.zeros((DIM_H, 16), jnp.float32).at[:, 0].set(att_src)
    attd16 = jnp.zeros((DIM_H, 16), jnp.float32).at[:, 0].set(att_dst)
    xe, ad2 = _tc_pre(x, W_src, W_dst, atts16, attd16)

    feat, den = _sc_gat(xe, ad2, ei)

    return _tc_post(feat, den, bias_conv.reshape(1, DIM_H),
                    W_lin, b_lin.reshape(1, DIM_H))

# --- scband reference (transcript-rebuilt; emitter-appended) ---
"""Pipeline reference for scband-gat-79585743995154 (READ-ONLY COPY).

The authoritative reference and input builder live on the scoring server;
editing this copy changes nothing except your own understanding.
"""

import jax, jax.numpy as jnp
import numpy as np

N_NODES = 10000
N_EDGES = 320000
D_FEAT = 128
DIM_H = 128
DIM_OUT = 128


def setup_inputs(seed: int = 0) -> dict:
    key = jax.random.key(seed)
    ks = jax.random.split(key, 9)
    x = jax.random.normal(ks[0], (N_NODES, D_FEAT), dtype=jnp.float32)
    edge_index = jax.random.randint(ks[1], (2, N_EDGES), 0, N_NODES, dtype=jnp.int64)
    W_src = jax.random.normal(ks[2], (D_FEAT, DIM_H), dtype=jnp.float32) * 0.05
    W_dst = jax.random.normal(ks[3], (D_FEAT, DIM_H), dtype=jnp.float32) * 0.05
    att_src = jax.random.normal(ks[4], (DIM_H,), dtype=jnp.float32) * 0.05
    att_dst = jax.random.normal(ks[5], (DIM_H,), dtype=jnp.float32) * 0.05
    bias_conv = jnp.zeros((DIM_H,), dtype=jnp.float32)
    W_lin = jax.random.normal(ks[6], (DIM_H, DIM_OUT), dtype=jnp.float32) * 0.05
    b_lin = jnp.zeros((DIM_OUT,), dtype=jnp.float32)
    return {"x": x, "edge_index": edge_index, "W_src": W_src, "W_dst": W_dst,
            "att_src": att_src, "att_dst": att_dst, "bias_conv": bias_conv,
            "W_lin": W_lin, "b_lin": b_lin}


def reference(x, edge_index, W_src, W_dst, att_src, att_dst, bias_conv, W_lin, b_lin):
    # GATConv (heads=1, add_self_loops=False, bipartite lins for (-1,-1))
    src = edge_index[0]
    dst = edge_index[1]
    x_src = x @ W_src  # [N, H]
    x_dst = x @ W_dst  # [N, H]
    alpha_src = (x_src * att_src).sum(axis=-1)  # [N]
    alpha_dst = (x_dst * att_dst).sum(axis=-1)  # [N]
    e = alpha_src[src] + alpha_dst[dst]  # [E]
    e = jax.nn.leaky_relu(e, negative_slope=0.2)
    # softmax over incoming edges grouped by dst node
    m = jax.ops.segment_max(e, dst, num_segments=N_NODES)
    m = jnp.where(jnp.isfinite(m), m, 0.0)
    e_exp = jnp.exp(e - m[dst])
    denom = jax.ops.segment_sum(e_exp, dst, num_segments=N_NODES)
    alpha = e_exp / (denom[dst] + 1e-16)  # [E]
    msg = x_src[src] * alpha[:, None]  # [E, H]
    out = jax.ops.segment_sum(msg, dst, num_segments=N_NODES) + bias_conv  # [N, H]
    h = jax.nn.relu(out)
    return h @ W_lin + b_lin

if __name__ == "__main__":
    import jax
    _d = setup_inputs()
    print(jax.jit(kernel)(*tuple(_d.values())))

</pallas_src>

<mosaic_0001>
#map = affine_map<(d0, d1) -> (0, 0)>
module attributes {stable_mosaic.version = 14 : i64} {
  func.func @_sc_body(%arg0: i32, %arg1: i32, %arg2: memref<10000x144xf32, #tpu.memory_space<hbm>>, %arg3: memref<10000x16xf32, #tpu.memory_space<hbm>>, %arg4: memref<2x320000xi32, #tpu.memory_space<hbm>>, %arg5: memref<20000x128xf32, #tpu.memory_space<hbm>>, %arg6: memref<20000x16xf32, #tpu.memory_space<hbm>>, %arg7: memref<80x144xf32, #tpu.memory_space<vmem>>, %arg8: memref<80x144xf32, #tpu.memory_space<vmem>>, %arg9: memref<80x16xf32, #tpu.memory_space<vmem>>, %arg10: memref<80x16xf32, #tpu.memory_space<vmem>>, %arg11: memref<80xi32, #tpu.memory_space<vmem>>, %arg12: memref<80xi32, #tpu.memory_space<vmem>>, %arg13: memref<80xi32, #tpu.memory_space<vmem>>, %arg14: memref<80xi32, #tpu.memory_space<vmem>>, %arg15: memref<80xi32, #tpu.memory_space<vmem>>, %arg16: memref<80xi32, #tpu.memory_space<vmem>>, %arg17: memref<80xf32, #tpu.memory_space<vmem>>, %arg18: memref<10000x144xf32, #tpu.memory_space<vmem_shared>>, %arg19: memref<!tpu.dma_semaphore, #tpu.memory_space<semaphore_mem>>, %arg20: memref<!tpu.dma_semaphore, #tpu.memory_space<semaphore_mem>>, %arg21: memref<!tpu.dma_semaphore, #tpu.memory_space<semaphore_mem>>, %arg22: memref<!tpu.dma_semaphore, #tpu.memory_space<semaphore_mem>>, %arg23: memref<!tpu.dma_semaphore, #tpu.memory_space<semaphore_mem>>, %arg24: memref<!tpu.dma_semaphore, #tpu.memory_space<semaphore_mem>>) attributes {dimension_semantics = [#tpu.dimension_semantics<core_parallel>, #tpu.dimension_semantics<subcore_parallel>], iteration_bounds = array<i64: 2, 16>, scalar_prefetch = 0 : i64, scratch_operands = 18 : i64, tpu.core_type = #tpu.core_type<sc_vector_subcore>, window_params = [{transform_indices = #map}, {transform_indices = #map}, {transform_indices = #map}, {transform_indices = #map}, {transform_indices = #map}]} {
    %mul3A = arith.constant 16 : i32
    %mul3A_0 = arith.muli %arg0, %mul3A : i32
    %add3A = arith.addi %mul3A_0, %arg1 : i32
    %mul3A_1 = arith.constant 10000 : i32
    %mul3A_2 = arith.muli %add3A, %mul3A_1 : i32
    %broadcast_in_dim3A = arith.constant 0.000000e+00 : f32
    %broadcast_in_dim3A_3 = vector.broadcast %broadcast_in_dim3A : f32 to vector<16xf32>
    %iota3A = tpu.iota {dimensions = array<i32: 0>} : vector<16xi32>
    %broadcast_in_dim3A_4 = arith.constant 128 : i32
    %broadcast_in_dim3A_5 = vector.broadcast %broadcast_in_dim3A_4 : i32 to vector<16xi32>
    %broadcast_in_dim3A_6 = arith.constant 0 : i32
    %broadcast_in_dim3A_7 = vector.broadcast %broadcast_in_dim3A_6 : i32 to vector<16xi32>
    %scan3A = arith.constant 0 : i32
    %scan3A_8 = arith.constant 80 : i32
    %scan3A_9 = arith.addi %scan3A, %scan3A_8 : i32
    %scan3A_10 = arith.constant 1 : i32
    scf.for %scan3A_175 = %scan3A to %scan3A_9 step %scan3A_10  : i32 {
      %mul3A_176 = arith.constant 1 : i32
      %mul3A_177 = arith.muli %scan3A_175, %mul3A_176 : i32
      %add3A_178 = arith.constant 0 : i32
      %add3A_179 = arith.addi %add3A_178, %mul3A_177 : i32
      %swap3A_180 = arith.index_cast %add3A_179 : i32 to index
      %swap3A_181 = arith.constant 0 : index
      %swap3A_182 = tpu.vector_load %arg7[%swap3A_180, %swap3A_181] {strides = array<i32>} : memref<80x144xf32, #tpu.memory_space<vmem>>, vector<16xf32>,
      tpu.vector_store %arg7[%swap3A_180, %swap3A_181], %broadcast_in_dim3A_3 {strides = array<i32>} : memref<80x144xf32, #tpu.memory_space<vmem>>, vector<16xf32>,
      %swap3A_183 = arith.index_cast %add3A_179 : i32 to index
      %swap3A_184 = arith.constant 16 : index
      %swap3A_185 = tpu.vector_load %arg7[%swap3A_183, %swap3A_184] {strides = array<i32>} : memref<80x144xf32, #tpu.memory_space<vmem>>, vector<16xf32>,
      tpu.vector_store %arg7[%swap3A_183, %swap3A_184], %broadcast_in_dim3A_3 {strides = array<i32>} : memref<80x144xf32, #tpu.memory_space<vmem>>, vector<16xf32>,
      %swap3A_186 = arith.index_cast %add3A_179 : i32 to index
      %swap3A_187 = arith.constant 32 : index
      %swap3A_188 = tpu.vector_load %arg7[%swap3A_186, %swap3A_187] {strides = array<i32>} : memref<80x144xf32, #tpu.memory_space<vmem>>, vector<16xf32>,
      tpu.vector_store %arg7[%swap3A_186, %swap3A_187], %broadcast_in_dim3A_3 {strides = array<i32>} : memref<80x144xf32, #tpu.memory_space<vmem>>, vector<16xf32>,
      %swap3A_189 = arith.index_cast %add3A_179 : i32 to index
      %swap3A_190 = arith.constant 48 : index
      %swap3A_191 = tpu.vector_load %arg7[%swap3A_189, %swap3A_190] {strides = array<i32>} : memref<80x144xf32, #tpu.memory_space<vmem>>, vector<16xf32>,
      tpu.vector_store %arg7[%swap3A_189, %swap3A_190], %broadcast_in_dim3A_3 {strides = array<i32>} : memref<80x144xf32, #tpu.memory_space<vmem>>, vector<16xf32>,
      %swap3A_192 = arith.index_cast %add3A_179 : i32 to index
      %swap3A_193 = arith.constant 64 : index
      %swap3A_194 = tpu.vector_load %arg7[%swap3A_192, %swap3A_193] {strides = array<i32>} : memref<80x144xf32, #tpu.memory_space<vmem>>, vector<16xf32>,
      tpu.vector_store %arg7[%swap3A_192, %swap3A_193], %broadcast_in_dim3A_3 {strides = array<i32>} : memref<80x144xf32, #tpu.memory_space<vmem>>, vector<16xf32>,
      %swap3A_195 = arith.index_cast %add3A_179 : i32 to index
      %swap3A_196 = arith.constant 80 : index
      %swap3A_197 = tpu.vector_load %arg7[%swap3A_195, %swap3A_196] {strides = array<i32>} : memref<80x144xf32, #tpu.memory_space<vmem>>, vector<16xf32>,
      tpu.vector_store %arg7[%swap3A_195, %swap3A_196], %broadcast_in_dim3A_3 {strides = array<i32>} : memref<80x144xf32, #tpu.memory_space<vmem>>, vector<16xf32>,
      %swap3A_198 = arith.index_cast %add3A_179 : i32 to index
      %swap3A_199 = arith.constant 96 : index
      %swap3A_200 = tpu.vector_load %arg7[%swap3A_198, %swap3A_199] {strides = array<i32>} : memref<80x144xf32, #tpu.memory_space<vmem>>, vector<16xf32>,
      tpu.vector_store %arg7[%swap3A_198, %swap3A_199], %broadcast_in_dim3A_3 {strides = array<i32>} : memref<80x144xf32, #tpu.memory_space<vmem>>, vector<16xf32>,
      %swap3A_201 = arith.index_cast %add3A_179 : i32 to index
      %swap3A_202 = arith.constant 112 : index
      %swap3A_203 = tpu.vector_load %arg7[%swap3A_201, %swap3A_202] {strides = array<i32>} : memref<80x144xf32, #tpu.memory_space<vmem>>, vector<16xf32>,
      tpu.vector_store %arg7[%swap3A_201, %swap3A_202], %broadcast_in_dim3A_3 {strides = array<i32>} : memref<80x144xf32, #tpu.memory_space<vmem>>, vector<16xf32>,
      %swap3A_204 = arith.index_cast %add3A_179 : i32 to index
      %swap3A_205 = arith.constant 128 : index
      %swap3A_206 = tpu.vector_load %arg7[%swap3A_204, %swap3A_205] {strides = array<i32>} : memref<80x144xf32, #tpu.memory_space<vmem>>, vector<16xf32>,
      tpu.vector_store %arg7[%swap3A_204, %swap3A_205], %broadcast_in_dim3A_3 {strides = array<i32>} : memref<80x144xf32, #tpu.memory_space<vmem>>, vector<16xf32>,
    }
    %scan3A_11 = arith.constant 80 : i32
    %mul3A_12 = arith.constant 625 : i32
    %mul3A_13 = arith.muli %arg1, %mul3A_12 : i32
    %add3A_14 = arith.constant 0 : i32
    %add3A_15 = arith.addi %mul3A_13, %add3A_14 : i32
    "tpu.region"() ({
      %run_scoped3A_175 = tpu.sem_alloc : memref<!tpu.dma_semaphore, #tpu.memory_space<semaphore_mem>>
      %dma_start3A_176 = arith.constant 0 : i32
      %dma_start3A_177 = tpu.memref_slice %arg18[%add3A_15, %dma_start3A_176] : memref<10000x144xf32, #tpu.memory_space<vmem_shared>> -> memref<80x144xf32, #tpu.memory_space<vmem_shared>>
      %dma_start3A_178 = arith.constant 0 : i32
      %dma_start3A_179 = tpu.memref_slice %arg18[%add3A_15, %dma_start3A_178] : memref<10000x144xf32, #tpu.memory_space<vmem_shared>> -> memref<80x144xf32, #tpu.memory_space<vmem_shared>>
      tpu.enqueue_dma source(%arg7 : memref<80x144xf32, #tpu.memory_space<vmem>>) target(%dma_start3A_179 : memref<80x144xf32, #tpu.memory_space<vmem_shared>>) target_semaphore(%run_scoped3A_175 : memref<!tpu.dma_semaphore, #tpu.memory_space<semaphore_mem>>)
      %dma_wait3A_180 = arith.constant 0 : i32
      %dma_wait3A_181 = tpu.memref_slice %arg18[%add3A_15, %dma_wait3A_180] : memref<10000x144xf32, #tpu.memory_space<vmem_shared>> -> memref<80x144xf32, #tpu.memory_space<vmem_shared>>
      %dma_wait3A_182 = arith.constant 0 : i32
      %dma_wait3A_183 = tpu.memref_slice %arg18[%add3A_15, %dma_wait3A_182] : memref<10000x144xf32, #tpu.memory_space<vmem_shared>> -> memref<80x144xf32, #tpu.memory_space<vmem_shared>>
      tpu.wait_dma2 semaphore(%run_scoped3A_175 : memref<!tpu.dma_semaphore, #tpu.memory_space<semaphore_mem>>) src(%arg7 : memref<80x144xf32, #tpu.memory_space<vmem>>) dst(%dma_wait3A_183 : memref<80x144xf32, #tpu.memory_space<vmem_shared>>)
      tpu.yield
    }) : () -> ()
    %add3A_16 = arith.constant 80 : i32
    %add3A_17 = arith.addi %mul3A_13, %add3A_16 : i32
    "tpu.region"() ({
      %run_scoped3A_175 = tpu.sem_alloc : memref<!tpu.dma_semaphore, #tpu.memory_space<semaphore_mem>>
      %dma_start3A_176 = arith.constant 0 : i32
      %dma_start3A_177 = tpu.memref_slice %arg18[%add3A_17, %dma_start3A_176] : memref<10000x144xf32, #tpu.memory_space<vmem_shared>> -> memref<80x144xf32, #tpu.memory_space<vmem_shared>>
      %dma_start3A_178 = arith.constant 0 : i32
      %dma_start3A_179 = tpu.memref_slice %arg18[%add3A_17, %dma_start3A_178] : memref<10000x144xf32, #tpu.memory_space<vmem_shared>> -> memref<80x144xf32, #tpu.memory_space<vmem_shared>>
      tpu.enqueue_dma source(%arg7 : memref<80x144xf32, #tpu.memory_space<vmem>>) target(%dma_start3A_179 : memref<80x144xf32, #tpu.memory_space<vmem_shared>>) target_semaphore(%run_scoped3A_175 : memref<!tpu.dma_semaphore, #tpu.memory_space<semaphore_mem>>)
      %dma_wait3A_180 = arith.constant 0 : i32
      %dma_wait3A_181 = tpu.memref_slice %arg18[%add3A_17, %dma_wait3A_180] : memref<10000x144xf32, #tpu.memory_space<vmem_shared>> -> memref<80x144xf32, #tpu.memory_space<vmem_shared>>
      %dma_wait3A_182 = arith.constant 0 : i32
      %dma_wait3A_183 = tpu.memref_slice %arg18[%add3A_17, %dma_wait3A_182] : memref<10000x144xf32, #tpu.memory_space<vmem_shared>> -> memref<80x144xf32, #tpu.memory_space<vmem_shared>>
      tpu.wait_dma2 semaphore(%run_scoped3A_175 : memref<!tpu.dma_semaphore, #tpu.memory_space<semaphore_mem>>) src(%arg7 : memref<80x144xf32, #tpu.memory_space<vmem>>) dst(%dma_wait3A_183 : memref<80x144xf32, #tpu.memory_space<vmem_shared>>)
      tpu.yield
    }) : () -> ()
    %add3A_18 = arith.constant 160 : i32
    %add3A_19 = arith.addi %mul3A_13, %add3A_18 : i32
    "tpu.region"() ({
      %run_scoped3A_175 = tpu.sem_alloc : memref<!tpu.dma_semaphore, #tpu.memory_space<semaphore_mem>>
      %dma_start3A_176 = arith.constant 0 : i32
      %dma_start3A_177 = tpu.memref_slice %arg18[%add3A_19, %dma_start3A_176] : memref<10000x144xf32, #tpu.memory_space<vmem_shared>> -> memref<80x144xf32, #tpu.memory_space<vmem_shared>>
      %dma_start3A_178 = arith.constant 0 : i32
      %dma_start3A_179 = tpu.memref_slice %arg18[%add3A_19, %dma_start3A_178] : memref<10000x144xf32, #tpu.memory_space<vmem_shared>> -> memref<80x144xf32, #tpu.memory_space<vmem_shared>>
      tpu.enqueue_dma source(%arg7 : memref<80x144xf32, #tpu.memory_space<vmem>>) target(%dma_start3A_179 : memref<80x144xf32, #tpu.memory_space<vmem_shared>>) target_semaphore(%run_scoped3A_175 : memref<!tpu.dma_semaphore, #tpu.memory_space<semaphore_mem>>)
      %dma_wait3A_180 = arith.constant 0 : i32
      %dma_wait3A_181 = tpu.memref_slice %arg18[%add3A_19, %dma_wait3A_180] : memref<10000x144xf32, #tpu.memory_space<vmem_shared>> -> memref<80x144xf32, #tpu.memory_space<vmem_shared>>
      %dma_wait3A_182 = arith.constant 0 : i32
      %dma_wait3A_183 = tpu.memref_slice %arg18[%add3A_19, %dma_wait3A_182] : memref<10000x144xf32, #tpu.memory_space<vmem_shared>> -> memref<80x144xf32, #tpu.memory_space<vmem_shared>>
      tpu.wait_dma2 semaphore(%run_scoped3A_175 : memref<!tpu.dma_semaphore, #tpu.memory_space<semaphore_mem>>) src(%arg7 : memref<80x144xf32, #tpu.memory_space<vmem>>) dst(%dma_wait3A_183 : memref<80x144xf32, #tpu.memory_space<vmem_shared>>)
      tpu.yield
    }) : () -> ()
    %add3A_20 = arith.constant 240 : i32
    %add3A_21 = arith.addi %mul3A_13, %add3A_20 : i32
    "tpu.region"() ({
      %run_scoped3A_175 = tpu.sem_alloc : memref<!tpu.dma_semaphore, #tpu.memory_space<semaphore_mem>>
      %dma_start3A_176 = arith.constant 0 : i32
      %dma_start3A_177 = tpu.memref_slice %arg18[%add3A_21, %dma_start3A_176] : memref<10000x144xf32, #tpu.memory_space<vmem_shared>> -> memref<80x144xf32, #tpu.memory_space<vmem_shared>>
      %dma_start3A_178 = arith.constant 0 : i32
      %dma_start3A_179 = tpu.memref_slice %arg18[%add3A_21, %dma_start3A_178] : memref<10000x144xf32, #tpu.memory_space<vmem_shared>> -> memref<80x144xf32, #tpu.memory_space<vmem_shared>>
      tpu.enqueue_dma source(%arg7 : memref<80x144xf32, #tpu.memory_space<vmem>>) target(%dma_start3A_179 : memref<80x144xf32, #tpu.memory_space<vmem_shared>>) target_semaphore(%run_scoped3A_175 : memref<!tpu.dma_semaphore, #tpu.memory_space<semaphore_mem>>)
      %dma_wait3A_180 = arith.constant 0 : i32
      %dma_wait3A_181 = tpu.memref_slice %arg18[%add3A_21, %dma_wait3A_180] : memref<10000x144xf32, #tpu.memory_space<vmem_shared>> -> memref<80x144xf32, #tpu.memory_space<vmem_shared>>
      %dma_wait3A_182 = arith.constant 0 : i32
      %dma_wait3A_183 = tpu.memref_slice %arg18[%add3A_21, %dma_wait3A_182] : memref<10000x144xf32, #tpu.memory_space<vmem_shared>> -> memref<80x144xf32, #tpu.memory_space<vmem_shared>>
      tpu.wait_dma2 semaphore(%run_scoped3A_175 : memref<!tpu.dma_semaphore, #tpu.memory_space<semaphore_mem>>) src(%arg7 : memref<80x144xf32, #tpu.memory_space<vmem>>) dst(%dma_wait3A_183 : memref<80x144xf32, #tpu.memory_space<vmem_shared>>)
      tpu.yield
    }) : () -> ()
    %add3A_22 = arith.constant 320 : i32
    %add3A_23 = arith.addi %mul3A_13, %add3A_22 : i32
    "tpu.region"() ({
      %run_scoped3A_175 = tpu.sem_alloc : memref<!tpu.dma_semaphore, #tpu.memory_space<semaphore_mem>>
      %dma_start3A_176 = arith.constant 0 : i32
      %dma_start3A_177 = tpu.memref_slice %arg18[%add3A_23, %dma_start3A_176] : memref<10000x144xf32, #tpu.memory_space<vmem_shared>> -> memref<80x144xf32, #tpu.memory_space<vmem_shared>>
      %dma_start3A_178 = arith.constant 0 : i32
      %dma_start3A_179 = tpu.memref_slice %arg18[%add3A_23, %dma_start3A_178] : memref<10000x144xf32, #tpu.memory_space<vmem_shared>> -> memref<80x144xf32, #tpu.memory_space<vmem_shared>>
      tpu.enqueue_dma source(%arg7 : memref<80x144xf32, #tpu.memory_space<vmem>>) target(%dma_start3A_179 : memref<80x144xf32, #tpu.memory_space<vmem_shared>>) target_semaphore(%run_scoped3A_175 : memref<!tpu.dma_semaphore, #tpu.memory_space<semaphore_mem>>)
      %dma_wait3A_180 = arith.constant 0 : i32
      %dma_wait3A_181 = tpu.memref_slice %arg18[%add3A_23, %dma_wait3A_180] : memref<10000x144xf32, #tpu.memory_space<vmem_shared>> -> memref<80x144xf32, #tpu.memory_space<vmem_shared>>
      %dma_wait3A_182 = arith.constant 0 : i32
      %dma_wait3A_183 = tpu.memref_slice %arg18[%add3A_23, %dma_wait3A_182] : memref<10000x144xf32, #tpu.memory_space<vmem_shared>> -> memref<80x144xf32, #tpu.memory_space<vmem_shared>>
      tpu.wait_dma2 semaphore(%run_scoped3A_175 : memref<!tpu.dma_semaphore, #tpu.memory_space<semaphore_mem>>) src(%arg7 : memref<80x144xf32, #tpu.memory_space<vmem>>) dst(%dma_wait3A_183 : memref<80x144xf32, #tpu.memory_space<vmem_shared>>)
      tpu.yield
    }) : () -> ()
    %add3A_24 = arith.constant 400 : i32
    %add3A_25 = arith.addi %mul3A_13, %add3A_24 : i32
    "tpu.region"() ({
      %run_scoped3A_175 = tpu.sem_alloc : memref<!tpu.dma_semaphore, #tpu.memory_space<semaphore_mem>>
      %dma_start3A_176 = arith.constant 0 : i32
      %dma_start3A_177 = tpu.memref_slice %arg18[%add3A_25, %dma_start3A_176] : memref<10000x144xf32, #tpu.memory_space<vmem_shared>> -> memref<80x144xf32, #tpu.memory_space<vmem_shared>>
      %dma_start3A_178 = arith.constant 0 : i32
      %dma_start3A_179 = tpu.memref_slice %arg18[%add3A_25, %dma_start3A_178] : memref<10000x144xf32, #tpu.memory_space<vmem_shared>> -> memref<80x144xf32, #tpu.memory_space<vmem_shared>>
      tpu.enqueue_dma source(%arg7 : memref<80x144xf32, #tpu.memory_space<vmem>>) target(%dma_start3A_179 : memref<80x144xf32, #tpu.memory_space<vmem_shared>>) target_semaphore(%run_scoped3A_175 : memref<!tpu.dma_semaphore, #tpu.memory_space<semaphore_mem>>)
      %dma_wait3A_180 = arith.constant 0 : i32
      %dma_wait3A_181 = tpu.memref_slice %arg18[%add3A_25, %dma_wait3A_180] : memref<10000x144xf32, #tpu.memory_space<vmem_shared>> -> memref<80x144xf32, #tpu.memory_space<vmem_shared>>
      %dma_wait3A_182 = arith.constant 0 : i32
      %dma_wait3A_183 = tpu.memref_slice %arg18[%add3A_25, %dma_wait3A_182] : memref<10000x144xf32, #tpu.memory_space<vmem_shared>> -> memref<80x144xf32, #tpu.memory_space<vmem_shared>>
      tpu.wait_dma2 semaphore(%run_scoped3A_175 : memref<!tpu.dma_semaphore, #tpu.memory_space<semaphore_mem>>) src(%arg7 : memref<80x144xf32, #tpu.memory_space<vmem>>) dst(%dma_wait3A_183 : memref<80x144xf32, #tpu.memory_space<vmem_shared>>)
      tpu.yield
    }) : () -> ()
    %add3A_26 = arith.constant 480 : i32
    %add3A_27 = arith.addi %mul3A_13, %add3A_26 : i32
    "tpu.region"() ({
      %run_scoped3A_175 = tpu.sem_alloc : memref<!tpu.dma_semaphore, #tpu.memory_space<semaphore_mem>>
      %dma_start3A_176 = arith.constant 0 : i32
      %dma_start3A_177 = tpu.memref_slice %arg18[%add3A_27, %dma_start3A_176] : memref<10000x144xf32, #tpu.memory_space<vmem_shared>> -> memref<80x144xf32, #tpu.memory_space<vmem_shared>>
      %dma_start3A_178 = arith.constant 0 : i32
      %dma_start3A_179 = tpu.memref_slice %arg18[%add3A_27, %dma_start3A_178] : memref<10000x144xf32, #tpu.memory_space<vmem_shared>> -> memref<80x144xf32, #tpu.memory_space<vmem_shared>>
      tpu.enqueue_dma source(%arg7 : memref<80x144xf32, #tpu.memory_space<vmem>>) target(%dma_start3A_179 : memref<80x144xf32, #tpu.memory_space<vmem_shared>>) target_semaphore(%run_scoped3A_175 : memref<!tpu.dma_semaphore, #tpu.memory_space<semaphore_mem>>)
      %dma_wait3A_180 = arith.constant 0 : i32
      %dma_wait3A_181 = tpu.memref_slice %arg18[%add3A_27, %dma_wait3A_180] : memref<10000x144xf32, #tpu.memory_space<vmem_shared>> -> memref<80x144xf32, #tpu.memory_space<vmem_shared>>
      %dma_wait3A_182 = arith.constant 0 : i32
      %dma_wait3A_183 = tpu.memref_slice %arg18[%add3A_27, %dma_wait3A_182] : memref<10000x144xf32, #tpu.memory_space<vmem_shared>> -> memref<80x144xf32, #tpu.memory_space<vmem_shared>>
      tpu.wait_dma2 semaphore(%run_scoped3A_175 : memref<!tpu.dma_semaphore, #tpu.memory_space<semaphore_mem>>) src(%arg7 : memref<80x144xf32, #tpu.memory_space<vmem>>) dst(%dma_wait3A_183 : memref<80x144xf32, #tpu.memory_space<vmem_shared>>)
      tpu.yield
    }) : () -> ()
    %add3A_28 = arith.constant 560 : i32
    %add3A_29 = arith.addi %mul3A_13, %add3A_28 : i32
    "tpu.region"() ({
      %run_scoped3A_175 = tpu.sem_alloc : memref<!tpu.dma_semaphore, #tpu.memory_space<semaphore_mem>>
      %dma_start3A_176 = arith.constant 0 : i32
      %dma_start3A_177 = arith.constant 0 : i32
      %dma_start3A_178 = tpu.memref_slice %arg7[%dma_start3A_176, %dma_start3A_177] : memref<80x144xf32, #tpu.memory_space<vmem>> -> memref<65x144xf32, #tpu.memory_space<vmem>>
      %dma_start3A_179 = arith.constant 0 : i32
      %dma_start3A_180 = tpu.memref_slice %arg18[%add3A_29, %dma_start3A_179] : memref<10000x144xf32, #tpu.memory_space<vmem_shared>> -> memref<65x144xf32, #tpu.memory_space<vmem_shared>>
      %dma_start3A_181 = arith.constant 0 : i32
      %dma_start3A_182 = tpu.memref_slice %arg18[%add3A_29, %dma_start3A_181] : memref<10000x144xf32, #tpu.memory_space<vmem_shared>> -> memref<65x144xf32, #tpu.memory_space<vmem_shared>>
      %dma_start3A_183 = arith.constant 0 : i32
      %dma_start3A_184 = arith.constant 0 : i32
      %dma_start3A_185 = tpu.memref_slice %arg7[%dma_start3A_183, %dma_start3A_184] : memref<80x144xf32, #tpu.memory_space<vmem>> -> memref<65x144xf32, #tpu.memory_space<vmem>>
      tpu.enqueue_dma source(%dma_start3A_185 : memref<65x144xf32, #tpu.memory_space<vmem>>) target(%dma_start3A_182 : memref<65x144xf32, #tpu.memory_space<vmem_shared>>) target_semaphore(%run_scoped3A_175 : memref<!tpu.dma_semaphore, #tpu.memory_space<semaphore_mem>>)
      %dma_wait3A_186 = arith.constant 0 : i32
      %dma_wait3A_187 = arith.constant 0 : i32
      %dma_wait3A_188 = tpu.memref_slice %arg7[%dma_wait3A_186, %dma_wait3A_187] : memref<80x144xf32, #tpu.memory_space<vmem>> -> memref<65x144xf32, #tpu.memory_space<vmem>>
      %dma_wait3A_189 = arith.constant 0 : i32
      %dma_wait3A_190 = tpu.memref_slice %arg18[%add3A_29, %dma_wait3A_189] : memref<10000x144xf32, #tpu.memory_space<vmem_shared>> -> memref<65x144xf32, #tpu.memory_space<vmem_shared>>
      %dma_wait3A_191 = arith.constant 0 : i32
      %dma_wait3A_192 = tpu.memref_slice %arg18[%add3A_29, %dma_wait3A_191] : memref<10000x144xf32, #tpu.memory_space<vmem_shared>> -> memref<65x144xf32, #tpu.memory_space<vmem_shared>>
      %dma_wait3A_193 = arith.constant 0 : i32
      %dma_wait3A_194 = arith.constant 0 : i32
      %dma_wait3A_195 = tpu.memref_slice %arg7[%dma_wait3A_193, %dma_wait3A_194] : memref<80x144xf32, #tpu.memory_space<vmem>> -> memref<65x144xf32, #tpu.memory_space<vmem>>
      tpu.wait_dma2 semaphore(%run_scoped3A_175 : memref<!tpu.dma_semaphore, #tpu.memory_space<semaphore_mem>>) src(%dma_wait3A_195 : memref<65x144xf32, #tpu.memory_space<vmem>>) dst(%dma_wait3A_192 : memref<65x144xf32, #tpu.memory_space<vmem_shared>>)
      tpu.yield
    }) : () -> ()
    %barrier3A = arith.constant 0 : index
    tpu.barrier barrier_id(%barrier3A)
    %add3A_30 = arith.constant 0 : i32
    %add3A_31 = arith.addi %mul3A_2, %add3A_30 : i32
    %run_scoped3A = arith.constant 0 : i32
    "tpu.region"() ({
      %run_scoped3A_175 = tpu.sem_alloc : memref<!tpu.dma_semaphore, #tpu.memory_space<semaphore_mem>>
      %dma_start3A_176 = tpu.memref_slice %arg4[%run_scoped3A, %add3A_31] : memref<2x320000xi32, #tpu.memory_space<hbm>> -> memref<1x80xi32, #tpu.memory_space<hbm>>
      %dma_start3A_177 = tpu.memref_squeeze %dma_start3A_176 : memref<1x80xi32, #tpu.memory_space<hbm>> -> memref<80xi32, #tpu.memory_space<hbm>>
      %dma_start3A_178 = tpu.memref_slice %arg4[%run_scoped3A, %add3A_31] : memref<2x320000xi32, #tpu.memory_space<hbm>> -> memref<1x80xi32, #tpu.memory_space<hbm>>
      %dma_start3A_179 = tpu.memref_squeeze %dma_start3A_178 : memref<1x80xi32, #tpu.memory_space<hbm>> -> memref<80xi32, #tpu.memory_space<hbm>>
      tpu.enqueue_dma source(%dma_start3A_179 : memref<80xi32, #tpu.memory_space<hbm>>) target(%arg11 : memref<80xi32, #tpu.memory_space<vmem>>) target_semaphore(%run_scoped3A_175 : memref<!tpu.dma_semaphore, #tpu.memory_space<semaphore_mem>>)
      %dma_wait3A_180 = tpu.memref_slice %arg4[%run_scoped3A, %add3A_31] : memref<2x320000xi32, #tpu.memory_space<hbm>> -> memref<1x80xi32, #tpu.memory_space<hbm>>
      %dma_wait3A_181 = tpu.memref_squeeze %dma_wait3A_180 : memref<1x80xi32, #tpu.memory_space<hbm>> -> memref<80xi32, #tpu.memory_space<hbm>>
      %dma_wait3A_182 = tpu.memref_slice %arg4[%run_scoped3A, %add3A_31] : memref<2x320000xi32, #tpu.memory_space<hbm>> -> memref<1x80xi32, #tpu.memory_space<hbm>>
      %dma_wait3A_183 = tpu.memref_squeeze %dma_wait3A_182 : memref<1x80xi32, #tpu.memory_space<hbm>> -> memref<80xi32, #tpu.memory_space<hbm>>
      tpu.wait_dma2 semaphore(%run_scoped3A_175 : memref<!tpu.dma_semaphore, #tpu.memory_space<semaphore_mem>>) src(%dma_wait3A_183 : memref<80xi32, #tpu.memory_space<hbm>>) dst(%arg11 : memref<80xi32, #tpu.memory_space<vmem>>)
      tpu.yield
    }) : () -> ()
    %run_scoped3A_32 = arith.constant 1 : i32
    "tpu.region"() ({
      %run_scoped3A_175 = tpu.sem_alloc : memref<!tpu.dma_semaphore, #tpu.memory_space<semaphore_mem>>
      %dma_start3A_176 = tpu.memref_slice %arg4[%run_scoped3A_32, %add3A_31] : memref<2x320000xi32, #tpu.memory_space<hbm>> -> memref<1x80xi32, #tpu.memory_space<hbm>>
      %dma_start3A_177 = tpu.memref_squeeze %dma_start3A_176 : memref<1x80xi32, #tpu.memory_space<hbm>> -> memref<80xi32, #tpu.memory_space<hbm>>
      %dma_start3A_178 = tpu.memref_slice %arg4[%run_scoped3A_32, %add3A_31] : memref<2x320000xi32, #tpu.memory_space<hbm>> -> memref<1x80xi32, #tpu.memory_space<hbm>>
      %dma_start3A_179 = tpu.memref_squeeze %dma_start3A_178 : memref<1x80xi32, #tpu.memory_space<hbm>> -> memref<80xi32, #tpu.memory_space<hbm>>
      tpu.enqueue_dma source(%dma_start3A_179 : memref<80xi32, #tpu.memory_space<hbm>>) target(%arg13 : memref<80xi32, #tpu.memory_space<vmem>>) target_semaphore(%run_scoped3A_175 : memref<!tpu.dma_semaphore, #tpu.memory_space<semaphore_mem>>)
      %dma_wait3A_180 = tpu.memref_slice %arg4[%run_scoped3A_32, %add3A_31] : memref<2x320000xi32, #tpu.memory_space<hbm>> -> memref<1x80xi32, #tpu.memory_space<hbm>>
      %dma_wait3A_181 = tpu.memref_squeeze %dma_wait3A_180 : memref<1x80xi32, #tpu.memory_space<hbm>> -> memref<80xi32, #tpu.memory_space<hbm>>
      %dma_wait3A_182 = tpu.memref_slice %arg4[%run_scoped3A_32, %add3A_31] : memref<2x320000xi32, #tpu.memory_space<hbm>> -> memref<1x80xi32, #tpu.memory_space<hbm>>
      %dma_wait3A_183 = tpu.memref_squeeze %dma_wait3A_182 : memref<1x80xi32, #tpu.memory_space<hbm>> -> memref<80xi32, #tpu.memory_space<hbm>>
      tpu.wait_dma2 semaphore(%run_scoped3A_175 : memref<!tpu.dma_semaphore, #tpu.memory_space<semaphore_mem>>) src(%dma_wait3A_183 : memref<80xi32, #tpu.memory_space<hbm>>) dst(%arg13 : memref<80xi32, #tpu.memory_space<vmem>>)
      tpu.yield
    }) : () -> ()
    %dma_start3A = arith.constant 0 : i32
    %dma_start3A_33 = arith.constant 0 : i32
    %dma_start3A_34 = tpu.memref_slice %arg2[%dma_start3A, %dma_start3A_33] : memref<10000x144xf32, #tpu.memory_space<hbm>> -> memref<10000x144xf32, #tpu.memory_space<hbm>>
    tpu.enqueue_indirect_dma source(%dma_start3A_34 : memref<10000x144xf32, #tpu.memory_space<hbm>>) target(%arg7 : memref<80x144xf32, #tpu.memory_space<vmem>>) offsets(%arg11 : memref<80xi32, #tpu.memory_space<vmem>>) semaphore(%arg19 : memref<!tpu.dma_semaphore, #tpu.memory_space<semaphore_mem>>)
    %dma_start3A_35 = arith.constant 0 : i32
    %dma_start3A_36 = arith.constant 0 : i32
    %dma_start3A_37 = tpu.memref_slice %arg3[%dma_start3A_35, %dma_start3A_36] : memref<10000x16xf32, #tpu.memory_space<hbm>> -> memref<10000x16xf32, #tpu.memory_space<hbm>>
    tpu.enqueue_indirect_dma source(%dma_start3A_37 : memref<10000x16xf32, #tpu.memory_space<hbm>>) target(%arg9 : memref<80x16xf32, #tpu.memory_space<vmem>>) offsets(%arg13 : memref<80xi32, #tpu.memory_space<vmem>>) semaphore(%arg19 : memref<!tpu.dma_semaphore, #tpu.memory_space<semaphore_mem>>)
    %add3A_38 = arith.constant 80 : i32
    %add3A_39 = arith.addi %mul3A_2, %add3A_38 : i32
    %dma_start3A_40 = arith.constant 0 : i32
    %dma_start3A_41 = tpu.memref_slice %arg4[%dma_start3A_40, %add3A_39] : memref<2x320000xi32, #tpu.memory_space<hbm>> -> memref<1x80xi32, #tpu.memory_space<hbm>>
    %dma_start3A_42 = tpu.memref_squeeze %dma_start3A_41 : memref<1x80xi32, #tpu.memory_space<hbm>> -> memref<80xi32, #tpu.memory_space<hbm>>
    %dma_start3A_43 = tpu.memref_slice %arg4[%dma_start3A_40, %add3A_39] : memref<2x320000xi32, #tpu.memory_space<hbm>> -> memref<1x80xi32, #tpu.memory_space<hbm>>
    %dma_start3A_44 = tpu.memref_squeeze %dma_start3A_43 : memref<1x80xi32, #tpu.memory_space<hbm>> -> memref<80xi32, #tpu.memory_space<hbm>>
    tpu.enqueue_dma source(%dma_start3A_44 : memref<80xi32, #tpu.memory_space<hbm>>) target(%arg12 : memref<80xi32, #tpu.memory_space<vmem>>) target_semaphore(%arg24 : memref<!tpu.dma_semaphore, #tpu.memory_space<semaphore_mem>>)
    %dma_start3A_45 = arith.constant 1 : i32
    %dma_start3A_46 = tpu.memref_slice %arg4[%dma_start3A_45, %add3A_39] : memref<2x320000xi32, #tpu.memory_space<hbm>> -> memref<1x80xi32, #tpu.memory_space<hbm>>
    %dma_start3A_47 = tpu.memref_squeeze %dma_start3A_46 : memref<1x80xi32, #tpu.memory_space<hbm>> -> memref<80xi32, #tpu.memory_space<hbm>>
    %dma_start3A_48 = tpu.memref_slice %arg4[%dma_start3A_45, %add3A_39] : memref<2x320000xi32, #tpu.memory_space<hbm>> -> memref<1x80xi32, #tpu.memory_space<hbm>>
    %dma_start3A_49 = tpu.memref_squeeze %dma_start3A_48 : memref<1x80xi32, #tpu.memory_space<hbm>> -> memref<80xi32, #tpu.memory_space<hbm>>
    tpu.enqueue_dma source(%dma_start3A_49 : memref<80xi32, #tpu.memory_space<hbm>>) target(%arg14 : memref<80xi32, #tpu.memory_space<vmem>>) target_semaphore(%arg24 : memref<!tpu.dma_semaphore, #tpu.memory_space<semaphore_mem>>)
    %scan3A_50 = arith.constant 0 : i32
    %scan3A_51 = arith.constant 62 : i32
    %scan3A_52 = arith.addi %scan3A_50, %scan3A_51 : i32
    %scan3A_53 = arith.constant 1 : i32
    scf.for %scan3A_175 = %scan3A_50 to %scan3A_52 step %scan3A_53  : i32 {
      %mul3A_176 = arith.constant 2 : i32
      %mul3A_177 = arith.muli %scan3A_175, %mul3A_176 : i32
      %add3A_178 = arith.constant 0 : i32
      %add3A_179 = arith.addi %add3A_178, %mul3A_177 : i32
      %add3A_180 = arith.constant 1 : i32
      %add3A_181 = arith.addi %add3A_179, %add3A_180 : i32
      %mul3A_182 = arith.constant 80 : i32
      %mul3A_183 = arith.muli %add3A_181, %mul3A_182 : i32
      %add3A_184 = arith.addi %mul3A_2, %mul3A_183 : i32
      %dma_wait3A_185 = arith.constant 0 : i32
      %dma_wait3A_186 = tpu.memref_slice %arg4[%dma_wait3A_185, %add3A_184] : memref<2x320000xi32, #tpu.memory_space<hbm>> -> memref<1x80xi32, #tpu.memory_space<hbm>>
      %dma_wait3A_187 = tpu.memref_squeeze %dma_wait3A_186 : memref<1x80xi32, #tpu.memory_space<hbm>> -> memref<80xi32, #tpu.memory_space<hbm>>
      %dma_wait3A_188 = tpu.memref_slice %arg4[%dma_wait3A_185, %add3A_184] : memref<2x320000xi32, #tpu.memory_space<hbm>> -> memref<1x80xi32, #tpu.memory_space<hbm>>
      %dma_wait3A_189 = tpu.memref_squeeze %dma_wait3A_188 : memref<1x80xi32, #tpu.memory_space<hbm>> -> memref<80xi32, #tpu.memory_space<hbm>>
      tpu.wait_dma2 semaphore(%arg24 : memref<!tpu.dma_semaphore, #tpu.memory_space<semaphore_mem>>) src(%dma_wait3A_189 : memref<80xi32, #tpu.memory_space<hbm>>) dst(%arg12 : memref<80xi32, #tpu.memory_space<vmem>>)
      %dma_wait3A_190 = arith.constant 1 : i32
      %dma_wait3A_191 = tpu.memref_slice %arg4[%dma_wait3A_190, %add3A_184] : memref<2x320000xi32, #tpu.memory_space<hbm>> -> memref<1x80xi32, #tpu.memory_space<hbm>>
      %dma_wait3A_192 = tpu.memref_squeeze %dma_wait3A_191 : memref<1x80xi32, #tpu.memory_space<hbm>> -> memref<80xi32, #tpu.memory_space<hbm>>
      %dma_wait3A_193 = tpu.memref_slice %arg4[%dma_wait3A_190, %add3A_184] : memref<2x320000xi32, #tpu.memory_space<hbm>> -> memref<1x80xi32, #tpu.memory_space<hbm>>
      %dma_wait3A_194 = tpu.memref_squeeze %dma_wait3A_193 : memref<1x80xi32, #tpu.memory_space<hbm>> -> memref<80xi32, #tpu.memory_space<hbm>>
      tpu.wait_dma2 semaphore(%arg24 : memref<!tpu.dma_semaphore, #tpu.memory_space<semaphore_mem>>) src(%dma_wait3A_194 : memref<80xi32, #tpu.memory_space<hbm>>) dst(%arg14 : memref<80xi32, #tpu.memory_space<vmem>>)
      %ge3A_195 = arith.constant 1 : i32
      %ge3A_196 = arith.cmpi sge, %add3A_179, %ge3A_195 : i32
      %convert_element_type3A = arith.extui %ge3A_196 : i1 to i32
      %cond3A = arith.constant 0 : i32
      %cond3A_197 = arith.cmpi ne, %convert_element_type3A, %cond3A : i32
      scf.if %cond3A_197 {
        %dma_wait3A_473 = arith.constant 0 : i32
        %dma_wait3A_474 = arith.constant 0 : i32
        %dma_wait3A_475 = tpu.memref_slice %arg18[%dma_wait3A_473, %dma_wait3A_474] : memref<10000x144xf32, #tpu.memory_space<vmem_shared>> -> memref<10000x144xf32, #tpu.memory_space<vmem_shared>>
        tpu.wait_indirect_dma semaphore(%arg22 : memref<!tpu.dma_semaphore, #tpu.memory_space<semaphore_mem>>) src(%arg8 : memref<80x144xf32, #tpu.memory_space<vmem>>) dst(%dma_wait3A_475 : memref<10000x144xf32, #tpu.memory_space<vmem_shared>>)
      } else {
      }
      %dma_start3A_198 = arith.constant 0 : i32
      %dma_start3A_199 = arith.constant 0 : i32
      %dma_start3A_200 = tpu.memref_slice %arg2[%dma_start3A_198, %dma_start3A_199] : memref<10000x144xf32, #tpu.memory_space<hbm>> -> memref<10000x144xf32, #tpu.memory_space<hbm>>
      tpu.enqueue_indirect_dma source(%dma_start3A_200 : memref<10000x144xf32, #tpu.memory_space<hbm>>) target(%arg8 : memref<80x144xf32, #tpu.memory_space<vmem>>) offsets(%arg12 : memref<80xi32, #tpu.memory_space<vmem>>) semaphore(%arg20 : memref<!tpu.dma_semaphore, #tpu.memory_space<semaphore_mem>>)
      %dma_start3A_201 = arith.constant 0 : i32
      %dma_start3A_202 = arith.constant 0 : i32
      %dma_start3A_203 = tpu.memref_slice %arg3[%dma_start3A_201, %dma_start3A_202] : memref<10000x16xf32, #tpu.memory_space<hbm>> -> memref<10000x16xf32, #tpu.memory_space<hbm>>
      tpu.enqueue_indirect_dma source(%dma_start3A_203 : memref<10000x16xf32, #tpu.memory_space<hbm>>) target(%arg10 : memref<80x16xf32, #tpu.memory_space<vmem>>) offsets(%arg14 : memref<80xi32, #tpu.memory_space<vmem>>) semaphore(%arg20 : memref<!tpu.dma_semaphore, #tpu.memory_space<semaphore_mem>>)
      %dma_wait3A_204 = arith.constant 0 : i32
      %dma_wait3A_205 = arith.constant 0 : i32
      %dma_wait3A_206 = tpu.memref_slice %arg2[%dma_wait3A_204, %dma_wait3A_205] : memref<10000x144xf32, #tpu.memory_space<hbm>> -> memref<10000x144xf32, #tpu.memory_space<hbm>>
      tpu.wait_indirect_dma semaphore(%arg19 : memref<!tpu.dma_semaphore, #tpu.memory_space<semaphore_mem>>) src(%dma_wait3A_206 : memref<10000x144xf32, #tpu.memory_space<hbm>>) dst(%arg7 : memref<80x144xf32, #tpu.memory_space<vmem>>)
      %dma_wait3A_207 = arith.constant 0 : i32
      %dma_wait3A_208 = arith.constant 0 : i32
      %dma_wait3A_209 = tpu.memref_slice %arg3[%dma_wait3A_207, %dma_wait3A_208] : memref<10000x16xf32, #tpu.memory_space<hbm>> -> memref<10000x16xf32, #tpu.memory_space<hbm>>
      tpu.wait_indirect_dma semaphore(%arg19 : memref<!tpu.dma_semaphore, #tpu.memory_space<semaphore_mem>>) src(%dma_wait3A_209 : memref<10000x16xf32, #tpu.memory_space<hbm>>) dst(%arg9 : memref<80x16xf32, #tpu.memory_space<vmem>>)
      %get3A_210 = arith.constant 0 : index
      %get3A_211 = tpu.vector_load %arg13[%get3A_210] {strides = array<i32>} : memref<80xi32, #tpu.memory_space<vmem>>, vector<16xi32>,
      %swap3A_212 = arith.constant 0 : index
      %swap3A_213 = tpu.vector_load %arg15[%swap3A_212] {strides = array<i32>} : memref<80xi32, #tpu.memory_space<vmem>>, vector<16xi32>,
      tpu.vector_store %arg15[%swap3A_212], %get3A_211 {strides = array<i32>} : memref<80xi32, #tpu.memory_space<vmem>>, vector<16xi32>,
      %get3A_214 = arith.constant 16 : index
      %get3A_215 = tpu.vector_load %arg13[%get3A_214] {strides = array<i32>} : memref<80xi32, #tpu.memory_space<vmem>>, vector<16xi32>,
      %swap3A_216 = arith.constant 16 : index
      %swap3A_217 = tpu.vector_load %arg15[%swap3A_216] {strides = array<i32>} : memref<80xi32, #tpu.memory_space<vmem>>, vector<16xi32>,
      tpu.vector_store %arg15[%swap3A_216], %get3A_215 {strides = array<i32>} : memref<80xi32, #tpu.memory_space<vmem>>, vector<16xi32>,
      %get3A_218 = arith.constant 32 : index
      %get3A_219 = tpu.vector_load %arg13[%get3A_218] {strides = array<i32>} : memref<80xi32, #tpu.memory_space<vmem>>, vector<16xi32>,
      %swap3A_220 = arith.constant 32 : index
      %swap3A_221 = tpu.vector_load %arg15[%swap3A_220] {strides = array<i32>} : memref<80xi32, #tpu.memory_space<vmem>>, vector<16xi32>,
      tpu.vector_store %arg15[%swap3A_220], %get3A_219 {strides = array<i32>} : memref<80xi32, #tpu.memory_space<vmem>>, vector<16xi32>,
      %get3A_222 = arith.constant 48 : index
      %get3A_223 = tpu.vector_load %arg13[%get3A_222] {strides = array<i32>} : memref<80xi32, #tpu.memory_space<vmem>>, vector<16xi32>,
      %swap3A_224 = arith.constant 48 : index
      %swap3A_225 = tpu.vector_load %arg15[%swap3A_224] {strides = array<i32>} : memref<80xi32, #tpu.memory_space<vmem>>, vector<16xi32>,
      tpu.vector_store %arg15[%swap3A_224], %get3A_223 {strides = array<i32>} : memref<80xi32, #tpu.memory_space<vmem>>, vector<16xi32>,
      %get3A_226 = arith.constant 64 : index
      %get3A_227 = tpu.vector_load %arg13[%get3A_226] {strides = array<i32>} : memref<80xi32, #tpu.memory_space<vmem>>, vector<16xi32>,
      %swap3A_228 = arith.constant 64 : index
      %swap3A_229 = tpu.vector_load %arg15[%swap3A_228] {strides = array<i32>} : memref<80xi32, #tpu.memory_space<vmem>>, vector<16xi32>,
      tpu.vector_store %arg15[%swap3A_228], %get3A_227 {strides = array<i32>} : memref<80xi32, #tpu.memory_space<vmem>>, vector<16xi32>,
      %add3A_230 = arith.constant 2 : i32
      %add3A_231 = arith.addi %add3A_179, %add3A_230 : i32
      %lt3A = arith.constant 125 : i32
      %lt3A_232 = arith.cmpi slt, %add3A_231, %lt3A : i32
      %convert_element_type3A_233 = arith.extui %lt3A_232 : i1 to i32
      %cond3A_234 = arith.constant 0 : i32
      %cond3A_235 = arith.cmpi ne, %convert_element_type3A_233, %cond3A_234 : i32
      scf.if %cond3A_235 {
        %add3A_473 = arith.constant 2 : i32
        %add3A_474 = arith.addi %add3A_179, %add3A_473 : i32
        %mul3A_475 = arith.constant 80 : i32
        %mul3A_476 = arith.muli %add3A_474, %mul3A_475 : i32
        %add3A_477 = arith.addi %mul3A_2, %mul3A_476 : i32
        %dma_start3A_478 = arith.constant 0 : i32
        %dma_start3A_479 = tpu.memref_slice %arg4[%dma_start3A_478, %add3A_477] : memref<2x320000xi32, #tpu.memory_space<hbm>> -> memref<1x80xi32, #tpu.memory_space<hbm>>
        %dma_start3A_480 = tpu.memref_squeeze %dma_start3A_479 : memref<1x80xi32, #tpu.memory_space<hbm>> -> memref<80xi32, #tpu.memory_space<hbm>>
        %dma_start3A_481 = tpu.memref_slice %arg4[%dma_start3A_478, %add3A_477] : memref<2x320000xi32, #tpu.memory_space<hbm>> -> memref<1x80xi32, #tpu.memory_space<hbm>>
        %dma_start3A_482 = tpu.memref_squeeze %dma_start3A_481 : memref<1x80xi32, #tpu.memory_space<hbm>> -> memref<80xi32, #tpu.memory_space<hbm>>
        tpu.enqueue_dma source(%dma_start3A_482 : memref<80xi32, #tpu.memory_space<hbm>>) target(%arg11 : memref<80xi32, #tpu.memory_space<vmem>>) target_semaphore(%arg23 : memref<!tpu.dma_semaphore, #tpu.memory_space<semaphore_mem>>)
        %dma_start3A_483 = arith.constant 1 : i32
        %dma_start3A_484 = tpu.memref_slice %arg4[%dma_start3A_483, %add3A_477] : memref<2x320000xi32, #tpu.memory_space<hbm>> -> memref<1x80xi32, #tpu.memory_space<hbm>>
        %dma_start3A_485 = tpu.memref_squeeze %dma_start3A_484 : memref<1x80xi32, #tpu.memory_space<hbm>> -> memref<80xi32, #tpu.memory_space<hbm>>
        %dma_start3A_486 = tpu.memref_slice %arg4[%dma_start3A_483, %add3A_477] : memref<2x320000xi32, #tpu.memory_space<hbm>> -> memref<1x80xi32, #tpu.memory_space<hbm>>
        %dma_start3A_487 = tpu.memref_squeeze %dma_start3A_486 : memref<1x80xi32, #tpu.memory_space<hbm>> -> memref<80xi32, #tpu.memory_space<hbm>>
        tpu.enqueue_dma source(%dma_start3A_487 : memref<80xi32, #tpu.memory_space<hbm>>) target(%arg13 : memref<80xi32, #tpu.memory_space<vmem>>) target_semaphore(%arg23 : memref<!tpu.dma_semaphore, #tpu.memory_space<semaphore_mem>>)
      } else {
      }
      %add3A_236 = arith.constant 0 : i32
      %add3A_237 = vector.broadcast %add3A_236 : i32 to vector<16xi32>
      %add3A_238 = arith.addi %iota3A, %add3A_237 : vector<16xi32>
      %gather3A_239 = tpu.vector_load_idx %arg7[%add3A_238, %broadcast_in_dim3A_5] : memref<80x144xf32, #tpu.memory_space<vmem>>[vector<16xi32>, vector<16xi32>], vector<16xf32>,
      %gather3A_240 = tpu.vector_load_idx %arg9[%add3A_238, %broadcast_in_dim3A_7] : memref<80x16xf32, #tpu.memory_space<vmem>>[vector<16xi32>, vector<16xi32>], vector<16xf32>,
      %add3A_241 = arith.addf %gather3A_239, %gather3A_240 : vector<16xf32>
      %ge3A_242 = arith.constant 0.000000e+00 : f32
      %ge3A_243 = vector.broadcast %ge3A_242 : f32 to vector<16xf32>
      %ge3A_244 = arith.cmpf oge, %add3A_241, %ge3A_243 : vector<16xf32>
      %mul3A_245 = arith.constant 2.000000e-01 : f32
      %mul3A_246 = vector.broadcast %mul3A_245 : f32 to vector<16xf32>
      %mul3A_247 = arith.mulf %mul3A_246, %add3A_241 : vector<16xf32>
      %select_n3A_248 = arith.select %ge3A_244, %add3A_241, %mul3A_247 : vector<16xi1>, vector<16xf32>
      %exp3A_249 = math.exp %select_n3A_248 : vector<16xf32>
      %swap3A_250 = arith.constant 0 : index
      %swap3A_251 = tpu.vector_load %arg17[%swap3A_250] {strides = array<i32>} : memref<80xf32, #tpu.memory_space<vmem>>, vector<16xf32>,
      tpu.vector_store %arg17[%swap3A_250], %exp3A_249 {strides = array<i32>} : memref<80xf32, #tpu.memory_space<vmem>>, vector<16xf32>,
      tpu.vector_store_idx %arg7[%add3A_238, %broadcast_in_dim3A_5], %exp3A_249 : memref<80x144xf32, #tpu.memory_space<vmem>>[vector<16xi32>, vector<16xi32>], vector<16xf32>,
      %add3A_252 = arith.constant 16 : i32
      %add3A_253 = vector.broadcast %add3A_252 : i32 to vector<16xi32>
      %add3A_254 = arith.addi %iota3A, %add3A_253 : vector<16xi32>
      %gather3A_255 = tpu.vector_load_idx %arg7[%add3A_254, %broadcast_in_dim3A_5] : memref<80x144xf32, #tpu.memory_space<vmem>>[vector<16xi32>, vector<16xi32>], vector<16xf32>,
      %gather3A_256 = tpu.vector_load_idx %arg9[%add3A_254, %broadcast_in_dim3A_7] : memref<80x16xf32, #tpu.memory_space<vmem>>[vector<16xi32>, vector<16xi32>], vector<16xf32>,
      %add3A_257 = arith.addf %gather3A_255, %gather3A_256 : vector<16xf32>
      %ge3A_258 = arith.constant 0.000000e+00 : f32
      %ge3A_259 = vector.broadcast %ge3A_258 : f32 to vector<16xf32>
      %ge3A_260 = arith.cmpf oge, %add3A_257, %ge3A_259 : vector<16xf32>
      %mul3A_261 = arith.constant 2.000000e-01 : f32
      %mul3A_262 = vector.broadcast %mul3A_261 : f32 to vector<16xf32>
      %mul3A_263 = arith.mulf %mul3A_262, %add3A_257 : vector<16xf32>
      %select_n3A_264 = arith.select %ge3A_260, %add3A_257, %mul3A_263 : vector<16xi1>, vector<16xf32>
      %exp3A_265 = math.exp %select_n3A_264 : vector<16xf32>
      %swap3A_266 = arith.constant 16 : index
      %swap3A_267 = tpu.vector_load %arg17[%swap3A_266] {strides = array<i32>} : memref<80xf32, #tpu.memory_space<vmem>>, vector<16xf32>,
      tpu.vector_store %arg17[%swap3A_266], %exp3A_265 {strides = array<i32>} : memref<80xf32, #tpu.memory_space<vmem>>, vector<16xf32>,
      tpu.vector_store_idx %arg7[%add3A_254, %broadcast_in_dim3A_5], %exp3A_265 : memref<80x144xf32, #tpu.memory_space<vmem>>[vector<16xi32>, vector<16xi32>], vector<16xf32>,
      %add3A_268 = arith.constant 32 : i32
      %add3A_269 = vector.broadcast %add3A_268 : i32 to vector<16xi32>
      %add3A_270 = arith.addi %iota3A, %add3A_269 : vector<16xi32>
      %gather3A_271 = tpu.vector_load_idx %arg7[%add3A_270, %broadcast_in_dim3A_5] : memref<80x144xf32, #tpu.memory_space<vmem>>[vector<16xi32>, vector<16xi32>], vector<16xf32>,
      %gather3A_272 = tpu.vector_load_idx %arg9[%add3A_270, %broadcast_in_dim3A_7] : memref<80x16xf32, #tpu.memory_space<vmem>>[vector<16xi32>, vector<16xi32>], vector<16xf32>,
      %add3A_273 = arith.addf %gather3A_271, %gather3A_272 : vector<16xf32>
      %ge3A_274 = arith.constant 0.000000e+00 : f32
      %ge3A_275 = vector.broadcast %ge3A_274 : f32 to vector<16xf32>
      %ge3A_276 = arith.cmpf oge, %add3A_273, %ge3A_275 : vector<16xf32>
      %mul3A_277 = arith.constant 2.000000e-01 : f32
      %mul3A_278 = vector.broadcast %mul3A_277 : f32 to vector<16xf32>
      %mul3A_279 = arith.mulf %mul3A_278, %add3A_273 : vector<16xf32>
      %select_n3A_280 = arith.select %ge3A_276, %add3A_273, %mul3A_279 : vector<16xi1>, vector<16xf32>
      %exp3A_281 = math.exp %select_n3A_280 : vector<16xf32>
      %swap3A_282 = arith.constant 32 : index
      %swap3A_283 = tpu.vector_load %arg17[%swap3A_282] {strides = array<i32>} : memref<80xf32, #tpu.memory_space<vmem>>, vector<16xf32>,
      tpu.vector_store %arg17[%swap3A_282], %exp3A_281 {strides = array<i32>} : memref<80xf32, #tpu.memory_space<vmem>>, vector<16xf32>,
      tpu.vector_store_idx %arg7[%add3A_270, %broadcast_in_dim3A_5], %exp3A_281 : memref<80x144xf32, #tpu.memory_space<vmem>>[vector<16xi32>, vector<16xi32>], vector<16xf32>,
      %add3A_284 = arith.constant 48 : i32
      %add3A_285 = vector.broadcast %add3A_284 : i32 to vector<16xi32>
      %add3A_286 = arith.addi %iota3A, %add3A_285 : vector<16xi32>
      %gather3A_287 = tpu.vector_load_idx %arg7[%add3A_286, %broadcast_in_dim3A_5] : memref<80x144xf32, #tpu.memory_space<vmem>>[vector<16xi32>, vector<16xi32>], vector<16xf32>,
      %gather3A_288 = tpu.vector_load_idx %arg9[%add3A_286, %broadcast_in_dim3A_7] : memref<80x16xf32, #tpu.memory_space<vmem>>[vector<16xi32>, vector<16xi32>], vector<16xf32>,
      %add3A_289 = arith.addf %gather3A_287, %gather3A_288 : vector<16xf32>
      %ge3A_290 = arith.constant 0.000000e+00 : f32
      %ge3A_291 = vector.broadcast %ge3A_290 : f32 to vector<16xf32>
      %ge3A_292 = arith.cmpf oge, %add3A_289, %ge3A_291 : vector<16xf32>
      %mul3A_293 = arith.constant 2.000000e-01 : f32
      %mul3A_294 = vector.broadcast %mul3A_293 : f32 to vector<16xf32>
      %mul3A_295 = arith.mulf %mul3A_294, %add3A_289 : vector<16xf32>
      %select_n3A_296 = arith.select %ge3A_292, %add3A_289, %mul3A_295 : vector<16xi1>, vector<16xf32>
      %exp3A_297 = math.exp %select_n3A_296 : vector<16xf32>
      %swap3A_298 = arith.constant 48 : index
      %swap3A_299 = tpu.vector_load %arg17[%swap3A_298] {strides = array<i32>} : memref<80xf32, #tpu.memory_space<vmem>>, vector<16xf32>,
      tpu.vector_store %arg17[%swap3A_298], %exp3A_297 {strides = array<i32>} : memref<80xf32, #tpu.memory_space<vmem>>, vector<16xf32>,
      tpu.vector_store_idx %arg7[%add3A_286, %broadcast_in_dim3A_5], %exp3A_297 : memref<80x144xf32, #tpu.memory_space<vmem>>[vector<16xi32>, vector<16xi32>], vector<16xf32>,
      %add3A_300 = arith.constant 64 : i32
      %add3A_301 = vector.broadcast %add3A_300 : i32 to vector<16xi32>
      %add3A_302 = arith.addi %iota3A, %add3A_301 : vector<16xi32>
      %gather3A_303 = tpu.vector_load_idx %arg7[%add3A_302, %broadcast_in_dim3A_5] : memref<80x144xf32, #tpu.memory_space<vmem>>[vector<16xi32>, vector<16xi32>], vector<16xf32>,
      %gather3A_304 = tpu.vector_load_idx %arg9[%add3A_302, %broadcast_in_dim3A_7] : memref<80x16xf32, #tpu.memory_space<vmem>>[vector<16xi32>, vector<16xi32>], vector<16xf32>,
      %add3A_305 = arith.addf %gather3A_303, %gather3A_304 : vector<16xf32>
      %ge3A_306 = arith.constant 0.000000e+00 : f32
      %ge3A_307 = vector.broadcast %ge3A_306 : f32 to vector<16xf32>
      %ge3A_308 = arith.cmpf oge, %add3A_305, %ge3A_307 : vector<16xf32>
      %mul3A_309 = arith.constant 2.000000e-01 : f32
      %mul3A_310 = vector.broadcast %mul3A_309 : f32 to vector<16xf32>
      %mul3A_311 = arith.mulf %mul3A_310, %add3A_305 : vector<16xf32>
      %select_n3A_312 = arith.select %ge3A_308, %add3A_305, %mul3A_311 : vector<16xi1>, vector<16xf32>
      %exp3A_313 = math.exp %select_n3A_312 : vector<16xf32>
      %swap3A_314 = arith.constant 64 : index
      %swap3A_315 = tpu.vector_load %arg17[%swap3A_314] {strides = array<i32>} : memref<80xf32, #tpu.memory_space<vmem>>, vector<16xf32>,
      tpu.vector_store %arg17[%swap3A_314], %exp3A_313 {strides = array<i32>} : memref<80xf32, #tpu.memory_space<vmem>>, vector<16xf32>,
      tpu.vector_store_idx %arg7[%add3A_302, %broadcast_in_dim3A_5], %exp3A_313 : memref<80x144xf32, #tpu.memory_space<vmem>>[vector<16xi32>, vector<16xi32>], vector<16xf32>,
      %scan3A_316 = arith.constant 0 : i32
      %scan3A_317 = arith.constant 10 : i32
      %scan3A_318 = arith.addi %scan3A_316, %scan3A_317 : i32
      %scan3A_319 = arith.constant 1 : i32
      scf.for %scan3A_473 = %scan3A_316 to %scan3A_318 step %scan3A_319  : i32 {
        %mul3A_474 = arith.constant 8 : i32
        %mul3A_475 = arith.muli %scan3A_473, %mul3A_474 : i32
        %add3A_476 = arith.constant 0 : i32
        %add3A_477 = arith.addi %add3A_476, %mul3A_475 : i32
        %add3A_478 = arith.constant 0 : i32
        %add3A_479 = arith.addi %add3A_477, %add3A_478 : i32
        %broadcast_in_dim3A_480 = vector.broadcast %add3A_479 : i32 to vector<16xi32>
        %gather3A_481 = tpu.vector_load_idx %arg17[%broadcast_in_dim3A_480] : memref<80xf32, #tpu.memory_space<vmem>>[vector<16xi32>], vector<16xf32>,
        %add3A_482 = arith.constant 0 : i32
        %add3A_483 = arith.addi %add3A_477, %add3A_482 : i32
        %get3A_484 = arith.index_cast %add3A_483 : i32 to index
        %get3A_485 = arith.constant 0 : index
        %get3A_486 = tpu.vector_load %arg7[%get3A_484, %get3A_485] {strides = array<i32>} : memref<80x144xf32, #tpu.memory_space<vmem>>, vector<16xf32>,
        %mul3A_487 = arith.mulf %get3A_486, %gather3A_481 : vector<16xf32>
        %add3A_488 = arith.constant 0 : i32
        %add3A_489 = arith.addi %add3A_477, %add3A_488 : i32
        %swap3A_490 = arith.index_cast %add3A_489 : i32 to index
        %swap3A_491 = arith.constant 0 : index
        %swap3A_492 = tpu.vector_load %arg7[%swap3A_490, %swap3A_491] {strides = array<i32>} : memref<80x144xf32, #tpu.memory_space<vmem>>, vector<16xf32>,
        tpu.vector_store %arg7[%swap3A_490, %swap3A_491], %mul3A_487 {strides = array<i32>} : memref<80x144xf32, #tpu.memory_space<vmem>>, vector<16xf32>,
        %add3A_493 = arith.constant 0 : i32
        %add3A_494 = arith.addi %add3A_477, %add3A_493 : i32
        %get3A_495 = arith.index_cast %add3A_494 : i32 to index
        %get3A_496 = arith.constant 16 : index
        %get3A_497 = tpu.vector_load %arg7[%get3A_495, %get3A_496] {strides = array<i32>} : memref<80x144xf32, #tpu.memory_space<vmem>>, vector<16xf32>,
        %mul3A_498 = arith.mulf %get3A_497, %gather3A_481 : vector<16xf32>
        %add3A_499 = arith.constant 0 : i32
        %add3A_500 = arith.addi %add3A_477, %add3A_499 : i32
        %swap3A_501 = arith.index_cast %add3A_500 : i32 to index
        %swap3A_502 = arith.constant 16 : index
        %swap3A_503 = tpu.vector_load %arg7[%swap3A_501, %swap3A_502] {strides = array<i32>} : memref<80x144xf32, #tpu.memory_space<vmem>>, vector<16xf32>,
        tpu.vector_store %arg7[%swap3A_501, %swap3A_502], %mul3A_498 {strides = array<i32>} : memref<80x144xf32, #tpu.memory_space<vmem>>, vector<16xf32>,
        %add3A_504 = arith.constant 0 : i32
        %add3A_505 = arith.addi %add3A_477, %add3A_504 : i32
        %get3A_506 = arith.index_cast %add3A_505 : i32 to index
        %get3A_507 = arith.constant 32 : index
        %get3A_508 = tpu.vector_load %arg7[%get3A_506, %get3A_507] {strides = array<i32>} : memref<80x144xf32, #tpu.memory_space<vmem>>, vector<16xf32>,
        %mul3A_509 = arith.mulf %get3A_508, %gather3A_481 : vector<16xf32>
        %add3A_510 = arith.constant 0 : i32
        %add3A_511 = arith.addi %add3A_477, %add3A_510 : i32
        %swap3A_512 = arith.index_cast %add3A_511 : i32 to index
        %swap3A_513 = arith.constant 32 : index
        %swap3A_514 = tpu.vector_load %arg7[%swap3A_512, %swap3A_513] {strides = array<i32>} : memref<80x144xf32, #tpu.memory_space<vmem>>, vector<16xf32>,
        tpu.vector_store %arg7[%swap3A_512, %swap3A_513], %mul3A_509 {strides = array<i32>} : memref<80x144xf32, #tpu.memory_space<vmem>>, vector<16xf32>,
        %add3A_515 = arith.constant 0 : i32
        %add3A_516 = arith.addi %add3A_477, %add3A_515 : i32
        %get3A_517 = arith.index_cast %add3A_516 : i32 to index
        %get3A_518 = arith.constant 48 : index
        %get3A_519 = tpu.vector_load %arg7[%get3A_517, %get3A_518] {strides = array<i32>} : memref<80x144xf32, #tpu.memory_space<vmem>>, vector<16xf32>,
        %mul3A_520 = arith.mulf %get3A_519, %gather3A_481 : vector<16xf32>
        %add3A_521 = arith.constant 0 : i32
        %add3A_522 = arith.addi %add3A_477, %add3A_521 : i32
        %swap3A_523 = arith.index_cast %add3A_522 : i32 to index
        %swap3A_524 = arith.constant 48 : index
        %swap3A_525 = tpu.vector_load %arg7[%swap3A_523, %swap3A_524] {strides = array<i32>} : memref<80x144xf32, #tpu.memory_space<vmem>>, vector<16xf32>,
        tpu.vector_store %arg7[%swap3A_523, %swap3A_524], %mul3A_520 {strides = array<i32>} : memref<80x144xf32, #tpu.memory_space<vmem>>, vector<16xf32>,
        %add3A_526 = arith.constant 0 : i32
        %add3A_527 = arith.addi %add3A_477, %add3A_526 : i32
        %get3A_528 = arith.index_cast %add3A_527 : i32 to index
        %get3A_529 = arith.constant 64 : index
        %get3A_530 = tpu.vector_load %arg7[%get3A_528, %get3A_529] {strides = array<i32>} : memref<80x144xf32, #tpu.memory_space<vmem>>, vector<16xf32>,
        %mul3A_531 = arith.mulf %get3A_530, %gather3A_481 : vector<16xf32>
        %add3A_532 = arith.constant 0 : i32
        %add3A_533 = arith.addi %add3A_477, %add3A_532 : i32
        %swap3A_534 = arith.index_cast %add3A_533 : i32 to index
        %swap3A_535 = arith.constant 64 : index
        %swap3A_536 = tpu.vector_load %arg7[%swap3A_534, %swap3A_535] {strides = array<i32>} : memref<80x144xf32, #tpu.memory_space<vmem>>, vector<16xf32>,
        tpu.vector_store %arg7[%swap3A_534, %swap3A_535], %mul3A_531 {strides = array<i32>} : memref<80x144xf32, #tpu.memory_space<vmem>>, vector<16xf32>,
        %add3A_537 = arith.constant 0 : i32
        %add3A_538 = arith.addi %add3A_477, %add3A_537 : i32
        %get3A_539 = arith.index_cast %add3A_538 : i32 to index
        %get3A_540 = arith.constant 80 : index
        %get3A_541 = tpu.vector_load %arg7[%get3A_539, %get3A_540] {strides = array<i32>} : memref<80x144xf32, #tpu.memory_space<vmem>>, vector<16xf32>,
        %mul3A_542 = arith.mulf %get3A_541, %gather3A_481 : vector<16xf32>
        %add3A_543 = arith.constant 0 : i32
        %add3A_544 = arith.addi %add3A_477, %add3A_543 : i32
        %swap3A_545 = arith.index_cast %add3A_544 : i32 to index
        %swap3A_546 = arith.constant 80 : index
        %swap3A_547 = tpu.vector_load %arg7[%swap3A_545, %swap3A_546] {strides = array<i32>} : memref<80x144xf32, #tpu.memory_space<vmem>>, vector<16xf32>,
        tpu.vector_store %arg7[%swap3A_545, %swap3A_546], %mul3A_542 {strides = array<i32>} : memref<80x144xf32, #tpu.memory_space<vmem>>, vector<16xf32>,
        %add3A_548 = arith.constant 0 : i32
        %add3A_549 = arith.addi %add3A_477, %add3A_548 : i32
        %get3A_550 = arith.index_cast %add3A_549 : i32 to index
        %get3A_551 = arith.constant 96 : index
        %get3A_552 = tpu.vector_load %arg7[%get3A_550, %get3A_551] {strides = array<i32>} : memref<80x144xf32, #tpu.memory_space<vmem>>, vector<16xf32>,
        %mul3A_553 = arith.mulf %get3A_552, %gather3A_481 : vector<16xf32>
        %add3A_554 = arith.constant 0 : i32
        %add3A_555 = arith.addi %add3A_477, %add3A_554 : i32
        %swap3A_556 = arith.index_cast %add3A_555 : i32 to index
        %swap3A_557 = arith.constant 96 : index
        %swap3A_558 = tpu.vector_load %arg7[%swap3A_556, %swap3A_557] {strides = array<i32>} : memref<80x144xf32, #tpu.memory_space<vmem>>, vector<16xf32>,
        tpu.vector_store %arg7[%swap3A_556, %swap3A_557], %mul3A_553 {strides = array<i32>} : memref<80x144xf32, #tpu.memory_space<vmem>>, vector<16xf32>,
        %add3A_559 = arith.constant 0 : i32
        %add3A_560 = arith.addi %add3A_477, %add3A_559 : i32
        %get3A_561 = arith.index_cast %add3A_560 : i32 to index
        %get3A_562 = arith.constant 112 : index
        %get3A_563 = tpu.vector_load %arg7[%get3A_561, %get3A_562] {strides = array<i32>} : memref<80x144xf32, #tpu.memory_space<vmem>>, vector<16xf32>,
        %mul3A_564 = arith.mulf %get3A_563, %gather3A_481 : vector<16xf32>
        %add3A_565 = arith.constant 0 : i32
        %add3A_566 = arith.addi %add3A_477, %add3A_565 : i32
        %swap3A_567 = arith.index_cast %add3A_566 : i32 to index
        %swap3A_568 = arith.constant 112 : index
        %swap3A_569 = tpu.vector_load %arg7[%swap3A_567, %swap3A_568] {strides = array<i32>} : memref<80x144xf32, #tpu.memory_space<vmem>>, vector<16xf32>,
        tpu.vector_store %arg7[%swap3A_567, %swap3A_568], %mul3A_564 {strides = array<i32>} : memref<80x144xf32, #tpu.memory_space<vmem>>, vector<16xf32>,
        %add3A_570 = arith.constant 1 : i32
        %add3A_571 = arith.addi %add3A_477, %add3A_570 : i32
        %broadcast_in_dim3A_572 = vector.broadcast %add3A_571 : i32 to vector<16xi32>
        %gather3A_573 = tpu.vector_load_idx %arg17[%broadcast_in_dim3A_572] : memref<80xf32, #tpu.memory_space<vmem>>[vector<16xi32>], vector<16xf32>,
        %add3A_574 = arith.constant 1 : i32
        %add3A_575 = arith.addi %add3A_477, %add3A_574 : i32
        %get3A_576 = arith.index_cast %add3A_575 : i32 to index
        %get3A_577 = arith.constant 0 : index
        %get3A_578 = tpu.vector_load %arg7[%get3A_576, %get3A_577] {strides = array<i32>} : memref<80x144xf32, #tpu.memory_space<vmem>>, vector<16xf32>,
        %mul3A_579 = arith.mulf %get3A_578, %gather3A_573 : vector<16xf32>
        %add3A_580 = arith.constant 1 : i32
        %add3A_581 = arith.addi %add3A_477, %add3A_580 : i32
        %swap3A_582 = arith.index_cast %add3A_581 : i32 to index
        %swap3A_583 = arith.constant 0 : index
        %swap3A_584 = tpu.vector_load %arg7[%swap3A_582, %swap3A_583] {strides = array<i32>} : memref<80x144xf32, #tpu.memory_space<vmem>>, vector<16xf32>,
        tpu.vector_store %arg7[%swap3A_582, %swap3A_583], %mul3A_579 {strides = array<i32>} : memref<80x144xf32, #tpu.memory_space<vmem>>, vector<16xf32>,
        %add3A_585 = arith.constant 1 : i32
        %add3A_586 = arith.addi %add3A_477, %add3A_585 : i32
        %get3A_587 = arith.index_cast %add3A_586 : i32 to index
        %get3A_588 = arith.constant 16 : index
        %get3A_589 = tpu.vector_load %arg7[%get3A_587, %get3A_588] {strides = array<i32>} : memref<80x144xf32, #tpu.memory_space<vmem>>, vector<16xf32>,
        %mul3A_590 = arith.mulf %get3A_589, %gather3A_573 : vector<16xf32>
        %add3A_591 = arith.constant 1 : i32
        %add3A_592 = arith.addi %add3A_477, %add3A_591 : i32
        %swap3A_593 = arith.index_cast %add3A_592 : i32 to index
        %swap3A_594 = arith.constant 16 : index
        %swap3A_595 = tpu.vector_load %arg7[%swap3A_593, %swap3A_594] {strides = array<i32>} : memref<80x144xf32, #tpu.memory_space<vmem>>, vector<16xf32>,
        tpu.vector_store %arg7[%swap3A_593, %swap3A_594], %mul3A_590 {strides = array<i32>} : memref<80x144xf32, #tpu.memory_space<vmem>>, vector<16xf32>,
        %add3A_596 = arith.constant 1 : i32
        %add3A_597 = arith.addi %add3A_477, %add3A_596 : i32
        %get3A_598 = arith.index_cast %add3A_597 : i32 to index
        %get3A_599 = arith.constant 32 : index
        %get3A_600 = tpu.vector_load %arg7[%get3A_598, %get3A_599] {strides = array<i32>} : memref<80x144xf32, #tpu.memory_space<vmem>>, vector<16xf32>,
        %mul3A_601 = arith.mulf %get3A_600, %gather3A_573 : vector<16xf32>
        %add3A_602 = arith.constant 1 : i32
        %add3A_603 = arith.addi %add3A_477, %add3A_602 : i32
        %swap3A_604 = arith.index_cast %add3A_603 : i32 to index
        %swap3A_605 = arith.constant 32 : index
        %swap3A_606 = tpu.vector_load %arg7[%swap3A_604, %swap3A_605] {strides = array<i32>} : memref<80x144xf32, #tpu.memory_space<vmem>>, vector<16xf32>,
        tpu.vector_store %arg7[%swap3A_604, %swap3A_605], %mul3A_601 {strides = array<i32>} : memref<80x144xf32, #tpu.memory_space<vmem>>, vector<16xf32>,
        %add3A_607 = arith.constant 1 : i32
        %add3A_608 = arith.addi %add3A_477, %add3A_607 : i32
        %get3A_609 = arith.index_cast %add3A_608 : i32 to index
        %get3A_610 = arith.constant 48 : index
        %get3A_611 = tpu.vector_load %arg7[%get3A_609, %get3A_610] {strides = array<i32>} : memref<80x144xf32, #tpu.memory_space<vmem>>, vector<16xf32>,
        %mul3A_612 = arith.mulf %get3A_611, %gather3A_573 : vector<16xf32>
        %add3A_613 = arith.constant 1 : i32
        %add3A_614 = arith.addi %add3A_477, %add3A_613 : i32
        %swap3A_615 = arith.index_cast %add3A_614 : i32 to index
        %swap3A_616 = arith.constant 48 : index
        %swap3A_617 = tpu.vector_load %arg7[%swap3A_615, %swap3A_616] {strides = array<i32>} : memref<80x144xf32, #tpu.memory_space<vmem>>, vector<16xf32>,
        tpu.vector_store %arg7[%swap3A_615, %swap3A_616], %mul3A_612 {strides = array<i32>} : memref<80x144xf32, #tpu.memory_space<vmem>>, vector<16xf32>,
        %add3A_618 = arith.constant 1 : i32
        %add3A_619 = arith.addi %add3A_477, %add3A_618 : i32
        %get3A_620 = arith.index_cast %add3A_619 : i32 to index
        %get3A_621 = arith.constant 64 : index
        %get3A_622 = tpu.vector_load %arg7[%get3A_620, %get3A_621] {strides = array<i32>} : memref<80x144xf32, #tpu.memory_space<vmem>>, vector<16xf32>,
        %mul3A_623 = arith.mulf %get3A_622, %gather3A_573 : vector<16xf32>
        %add3A_624 = arith.constant 1 : i32
        %add3A_625 = arith.addi %add3A_477, %add3A_624 : i32
        %swap3A_626 = arith.index_cast %add3A_625 : i32 to index
        %swap3A_627 = arith.constant 64 : index
        %swap3A_628 = tpu.vector_load %arg7[%swap3A_626, %swap3A_627] {strides = array<i32>} : memref<80x144xf32, #tpu.memory_space<vmem>>, vector<16xf32>,
        tpu.vector_store %arg7[%swap3A_626, %swap3A_627], %mul3A_623 {strides = array<i32>} : memref<80x144xf32, #tpu.memory_space<vmem>>, vector<16xf32>,
        %add3A_629 = arith.constant 1 : i32
        %add3A_630 = arith.addi %add3A_477, %add3A_629 : i32
        %get3A_631 = arith.index_cast %add3A_630 : i32 to index
        %get3A_632 = arith.constant 80 : index
        %get3A_633 = tpu.vector_load %arg7[%get3A_631, %get3A_632] {strides = array<i32>} : memref<80x144xf32, #tpu.memory_space<vmem>>, vector<16xf32>,
        %mul3A_634 = arith.mulf %get3A_633, %gather3A_573 : vector<16xf32>
        %add3A_635 = arith.constant 1 : i32
        %add3A_636 = arith.addi %add3A_477, %add3A_635 : i32
        %swap3A_637 = arith.index_cast %add3A_636 : i32 to index
        %swap3A_638 = arith.constant 80 : index
        %swap3A_639 = tpu.vector_load %arg7[%swap3A_637, %swap3A_638] {strides = array<i32>} : memref<80x144xf32, #tpu.memory_space<vmem>>, vector<16xf32>,
        tpu.vector_store %arg7[%swap3A_637, %swap3A_638], %mul3A_634 {strides = array<i32>} : memref<80x144xf32, #tpu.memory_space<vmem>>, vector<16xf32>,
        %add3A_640 = arith.constant 1 : i32
        %add3A_641 = arith.addi %add3A_477, %add3A_640 : i32
        %get3A_642 = arith.index_cast %add3A_641 : i32 to index
        %get3A_643 = arith.constant 96 : index
        %get3A_644 = tpu.vector_load %arg7[%get3A_642, %get3A_643] {strides = array<i32>} : memref<80x144xf32, #tpu.memory_space<vmem>>, vector<16xf32>,
        %mul3A_645 = arith.mulf %get3A_644, %gather3A_573 : vector<16xf32>
        %add3A_646 = arith.constant 1 : i32
        %add3A_647 = arith.addi %add3A_477, %add3A_646 : i32
        %swap3A_648 = arith.index_cast %add3A_647 : i32 to index
        %swap3A_649 = arith.constant 96 : index
        %swap3A_650 = tpu.vector_load %arg7[%swap3A_648, %swap3A_649] {strides = array<i32>} : memref<80x144xf32, #tpu.memory_space<vmem>>, vector<16xf32>,
        tpu.vector_store %arg7[%swap3A_648, %swap3A_649], %mul3A_645 {strides = array<i32>} : memref<80x144xf32, #tpu.memory_space<vmem>>, vector<16xf32>,
        %add3A_651 = arith.constant 1 : i32
        %add3A_652 = arith.addi %add3A_477, %add3A_651 : i32
        %get3A_653 = arith.index_cast %add3A_652 : i32 to index
        %get3A_654 = arith.constant 112 : index
        %get3A_655 = tpu.vector_load %arg7[%get3A_653, %get3A_654] {strides = array<i32>} : memref<80x144xf32, #tpu.memory_space<vmem>>, vector<16xf32>,
        %mul3A_656 = arith.mulf %get3A_655, %gather3A_573 : vector<16xf32>
        %add3A_657 = arith.constant 1 : i32
        %add3A_658 = arith.addi %add3A_477, %add3A_657 : i32
        %swap3A_659 = arith.index_cast %add3A_658 : i32 to index
        %swap3A_660 = arith.constant 112 : index
        %swap3A_661 = tpu.vector_load %arg7[%swap3A_659, %swap3A_660] {strides = array<i32>} : memref<80x144xf32, #tpu.memory_space<vmem>>, vector<16xf32>,
        tpu.vector_store %arg7[%swap3A_659, %swap3A_660], %mul3A_656 {strides = array<i32>} : memref<80x144xf32, #tpu.memory_space<vmem>>, vector<16xf32>,
        %add3A_662 = arith.constant 2 : i32
        %add3A_663 = arith.addi %add3A_477, %add3A_662 : i32
        %broadcast_in_dim3A_664 = vector.broadcast %add3A_663 : i32 to vector<16xi32>
        %gather3A_665 = tpu.vector_load_idx %arg17[%broadcast_in_dim3A_664] : memref<80xf32, #tpu.memory_space<vmem>>[vector<16xi32>], vector<16xf32>,
        %add3A_666 = arith.constant 2 : i32
        %add3A_667 = arith.addi %add3A_477, %add3A_666 : i32
        %get3A_668 = arith.index_cast %add3A_667 : i32 to index
        %get3A_669 = arith.constant 0 : index
        %get3A_670 = tpu.vector_load %arg7[%get3A_668, %get3A_669] {strides = array<i32>} : memref<80x144xf32, #tpu.memory_space<vmem>>, vector<16xf32>,
        %mul3A_671 = arith.mulf %get3A_670, %gather3A_665 : vector<16xf32>
        %add3A_672 = arith.constant 2 : i32
        %add3A_673 = arith.addi %add3A_477, %add3A_672 : i32
        %swap3A_674 = arith.index_cast %add3A_673 : i32 to index
        %swap3A_675 = arith.constant 0 : index
        %swap3A_676 = tpu.vector_load %arg7[%swap3A_674, %swap3A_675] {strides = array<i32>} : memref<80x144xf32, #tpu.memory_space<vmem>>, vector<16xf32>,
        tpu.vector_store %arg7[%swap3A_674, %swap3A_675], %mul3A_671 {strides = array<i32>} : memref<80x144xf32, #tpu.memory_space<vmem>>, vector<16xf32>,
        %add3A_677 = arith.constant 2 : i32
        %add3A_678 = arith.addi %add3A_477, %add3A_677 : i32
        %get3A_679 = arith.index_cast %add3A_678 : i32 to index
        %get3A_680 = arith.constant 16 : index
        %get3A_681 = tpu.vector_load %arg7[%get3A_679, %get3A_680] {strides = array<i32>} : memref<80x144xf32, #tpu.memory_space<vmem>>, vector<16xf32>,
        %mul3A_682 = arith.mulf %get3A_681, %gather3A_665 : vector<16xf32>
        %add3A_683 = arith.constant 2 : i32
        %add3A_684 = arith.addi %add3A_477, %add3A_683 : i32
        %swap3A_685 = arith.index_cast %add3A_684 : i32 to index
        %swap3A_686 = arith.constant 16 : index
        %swap3A_687 = tpu.vector_load %arg7[%swap3A_685, %swap3A_686] {strides = array<i32>} : memref<80x144xf32, #tpu.memory_space<vmem>>, vector<16xf32>,
        tpu.vector_store %arg7[%swap3A_685, %swap3A_686], %mul3A_682 {strides = array<i32>} : memref<80x144xf32, #tpu.memory_space<vmem>>, vector<16xf32>,
        %add3A_688 = arith.constant 2 : i32
        %add3A_689 = arith.addi %add3A_477, %add3A_688 : i32
        %get3A_690 = arith.index_cast %add3A_689 : i32 to index
        %get3A_691 = arith.constant 32 : index
        %get3A_692 = tpu.vector_load %arg7[%get3A_690, %get3A_691] {strides = array<i32>} : memref<80x144xf32, #tpu.memory_space<vmem>>, vector<16xf32>,
        %mul3A_693 = arith.mulf %get3A_692, %gather3A_665 : vector<16xf32>
        %add3A_694 = arith.constant 2 : i32
        %add3A_695 = arith.addi %add3A_477, %add3A_694 : i32
        %swap3A_696 = arith.index_cast %add3A_695 : i32 to index
        %swap3A_697 = arith.constant 32 : index
        %swap3A_698 = tpu.vector_load %arg7[%swap3A_696, %swap3A_697] {strides = array<i32>} : memref<80x144xf32, #tpu.memory_space<vmem>>, vector<16xf32>,
        tpu.vector_store %arg7[%swap3A_696, %swap3A_697], %mul3A_693 {strides = array<i32>} : memref<80x144xf32, #tpu.memory_space<vmem>>, vector<16xf32>,
        %add3A_699 = arith.constant 2 : i32
        %add3A_700 = arith.addi %add3A_477, %add3A_699 : i32
        %get3A_701 = arith.index_cast %add3A_700 : i32 to index
        %get3A_702 = arith.constant 48 : index
        %get3A_703 = tpu.vector_load %arg7[%get3A_701, %get3A_702] {strides = array<i32>} : memref<80x144xf32, #tpu.memory_space<vmem>>, vector<16xf32>,
        %mul3A_704 = arith.mulf %get3A_703, %gather3A_665 : vector<16xf32>
        %add3A_705 = arith.constant 2 : i32
        %add3A_706 = arith.addi %add3A_477, %add3A_705 : i32
        %swap3A_707 = arith.index_cast %add3A_706 : i32 to index
        %swap3A_708 = arith.constant 48 : index
        %swap3A_709 = tpu.vector_load %arg7[%swap3A_707, %swap3A_708] {strides = array<i32>} : memref<80x144xf32, #tpu.memory_space<vmem>>, vector<16xf32>,
        tpu.vector_store %arg7[%swap3A_707, %swap3A_708], %mul3A_704 {strides = array<i32>} : memref<80x144xf32, #tpu.memory_space<vmem>>, vector<16xf32>,
        %add3A_710 = arith.constant 2 : i32
        %add3A_711 = arith.addi %add3A_477, %add3A_710 : i32
        %get3A_712 = arith.index_cast %add3A_711 : i32 to index
        %get3A_713 = arith.constant 64 : index
        %get3A_714 = tpu.vector_load %arg7[%get3A_712, %get3A_713] {strides = array<i32>} : memref<80x144xf32, #tpu.memory_space<vmem>>, vector<16xf32>,
        %mul3A_715 = arith.mulf %get3A_714, %gather3A_665 : vector<16xf32>
        %add3A_716 = arith.constant 2 : i32
        %add3A_717 = arith.addi %add3A_477, %add3A_716 : i32
        %swap3A_718 = arith.index_cast %add3A_717 : i32 to index
        %swap3A_719 = arith.constant 64 : index
        %swap3A_720 = tpu.vector_load %arg7[%swap3A_718, %swap3A_719] {strides = array<i32>} : memref<80x144xf32, #tpu.memory_space<vmem>>, vector<16xf32>,
        tpu.vector_store %arg7[%swap3A_718, %swap3A_719], %mul3A_715 {strides = array<i32>} : memref<80x144xf32, #tpu.memory_space<vmem>>, vector<16xf32>,
        %add3A_721 = arith.constant 2 : i32
        %add3A_722 = arith.addi %add3A_477, %add3A_721 : i32
        %get3A_723 = arith.index_cast %add3A_722 : i32 to index
        %get3A_724 = arith.constant 80 : index
        %get3A_725 = tpu.vector_load %arg7[%get3A_723, %get3A_724] {strides = array<i32>} : memref<80x144xf32, #tpu.memory_space<vmem>>, vector<16xf32>,
        %mul3A_726 = arith.mulf %get3A_725, %gather3A_665 : vector<16xf32>
        %add3A_727 = arith.constant 2 : i32
        %add3A_728 = arith.addi %add3A_477, %add3A_727 : i32
        %swap3A_729 = arith.index_cast %add3A_728 : i32 to index
        %swap3A_730 = arith.constant 80 : index
        %swap3A_731 = tpu.vector_load %arg7[%swap3A_729, %swap3A_730] {strides = array<i32>} : memref<80x144xf32, #tpu.memory_space<vmem>>, vector<16xf32>,
        tpu.vector_store %arg7[%swap3A_729, %swap3A_730], %mul3A_726 {strides = array<i32>} : memref<80x144xf32, #tpu.memory_space<vmem>>, vector<16xf32>,
        %add3A_732 = arith.constant 2 : i32
        %add3A_733 = arith.addi %add3A_477, %add3A_732 : i32
        %get3A_734 = arith.index_cast %add3A_733 : i32 to index
        %get3A_735 = arith.constant 96 : index
        %get3A_736 = tpu.vector_load %arg7[%get3A_734, %get3A_735] {strides = array<i32>} : memref<80x144xf32, #tpu.memory_space<vmem>>, vector<16xf32>,
        %mul3A_737 = arith.mulf %get3A_736, %gather3A_665 : vector<16xf32>
        %add3A_738 = arith.constant 2 : i32
        %add3A_739 = arith.addi %add3A_477, %add3A_738 : i32
        %swap3A_740 = arith.index_cast %add3A_739 : i32 to index
        %swap3A_741 = arith.constant 96 : index
        %swap3A_742 = tpu.vector_load %arg7[%swap3A_740, %swap3A_741] {strides = array<i32>} : memref<80x144xf32, #tpu.memory_space<vmem>>, vector<16xf32>,
        tpu.vector_store %arg7[%swap3A_740, %swap3A_741], %mul3A_737 {strides = array<i32>} : memref<80x144xf32, #tpu.memory_space<vmem>>, vector<16xf32>,
        %add3A_743 = arith.constant 2 : i32
        %add3A_744 = arith.addi %add3A_477, %add3A_743 : i32
        %get3A_745 = arith.index_cast %add3A_744 : i32 to index
        %get3A_746 = arith.constant 112 : index
        %get3A_747 = tpu.vector_load %arg7[%get3A_745, %get3A_746] {strides = array<i32>} : memref<80x144xf32, #tpu.memory_space<vmem>>, vector<16xf32>,
        %mul3A_748 = arith.mulf %get3A_747, %gather3A_665 : vector<16xf32>
        %add3A_749 = arith.constant 2 : i32
        %add3A_750 = arith.addi %add3A_477, %add3A_749 : i32
        %swap3A_751 = arith.index_cast %add3A_750 : i32 to index
        %swap3A_752 = arith.constant 112 : index
        %swap3A_753 = tpu.vector_load %arg7[%swap3A_751, %swap3A_752] {strides = array<i32>} : memref<80x144xf32, #tpu.memory_space<vmem>>, vector<16xf32>,
        tpu.vector_store %arg7[%swap3A_751, %swap3A_752], %mul3A_748 {strides = array<i32>} : memref<80x144xf32, #tpu.memory_space<vmem>>, vector<16xf32>,
        %add3A_754 = arith.constant 3 : i32
        %add3A_755 = arith.addi %add3A_477, %add3A_754 : i32
        %broadcast_in_dim3A_756 = vector.broadcast %add3A_755 : i32 to vector<16xi32>
        %gather3A_757 = tpu.vector_load_idx %arg17[%broadcast_in_dim3A_756] : memref<80xf32, #tpu.memory_space<vmem>>[vector<16xi32>], vector<16xf32>,
        %add3A_758 = arith.constant 3 : i32
        %add3A_759 = arith.addi %add3A_477, %add3A_758 : i32
        %get3A_760 = arith.index_cast %add3A_759 : i32 to index
        %get3A_761 = arith.constant 0 : index
        %get3A_762 = tpu.vector_load %arg7[%get3A_760, %get3A_761] {strides = array<i32>} : memref<80x144xf32, #tpu.memory_space<vmem>>, vector<16xf32>,
        %mul3A_763 = arith.mulf %get3A_762, %gather3A_757 : vector<16xf32>
        %add3A_764 = arith.constant 3 : i32
        %add3A_765 = arith.addi %add3A_477, %add3A_764 : i32
        %swap3A_766 = arith.index_cast %add3A_765 : i32 to index
        %swap3A_767 = arith.constant 0 : index
        %swap3A_768 = tpu.vector_load %arg7[%swap3A_766, %swap3A_767] {strides = array<i32>} : memref<80x144xf32, #tpu.memory_space<vmem>>, vector<16xf32>,
        tpu.vector_store %arg7[%swap3A_766, %swap3A_767], %mul3A_763 {strides = array<i32>} : memref<80x144xf32, #tpu.memory_space<vmem>>, vector<16xf32>,
        %add3A_769 = arith.constant 3 : i32
        %add3A_770 = arith.addi %add3A_477, %add3A_769 : i32
        %get3A_771 = arith.index_cast %add3A_770 : i32 to index
        %get3A_772 = arith.constant 16 : index
        %get3A_773 = tpu.vector_load %arg7[%get3A_771, %get3A_772] {strides = array<i32>} : memref<80x144xf32, #tpu.memory_space<vmem>>, vector<16xf32>,
        %mul3A_774 = arith.mulf %get3A_773, %gather3A_757 : vector<16xf32>
        %add3A_775 = arith.constant 3 : i32
        %add3A_776 = arith.addi %add3A_477, %add3A_775 : i32
        %swap3A_777 = arith.index_cast %add3A_776 : i32 to index
        %swap3A_778 = arith.constant 16 : index
        %swap3A_779 = tpu.vector_load %arg7[%swap3A_777, %swap3A_778] {strides = array<i32>} : memref<80x144xf32, #tpu.memory_space<vmem>>, vector<16xf32>,
        tpu.vector_store %arg7[%swap3A_777, %swap3A_778], %mul3A_774 {strides = array<i32>} : memref<80x144xf32, #tpu.memory_space<vmem>>, vector<16xf32>,
        %add3A_780 = arith.constant 3 : i32
        %add3A_781 = arith.addi %add3A_477, %add3A_780 : i32
        %get3A_782 = arith.index_cast %add3A_781 : i32 to index
        %get3A_783 = arith.constant 32 : index
        %get3A_784 = tpu.vector_load %arg7[%get3A_782, %get3A_783] {strides = array<i32>} : memref<80x144xf32, #tpu.memory_space<vmem>>, vector<16xf32>,
        %mul3A_785 = arith.mulf %get3A_784, %gather3A_757 : vector<16xf32>
        %add3A_786 = arith.constant 3 : i32
        %add3A_787 = arith.addi %add3A_477, %add3A_786 : i32
        %swap3A_788 = arith.index_cast %add3A_787 : i32 to index
        %swap3A_789 = arith.constant 32 : index
        %swap3A_790 = tpu.vector_load %arg7[%swap3A_788, %swap3A_789] {strides = array<i32>} : memref<80x144xf32, #tpu.memory_space<vmem>>, vector<16xf32>,
        tpu.vector_store %arg7[%swap3A_788, %swap3A_789], %mul3A_785 {strides = array<i32>} : memref<80x144xf32, #tpu.memory_space<vmem>>, vector<16xf32>,
        %add3A_791 = arith.constant 3 : i32
        %add3A_792 = arith.addi %add3A_477, %add3A_791 : i32
        %get3A_793 = arith.index_cast %add3A_792 : i32 to index
        %get3A_794 = arith.constant 48 : index
        %get3A_795 = tpu.vector_load %arg7[%get3A_793, %get3A_794] {strides = array<i32>} : memref<80x144xf32, #tpu.memory_space<vmem>>, vector<16xf32>,
        %mul3A_796 = arith.mulf %get3A_795, %gather3A_757 : vector<16xf32>
        %add3A_797 = arith.constant 3 : i32
        %add3A_798 = arith.addi %add3A_477, %add3A_797 : i32
        %swap3A_799 = arith.index_cast %add3A_798 : i32 to index
        %swap3A_800 = arith.constant 48 : index
        %swap3A_801 = tpu.vector_load %arg7[%swap3A_799, %swap3A_800] {strides = array<i32>} : memref<80x144xf32, #tpu.memory_space<vmem>>, vector<16xf32>,
        tpu.vector_store %arg7[%swap3A_799, %swap3A_800], %mul3A_796 {strides = array<i32>} : memref<80x144xf32, #tpu.memory_space<vmem>>, vector<16xf32>,
        %add3A_802 = arith.constant 3 : i32
        %add3A_803 = arith.addi %add3A_477, %add3A_802 : i32
        %get3A_804 = arith.index_cast %add3A_803 : i32 to index
        %get3A_805 = arith.constant 64 : index
        %get3A_806 = tpu.vector_load %arg7[%get3A_804, %get3A_805] {strides = array<i32>} : memref<80x144xf32, #tpu.memory_space<vmem>>, vector<16xf32>,
        %mul3A_807 = arith.mulf %get3A_806, %gather3A_757 : vector<16xf32>
        %add3A_808 = arith.constant 3 : i32
        %add3A_809 = arith.addi %add3A_477, %add3A_808 : i32
        %swap3A_810 = arith.index_cast %add3A_809 : i32 to index
        %swap3A_811 = arith.constant 64 : index
        %swap3A_812 = tpu.vector_load %arg7[%swap3A_810, %swap3A_811] {strides = array<i32>} : memref<80x144xf32, #tpu.memory_space<vmem>>, vector<16xf32>,
        tpu.vector_store %arg7[%swap3A_810, %swap3A_811], %mul3A_807 {strides = array<i32>} : memref<80x144xf32, #tpu.memory_space<vmem>>, vector<16xf32>,
        %add3A_813 = arith.constant 3 : i32
        %add3A_814 = arith.addi %add3A_477, %add3A_813 : i32
        %get3A_815 = arith.index_cast %add3A_814 : i32 to index
        %get3A_816 = arith.constant 80 : index
        %get3A_817 = tpu.vector_load %arg7[%get3A_815, %get3A_816] {strides = array<i32>} : memref<80x144xf32, #tpu.memory_space<vmem>>, vector<16xf32>,
        %mul3A_818 = arith.mulf %get3A_817, %gather3A_757 : vector<16xf32>
        %add3A_819 = arith.constant 3 : i32
        %add3A_820 = arith.addi %add3A_477, %add3A_819 : i32
        %swap3A_821 = arith.index_cast %add3A_820 : i32 to index
        %swap3A_822 = arith.constant 80 : index
        %swap3A_823 = tpu.vector_load %arg7[%swap3A_821, %swap3A_822] {strides = array<i32>} : memref<80x144xf32, #tpu.memory_space<vmem>>, vector<16xf32>,
        tpu.vector_store %arg7[%swap3A_821, %swap3A_822], %mul3A_818 {strides = array<i32>} : memref<80x144xf32, #tpu.memory_space<vmem>>, vector<16xf32>,
        %add3A_824 = arith.constant 3 : i32
        %add3A_825 = arith.addi %add3A_477, %add3A_824 : i32
        %get3A_826 = arith.index_cast %add3A_825 : i32 to index
        %get3A_827 = arith.constant 96 : index
        %get3A_828 = tpu.vector_load %arg7[%get3A_826, %get3A_827] {strides = array<i32>} : memref<80x144xf32, #tpu.memory_space<vmem>>, vector<16xf32>,
        %mul3A_829 = arith.mulf %get3A_828, %gather3A_757 : vector<16xf32>
        %add3A_830 = arith.constant 3 : i32
        %add3A_831 = arith.addi %add3A_477, %add3A_830 : i32
        %swap3A_832 = arith.index_cast %add3A_831 : i32 to index
        %swap3A_833 = arith.constant 96 : index
        %swap3A_834 = tpu.vector_load %arg7[%swap3A_832, %swap3A_833] {strides = array<i32>} : memref<80x144xf32, #tpu.memory_space<vmem>>, vector<16xf32>,
        tpu.vector_store %arg7[%swap3A_832, %swap3A_833], %mul3A_829 {strides = array<i32>} : memref<80x144xf32, #tpu.memory_space<vmem>>, vector<16xf32>,
        %add3A_835 = arith.constant 3 : i32
        %add3A_836 = arith.addi %add3A_477, %add3A_835 : i32
        %get3A_837 = arith.index_cast %add3A_836 : i32 to index
        %get3A_838 = arith.constant 112 : index
        %get3A_839 = tpu.vector_load %arg7[%get3A_837, %get3A_838] {strides = array<i32>} : memref<80x144xf32, #tpu.memory_space<vmem>>, vector<16xf32>,
        %mul3A_840 = arith.mulf %get3A_839, %gather3A_757 : vector<16xf32>
        %add3A_841 = arith.constant 3 : i32
        %add3A_842 = arith.addi %add3A_477, %add3A_841 : i32
        %swap3A_843 = arith.index_cast %add3A_842 : i32 to index
        %swap3A_844 = arith.constant 112 : index
        %swap3A_845 = tpu.vector_load %arg7[%swap3A_843, %swap3A_844] {strides = array<i32>} : memref<80x144xf32, #tpu.memory_space<vmem>>, vector<16xf32>,
        tpu.vector_store %arg7[%swap3A_843, %swap3A_844], %mul3A_840 {strides = array<i32>} : memref<80x144xf32, #tpu.memory_space<vmem>>, vector<16xf32>,
        %add3A_846 = arith.constant 4 : i32
        %add3A_847 = arith.addi %add3A_477, %add3A_846 : i32
        %broadcast_in_dim3A_848 = vector.broadcast %add3A_847 : i32 to vector<16xi32>
        %gather3A_849 = tpu.vector_load_idx %arg17[%broadcast_in_dim3A_848] : memref<80xf32, #tpu.memory_space<vmem>>[vector<16xi32>], vector<16xf32>,
        %add3A_850 = arith.constant 4 : i32
        %add3A_851 = arith.addi %add3A_477, %add3A_850 : i32
        %get3A_852 = arith.index_cast %add3A_851 : i32 to index
        %get3A_853 = arith.constant 0 : index
        %get3A_854 = tpu.vector_load %arg7[%get3A_852, %get3A_853] {strides = array<i32>} : memref<80x144xf32, #tpu.memory_space<vmem>>, vector<16xf32>,
        %mul3A_855 = arith.mulf %get3A_854, %gather3A_849 : vector<16xf32>
        %add3A_856 = arith.constant 4 : i32
        %add3A_857 = arith.addi %add3A_477, %add3A_856 : i32
        %swap3A_858 = arith.index_cast %add3A_857 : i32 to index
        %swap3A_859 = arith.constant 0 : index
        %swap3A_860 = tpu.vector_load %arg7[%swap3A_858, %swap3A_859] {strides = array<i32>} : memref<80x144xf32, #tpu.memory_space<vmem>>, vector<16xf32>,
        tpu.vector_store %arg7[%swap3A_858, %swap3A_859], %mul3A_855 {strides = array<i32>} : memref<80x144xf32, #tpu.memory_space<vmem>>, vector<16xf32>,
        %add3A_861 = arith.constant 4 : i32
        %add3A_862 = arith.addi %add3A_477, %add3A_861 : i32
        %get3A_863 = arith.index_cast %add3A_862 : i32 to index
        %get3A_864 = arith.constant 16 : index
        %get3A_865 = tpu.vector_load %arg7[%get3A_863, %get3A_864] {strides = array<i32>} : memref<80x144xf32, #tpu.memory_space<vmem>>, vector<16xf32>,
        %mul3A_866 = arith.mulf %get3A_865, %gather3A_849 : vector<16xf32>
        %add3A_867 = arith.constant 4 : i32
        %add3A_868 = arith.addi %add3A_477, %add3A_867 : i32
        %swap3A_869 = arith.index_cast %add3A_868 : i32 to index
        %swap3A_870 = arith.constant 16 : index
        %swap3A_871 = tpu.vector_load %arg7[%swap3A_869, %swap3A_870] {strides = array<i32>} : memref<80x144xf32, #tpu.memory_space<vmem>>, vector<16xf32>,
        tpu.vector_store %arg7[%swap3A_869, %swap3A_870], %mul3A_866 {strides = array<i32>} : memref<80x144xf32, #tpu.memory_space<vmem>>, vector<16xf32>,
        %add3A_872 = arith.constant 4 : i32
        %add3A_873 = arith.addi %add3A_477, %add3A_872 : i32
        %get3A_874 = arith.index_cast %add3A_873 : i32 to index
        %get3A_875 = arith.constant 32 : index
        %get3A_876 = tpu.vector_load %arg7[%get3A_874, %get3A_875] {strides = array<i32>} : memref<80x144xf32, #tpu.memory_space<vmem>>, vector<16xf32>,
        %mul3A_877 = arith.mulf %get3A_876, %gather3A_849 : vector<16xf32>
        %add3A_878 = arith.constant 4 : i32
        %add3A_879 = arith.addi %add3A_477, %add3A_878 : i32
        %swap3A_880 = arith.index_cast %add3A_879 : i32 to index
        %swap3A_881 = arith.constant 32 : index
        %swap3A_882 = tpu.vector_load %arg7[%swap3A_880, %swap3A_881] {strides = array<i32>} : memref<80x144xf32, #tpu.memory_space<vmem>>, vector<16xf32>,
        tpu.vector_store %arg7[%swap3A_880, %swap3A_881], %mul3A_877 {strides = array<i32>} : memref<80x144xf32, #tpu.memory_space<vmem>>, vector<16xf32>,
        %add3A_883 = arith.constant 4 : i32
        %add3A_884 = arith.addi %add3A_477, %add3A_883 : i32
        %get3A_885 = arith.index_cast %add3A_884 : i32 to index
        %get3A_886 = arith.constant 48 : index
        %get3A_887 = tpu.vector_load %arg7[%get3A_885, %get3A_886] {strides = array<i32>} : memref<80x144xf32, #tpu.memory_space<vmem>>, vector<16xf32>,
        %mul3A_888 = arith.mulf %get3A_887, %gather3A_849 : vector<16xf32>
        %add3A_889 = arith.constant 4 : i32
        %add3A_890 = arith.addi %add3A_477, %add3A_889 : i32
        %swap3A_891 = arith.index_cast %add3A_890 : i32 to index
        %swap3A_892 = arith.constant 48 : index
        %swap3A_893 = tpu.vector_load %arg7[%swap3A_891, %swap3A_892] {strides = array<i32>} : memref<80x144xf32, #tpu.memory_space<vmem>>, vector<16xf32>,
        tpu.vector_store %arg7[%swap3A_891, %swap3A_892], %mul3A_888 {strides = array<i32>} : memref<80x144xf32, #tpu.memory_space<vmem>>, vector<16xf32>,
        %add3A_894 = arith.constant 4 : i32
        %add3A_895 = arith.addi %add3A_477, %add3A_894 : i32
        %get3A_896 = arith.index_cast %add3A_895 : i32 to index
        %get3A_897 = arith.constant 64 : index
        %get3A_898 = tpu.vector_load %arg7[%get3A_896, %get3A_897] {strides = array<i32>} : memref<80x144xf32, #tpu.memory_space<vmem>>, vector<16xf32>,
        %mul3A_899 = arith.mulf %get3A_898, %gather3A_849 : vector<16xf32>
        %add3A_900 = arith.constant 4 : i32
        %add3A_901 = arith.addi %add3A_477, %add3A_900 : i32
        %swap3A_902 = arith.index_cast %add3A_901 : i32 to index
        %swap3A_903 = arith.constant 64 : index
        %swap3A_904 = tpu.vector_load %arg7[%swap3A_902, %swap3A_903] {strides = array<i32>} : memref<80x144xf32, #tpu.memory_space<vmem>>, vector<16xf32>,
        tpu.vector_store %arg7[%swap3A_902, %swap3A_903], %mul3A_899 {strides = array<i32>} : memref<80x144xf32, #tpu.memory_space<vmem>>, vector<16xf32>,
        %add3A_905 = arith.constant 4 : i32
        %add3A_906 = arith.addi %add3A_477, %add3A_905 : i32
        %get3A_907 = arith.index_cast %add3A_906 : i32 to index
        %get3A_908 = arith.constant 80 : index
        %get3A_909 = tpu.vector_load %arg7[%get3A_907, %get3A_908] {strides = array<i32>} : memref<80x144xf32, #tpu.memory_space<vmem>>, vector<16xf32>,
        %mul3A_910 = arith.mulf %get3A_909, %gather3A_849 : vector<16xf32>
        %add3A_911 = arith.constant 4 : i32
        %add3A_912 = arith.addi %add3A_477, %add3A_911 : i32
        %swap3A_913 = arith.index_cast %add3A_912 : i32 to index
        %swap3A_914 = arith.constant 80 : index
        %swap3A_915 = tpu.vector_load %arg7[%swap3A_913, %swap3A_914] {strides = array<i32>} : memref<80x144xf32, #tpu.memory_space<vmem>>, vector<16xf32>,
        tpu.vector_store %arg7[%swap3A_913, %swap3A_914], %mul3A_910 {strides = array<i32>} : memref<80x144xf32, #tpu.memory_space<vmem>>, vector<16xf32>,
        %add3A_916 = arith.constant 4 : i32
        %add3A_917 = arith.addi %add3A_477, %add3A_916 : i32
        %get3A_918 = arith.index_cast %add3A_917 : i32 to index
        %get3A_919 = arith.constant 96 : index
        %get3A_920 = tpu.vector_load %arg7[%get3A_918, %get3A_919] {strides = array<i32>} : memref<80x144xf32, #tpu.memory_space<vmem>>, vector<16xf32>,
        %mul3A_921 = arith.mulf %get3A_920, %gather3A_849 : vector<16xf32>
        %add3A_922 = arith.constant 4 : i32
        %add3A_923 = arith.addi %add3A_477, %add3A_922 : i32
        %swap3A_924 = arith.index_cast %add3A_923 : i32 to index
        %swap3A_925 = arith.constant 96 : index
        %swap3A_926 = tpu.vector_load %arg7[%swap3A_924, %swap3A_925] {strides = array<i32>} : memref<80x144xf32, #tpu.memory_space<vmem>>, vector<16xf32>,
        tpu.vector_store %arg7[%swap3A_924, %swap3A_925], %mul3A_921 {strides = array<i32>} : memref<80x144xf32, #tpu.memory_space<vmem>>, vector<16xf32>,
        %add3A_927 = arith.constant 4 : i32
        %add3A_928 = arith.addi %add3A_477, %add3A_927 : i32
        %get3A_929 = arith.index_cast %add3A_928 : i32 to index
        %get3A_930 = arith.constant 112 : index
        %get3A_931 = tpu.vector_load %arg7[%get3A_929, %get3A_930] {strides = array<i32>} : memref<80x144xf32, #tpu.memory_space<vmem>>, vector<16xf32>,
        %mul3A_932 = arith.mulf %get3A_931, %gather3A_849 : vector<16xf32>
        %add3A_933 = arith.constant 4 : i32
        %add3A_934 = arith.addi %add3A_477, %add3A_933 : i32
        %swap3A_935 = arith.index_cast %add3A_934 : i32 to index
        %swap3A_936 = arith.constant 112 : index
        %swap3A_937 = tpu.vector_load %arg7[%swap3A_935, %swap3A_936] {strides = array<i32>} : memref<80x144xf32, #tpu.memory_space<vmem>>, vector<16xf32>,
        tpu.vector_store %arg7[%swap3A_935, %swap3A_936], %mul3A_932 {strides = array<i32>} : memref<80x144xf32, #tpu.memory_space<vmem>>, vector<16xf32>,
        %add3A_938 = arith.constant 5 : i32
        %add3A_939 = arith.addi %add3A_477, %add3A_938 : i32
        %broadcast_in_dim3A_940 = vector.broadcast %add3A_939 : i32 to vector<16xi32>
        %gather3A_941 = tpu.vector_load_idx %arg17[%broadcast_in_dim3A_940] : memref<80xf32, #tpu.memory_space<vmem>>[vector<16xi32>], vector<16xf32>,
        %add3A_942 = arith.constant 5 : i32
        %add3A_943 = arith.addi %add3A_477, %add3A_942 : i32
        %get3A_944 = arith.index_cast %add3A_943 : i32 to index
        %get3A_945 = arith.constant 0 : index
        %get3A_946 = tpu.vector_load %arg7[%get3A_944, %get3A_945] {strides = array<i32>} : memref<80x144xf32, #tpu.memory_space<vmem>>, vector<16xf32>,
        %mul3A_947 = arith.mulf %get3A_946, %gather3A_941 : vector<16xf32>
        %add3A_948 = arith.constant 5 : i32
        %add3A_949 = arith.addi %add3A_477, %add3A_948 : i32
        %swap3A_950 = arith.index_cast %add3A_949 : i32 to index
        %swap3A_951 = arith.constant 0 : index
        %swap3A_952 = tpu.vector_load %arg7[%swap3A_950, %swap3A_951] {strides = array<i32>} : memref<80x144xf32, #tpu.memory_space<vmem>>, vector<16xf32>,
        tpu.vector_store %arg7[%swap3A_950, %swap3A_951], %mul3A_947 {strides = array<i32>} : memref<80x144xf32, #tpu.memory_space<vmem>>, vector<16xf32>,
        %add3A_953 = arith.constant 5 : i32
        %add3A_954 = arith.addi %add3A_477, %add3A_953 : i32
        %get3A_955 = arith.index_cast %add3A_954 : i32 to index
        %get3A_956 = arith.constant 16 : index
        %get3A_957 = tpu.vector_load %arg7[%get3A_955, %get3A_956] {strides = array<i32>} : memref<80x144xf32, #tpu.memory_space<vmem>>, vector<16xf32>,
        %mul3A_958 = arith.mulf %get3A_957, %gather3A_941 : vector<16xf32>
        %add3A_959 = arith.constant 5 : i32
        %add3A_960 = arith.addi %add3A_477, %add3A_959 : i32
        %swap3A_961 = arith.index_cast %add3A_960 : i32 to index
        %swap3A_962 = arith.constant 16 : index
        %swap3A_963 = tpu.vector_load %arg7[%swap3A_961, %swap3A_962] {strides = array<i32>} : memref<80x144xf32, #tpu.memory_space<vmem>>, vector<16xf32>,
        tpu.vector_store %arg7[%swap3A_961, %swap3A_962], %mul3A_958 {strides = array<i32>} : memref<80x144xf32, #tpu.memory_space<vmem>>, vector<16xf32>,
        %add3A_964 = arith.constant 5 : i32
        %add3A_965 = arith.addi %add3A_477, %add3A_964 : i32
        %get3A_966 = arith.index_cast %add3A_965 : i32 to index
        %get3A_967 = arith.constant 32 : index
        %get3A_968 = tpu.vector_load %arg7[%get3A_966, %get3A_967] {strides = array<i32>} : memref<80x144xf32, #tpu.memory_space<vmem>>, vector<16xf32>,
        %mul3A_969 = arith.mulf %get3A_968, %gather3A_941 : vector<16xf32>
        %add3A_970 = arith.constant 5 : i32
        %add3A_971 = arith.addi %add3A_477, %add3A_970 : i32
        %swap3A_972 = arith.index_cast %add3A_971 : i32 to index
        %swap3A_973 = arith.constant 32 : index
        %swap3A_974 = tpu.vector_load %arg7[%swap3A_972, %swap3A_973] {strides = array<i32>} : memref<80x144xf32, #tpu.memory_space<vmem>>, vector<16xf32>,
        tpu.vector_store %arg7[%swap3A_972, %swap3A_973], %mul3A_969 {strides = array<i32>} : memref<80x144xf32, #tpu.memory_space<vmem>>, vector<16xf32>,
        %add3A_975 = arith.constant 5 : i32
        %add3A_976 = arith.addi %add3A_477, %add3A_975 : i32
        %get3A_977 = arith.index_cast %add3A_976 : i32 to index
        %get3A_978 = arith.constant 48 : index
        %get3A_979 = tpu.vector_load %arg7[%get3A_977, %get3A_978] {strides = array<i32>} : memref<80x144xf32, #tpu.memory_space<vmem>>, vector<16xf32>,
        %mul3A_980 = arith.mulf %get3A_979, %gather3A_941 : vector<16xf32>
        %add3A_981 = arith.constant 5 : i32
        %add3A_982 = arith.addi %add3A_477, %add3A_981 : i32
        %swap3A_983 = arith.index_cast %add3A_982 : i32 to index
        %swap3A_984 = arith.constant 48 : index
        %swap3A_985 = tpu.vector_load %arg7[%swap3A_983, %swap3A_984] {strides = array<i32>} : memref<80x144xf32, #tpu.memory_space<vmem>>, vector<16xf32>,
        tpu.vector_store %arg7[%swap3A_983, %swap3A_984], %mul3A_980 {strides = array<i32>} : memref<80x144xf32, #tpu.memory_space<vmem>>, vector<16xf32>,
        %add3A_986 = arith.constant 5 : i32
        %add3A_987 = arith.addi %add3A_477, %add3A_986 : i32
        %get3A_988 = arith.index_cast %add3A_987 : i32 to index
        %get3A_989 = arith.constant 64 : index
        %get3A_990 = tpu.vector_load %arg7[%get3A_988, %get3A_989] {strides = array<i32>} : memref<80x144xf32, #tpu.memory_space<vmem>>, vector<16xf32>,
        %mul3A_991 = arith.mulf %get3A_990, %gather3A_941 : vector<16xf32>
        %add3A_992 = arith.constant 5 : i32
        %add3A_993 = arith.addi %add3A_477, %add3A_992 : i32
        %swap3A_994 = arith.index_cast %add3A_993 : i32 to index
        %swap3A_995 = arith.constant 64 : index
        %swap3A_996 = tpu.vector_load %arg7[%swap3A_994, %swap3A_995] {strides = array<i32>} : memref<80x144xf32, #tpu.memory_space<vmem>>, vector<16xf32>,
        tpu.vector_store %arg7[%swap3A_994, %swap3A_995], %mul3A_991 {strides = array<i32>} : memref<80x144xf32, #tpu.memory_space<vmem>>, vector<16xf32>,
        %add3A_997 = arith.constant 5 : i32
        %add3A_998 = arith.addi %add3A_477, %add3A_997 : i32
        %get3A_999 = arith.index_cast %add3A_998 : i32 to index
        %get3A_1000 = arith.constant 80 : index
        %get3A_1001 = tpu.vector_load %arg7[%get3A_999, %get3A_1000] {strides = array<i32>} : memref<80x144xf32, #tpu.memory_space<vmem>>, vector<16xf32>,
        %mul3A_1002 = arith.mulf %get3A_1001, %gather3A_941 : vector<16xf32>
        %add3A_1003 = arith.constant 5 : i32
        %add3A_1004 = arith.addi %add3A_477, %add3A_1003 : i32
        %swap3A_1005 = arith.index_cast %add3A_1004 : i32 to index
        %swap3A_1006 = arith.constant 80 : index
        %swap3A_1007 = tpu.vector_load %arg7[%swap3A_1005, %swap3A_1006] {strides = array<i32>} : memref<80x144xf32, #tpu.memory_space<vmem>>, vector<16xf32>,
        tpu.vector_store %arg7[%swap3A_1005, %swap3A_1006], %mul3A_1002 {strides = array<i32>} : memref<80x144xf32, #tpu.memory_space<vmem>>, vector<16xf32>,
        %add3A_1008 = arith.constant 5 : i32
        %add3A_1009 = arith.addi %add3A_477, %add3A_1008 : i32
        %get3A_1010 = arith.index_cast %add3A_1009 : i32 to index
        %get3A_1011 = arith.constant 96 : index
        %get3A_1012 = tpu.vector_load %arg7[%get3A_1010, %get3A_1011] {strides = array<i32>} : memref<80x144xf32, #tpu.memory_space<vmem>>, vector<16xf32>,
        %mul3A_1013 = arith.mulf %get3A_1012, %gather3A_941 : vector<16xf32>
        %add3A_1014 = arith.constant 5 : i32
        %add3A_1015 = arith.addi %add3A_477, %add3A_1014 : i32
        %swap3A_1016 = arith.index_cast %add3A_1015 : i32 to index
        %swap3A_1017 = arith.constant 96 : index
        %swap3A_1018 = tpu.vector_load %arg7[%swap3A_1016, %swap3A_1017] {strides = array<i32>} : memref<80x144xf32, #tpu.memory_space<vmem>>, vector<16xf32>,
        tpu.vector_store %arg7[%swap3A_1016, %swap3A_1017], %mul3A_1013 {strides = array<i32>} : memref<80x144xf32, #tpu.memory_space<vmem>>, vector<16xf32>,
        %add3A_1019 = arith.constant 5 : i32
        %add3A_1020 = arith.addi %add3A_477, %add3A_1019 : i32
        %get3A_1021 = arith.index_cast %add3A_1020 : i32 to index
        %get3A_1022 = arith.constant 112 : index
        %get3A_1023 = tpu.vector_load %arg7[%get3A_1021, %get3A_1022] {strides = array<i32>} : memref<80x144xf32, #tpu.memory_space<vmem>>, vector<16xf32>,
        %mul3A_1024 = arith.mulf %get3A_1023, %gather3A_941 : vector<16xf32>
        %add3A_1025 = arith.constant 5 : i32
        %add3A_1026 = arith.addi %add3A_477, %add3A_1025 : i32
        %swap3A_1027 = arith.index_cast %add3A_1026 : i32 to index
        %swap3A_1028 = arith.constant 112 : index
        %swap3A_1029 = tpu.vector_load %arg7[%swap3A_1027, %swap3A_1028] {strides = array<i32>} : memref<80x144xf32, #tpu.memory_space<vmem>>, vector<16xf32>,
        tpu.vector_store %arg7[%swap3A_1027, %swap3A_1028], %mul3A_1024 {strides = array<i32>} : memref<80x144xf32, #tpu.memory_space<vmem>>, vector<16xf32>,
        %add3A_1030 = arith.constant 6 : i32
        %add3A_1031 = arith.addi %add3A_477, %add3A_1030 : i32
        %broadcast_in_dim3A_1032 = vector.broadcast %add3A_1031 : i32 to vector<16xi32>
        %gather3A_1033 = tpu.vector_load_idx %arg17[%broadcast_in_dim3A_1032] : memref<80xf32, #tpu.memory_space<vmem>>[vector<16xi32>], vector<16xf32>,
        %add3A_1034 = arith.constant 6 : i32
        %add3A_1035 = arith.addi %add3A_477, %add3A_1034 : i32
        %get3A_1036 = arith.index_cast %add3A_1035 : i32 to index
        %get3A_1037 = arith.constant 0 : index
        %get3A_1038 = tpu.vector_load %arg7[%get3A_1036, %get3A_1037] {strides = array<i32>} : memref<80x144xf32, #tpu.memory_space<vmem>>, vector<16xf32>,
        %mul3A_1039 = arith.mulf %get3A_1038, %gather3A_1033 : vector<16xf32>
        %add3A_1040 = arith.constant 6 : i32
        %add3A_1041 = arith.addi %add3A_477, %add3A_1040 : i32
        %swap3A_1042 = arith.index_cast %add3A_1041 : i32 to index
        %swap3A_1043 = arith.constant 0 : index
        %swap3A_1044 = tpu.vector_load %arg7[%swap3A_1042, %swap3A_1043] {strides = array<i32>} : memref<80x144xf32, #tpu.memory_space<vmem>>, vector<16xf32>,
        tpu.vector_store %arg7[%swap3A_1042, %swap3A_1043], %mul3A_1039 {strides = array<i32>} : memref<80x144xf32, #tpu.memory_space<vmem>>, vector<16xf32>,
        %add3A_1045 = arith.constant 6 : i32
        %add3A_1046 = arith.addi %add3A_477, %add3A_1045 : i32
        %get3A_1047 = arith.index_cast %add3A_1046 : i32 to index
        %get3A_1048 = arith.constant 16 : index
        %get3A_1049 = tpu.vector_load %arg7[%get3A_1047, %get3A_1048] {strides = array<i32>} : memref<80x144xf32, #tpu.memory_space<vmem>>, vector<16xf32>,
        %mul3A_1050 = arith.mulf %get3A_1049, %gather3A_1033 : vector<16xf32>
        %add3A_1051 = arith.constant 6 : i32
        %add3A_1052 = arith.addi %add3A_477, %add3A_1051 : i32
        %swap3A_1053 = arith.index_cast %add3A_1052 : i32 to index
        %swap3A_1054 = arith.constant 16 : index
        %swap3A_1055 = tpu.vector_load %arg7[%swap3A_1053, %swap3A_1054] {strides = array<i32>} : memref<80x144xf32, #tpu.memory_space<vmem>>, vector<16xf32>,
        tpu.vector_store %arg7[%swap3A_1053, %swap3A_1054], %mul3A_1050 {strides = array<i32>} : memref<80x144xf32, #tpu.memory_space<vmem>>, vector<16xf32>,
        %add3A_1056 = arith.constant 6 : i32
        %add3A_1057 = arith.addi %add3A_477, %add3A_1056 : i32
        %get3A_1058 = arith.index_cast %add3A_1057 : i32 to index
        %get3A_1059 = arith.constant 32 : index
        %get3A_1060 = tpu.vector_load %arg7[%get3A_1058, %get3A_1059] {strides = array<i32>} : memref<80x144xf32, #tpu.memory_space<vmem>>, vector<16xf32>,
        %mul3A_1061 = arith.mulf %get3A_1060, %gather3A_1033 : vector<16xf32>
        %add3A_1062 = arith.constant 6 : i32
        %add3A_1063 = arith.addi %add3A_477, %add3A_1062 : i32
        %swap3A_1064 = arith.index_cast %add3A_1063 : i32 to index
        %swap3A_1065 = arith.constant 32 : index
        %swap3A_1066 = tpu.vector_load %arg7[%swap3A_1064, %swap3A_1065] {strides = array<i32>} : memref<80x144xf32, #tpu.memory_space<vmem>>, vector<16xf32>,
        tpu.vector_store %arg7[%swap3A_1064, %swap3A_1065], %mul3A_1061 {strides = array<i32>} : memref<80x144xf32, #tpu.memory_space<vmem>>, vector<16xf32>,
        %add3A_1067 = arith.constant 6 : i32
        %add3A_1068 = arith.addi %add3A_477, %add3A_1067 : i32
        %get3A_1069 = arith.index_cast %add3A_1068 : i32 to index
        %get3A_1070 = arith.constant 48 : index
        %get3A_1071 = tpu.vector_load %arg7[%get3A_1069, %get3A_1070] {strides = array<i32>} : memref<80x144xf32, #tpu.memory_space<vmem>>, vector<16xf32>,
        %mul3A_1072 = arith.mulf %get3A_1071, %gather3A_1033 : vector<16xf32>
        %add3A_1073 = arith.constant 6 : i32
        %add3A_1074 = arith.addi %add3A_477, %add3A_1073 : i32
        %swap3A_1075 = arith.index_cast %add3A_1074 : i32 to index
        %swap3A_1076 = arith.constant 48 : index
        %swap3A_1077 = tpu.vector_load %arg7[%swap3A_1075, %swap3A_1076] {strides = array<i32>} : memref<80x144xf32, #tpu.memory_space<vmem>>, vector<16xf32>,
        tpu.vector_store %arg7[%swap3A_1075, %swap3A_1076], %mul3A_1072 {strides = array<i32>} : memref<80x144xf32, #tpu.memory_space<vmem>>, vector<16xf32>,
        %add3A_1078 = arith.constant 6 : i32
        %add3A_1079 = arith.addi %add3A_477, %add3A_1078 : i32
        %get3A_1080 = arith.index_cast %add3A_1079 : i32 to index
        %get3A_1081 = arith.constant 64 : index
        %get3A_1082 = tpu.vector_load %arg7[%get3A_1080, %get3A_1081] {strides = array<i32>} : memref<80x144xf32, #tpu.memory_space<vmem>>, vector<16xf32>,
        %mul3A_1083 = arith.mulf %get3A_1082, %gather3A_1033 : vector<16xf32>
        %add3A_1084 = arith.constant 6 : i32
        %add3A_1085 = arith.addi %add3A_477, %add3A_1084 : i32
        %swap3A_1086 = arith.index_cast %add3A_1085 : i32 to index
        %swap3A_1087 = arith.constant 64 : index
        %swap3A_1088 = tpu.vector_load %arg7[%swap3A_1086, %swap3A_1087] {strides = array<i32>} : memref<80x144xf32, #tpu.memory_space<vmem>>, vector<16xf32>,
        tpu.vector_store %arg7[%swap3A_1086, %swap3A_1087], %mul3A_1083 {strides = array<i32>} : memref<80x144xf32, #tpu.memory_space<vmem>>, vector<16xf32>,
        %add3A_1089 = arith.constant 6 : i32
        %add3A_1090 = arith.addi %add3A_477, %add3A_1089 : i32
        %get3A_1091 = arith.index_cast %add3A_1090 : i32 to index
        %get3A_1092 = arith.constant 80 : index
        %get3A_1093 = tpu.vector_load %arg7[%get3A_1091, %get3A_1092] {strides = array<i32>} : memref<80x144xf32, #tpu.memory_space<vmem>>, vector<16xf32>,
        %mul3A_1094 = arith.mulf %get3A_1093, %gather3A_1033 : vector<16xf32>
        %add3A_1095 = arith.constant 6 : i32
        %add3A_1096 = arith.addi %add3A_477, %add3A_1095 : i32
        %swap3A_1097 = arith.index_cast %add3A_1096 : i32 to index
        %swap3A_1098 = arith.constant 80 : index
        %swap3A_1099 = tpu.vector_load %arg7[%swap3A_1097, %swap3A_1098] {strides = array<i32>} : memref<80x144xf32, #tpu.memory_space<vmem>>, vector<16xf32>,
        tpu.vector_store %arg7[%swap3A_1097, %swap3A_1098], %mul3A_1094 {strides = array<i32>} : memref<80x144xf32, #tpu.memory_space<vmem>>, vector<16xf32>,
        %add3A_1100 = arith.constant 6 : i32
        %add3A_1101 = arith.addi %add3A_477, %add3A_1100 : i32
        %get3A_1102 = arith.index_cast %add3A_1101 : i32 to index
        %get3A_1103 = arith.constant 96 : index
        %get3A_1104 = tpu.vector_load %arg7[%get3A_1102, %get3A_1103] {strides = array<i32>} : memref<80x144xf32, #tpu.memory_space<vmem>>, vector<16xf32>,
        %mul3A_1105 = arith.mulf %get3A_1104, %gather3A_1033 : vector<16xf32>
        %add3A_1106 = arith.constant 6 : i32
        %add3A_1107 = arith.addi %add3A_477, %add3A_1106 : i32
        %swap3A_1108 = arith.index_cast %add3A_1107 : i32 to index
        %swap3A_1109 = arith.constant 96 : index
        %swap3A_1110 = tpu.vector_load %arg7[%swap3A_1108, %swap3A_1109] {strides = array<i32>} : memref<80x144xf32, #tpu.memory_space<vmem>>, vector<16xf32>,
        tpu.vector_store %arg7[%swap3A_1108, %swap3A_1109], %mul3A_1105 {strides = array<i32>} : memref<80x144xf32, #tpu.memory_space<vmem>>, vector<16xf32>,
        %add3A_1111 = arith.constant 6 : i32
        %add3A_1112 = arith.addi %add3A_477, %add3A_1111 : i32
        %get3A_1113 = arith.index_cast %add3A_1112 : i32 to index
        %get3A_1114 = arith.constant 112 : index
        %get3A_1115 = tpu.vector_load %arg7[%get3A_1113, %get3A_1114] {strides = array<i32>} : memref<80x144xf32, #tpu.memory_space<vmem>>, vector<16xf32>,
        %mul3A_1116 = arith.mulf %get3A_1115, %gather3A_1033 : vector<16xf32>
        %add3A_1117 = arith.constant 6 : i32
        %add3A_1118 = arith.addi %add3A_477, %add3A_1117 : i32
        %swap3A_1119 = arith.index_cast %add3A_1118 : i32 to index
        %swap3A_1120 = arith.constant 112 : index
        %swap3A_1121 = tpu.vector_load %arg7[%swap3A_1119, %swap3A_1120] {strides = array<i32>} : memref<80x144xf32, #tpu.memory_space<vmem>>, vector<16xf32>,
        tpu.vector_store %arg7[%swap3A_1119, %swap3A_1120], %mul3A_1116 {strides = array<i32>} : memref<80x144xf32, #tpu.memory_space<vmem>>, vector<16xf32>,
        %add3A_1122 = arith.constant 7 : i32
        %add3A_1123 = arith.addi %add3A_477, %add3A_1122 : i32
        %broadcast_in_dim3A_1124 = vector.broadcast %add3A_1123 : i32 to vector<16xi32>
        %gather3A_1125 = tpu.vector_load_idx %arg17[%broadcast_in_dim3A_1124] : memref<80xf32, #tpu.memory_space<vmem>>[vector<16xi32>], vector<16xf32>,
        %add3A_1126 = arith.constant 7 : i32
        %add3A_1127 = arith.addi %add3A_477, %add3A_1126 : i32
        %get3A_1128 = arith.index_cast %add3A_1127 : i32 to index
        %get3A_1129 = arith.constant 0 : index
        %get3A_1130 = tpu.vector_load %arg7[%get3A_1128, %get3A_1129] {strides = array<i32>} : memref<80x144xf32, #tpu.memory_space<vmem>>, vector<16xf32>,
        %mul3A_1131 = arith.mulf %get3A_1130, %gather3A_1125 : vector<16xf32>
        %add3A_1132 = arith.constant 7 : i32
        %add3A_1133 = arith.addi %add3A_477, %add3A_1132 : i32
        %swap3A_1134 = arith.index_cast %add3A_1133 : i32 to index
        %swap3A_1135 = arith.constant 0 : index
        %swap3A_1136 = tpu.vector_load %arg7[%swap3A_1134, %swap3A_1135] {strides = array<i32>} : memref<80x144xf32, #tpu.memory_space<vmem>>, vector<16xf32>,
        tpu.vector_store %arg7[%swap3A_1134, %swap3A_1135], %mul3A_1131 {strides = array<i32>} : memref<80x144xf32, #tpu.memory_space<vmem>>, vector<16xf32>,
        %add3A_1137 = arith.constant 7 : i32
        %add3A_1138 = arith.addi %add3A_477, %add3A_1137 : i32
        %get3A_1139 = arith.index_cast %add3A_1138 : i32 to index
        %get3A_1140 = arith.constant 16 : index
        %get3A_1141 = tpu.vector_load %arg7[%get3A_1139, %get3A_1140] {strides = array<i32>} : memref<80x144xf32, #tpu.memory_space<vmem>>, vector<16xf32>,
        %mul3A_1142 = arith.mulf %get3A_1141, %gather3A_1125 : vector<16xf32>
        %add3A_1143 = arith.constant 7 : i32
        %add3A_1144 = arith.addi %add3A_477, %add3A_1143 : i32
        %swap3A_1145 = arith.index_cast %add3A_1144 : i32 to index
        %swap3A_1146 = arith.constant 16 : index
        %swap3A_1147 = tpu.vector_load %arg7[%swap3A_1145, %swap3A_1146] {strides = array<i32>} : memref<80x144xf32, #tpu.memory_space<vmem>>, vector<16xf32>,
        tpu.vector_store %arg7[%swap3A_1145, %swap3A_1146], %mul3A_1142 {strides = array<i32>} : memref<80x144xf32, #tpu.memory_space<vmem>>, vector<16xf32>,
        %add3A_1148 = arith.constant 7 : i32
        %add3A_1149 = arith.addi %add3A_477, %add3A_1148 : i32
        %get3A_1150 = arith.index_cast %add3A_1149 : i32 to index
        %get3A_1151 = arith.constant 32 : index
        %get3A_1152 = tpu.vector_load %arg7[%get3A_1150, %get3A_1151] {strides = array<i32>} : memref<80x144xf32, #tpu.memory_space<vmem>>, vector<16xf32>,
        %mul3A_1153 = arith.mulf %get3A_1152, %gather3A_1125 : vector<16xf32>
        %add3A_1154 = arith.constant 7 : i32
        %add3A_1155 = arith.addi %add3A_477, %add3A_1154 : i32
        %swap3A_1156 = arith.index_cast %add3A_1155 : i32 to index
        %swap3A_1157 = arith.constant 32 : index
        %swap3A_1158 = tpu.vector_load %arg7[%swap3A_1156, %swap3A_1157] {strides = array<i32>} : memref<80x144xf32, #tpu.memory_space<vmem>>, vector<16xf32>,
        tpu.vector_store %arg7[%swap3A_1156, %swap3A_1157], %mul3A_1153 {strides = array<i32>} : memref<80x144xf32, #tpu.memory_space<vmem>>, vector<16xf32>,
        %add3A_1159 = arith.constant 7 : i32
        %add3A_1160 = arith.addi %add3A_477, %add3A_1159 : i32
        %get3A_1161 = arith.index_cast %add3A_1160 : i32 to index
        %get3A_1162 = arith.constant 48 : index
        %get3A_1163 = tpu.vector_load %arg7[%get3A_1161, %get3A_1162] {strides = array<i32>} : memref<80x144xf32, #tpu.memory_space<vmem>>, vector<16xf32>,
        %mul3A_1164 = arith.mulf %get3A_1163, %gather3A_1125 : vector<16xf32>
        %add3A_1165 = arith.constant 7 : i32
        %add3A_1166 = arith.addi %add3A_477, %add3A_1165 : i32
        %swap3A_1167 = arith.index_cast %add3A_1166 : i32 to index
        %swap3A_1168 = arith.constant 48 : index
        %swap3A_1169 = tpu.vector_load %arg7[%swap3A_1167, %swap3A_1168] {strides = array<i32>} : memref<80x144xf32, #tpu.memory_space<vmem>>, vector<16xf32>,
        tpu.vector_store %arg7[%swap3A_1167, %swap3A_1168], %mul3A_1164 {strides = array<i32>} : memref<80x144xf32, #tpu.memory_space<vmem>>, vector<16xf32>,
        %add3A_1170 = arith.constant 7 : i32
        %add3A_1171 = arith.addi %add3A_477, %add3A_1170 : i32
        %get3A_1172 = arith.index_cast %add3A_1171 : i32 to index
        %get3A_1173 = arith.constant 64 : index
        %get3A_1174 = tpu.vector_load %arg7[%get3A_1172, %get3A_1173] {strides = array<i32>} : memref<80x144xf32, #tpu.memory_space<vmem>>, vector<16xf32>,
        %mul3A_1175 = arith.mulf %get3A_1174, %gather3A_1125 : vector<16xf32>
        %add3A_1176 = arith.constant 7 : i32
        %add3A_1177 = arith.addi %add3A_477, %add3A_1176 : i32
        %swap3A_1178 = arith.index_cast %add3A_1177 : i32 to index
        %swap3A_1179 = arith.constant 64 : index
        %swap3A_1180 = tpu.vector_load %arg7[%swap3A_1178, %swap3A_1179] {strides = array<i32>} : memref<80x144xf32, #tpu.memory_space<vmem>>, vector<16xf32>,
        tpu.vector_store %arg7[%swap3A_1178, %swap3A_1179], %mul3A_1175 {strides = array<i32>} : memref<80x144xf32, #tpu.memory_space<vmem>>, vector<16xf32>,
        %add3A_1181 = arith.constant 7 : i32
        %add3A_1182 = arith.addi %add3A_477, %add3A_1181 : i32
        %get3A_1183 = arith.index_cast %add3A_1182 : i32 to index
        %get3A_1184 = arith.constant 80 : index
        %get3A_1185 = tpu.vector_load %arg7[%get3A_1183, %get3A_1184] {strides = array<i32>} : memref<80x144xf32, #tpu.memory_space<vmem>>, vector<16xf32>,
        %mul3A_1186 = arith.mulf %get3A_1185, %gather3A_1125 : vector<16xf32>
        %add3A_1187 = arith.constant 7 : i32
        %add3A_1188 = arith.addi %add3A_477, %add3A_1187 : i32
        %swap3A_1189 = arith.index_cast %add3A_1188 : i32 to index
        %swap3A_1190 = arith.constant 80 : index
        %swap3A_1191 = tpu.vector_load %arg7[%swap3A_1189, %swap3A_1190] {strides = array<i32>} : memref<80x144xf32, #tpu.memory_space<vmem>>, vector<16xf32>,
        tpu.vector_store %arg7[%swap3A_1189, %swap3A_1190], %mul3A_1186 {strides = array<i32>} : memref<80x144xf32, #tpu.memory_space<vmem>>, vector<16xf32>,
        %add3A_1192 = arith.constant 7 : i32
        %add3A_1193 = arith.addi %add3A_477, %add3A_1192 : i32
        %get3A_1194 = arith.index_cast %add3A_1193 : i32 to index
        %get3A_1195 = arith.constant 96 : index
        %get3A_1196 = tpu.vector_load %arg7[%get3A_1194, %get3A_1195] {strides = array<i32>} : memref<80x144xf32, #tpu.memory_space<vmem>>, vector<16xf32>,
        %mul3A_1197 = arith.mulf %get3A_1196, %gather3A_1125 : vector<16xf32>
        %add3A_1198 = arith.constant 7 : i32
        %add3A_1199 = arith.addi %add3A_477, %add3A_1198 : i32
        %swap3A_1200 = arith.index_cast %add3A_1199 : i32 to index
        %swap3A_1201 = arith.constant 96 : index
        %swap3A_1202 = tpu.vector_load %arg7[%swap3A_1200, %swap3A_1201] {strides = array<i32>} : memref<80x144xf32, #tpu.memory_space<vmem>>, vector<16xf32>,
        tpu.vector_store %arg7[%swap3A_1200, %swap3A_1201], %mul3A_1197 {strides = array<i32>} : memref<80x144xf32, #tpu.memory_space<vmem>>, vector<16xf32>,
        %add3A_1203 = arith.constant 7 : i32
        %add3A_1204 = arith.addi %add3A_477, %add3A_1203 : i32
        %get3A_1205 = arith.index_cast %add3A_1204 : i32 to index
        %get3A_1206 = arith.constant 112 : index
        %get3A_1207 = tpu.vector_load %arg7[%get3A_1205, %get3A_1206] {strides = array<i32>} : memref<80x144xf32, #tpu.memory_space<vmem>>, vector<16xf32>,
        %mul3A_1208 = arith.mulf %get3A_1207, %gather3A_1125 : vector<16xf32>
        %add3A_1209 = arith.constant 7 : i32
        %add3A_1210 = arith.addi %add3A_477, %add3A_1209 : i32
        %swap3A_1211 = arith.index_cast %add3A_1210 : i32 to index
        %swap3A_1212 = arith.constant 112 : index
        %swap3A_1213 = tpu.vector_load %arg7[%swap3A_1211, %swap3A_1212] {strides = array<i32>} : memref<80x144xf32, #tpu.memory_space<vmem>>, vector<16xf32>,
        tpu.vector_store %arg7[%swap3A_1211, %swap3A_1212], %mul3A_1208 {strides = array<i32>} : memref<80x144xf32, #tpu.memory_space<vmem>>, vector<16xf32>,
      }
      %scan3A_320 = arith.constant 10 : i32
      %dma_start3A_321 = arith.constant 0 : i32
      %dma_start3A_322 = arith.constant 0 : i32
      %dma_start3A_323 = tpu.memref_slice %arg18[%dma_start3A_321, %dma_start3A_322] : memref<10000x144xf32, #tpu.memory_space<vmem_shared>> -> memref<10000x144xf32, #tpu.memory_space<vmem_shared>>
      tpu.enqueue_indirect_dma source(%arg7 : memref<80x144xf32, #tpu.memory_space<vmem>>) target(%dma_start3A_323 : memref<10000x144xf32, #tpu.memory_space<vmem_shared>>) offsets(%arg15 : memref<80xi32, #tpu.memory_space<vmem>>) semaphore(%arg21 : memref<!tpu.dma_semaphore, #tpu.memory_space<semaphore_mem>>) {add = true}
      %add3A_324 = arith.constant 1 : i32
      %add3A_325 = arith.addi %add3A_179, %add3A_324 : i32
      %add3A_326 = arith.constant 1 : i32
      %add3A_327 = arith.addi %add3A_325, %add3A_326 : i32
      %mul3A_328 = arith.constant 80 : i32
      %mul3A_329 = arith.muli %add3A_327, %mul3A_328 : i32
      %add3A_330 = arith.addi %mul3A_2, %mul3A_329 : i32
      %dma_wait3A_331 = arith.constant 0 : i32
      %dma_wait3A_332 = tpu.memref_slice %arg4[%dma_wait3A_331, %add3A_330] : memref<2x320000xi32, #tpu.memory_space<hbm>> -> memref<1x80xi32, #tpu.memory_space<hbm>>
      %dma_wait3A_333 = tpu.memref_squeeze %dma_wait3A_332 : memref<1x80xi32, #tpu.memory_space<hbm>> -> memref<80xi32, #tpu.memory_space<hbm>>
      %dma_wait3A_334 = tpu.memref_slice %arg4[%dma_wait3A_331, %add3A_330] : memref<2x320000xi32, #tpu.memory_space<hbm>> -> memref<1x80xi32, #tpu.memory_space<hbm>>
      %dma_wait3A_335 = tpu.memref_squeeze %dma_wait3A_334 : memref<1x80xi32, #tpu.memory_space<hbm>> -> memref<80xi32, #tpu.memory_space<hbm>>
      tpu.wait_dma2 semaphore(%arg23 : memref<!tpu.dma_semaphore, #tpu.memory_space<semaphore_mem>>) src(%dma_wait3A_335 : memref<80xi32, #tpu.memory_space<hbm>>) dst(%arg11 : memref<80xi32, #tpu.memory_space<vmem>>)
      %dma_wait3A_336 = arith.constant 1 : i32
      %dma_wait3A_337 = tpu.memref_slice %arg4[%dma_wait3A_336, %add3A_330] : memref<2x320000xi32, #tpu.memory_space<hbm>> -> memref<1x80xi32, #tpu.memory_space<hbm>>
      %dma_wait3A_338 = tpu.memref_squeeze %dma_wait3A_337 : memref<1x80xi32, #tpu.memory_space<hbm>> -> memref<80xi32, #tpu.memory_space<hbm>>
      %dma_wait3A_339 = tpu.memref_slice %arg4[%dma_wait3A_336, %add3A_330] : memref<2x320000xi32, #tpu.memory_space<hbm>> -> memref<1x80xi32, #tpu.memory_space<hbm>>
      %dma_wait3A_340 = tpu.memref_squeeze %dma_wait3A_339 : memref<1x80xi32, #tpu.memory_space<hbm>> -> memref<80xi32, #tpu.memory_space<hbm>>
      tpu.wait_dma2 semaphore(%arg23 : memref<!tpu.dma_semaphore, #tpu.memory_space<semaphore_mem>>) src(%dma_wait3A_340 : memref<80xi32, #tpu.memory_space<hbm>>) dst(%arg13 : memref<80xi32, #tpu.memory_space<vmem>>)
      %ge3A_341 = arith.constant 1 : i32
      %ge3A_342 = arith.cmpi sge, %add3A_325, %ge3A_341 : i32
      %convert_element_type3A_343 = arith.extui %ge3A_342 : i1 to i32
      %cond3A_344 = arith.constant 0 : i32
      %cond3A_345 = arith.cmpi ne, %convert_element_type3A_343, %cond3A_344 : i32
      scf.if %cond3A_345 {
        %dma_wait3A_473 = arith.constant 0 : i32
        %dma_wait3A_474 = arith.constant 0 : i32
        %dma_wait3A_475 = tpu.memref_slice %arg18[%dma_wait3A_473, %dma_wait3A_474] : memref<10000x144xf32, #tpu.memory_space<vmem_shared>> -> memref<10000x144xf32, #tpu.memory_space<vmem_shared>>
        tpu.wait_indirect_dma semaphore(%arg21 : memref<!tpu.dma_semaphore, #tpu.memory_space<semaphore_mem>>) src(%arg7 : memref<80x144xf32, #tpu.memory_space<vmem>>) dst(%dma_wait3A_475 : memref<10000x144xf32, #tpu.memory_space<vmem_shared>>)
      } else {
      }
      %dma_start3A_346 = arith.constant 0 : i32
      %dma_start3A_347 = arith.constant 0 : i32
      %dma_start3A_348 = tpu.memref_slice %arg2[%dma_start3A_346, %dma_start3A_347] : memref<10000x144xf32, #tpu.memory_space<hbm>> -> memref<10000x144xf32, #tpu.memory_space<hbm>>
      tpu.enqueue_indirect_dma source(%dma_start3A_348 : memref<10000x144xf32, #tpu.memory_space<hbm>>) target(%arg7 : memref<80x144xf32, #tpu.memory_space<vmem>>) offsets(%arg11 : memref<80xi32, #tpu.memory_space<vmem>>) semaphore(%arg19 : memref<!tpu.dma_semaphore, #tpu.memory_space<semaphore_mem>>)
      %dma_start3A_349 = arith.constant 0 : i32
      %dma_start3A_350 = arith.constant 0 : i32
      %dma_start3A_351 = tpu.memref_slice %arg3[%dma_start3A_349, %dma_start3A_350] : memref<10000x16xf32, #tpu.memory_space<hbm>> -> memref<10000x16xf32, #tpu.memory_space<hbm>>
      tpu.enqueue_indirect_dma source(%dma_start3A_351 : memref<10000x16xf32, #tpu.memory_space<hbm>>) target(%arg9 : memref<80x16xf32, #tpu.memory_space<vmem>>) offsets(%arg13 : memref<80xi32, #tpu.memory_space<vmem>>) semaphore(%arg19 : memref<!tpu.dma_semaphore, #tpu.memory_space<semaphore_mem>>)
      %dma_wait3A_352 = arith.constant 0 : i32
      %dma_wait3A_353 = arith.constant 0 : i32
      %dma_wait3A_354 = tpu.memref_slice %arg2[%dma_wait3A_352, %dma_wait3A_353] : memref<10000x144xf32, #tpu.memory_space<hbm>> -> memref<10000x144xf32, #tpu.memory_space<hbm>>
      tpu.wait_indirect_dma semaphore(%arg20 : memref<!tpu.dma_semaphore, #tpu.memory_space<semaphore_mem>>) src(%dma_wait3A_354 : memref<10000x144xf32, #tpu.memory_space<hbm>>) dst(%arg8 : memref<80x144xf32, #tpu.memory_space<vmem>>)
      %dma_wait3A_355 = arith.constant 0 : i32
      %dma_wait3A_356 = arith.constant 0 : i32
      %dma_wait3A_357 = tpu.memref_slice %arg3[%dma_wait3A_355, %dma_wait3A_356] : memref<10000x16xf32, #tpu.memory_space<hbm>> -> memref<10000x16xf32, #tpu.memory_space<hbm>>
      tpu.wait_indirect_dma semaphore(%arg20 : memref<!tpu.dma_semaphore, #tpu.memory_space<semaphore_mem>>) src(%dma_wait3A_357 : memref<10000x16xf32, #tpu.memory_space<hbm>>) dst(%arg10 : memref<80x16xf32, #tpu.memory_space<vmem>>)
      %get3A_358 = arith.constant 0 : index
      %get3A_359 = tpu.vector_load %arg14[%get3A_358] {strides = array<i32>} : memref<80xi32, #tpu.memory_space<vmem>>, vector<16xi32>,
      %swap3A_360 = arith.constant 0 : index
      %swap3A_361 = tpu.vector_load %arg16[%swap3A_360] {strides = array<i32>} : memref<80xi32, #tpu.memory_space<vmem>>, vector<16xi32>,
      tpu.vector_store %arg16[%swap3A_360], %get3A_359 {strides = array<i32>} : memref<80xi32, #tpu.memory_space<vmem>>, vector<16xi32>,
      %get3A_362 = arith.constant 16 : index
      %get3A_363 = tpu.vector_load %arg14[%get3A_362] {strides = array<i32>} : memref<80xi32, #tpu.memory_space<vmem>>, vector<16xi32>,
      %swap3A_364 = arith.constant 16 : index
      %swap3A_365 = tpu.vector_load %arg16[%swap3A_364] {strides = array<i32>} : memref<80xi32, #tpu.memory_space<vmem>>, vector<16xi32>,
      tpu.vector_store %arg16[%swap3A_364], %get3A_363 {strides = array<i32>} : memref<80xi32, #tpu.memory_space<vmem>>, vector<16xi32>,
      %get3A_366 = arith.constant 32 : index
      %get3A_367 = tpu.vector_load %arg14[%get3A_366] {strides = array<i32>} : memref<80xi32, #tpu.memory_space<vmem>>, vector<16xi32>,
      %swap3A_368 = arith.constant 32 : index
      %swap3A_369 = tpu.vector_load %arg16[%swap3A_368] {strides = array<i32>} : memref<80xi32, #tpu.memory_space<vmem>>, vector<16xi32>,
      tpu.vector_store %arg16[%swap3A_368], %get3A_367 {strides = array<i32>} : memref<80xi32, #tpu.memory_space<vmem>>, vector<16xi32>,
      %get3A_370 = arith.constant 48 : index
      %get3A_371 = tpu.vector_load %arg14[%get3A_370] {strides = array<i32>} : memref<80xi32, #tpu.memory_space<vmem>>, vector<16xi32>,
      %swap3A_372 = arith.constant 48 : index
      %swap3A_373 = tpu.vector_load %arg16[%swap3A_372] {strides = array<i32>} : memref<80xi32, #tpu.memory_space<vmem>>, vector<16xi32>,
      tpu.vector_store %arg16[%swap3A_372], %get3A_371 {strides = array<i32>} : memref<80xi32, #tpu.memory_space<vmem>>, vector<16xi32>,
      %get3A_374 = arith.constant 64 : index
      %get3A_375 = tpu.vector_load %arg14[%get3A_374] {strides = array<i32>} : memref<80xi32, #tpu.memory_space<vmem>>, vector<16xi32>,
      %swap3A_376 = arith.constant 64 : index
      %swap3A_377 = tpu.vector_load %arg16[%swap3A_376] {strides = array<i32>} : memref<80xi32, #tpu.memory_space<vmem>>, vector<16xi32>,
      tpu.vector_store %arg16[%swap3A_376], %get3A_375 {strides = array<i32>} : memref<80xi32, #tpu.memory_space<vmem>>, vector<16xi32>,
      %add3A_378 = arith.constant 2 : i32
      %add3A_379 = arith.addi %add3A_325, %add3A_378 : i32
      %lt3A_380 = arith.constant 125 : i32
      %lt3A_381 = arith.cmpi slt, %add3A_379, %lt3A_380 : i32
      %convert_element_type3A_382 = arith.extui %lt3A_381 : i1 to i32
      %cond3A_383 = arith.constant 0 : i32
      %cond3A_384 = arith.cmpi ne, %convert_element_type3A_382, %cond3A_383 : i32
      scf.if %cond3A_384 {
        %add3A_473 = arith.constant 2 : i32
        %add3A_474 = arith.addi %add3A_325, %add3A_473 : i32
        %mul3A_475 = arith.constant 80 : i32
        %mul3A_476 = arith.muli %add3A_474, %mul3A_475 : i32
        %add3A_477 = arith.addi %mul3A_2, %mul3A_476 : i32
        %dma_start3A_478 = arith.constant 0 : i32
        %dma_start3A_479 = tpu.memref_slice %arg4[%dma_start3A_478, %add3A_477] : memref<2x320000xi32, #tpu.memory_space<hbm>> -> memref<1x80xi32, #tpu.memory_space<hbm>>
        %dma_start3A_480 = tpu.memref_squeeze %dma_start3A_479 : memref<1x80xi32, #tpu.memory_space<hbm>> -> memref<80xi32, #tpu.memory_space<hbm>>
        %dma_start3A_481 = tpu.memref_slice %arg4[%dma_start3A_478, %add3A_477] : memref<2x320000xi32, #tpu.memory_space<hbm>> -> memref<1x80xi32, #tpu.memory_space<hbm>>
        %dma_start3A_482 = tpu.memref_squeeze %dma_start3A_481 : memref<1x80xi32, #tpu.memory_space<hbm>> -> memref<80xi32, #tpu.memory_space<hbm>>
        tpu.enqueue_dma source(%dma_start3A_482 : memref<80xi32, #tpu.memory_space<hbm>>) target(%arg12 : memref<80xi32, #tpu.memory_space<vmem>>) target_semaphore(%arg24 : memref<!tpu.dma_semaphore, #tpu.memory_space<semaphore_mem>>)
        %dma_start3A_483 = arith.constant 1 : i32
        %dma_start3A_484 = tpu.memref_slice %arg4[%dma_start3A_483, %add3A_477] : memref<2x320000xi32, #tpu.memory_space<hbm>> -> memref<1x80xi32, #tpu.memory_space<hbm>>
        %dma_start3A_485 = tpu.memref_squeeze %dma_start3A_484 : memref<1x80xi32, #tpu.memory_space<hbm>> -> memref<80xi32, #tpu.memory_space<hbm>>
        %dma_start3A_486 = tpu.memref_slice %arg4[%dma_start3A_483, %add3A_477] : memref<2x320000xi32, #tpu.memory_space<hbm>> -> memref<1x80xi32, #tpu.memory_space<hbm>>
        %dma_start3A_487 = tpu.memref_squeeze %dma_start3A_486 : memref<1x80xi32, #tpu.memory_space<hbm>> -> memref<80xi32, #tpu.memory_space<hbm>>
        tpu.enqueue_dma source(%dma_start3A_487 : memref<80xi32, #tpu.memory_space<hbm>>) target(%arg14 : memref<80xi32, #tpu.memory_space<vmem>>) target_semaphore(%arg24 : memref<!tpu.dma_semaphore, #tpu.memory_space<semaphore_mem>>)
      } else {
      }
      %add3A_385 = arith.constant 0 : i32
      %add3A_386 = vector.broadcast %add3A_385 : i32 to vector<16xi32>
      %add3A_387 = arith.addi %iota3A, %add3A_386 : vector<16xi32>
      %gather3A_388 = tpu.vector_load_idx %arg8[%add3A_387, %broadcast_in_dim3A_5] : memref<80x144xf32, #tpu.memory_space<vmem>>[vector<16xi32>, vector<16xi32>], vector<16xf32>,
      %gather3A_389 = tpu.vector_load_idx %arg10[%add3A_387, %broadcast_in_dim3A_7] : memref<80x16xf32, #tpu.memory_space<vmem>>[vector<16xi32>, vector<16xi32>], vector<16xf32>,
      %add3A_390 = arith.addf %gather3A_388, %gather3A_389 : vector<16xf32>
      %ge3A_391 = arith.constant 0.000000e+00 : f32
      %ge3A_392 = vector.broadcast %ge3A_391 : f32 to vector<16xf32>
      %ge3A_393 = arith.cmpf oge, %add3A_390, %ge3A_392 : vector<16xf32>
      %mul3A_394 = arith.constant 2.000000e-01 : f32
      %mul3A_395 = vector.broadcast %mul3A_394 : f32 to vector<16xf32>
      %mul3A_396 = arith.mulf %mul3A_395, %add3A_390 : vector<16xf32>
      %select_n3A_397 = arith.select %ge3A_393, %add3A_390, %mul3A_396 : vector<16xi1>, vector<16xf32>
      %exp3A_398 = math.exp %select_n3A_397 : vector<16xf32>
      %swap3A_399 = arith.constant 0 : index
      %swap3A_400 = tpu.vector_load %arg17[%swap3A_399] {strides = array<i32>} : memref<80xf32, #tpu.memory_space<vmem>>, vector<16xf32>,
      tpu.vector_store %arg17[%swap3A_399], %exp3A_398 {strides = array<i32>} : memref<80xf32, #tpu.memory_space<vmem>>, vector<16xf32>,
      tpu.vector_store_idx %arg8[%add3A_387, %broadcast_in_dim3A_5], %exp3A_398 : memref<80x144xf32, #tpu.memory_space<vmem>>[vector<16xi32>, vector<16xi32>], vector<16xf32>,
      %add3A_401 = arith.constant 16 : i32
      %add3A_402 = vector.broadcast %add3A_401 : i32 to vector<16xi32>
      %add3A_403 = arith.addi %iota3A, %add3A_402 : vector<16xi32>
      %gather3A_404 = tpu.vector_load_idx %arg8[%add3A_403, %broadcast_in_dim3A_5] : memref<80x144xf32, #tpu.memory_space<vmem>>[vector<16xi32>, vector<16xi32>], vector<16xf32>,
      %gather3A_405 = tpu.vector_load_idx %arg10[%add3A_403, %broadcast_in_dim3A_7] : memref<80x16xf32, #tpu.memory_space<vmem>>[vector<16xi32>, vector<16xi32>], vector<16xf32>,
      %add3A_406 = arith.addf %gather3A_404, %gather3A_405 : vector<16xf32>
      %ge3A_407 = arith.constant 0.000000e+00 : f32
      %ge3A_408 = vector.broadcast %ge3A_407 : f32 to vector<16xf32>
      %ge3A_409 = arith.cmpf oge, %add3A_406, %ge3A_408 : vector<16xf32>
      %mul3A_410 = arith.constant 2.000000e-01 : f32
      %mul3A_411 = vector.broadcast %mul3A_410 : f32 to vector<16xf32>
      %mul3A_412 = arith.mulf %mul3A_411, %add3A_406 : vector<16xf32>
      %select_n3A_413 = arith.select %ge3A_409, %add3A_406, %mul3A_412 : vector<16xi1>, vector<16xf32>
      %exp3A_414 = math.exp %select_n3A_413 : vector<16xf32>
      %swap3A_415 = arith.constant 16 : index
      %swap3A_416 = tpu.vector_load %arg17[%swap3A_415] {strides = array<i32>} : memref<80xf32, #tpu.memory_space<vmem>>, vector<16xf32>,
      tpu.vector_store %arg17[%swap3A_415], %exp3A_414 {strides = array<i32>} : memref<80xf32, #tpu.memory_space<vmem>>, vector<16xf32>,
      tpu.vector_store_idx %arg8[%add3A_403, %broadcast_in_dim3A_5], %exp3A_414 : memref<80x144xf32, #tpu.memory_space<vmem>>[vector<16xi32>, vector<16xi32>], vector<16xf32>,
      %add3A_417 = arith.constant 32 : i32
      %add3A_418 = vector.broadcast %add3A_417 : i32 to vector<16xi32>
      %add3A_419 = arith.addi %iota3A, %add3A_418 : vector<16xi32>
      %gather3A_420 = tpu.vector_load_idx %arg8[%add3A_419, %broadcast_in_dim3A_5] : memref<80x144xf32, #tpu.memory_space<vmem>>[vector<16xi32>, vector<16xi32>], vector<16xf32>,
      %gather3A_421 = tpu.vector_load_idx %arg10[%add3A_419, %broadcast_in_dim3A_7] : memref<80x16xf32, #tpu.memory_space<vmem>>[vector<16xi32>, vector<16xi32>], vector<16xf32>,
      %add3A_422 = arith.addf %gather3A_420, %gather3A_421 : vector<16xf32>
      %ge3A_423 = arith.constant 0.000000e+00 : f32
      %ge3A_424 = vector.broadcast %ge3A_423 : f32 to vector<16xf32>
      %ge3A_425 = arith.cmpf oge, %add3A_422, %ge3A_424 : vector<16xf32>
      %mul3A_426 = arith.constant 2.000000e-01 : f32
      %mul3A_427 = vector.broadcast %mul3A_426 : f32 to vector<16xf32>
      %mul3A_428 = arith.mulf %mul3A_427, %add3A_422 : vector<16xf32>
      %select_n3A_429 = arith.select %ge3A_425, %add3A_422, %mul3A_428 : vector<16xi1>, vector<16xf32>
      %exp3A_430 = math.exp %select_n3A_429 : vector<16xf32>
      %swap3A_431 = arith.constant 32 : index
      %swap3A_432 = tpu.vector_load %arg17[%swap3A_431] {strides = array<i32>} : memref<80xf32, #tpu.memory_space<vmem>>, vector<16xf32>,
      tpu.vector_store %arg17[%swap3A_431], %exp3A_430 {strides = array<i32>} : memref<80xf32, #tpu.memory_space<vmem>>, vector<16xf32>,
      tpu.vector_store_idx %arg8[%add3A_419, %broadcast_in_dim3A_5], %exp3A_430 : memref<80x144xf32, #tpu.memory_space<vmem>>[vector<16xi32>, vector<16xi32>], vector<16xf32>,
      %add3A_433 = arith.constant 48 : i32
      %add3A_434 = vector.broadcast %add3A_433 : i32 to vector<16xi32>
      %add3A_435 = arith.addi %iota3A, %add3A_434 : vector<16xi32>
      %gather3A_436 = tpu.vector_load_idx %arg8[%add3A_435, %broadcast_in_dim3A_5] : memref<80x144xf32, #tpu.memory_space<vmem>>[vector<16xi32>, vector<16xi32>], vector<16xf32>,
      %gather3A_437 = tpu.vector_load_idx %arg10[%add3A_435, %broadcast_in_dim3A_7] : memref<80x16xf32, #tpu.memory_space<vmem>>[vector<16xi32>, vector<16xi32>], vector<16xf32>,
      %add3A_438 = arith.addf %gather3A_436, %gather3A_437 : vector<16xf32>
      %ge3A_439 = arith.constant 0.000000e+00 : f32
      %ge3A_440 = vector.broadcast %ge3A_439 : f32 to vector<16xf32>
      %ge3A_441 = arith.cmpf oge, %add3A_438, %ge3A_440 : vector<16xf32>
      %mul3A_442 = arith.constant 2.000000e-01 : f32
      %mul3A_443 = vector.broadcast %mul3A_442 : f32 to vector<16xf32>
      %mul3A_444 = arith.mulf %mul3A_443, %add3A_438 : vector<16xf32>
      %select_n3A_445 = arith.select %ge3A_441, %add3A_438, %mul3A_444 : vector<16xi1>, vector<16xf32>
      %exp3A_446 = math.exp %select_n3A_445 : vector<16xf32>
      %swap3A_447 = arith.constant 48 : index
      %swap3A_448 = tpu.vector_load %arg17[%swap3A_447] {strides = array<i32>} : memref<80xf32, #tpu.memory_space<vmem>>, vector<16xf32>,
      tpu.vector_store %arg17[%swap3A_447], %exp3A_446 {strides = array<i32>} : memref<80xf32, #tpu.memory_space<vmem>>, vector<16xf32>,
      tpu.vector_store_idx %arg8[%add3A_435, %broadcast_in_dim3A_5], %exp3A_446 : memref<80x144xf32, #tpu.memory_space<vmem>>[vector<16xi32>, vector<16xi32>], vector<16xf32>,
      %add3A_449 = arith.constant 64 : i32
      %add3A_450 = vector.broadcast %add3A_449 : i32 to vector<16xi32>
      %add3A_451 = arith.addi %iota3A, %add3A_450 : vector<16xi32>
      %gather3A_452 = tpu.vector_load_idx %arg8[%add3A_451, %broadcast_in_dim3A_5] : memref<80x144xf32, #tpu.memory_space<vmem>>[vector<16xi32>, vector<16xi32>], vector<16xf32>,
      %gather3A_453 = tpu.vector_load_idx %arg10[%add3A_451, %broadcast_in_dim3A_7] : memref<80x16xf32, #tpu.memory_space<vmem>>[vector<16xi32>, vector<16xi32>], vector<16xf32>,
      %add3A_454 = arith.addf %gather3A_452, %gather3A_453 : vector<16xf32>
      %ge3A_455 = arith.constant 0.000000e+00 : f32
      %ge3A_456 = vector.broadcast %ge3A_455 : f32 to vector<16xf32>
      %ge3A_457 = arith.cmpf oge, %add3A_454, %ge3A_456 : vector<16xf32>
      %mul3A_458 = arith.constant 2.000000e-01 : f32
      %mul3A_459 = vector.broadcast %mul3A_458 : f32 to vector<16xf32>
      %mul3A_460 = arith.mulf %mul3A_459, %add3A_454 : vector<16xf32>
      %select_n3A_461 = arith.select %ge3A_457, %add3A_454, %mul3A_460 : vector<16xi1>, vector<16xf32>
      %exp3A_462 = math.exp %select_n3A_461 : vector<16xf32>
      %swap3A_463 = arith.constant 64 : index
      %swap3A_464 = tpu.vector_load %arg17[%swap3A_463] {strides = array<i32>} : memref<80xf32, #tpu.memory_space<vmem>>, vector<16xf32>,
      tpu.vector_store %arg17[%swap3A_463], %exp3A_462 {strides = array<i32>} : memref<80xf32, #tpu.memory_space<vmem>>, vector<16xf32>,
      tpu.vector_store_idx %arg8[%add3A_451, %broadcast_in_dim3A_5], %exp3A_462 : memref<80x144xf32, #tpu.memory_space<vmem>>[vector<16xi32>, vector<16xi32>], vector<16xf32>,
      %scan3A_465 = arith.constant 0 : i32
      %scan3A_466 = arith.constant 10 : i32
      %scan3A_467 = arith.addi %scan3A_465, %scan3A_466 : i32
      %scan3A_468 = arith.constant 1 : i32
      scf.for %scan3A_473 = %scan3A_465 to %scan3A_467 step %scan3A_468  : i32 {
        %mul3A_474 = arith.constant 8 : i32
        %mul3A_475 = arith.muli %scan3A_473, %mul3A_474 : i32
        %add3A_476 = arith.constant 0 : i32
        %add3A_477 = arith.addi %add3A_476, %mul3A_475 : i32
        %add3A_478 = arith.constant 0 : i32
        %add3A_479 = arith.addi %add3A_477, %add3A_478 : i32
        %broadcast_in_dim3A_480 = vector.broadcast %add3A_479 : i32 to vector<16xi32>
        %gather3A_481 = tpu.vector_load_idx %arg17[%broadcast_in_dim3A_480] : memref<80xf32, #tpu.memory_space<vmem>>[vector<16xi32>], vector<16xf32>,
        %add3A_482 = arith.constant 0 : i32
        %add3A_483 = arith.addi %add3A_477, %add3A_482 : i32
        %get3A_484 = arith.index_cast %add3A_483 : i32 to index
        %get3A_485 = arith.constant 0 : index
        %get3A_486 = tpu.vector_load %arg8[%get3A_484, %get3A_485] {strides = array<i32>} : memref<80x144xf32, #tpu.memory_space<vmem>>, vector<16xf32>,
        %mul3A_487 = arith.mulf %get3A_486, %gather3A_481 : vector<16xf32>
        %add3A_488 = arith.constant 0 : i32
        %add3A_489 = arith.addi %add3A_477, %add3A_488 : i32
        %swap3A_490 = arith.index_cast %add3A_489 : i32 to index
        %swap3A_491 = arith.constant 0 : index
        %swap3A_492 = tpu.vector_load %arg8[%swap3A_490, %swap3A_491] {strides = array<i32>} : memref<80x144xf32, #tpu.memory_space<vmem>>, vector<16xf32>,
        tpu.vector_store %arg8[%swap3A_490, %swap3A_491], %mul3A_487 {strides = array<i32>} : memref<80x144xf32, #tpu.memory_space<vmem>>, vector<16xf32>,
        %add3A_493 = arith.constant 0 : i32
        %add3A_494 = arith.addi %add3A_477, %add3A_493 : i32
        %get3A_495 = arith.index_cast %add3A_494 : i32 to index
        %get3A_496 = arith.constant 16 : index
        %get3A_497 = tpu.vector_load %arg8[%get3A_495, %get3A_496] {strides = array<i32>} : memref<80x144xf32, #tpu.memory_space<vmem>>, vector<16xf32>,
        %mul3A_498 = arith.mulf %get3A_497, %gather3A_481 : vector<16xf32>
        %add3A_499 = arith.constant 0 : i32
        %add3A_500 = arith.addi %add3A_477, %add3A_499 : i32
        %swap3A_501 = arith.index_cast %add3A_500 : i32 to index
        %swap3A_502 = arith.constant 16 : index
        %swap3A_503 = tpu.vector_load %arg8[%swap3A_501, %swap3A_502] {strides = array<i32>} : memref<80x144xf32, #tpu.memory_space<vmem>>, vector<16xf32>,
        tpu.vector_store %arg8[%swap3A_501, %swap3A_502], %mul3A_498 {strides = array<i32>} : memref<80x144xf32, #tpu.memory_space<vmem>>, vector<16xf32>,
        %add3A_504 = arith.constant 0 : i32
        %add3A_505 = arith.addi %add3A_477, %add3A_504 : i32
        %get3A_506 = arith.index_cast %add3A_505 : i32 to index
        %get3A_507 = arith.constant 32 : index
        %get3A_508 = tpu.vector_load %arg8[%get3A_506, %get3A_507] {strides = array<i32>} : memref<80x144xf32, #tpu.memory_space<vmem>>, vector<16xf32>,
        %mul3A_509 = arith.mulf %get3A_508, %gather3A_481 : vector<16xf32>
        %add3A_510 = arith.constant 0 : i32
        %add3A_511 = arith.addi %add3A_477, %add3A_510 : i32
        %swap3A_512 = arith.index_cast %add3A_511 : i32 to index
        %swap3A_513 = arith.constant 32 : index
        %swap3A_514 = tpu.vector_load %arg8[%swap3A_512, %swap3A_513] {strides = array<i32>} : memref<80x144xf32, #tpu.memory_space<vmem>>, vector<16xf32>,
        tpu.vector_store %arg8[%swap3A_512, %swap3A_513], %mul3A_509 {strides = array<i32>} : memref<80x144xf32, #tpu.memory_space<vmem>>, vector<16xf32>,
        %add3A_515 = arith.constant 0 : i32
        %add3A_516 = arith.addi %add3A_477, %add3A_515 : i32
        %get3A_517 = arith.index_cast %add3A_516 : i32 to index
        %get3A_518 = arith.constant 48 : index
        %get3A_519 = tpu.vector_load %arg8[%get3A_517, %get3A_518] {strides = array<i32>} : memref<80x144xf32, #tpu.memory_space<vmem>>, vector<16xf32>,
        %mul3A_520 = arith.mulf %get3A_519, %gather3A_481 : vector<16xf32>
        %add3A_521 = arith.constant 0 : i32
        %add3A_522 = arith.addi %add3A_477, %add3A_521 : i32
        %swap3A_523 = arith.index_cast %add3A_522 : i32 to index
        %swap3A_524 = arith.constant 48 : index
        %swap3A_525 = tpu.vector_load %arg8[%swap3A_523, %swap3A_524] {strides = array<i32>} : memref<80x144xf32, #tpu.memory_space<vmem>>, vector<16xf32>,
        tpu.vector_store %arg8[%swap3A_523, %swap3A_524], %mul3A_520 {strides = array<i32>} : memref<80x144xf32, #tpu.memory_space<vmem>>, vector<16xf32>,
        %add3A_526 = arith.constant 0 : i32
        %add3A_527 = arith.addi %add3A_477, %add3A_526 : i32
        %get3A_528 = arith.index_cast %add3A_527 : i32 to index
        %get3A_529 = arith.constant 64 : index
        %get3A_530 = tpu.vector_load %arg8[%get3A_528, %get3A_529] {strides = array<i32>} : memref<80x144xf32, #tpu.memory_space<vmem>>, vector<16xf32>,
        %mul3A_531 = arith.mulf %get3A_530, %gather3A_481 : vector<16xf32>
        %add3A_532 = arith.constant 0 : i32
        %add3A_533 = arith.addi %add3A_477, %add3A_532 : i32
        %swap3A_534 = arith.index_cast %add3A_533 : i32 to index
        %swap3A_535 = arith.constant 64 : index
        %swap3A_536 = tpu.vector_load %arg8[%swap3A_534, %swap3A_535] {strides = array<i32>} : memref<80x144xf32, #tpu.memory_space<vmem>>, vector<16xf32>,
        tpu.vector_store %arg8[%swap3A_534, %swap3A_535], %mul3A_531 {strides = array<i32>} : memref<80x144xf32, #tpu.memory_space<vmem>>, vector<16xf32>,
        %add3A_537 = arith.constant 0 : i32
        %add3A_538 = arith.addi %add3A_477, %add3A_537 : i32
        %get3A_539 = arith.index_cast %add3A_538 : i32 to index
        %get3A_540 = arith.constant 80 : index
        %get3A_541 = tpu.vector_load %arg8[%get3A_539, %get3A_540] {strides = array<i32>} : memref<80x144xf32, #tpu.memory_space<vmem>>, vector<16xf32>,
        %mul3A_542 = arith.mulf %get3A_541, %gather3A_481 : vector<16xf32>
        %add3A_543 = arith.constant 0 : i32
        %add3A_544 = arith.addi %add3A_477, %add3A_543 : i32
        %swap3A_545 = arith.index_cast %add3A_544 : i32 to index
        %swap3A_546 = arith.constant 80 : index
        %swap3A_547 = tpu.vector_load %arg8[%swap3A_545, %swap3A_546] {strides = array<i32>} : memref<80x144xf32, #tpu.memory_space<vmem>>, vector<16xf32>,
        tpu.vector_store %arg8[%swap3A_545, %swap3A_546], %mul3A_542 {strides = array<i32>} : memref<80x144xf32, #tpu.memory_space<vmem>>, vector<16xf32>,
        %add3A_548 = arith.constant 0 : i32
        %add3A_549 = arith.addi %add3A_477, %add3A_548 : i32
        %get3A_550 = arith.index_cast %add3A_549 : i32 to index
        %get3A_551 = arith.constant 96 : index
        %get3A_552 = tpu.vector_load %arg8[%get3A_550, %get3A_551] {strides = array<i32>} : memref<80x144xf32, #tpu.memory_space<vmem>>, vector<16xf32>,
        %mul3A_553 = arith.mulf %get3A_552, %gather3A_481 : vector<16xf32>
        %add3A_554 = arith.constant 0 : i32
        %add3A_555 = arith.addi %add3A_477, %add3A_554 : i32
        %swap3A_556 = arith.index_cast %add3A_555 : i32 to index
        %swap3A_557 = arith.constant 96 : index
        %swap3A_558 = tpu.vector_load %arg8[%swap3A_556, %swap3A_557] {strides = array<i32>} : memref<80x144xf32, #tpu.memory_space<vmem>>, vector<16xf32>,
        tpu.vector_store %arg8[%swap3A_556, %swap3A_557], %mul3A_553 {strides = array<i32>} : memref<80x144xf32, #tpu.memory_space<vmem>>, vector<16xf32>,
        %add3A_559 = arith.constant 0 : i32
        %add3A_560 = arith.addi %add3A_477, %add3A_559 : i32
        %get3A_561 = arith.index_cast %add3A_560 : i32 to index
        %get3A_562 = arith.constant 112 : index
        %get3A_563 = tpu.vector_load %arg8[%get3A_561, %get3A_562] {strides = array<i32>} : memref<80x144xf32, #tpu.memory_space<vmem>>, vector<16xf32>,
        %mul3A_564 = arith.mulf %get3A_563, %gather3A_481 : vector<16xf32>
        %add3A_565 = arith.constant 0 : i32
        %add3A_566 = arith.addi %add3A_477, %add3A_565 : i32
        %swap3A_567 = arith.index_cast %add3A_566 : i32 to index
        %swap3A_568 = arith.constant 112 : index
        %swap3A_569 = tpu.vector_load %arg8[%swap3A_567, %swap3A_568] {strides = array<i32>} : memref<80x144xf32, #tpu.memory_space<vmem>>, vector<16xf32>,
        tpu.vector_store %arg8[%swap3A_567, %swap3A_568], %mul3A_564 {strides = array<i32>} : memref<80x144xf32, #tpu.memory_space<vmem>>, vector<16xf32>,
        %add3A_570 = arith.constant 1 : i32
        %add3A_571 = arith.addi %add3A_477, %add3A_570 : i32
        %broadcast_in_dim3A_572 = vector.broadcast %add3A_571 : i32 to vector<16xi32>
        %gather3A_573 = tpu.vector_load_idx %arg17[%broadcast_in_dim3A_572] : memref<80xf32, #tpu.memory_space<vmem>>[vector<16xi32>], vector<16xf32>,
        %add3A_574 = arith.constant 1 : i32
        %add3A_575 = arith.addi %add3A_477, %add3A_574 : i32
        %get3A_576 = arith.index_cast %add3A_575 : i32 to index
        %get3A_577 = arith.constant 0 : index
        %get3A_578 = tpu.vector_load %arg8[%get3A_576, %get3A_577] {strides = array<i32>} : memref<80x144xf32, #tpu.memory_space<vmem>>, vector<16xf32>,
        %mul3A_579 = arith.mulf %get3A_578, %gather3A_573 : vector<16xf32>
        %add3A_580 = arith.constant 1 : i32
        %add3A_581 = arith.addi %add3A_477, %add3A_580 : i32
        %swap3A_582 = arith.index_cast %add3A_581 : i32 to index
        %swap3A_583 = arith.constant 0 : index
        %swap3A_584 = tpu.vector_load %arg8[%swap3A_582, %swap3A_583] {strides = array<i32>} : memref<80x144xf32, #tpu.memory_space<vmem>>, vector<16xf32>,
        tpu.vector_store %arg8[%swap3A_582, %swap3A_583], %mul3A_579 {strides = array<i32>} : memref<80x144xf32, #tpu.memory_space<vmem>>, vector<16xf32>,
        %add3A_585 = arith.constant 1 : i32
        %add3A_586 = arith.addi %add3A_477, %add3A_585 : i32
        %get3A_587 = arith.index_cast %add3A_586 : i32 to index
        %get3A_588 = arith.constant 16 : index
        %get3A_589 = tpu.vector_load %arg8[%get3A_587, %get3A_588] {strides = array<i32>} : memref<80x144xf32, #tpu.memory_space<vmem>>, vector<16xf32>,
        %mul3A_590 = arith.mulf %get3A_589, %gather3A_573 : vector<16xf32>
        %add3A_591 = arith.constant 1 : i32
        %add3A_592 = arith.addi %add3A_477, %add3A_591 : i32
        %swap3A_593 = arith.index_cast %add3A_592 : i32 to index
        %swap3A_594 = arith.constant 16 : index
        %swap3A_595 = tpu.vector_load %arg8[%swap3A_593, %swap3A_594] {strides = array<i32>} : memref<80x144xf32, #tpu.memory_space<vmem>>, vector<16xf32>,
        tpu.vector_store %arg8[%swap3A_593, %swap3A_594], %mul3A_590 {strides = array<i32>} : memref<80x144xf32, #tpu.memory_space<vmem>>, vector<16xf32>,
        %add3A_596 = arith.constant 1 : i32
        %add3A_597 = arith.addi %add3A_477, %add3A_596 : i32
        %get3A_598 = arith.index_cast %add3A_597 : i32 to index
        %get3A_599 = arith.constant 32 : index
        %get3A_600 = tpu.vector_load %arg8[%get3A_598, %get3A_599] {strides = array<i32>} : memref<80x144xf32, #tpu.memory_space<vmem>>, vector<16xf32>,
        %mul3A_601 = arith.mulf %get3A_600, %gather3A_573 : vector<16xf32>
        %add3A_602 = arith.constant 1 : i32
        %add3A_603 = arith.addi %add3A_477, %add3A_602 : i32
        %swap3A_604 = arith.index_cast %add3A_603 : i32 to index
        %swap3A_605 = arith.constant 32 : index
        %swap3A_606 = tpu.vector_load %arg8[%swap3A_604, %swap3A_605] {strides = array<i32>} : memref<80x144xf32, #tpu.memory_space<vmem>>, vector<16xf32>,
        tpu.vector_store %arg8[%swap3A_604, %swap3A_605], %mul3A_601 {strides = array<i32>} : memref<80x144xf32, #tpu.memory_space<vmem>>, vector<16xf32>,
        %add3A_607 = arith.constant 1 : i32
        %add3A_608 = arith.addi %add3A_477, %add3A_607 : i32
        %get3A_609 = arith.index_cast %add3A_608 : i32 to index
        %get3A_610 = arith.constant 48 : index
        %get3A_611 = tpu.vector_load %arg8[%get3A_609, %get3A_610] {strides = array<i32>} : memref<80x144xf32, #tpu.memory_space<vmem>>, vector<16xf32>,
        %mul3A_612 = arith.mulf %get3A_611, %gather3A_573 : vector<16xf32>
        %add3A_613 = arith.constant 1 : i32
        %add3A_614 = arith.addi %add3A_477, %add3A_613 : i32
        %swap3A_615 = arith.index_cast %add3A_614 : i32 to index
        %swap3A_616 = arith.constant 48 : index
        %swap3A_617 = tpu.vector_load %arg8[%swap3A_615, %swap3A_616] {strides = array<i32>} : memref<80x144xf32, #tpu.memory_space<vmem>>, vector<16xf32>,
        tpu.vector_store %arg8[%swap3A_615, %swap3A_616], %mul3A_612 {strides = array<i32>} : memref<80x144xf32, #tpu.memory_space<vmem>>, vector<16xf32>,
        %add3A_618 = arith.constant 1 : i32
        %add3A_619 = arith.addi %add3A_477, %add3A_618 : i32
        %get3A_620 = arith.index_cast %add3A_619 : i32 to index
        %get3A_621 = arith.constant 64 : index
        %get3A_622 = tpu.vector_load %arg8[%get3A_620, %get3A_621] {strides = array<i32>} : memref<80x144xf32, #tpu.memory_space<vmem>>, vector<16xf32>,
        %mul3A_623 = arith.mulf %get3A_622, %gather3A_573 : vector<16xf32>
        %add3A_624 = arith.constant 1 : i32
        %add3A_625 = arith.addi %add3A_477, %add3A_624 : i32
        %swap3A_626 = arith.index_cast %add3A_625 : i32 to index
        %swap3A_627 = arith.constant 64 : index
        %swap3A_628 = tpu.vector_load %arg8[%swap3A_626, %swap3A_627] {strides = array<i32>} : memref<80x144xf32, #tpu.memory_space<vmem>>, vector<16xf32>,
        tpu.vector_store %arg8[%swap3A_626, %swap3A_627], %mul3A_623 {strides = array<i32>} : memref<80x144xf32, #tpu.memory_space<vmem>>, vector<16xf32>,
        %add3A_629 = arith.constant 1 : i32
        %add3A_630 = arith.addi %add3A_477, %add3A_629 : i32
        %get3A_631 = arith.index_cast %add3A_630 : i32 to index
        %get3A_632 = arith.constant 80 : index
        %get3A_633 = tpu.vector_load %arg8[%get3A_631, %get3A_632] {strides = array<i32>} : memref<80x144xf32, #tpu.memory_space<vmem>>, vector<16xf32>,
        %mul3A_634 = arith.mulf %get3A_633, %gather3A_573 : vector<16xf32>
        %add3A_635 = arith.constant 1 : i32
        %add3A_636 = arith.addi %add3A_477, %add3A_635 : i32
        %swap3A_637 = arith.index_cast %add3A_636 : i32 to index
        %swap3A_638 = arith.constant 80 : index
        %swap3A_639 = tpu.vector_load %arg8[%swap3A_637, %swap3A_638] {strides = array<i32>} : memref<80x144xf32, #tpu.memory_space<vmem>>, vector<16xf32>,
        tpu.vector_store %arg8[%swap3A_637, %swap3A_638], %mul3A_634 {strides = array<i32>} : memref<80x144xf32, #tpu.memory_space<vmem>>, vector<16xf32>,
        %add3A_640 = arith.constant 1 : i32
        %add3A_641 = arith.addi %add3A_477, %add3A_640 : i32
        %get3A_642 = arith.index_cast %add3A_641 : i32 to index
        %get3A_643 = arith.constant 96 : index
        %get3A_644 = tpu.vector_load %arg8[%get3A_642, %get3A_643] {strides = array<i32>} : memref<80x144xf32, #tpu.memory_space<vmem>>, vector<16xf32>,
        %mul3A_645 = arith.mulf %get3A_644, %gather3A_573 : vector<16xf32>
        %add3A_646 = arith.constant 1 : i32
        %add3A_647 = arith.addi %add3A_477, %add3A_646 : i32
        %swap3A_648 = arith.index_cast %add3A_647 : i32 to index
        %swap3A_649 = arith.constant 96 : index
        %swap3A_650 = tpu.vector_load %arg8[%swap3A_648, %swap3A_649] {strides = array<i32>} : memref<80x144xf32, #tpu.memory_space<vmem>>, vector<16xf32>,
        tpu.vector_store %arg8[%swap3A_648, %swap3A_649], %mul3A_645 {strides = array<i32>} : memref<80x144xf32, #tpu.memory_space<vmem>>, vector<16xf32>,
        %add3A_651 = arith.constant 1 : i32
        %add3A_652 = arith.addi %add3A_477, %add3A_651 : i32
        %get3A_653 = arith.index_cast %add3A_652 : i32 to index
        %get3A_654 = arith.constant 112 : index
        %get3A_655 = tpu.vector_load %arg8[%get3A_653, %get3A_654] {strides = array<i32>} : memref<80x144xf32, #tpu.memory_space<vmem>>, vector<16xf32>,
        %mul3A_656 = arith.mulf %get3A_655, %gather3A_573 : vector<16xf32>
        %add3A_657 = arith.constant 1 : i32
        %add3A_658 = arith.addi %add3A_477, %add3A_657 : i32
        %swap3A_659 = arith.index_cast %add3A_658 : i32 to index
        %swap3A_660 = arith.constant 112 : index
        %swap3A_661 = tpu.vector_load %arg8[%swap3A_659, %swap3A_660] {strides = array<i32>} : memref<80x144xf32, #tpu.memory_space<vmem>>, vector<16xf32>,
        tpu.vector_store %arg8[%swap3A_659, %swap3A_660], %mul3A_656 {strides = array<i32>} : memref<80x144xf32, #tpu.memory_space<vmem>>, vector<16xf32>,
        %add3A_662 = arith.constant 2 : i32
        %add3A_663 = arith.addi %add3A_477, %add3A_662 : i32
        %broadcast_in_dim3A_664 = vector.broadcast %add3A_663 : i32 to vector<16xi32>
        %gather3A_665 = tpu.vector_load_idx %arg17[%broadcast_in_dim3A_664] : memref<80xf32, #tpu.memory_space<vmem>>[vector<16xi32>], vector<16xf32>,
        %add3A_666 = arith.constant 2 : i32
        %add3A_667 = arith.addi %add3A_477, %add3A_666 : i32
        %get3A_668 = arith.index_cast %add3A_667 : i32 to index
        %get3A_669 = arith.constant 0 : index
        %get3A_670 = tpu.vector_load %arg8[%get3A_668, %get3A_669] {strides = array<i32>} : memref<80x144xf32, #tpu.memory_space<vmem>>, vector<16xf32>,
        %mul3A_671 = arith.mulf %get3A_670, %gather3A_665 : vector<16xf32>
        %add3A_672 = arith.constant 2 : i32
        %add3A_673 = arith.addi %add3A_477, %add3A_672 : i32
        %swap3A_674 = arith.index_cast %add3A_673 : i32 to index
        %swap3A_675 = arith.constant 0 : index
        %swap3A_676 = tpu.vector_load %arg8[%swap3A_674, %swap3A_675] {strides = array<i32>} : memref<80x144xf32, #tpu.memory_space<vmem>>, vector<16xf32>,
        tpu.vector_store %arg8[%swap3A_674, %swap3A_675], %mul3A_671 {strides = array<i32>} : memref<80x144xf32, #tpu.memory_space<vmem>>, vector<16xf32>,
        %add3A_677 = arith.constant 2 : i32
        %add3A_678 = arith.addi %add3A_477, %add3A_677 : i32
        %get3A_679 = arith.index_cast %add3A_678 : i32 to index
        %get3A_680 = arith.constant 16 : index
        %get3A_681 = tpu.vector_load %arg8[%get3A_679, %get3A_680] {strides = array<i32>} : memref<80x144xf32, #tpu.memory_space<vmem>>, vector<16xf32>,
        %mul3A_682 = arith.mulf %get3A_681, %gather3A_665 : vector<16xf32>
        %add3A_683 = arith.constant 2 : i32
        %add3A_684 = arith.addi %add3A_477, %add3A_683 : i32
        %swap3A_685 = arith.index_cast %add3A_684 : i32 to index
        %swap3A_686 = arith.constant 16 : index
        %swap3A_687 = tpu.vector_load %arg8[%swap3A_685, %swap3A_686] {strides = array<i32>} : memref<80x144xf32, #tpu.memory_space<vmem>>, vector<16xf32>,
        tpu.vector_store %arg8[%swap3A_685, %swap3A_686], %mul3A_682 {strides = array<i32>} : memref<80x144xf32, #tpu.memory_space<vmem>>, vector<16xf32>,
        %add3A_688 = arith.constant 2 : i32
        %add3A_689 = arith.addi %add3A_477, %add3A_688 : i32
        %get3A_690 = arith.index_cast %add3A_689 : i32 to index
        %get3A_691 = arith.constant 32 : index
        %get3A_692 = tpu.vector_load %arg8[%get3A_690, %get3A_691] {strides = array<i32>} : memref<80x144xf32, #tpu.memory_space<vmem>>, vector<16xf32>,
        %mul3A_693 = arith.mulf %get3A_692, %gather3A_665 : vector<16xf32>
        %add3A_694 = arith.constant 2 : i32
        %add3A_695 = arith.addi %add3A_477, %add3A_694 : i32
        %swap3A_696 = arith.index_cast %add3A_695 : i32 to index
        %swap3A_697 = arith.constant 32 : index
        %swap3A_698 = tpu.vector_load %arg8[%swap3A_696, %swap3A_697] {strides = array<i32>} : memref<80x144xf32, #tpu.memory_space<vmem>>, vector<16xf32>,
        tpu.vector_store %arg8[%swap3A_696, %swap3A_697], %mul3A_693 {strides = array<i32>} : memref<80x144xf32, #tpu.memory_space<vmem>>, vector<16xf32>,
        %add3A_699 = arith.constant 2 : i32
        %add3A_700 = arith.addi %add3A_477, %add3A_699 : i32
        %get3A_701 = arith.index_cast %add3A_700 : i32 to index
        %get3A_702 = arith.constant 48 : index
        %get3A_703 = tpu.vector_load %arg8[%get3A_701, %get3A_702] {strides = array<i32>} : memref<80x144xf32, #tpu.memory_space<vmem>>, vector<16xf32>,
        %mul3A_704 = arith.mulf %get3A_703, %gather3A_665 : vector<16xf32>
        %add3A_705 = arith.constant 2 : i32
        %add3A_706 = arith.addi %add3A_477, %add3A_705 : i32
        %swap3A_707 = arith.index_cast %add3A_706 : i32 to index
        %swap3A_708 = arith.constant 48 : index
        %swap3A_709 = tpu.vector_load %arg8[%swap3A_707, %swap3A_708] {strides = array<i32>} : memref<80x144xf32, #tpu.memory_space<vmem>>, vector<16xf32>,
        tpu.vector_store %arg8[%swap3A_707, %swap3A_708], %mul3A_704 {strides = array<i32>} : memref<80x144xf32, #tpu.memory_space<vmem>>, vector<16xf32>,
        %add3A_710 = arith.constant 2 : i32
        %add3A_711 = arith.addi %add3A_477, %add3A_710 : i32
        %get3A_712 = arith.index_cast %add3A_711 : i32 to index
        %get3A_713 = arith.constant 64 : index
        %get3A_714 = tpu.vector_load %arg8[%get3A_712, %get3A_713] {strides = array<i32>} : memref<80x144xf32, #tpu.memory_space<vmem>>, vector<16xf32>,
        %mul3A_715 = arith.mulf %get3A_714, %gather3A_665 : vector<16xf32>
        %add3A_716 = arith.constant 2 : i32
        %add3A_717 = arith.addi %add3A_477, %add3A_716 : i32
        %swap3A_718 = arith.index_cast %add3A_717 : i32 to index
        %swap3A_719 = arith.constant 64 : index
        %swap3A_720 = tpu.vector_load %arg8[%swap3A_718, %swap3A_719] {strides = array<i32>} : memref<80x144xf32, #tpu.memory_space<vmem>>, vector<16xf32>,
        tpu.vector_store %arg8[%swap3A_718, %swap3A_719], %mul3A_715 {strides = array<i32>} : memref<80x144xf32, #tpu.memory_space<vmem>>, vector<16xf32>,
        %add3A_721 = arith.constant 2 : i32
        %add3A_722 = arith.addi %add3A_477, %add3A_721 : i32
        %get3A_723 = arith.index_cast %add3A_722 : i32 to index
        %get3A_724 = arith.constant 80 : index
        %get3A_725 = tpu.vector_load %arg8[%get3A_723, %get3A_724] {strides = array<i32>} : memref<80x144xf32, #tpu.memory_space<vmem>>, vector<16xf32>,
        %mul3A_726 = arith.mulf %get3A_725, %gather3A_665 : vector<16xf32>
        %add3A_727 = arith.constant 2 : i32
        %add3A_728 = arith.addi %add3A_477, %add3A_727 : i32
        %swap3A_729 = arith.index_cast %add3A_728 : i32 to index
        %swap3A_730 = arith.constant 80 : index
        %swap3A_731 = tpu.vector_load %arg8[%swap3A_729, %swap3A_730] {strides = array<i32>} : memref<80x144xf32, #tpu.memory_space<vmem>>, vector<16xf32>,
        tpu.vector_store %arg8[%swap3A_729, %swap3A_730], %mul3A_726 {strides = array<i32>} : memref<80x144xf32, #tpu.memory_space<vmem>>, vector<16xf32>,
        %add3A_732 = arith.constant 2 : i32
        %add3A_733 = arith.addi %add3A_477, %add3A_732 : i32
        %get3A_734 = arith.index_cast %add3A_733 : i32 to index
        %get3A_735 = arith.constant 96 : index
        %get3A_736 = tpu.vector_load %arg8[%get3A_734, %get3A_735] {strides = array<i32>} : memref<80x144xf32, #tpu.memory_space<vmem>>, vector<16xf32>,
        %mul3A_737 = arith.mulf %get3A_736, %gather3A_665 : vector<16xf32>
        %add3A_738 = arith.constant 2 : i32
        %add3A_739 = arith.addi %add3A_477, %add3A_738 : i32
        %swap3A_740 = arith.index_cast %add3A_739 : i32 to index
        %swap3A_741 = arith.constant 96 : index
        %swap3A_742 = tpu.vector_load %arg8[%swap3A_740, %swap3A_741] {strides = array<i32>} : memref<80x144xf32, #tpu.memory_space<vmem>>, vector<16xf32>,
        tpu.vector_store %arg8[%swap3A_740, %swap3A_741], %mul3A_737 {strides = array<i32>} : memref<80x144xf32, #tpu.memory_space<vmem>>, vector<16xf32>,
        %add3A_743 = arith.constant 2 : i32
        %add3A_744 = arith.addi %add3A_477, %add3A_743 : i32
        %get3A_745 = arith.index_cast %add3A_744 : i32 to index
        %get3A_746 = arith.constant 112 : index
        %get3A_747 = tpu.vector_load %arg8[%get3A_745, %get3A_746] {strides = array<i32>} : memref<80x144xf32, #tpu.memory_space<vmem>>, vector<16xf32>,
        %mul3A_748 = arith.mulf %get3A_747, %gather3A_665 : vector<16xf32>
        %add3A_749 = arith.constant 2 : i32
        %add3A_750 = arith.addi %add3A_477, %add3A_749 : i32
        %swap3A_751 = arith.index_cast %add3A_750 : i32 to index
        %swap3A_752 = arith.constant 112 : index
        %swap3A_753 = tpu.vector_load %arg8[%swap3A_751, %swap3A_752] {strides = array<i32>} : memref<80x144xf32, #tpu.memory_space<vmem>>, vector<16xf32>,
        tpu.vector_store %arg8[%swap3A_751, %swap3A_752], %mul3A_748 {strides = array<i32>} : memref<80x144xf32, #tpu.memory_space<vmem>>, vector<16xf32>,
        %add3A_754 = arith.constant 3 : i32
        %add3A_755 = arith.addi %add3A_477, %add3A_754 : i32
        %broadcast_in_dim3A_756 = vector.broadcast %add3A_755 : i32 to vector<16xi32>
        %gather3A_757 = tpu.vector_load_idx %arg17[%broadcast_in_dim3A_756] : memref<80xf32, #tpu.memory_space<vmem>>[vector<16xi32>], vector<16xf32>,
        %add3A_758 = arith.constant 3 : i32
        %add3A_759 = arith.addi %add3A_477, %add3A_758 : i32
        %get3A_760 = arith.index_cast %add3A_759 : i32 to index
        %get3A_761 = arith.constant 0 : index
        %get3A_762 = tpu.vector_load %arg8[%get3A_760, %get3A_761] {strides = array<i32>} : memref<80x144xf32, #tpu.memory_space<vmem>>, vector<16xf32>,
        %mul3A_763 = arith.mulf %get3A_762, %gather3A_757 : vector<16xf32>
        %add3A_764 = arith.constant 3 : i32
        %add3A_765 = arith.addi %add3A_477, %add3A_764 : i32
        %swap3A_766 = arith.index_cast %add3A_765 : i32 to index
        %swap3A_767 = arith.constant 0 : index
        %swap3A_768 = tpu.vector_load %arg8[%swap3A_766, %swap3A_767] {strides = array<i32>} : memref<80x144xf32, #tpu.memory_space<vmem>>, vector<16xf32>,
        tpu.vector_store %arg8[%swap3A_766, %swap3A_767], %mul3A_763 {strides = array<i32>} : memref<80x144xf32, #tpu.memory_space<vmem>>, vector<16xf32>,
        %add3A_769 = arith.constant 3 : i32
        %add3A_770 = arith.addi %add3A_477, %add3A_769 : i32
        %get3A_771 = arith.index_cast %add3A_770 : i32 to index
        %get3A_772 = arith.constant 16 : index
        %get3A_773 = tpu.vector_load %arg8[%get3A_771, %get3A_772] {strides = array<i32>} : memref<80x144xf32, #tpu.memory_space<vmem>>, vector<16xf32>,
        %mul3A_774 = arith.mulf %get3A_773, %gather3A_757 : vector<16xf32>
        %add3A_775 = arith.constant 3 : i32
        %add3A_776 = arith.addi %add3A_477, %add3A_775 : i32
        %swap3A_777 = arith.index_cast %add3A_776 : i32 to index
        %swap3A_778 = arith.constant 16 : index
        %swap3A_779 = tpu.vector_load %arg8[%swap3A_777, %swap3A_778] {strides = array<i32>} : memref<80x144xf32, #tpu.memory_space<vmem>>, vector<16xf32>,
        tpu.vector_store %arg8[%swap3A_777, %swap3A_778], %mul3A_774 {strides = array<i32>} : memref<80x144xf32, #tpu.memory_space<vmem>>, vector<16xf32>,
        %add3A_780 = arith.constant 3 : i32
        %add3A_781 = arith.addi %add3A_477, %add3A_780 : i32
        %get3A_782 = arith.index_cast %add3A_781 : i32 to index
        %get3A_783 = arith.constant 32 : index
        %get3A_784 = tpu.vector_load %arg8[%get3A_782, %get3A_783] {strides = array<i32>} : memref<80x144xf32, #tpu.memory_space<vmem>>, vector<16xf32>,
        %mul3A_785 = arith.mulf %get3A_784, %gather3A_757 : vector<16xf32>
        %add3A_786 = arith.constant 3 : i32
        %add3A_787 = arith.addi %add3A_477, %add3A_786 : i32
        %swap3A_788 = arith.index_cast %add3A_787 : i32 to index
        %swap3A_789 = arith.constant 32 : index
        %swap3A_790 = tpu.vector_load %arg8[%swap3A_788, %swap3A_789] {strides = array<i32>} : memref<80x144xf32, #tpu.memory_space<vmem>>, vector<16xf32>,
        tpu.vector_store %arg8[%swap3A_788, %swap3A_789], %mul3A_785 {strides = array<i32>} : memref<80x144xf32, #tpu.memory_space<vmem>>, vector<16xf32>,
        %add3A_791 = arith.constant 3 : i32
        %add3A_792 = arith.addi %add3A_477, %add3A_791 : i32
        %get3A_793 = arith.index_cast %add3A_792 : i32 to index
        %get3A_794 = arith.constant 48 : index
        %get3A_795 = tpu.vector_load %arg8[%get3A_793, %get3A_794] {strides = array<i32>} : memref<80x144xf32, #tpu.memory_space<vmem>>, vector<16xf32>,
        %mul3A_796 = arith.mulf %get3A_795, %gather3A_757 : vector<16xf32>
        %add3A_797 = arith.constant 3 : i32
        %add3A_798 = arith.addi %add3A_477, %add3A_797 : i32
        %swap3A_799 = arith.index_cast %add3A_798 : i32 to index
        %swap3A_800 = arith.constant 48 : index
        %swap3A_801 = tpu.vector_load %arg8[%swap3A_799, %swap3A_800] {strides = array<i32>} : memref<80x144xf32, #tpu.memory_space<vmem>>, vector<16xf32>,
        tpu.vector_store %arg8[%swap3A_799, %swap3A_800], %mul3A_796 {strides = array<i32>} : memref<80x144xf32, #tpu.memory_space<vmem>>, vector<16xf32>,
        %add3A_802 = arith.constant 3 : i32
        %add3A_803 = arith.addi %add3A_477, %add3A_802 : i32
        %get3A_804 = arith.index_cast %add3A_803 : i32 to index
        %get3A_805 = arith.constant 64 : index
        %get3A_806 = tpu.vector_load %arg8[%get3A_804, %get3A_805] {strides = array<i32>} : memref<80x144xf32, #tpu.memory_space<vmem>>, vector<16xf32>,
        %mul3A_807 = arith.mulf %get3A_806, %gather3A_757 : vector<16xf32>
        %add3A_808 = arith.constant 3 : i32
        %add3A_809 = arith.addi %add3A_477, %add3A_808 : i32
        %swap3A_810 = arith.index_cast %add3A_809 : i32 to index
        %swap3A_811 = arith.constant 64 : index
        %swap3A_812 = tpu.vector_load %arg8[%swap3A_810, %swap3A_811] {strides = array<i32>} : memref<80x144xf32, #tpu.memory_space<vmem>>, vector<16xf32>,
        tpu.vector_store %arg8[%swap3A_810, %swap3A_811], %mul3A_807 {strides = array<i32>} : memref<80x144xf32, #tpu.memory_space<vmem>>, vector<16xf32>,
        %add3A_813 = arith.constant 3 : i32
        %add3A_814 = arith.addi %add3A_477, %add3A_813 : i32
        %get3A_815 = arith.index_cast %add3A_814 : i32 to index
        %get3A_816 = arith.constant 80 : index
        %get3A_817 = tpu.vector_load %arg8[%get3A_815, %get3A_816] {strides = array<i32>} : memref<80x144xf32, #tpu.memory_space<vmem>>, vector<16xf32>,
        %mul3A_818 = arith.mulf %get3A_817, %gather3A_757 : vector<16xf32>
        %add3A_819 = arith.constant 3 : i32
        %add3A_820 = arith.addi %add3A_477, %add3A_819 : i32
        %swap3A_821 = arith.index_cast %add3A_820 : i32 to index
        %swap3A_822 = arith.constant 80 : index
        %swap3A_823 = tpu.vector_load %arg8[%swap3A_821, %swap3A_822] {strides = array<i32>} : memref<80x144xf32, #tpu.memory_space<vmem>>, vector<16xf32>,
        tpu.vector_store %arg8[%swap3A_821, %swap3A_822], %mul3A_818 {strides = array<i32>} : memref<80x144xf32, #tpu.memory_space<vmem>>, vector<16xf32>,
        %add3A_824 = arith.constant 3 : i32
        %add3A_825 = arith.addi %add3A_477, %add3A_824 : i32
        %get3A_826 = arith.index_cast %add3A_825 : i32 to index
        %get3A_827 = arith.constant 96 : index
        %get3A_828 = tpu.vector_load %arg8[%get3A_826, %get3A_827] {strides = array<i32>} : memref<80x144xf32, #tpu.memory_space<vmem>>, vector<16xf32>,
        %mul3A_829 = arith.mulf %get3A_828, %gather3A_757 : vector<16xf32>
        %add3A_830 = arith.constant 3 : i32
        %add3A_831 = arith.addi %add3A_477, %add3A_830 : i32
        %swap3A_832 = arith.index_cast %add3A_831 : i32 to index
        %swap3A_833 = arith.constant 96 : index
        %swap3A_834 = tpu.vector_load %arg8[%swap3A_832, %swap3A_833] {strides = array<i32>} : memref<80x144xf32, #tpu.memory_space<vmem>>, vector<16xf32>,
        tpu.vector_store %arg8[%swap3A_832, %swap3A_833], %mul3A_829 {strides = array<i32>} : memref<80x144xf32, #tpu.memory_space<vmem>>, vector<16xf32>,
        %add3A_835 = arith.constant 3 : i32
        %add3A_836 = arith.addi %add3A_477, %add3A_835 : i32
        %get3A_837 = arith.index_cast %add3A_836 : i32 to index
        %get3A_838 = arith.constant 112 : index
        %get3A_839 = tpu.vector_load %arg8[%get3A_837, %get3A_838] {strides = array<i32>} : memref<80x144xf32, #tpu.memory_space<vmem>>, vector<16xf32>,
        %mul3A_840 = arith.mulf %get3A_839, %gather3A_757 : vector<16xf32>
        %add3A_841 = arith.constant 3 : i32
        %add3A_842 = arith.addi %add3A_477, %add3A_841 : i32
        %swap3A_843 = arith.index_cast %add3A_842 : i32 to index
        %swap3A_844 = arith.constant 112 : index
        %swap3A_845 = tpu.vector_load %arg8[%swap3A_843, %swap3A_844] {strides = array<i32>} : memref<80x144xf32, #tpu.memory_space<vmem>>, vector<16xf32>,
        tpu.vector_store %arg8[%swap3A_843, %swap3A_844], %mul3A_840 {strides = array<i32>} : memref<80x144xf32, #tpu.memory_space<vmem>>, vector<16xf32>,
        %add3A_846 = arith.constant 4 : i32
        %add3A_847 = arith.addi %add3A_477, %add3A_846 : i32
        %broadcast_in_dim3A_848 = vector.broadcast %add3A_847 : i32 to vector<16xi32>
        %gather3A_849 = tpu.vector_load_idx %arg17[%broadcast_in_dim3A_848] : memref<80xf32, #tpu.memory_space<vmem>>[vector<16xi32>], vector<16xf32>,
        %add3A_850 = arith.constant 4 : i32
        %add3A_851 = arith.addi %add3A_477, %add3A_850 : i32
        %get3A_852 = arith.index_cast %add3A_851 : i32 to index
        %get3A_853 = arith.constant 0 : index
        %get3A_854 = tpu.vector_load %arg8[%get3A_852, %get3A_853] {strides = array<i32>} : memref<80x144xf32, #tpu.memory_space<vmem>>, vector<16xf32>,
        %mul3A_855 = arith.mulf %get3A_854, %gather3A_849 : vector<16xf32>
        %add3A_856 = arith.constant 4 : i32
        %add3A_857 = arith.addi %add3A_477, %add3A_856 : i32
        %swap3A_858 = arith.index_cast %add3A_857 : i32 to index
        %swap3A_859 = arith.constant 0 : index
        %swap3A_860 = tpu.vector_load %arg8[%swap3A_858, %swap3A_859] {strides = array<i32>} : memref<80x144xf32, #tpu.memory_space<vmem>>, vector<16xf32>,
        tpu.vector_store %arg8[%swap3A_858, %swap3A_859], %mul3A_855 {strides = array<i32>} : memref<80x144xf32, #tpu.memory_space<vmem>>, vector<16xf32>,
        %add3A_861 = arith.constant 4 : i32
        %add3A_862 = arith.addi %add3A_477, %add3A_861 : i32
        %get3A_863 = arith.index_cast %add3A_862 : i32 to index
        %get3A_864 = arith.constant 16 : index
        %get3A_865 = tpu.vector_load %arg8[%get3A_863, %get3A_864] {strides = array<i32>} : memref<80x144xf32, #tpu.memory_space<vmem>>, vector<16xf32>,
        %mul3A_866 = arith.mulf %get3A_865, %gather3A_849 : vector<16xf32>
        %add3A_867 = arith.constant 4 : i32
        %add3A_868 = arith.addi %add3A_477, %add3A_867 : i32
        %swap3A_869 = arith.index_cast %add3A_868 : i32 to index
        %swap3A_870 = arith.constant 16 : index
        %swap3A_871 = tpu.vector_load %arg8[%swap3A_869, %swap3A_870] {strides = array<i32>} : memref<80x144xf32, #tpu.memory_space<vmem>>, vector<16xf32>,
        tpu.vector_store %arg8[%swap3A_869, %swap3A_870], %mul3A_866 {strides = array<i32>} : memref<80x144xf32, #tpu.memory_space<vmem>>, vector<16xf32>,
        %add3A_872 = arith.constant 4 : i32
        %add3A_873 = arith.addi %add3A_477, %add3A_872 : i32
        %get3A_874 = arith.index_cast %add3A_873 : i32 to index
        %get3A_875 = arith.constant 32 : index
        %get3A_876 = tpu.vector_load %arg8[%get3A_874, %get3A_875] {strides = array<i32>} : memref<80x144xf32, #tpu.memory_space<vmem>>, vector<16xf32>,
        %mul3A_877 = arith.mulf %get3A_876, %gather3A_849 : vector<16xf32>
        %add3A_878 = arith.constant 4 : i32
        %add3A_879 = arith.addi %add3A_477, %add3A_878 : i32
        %swap3A_880 = arith.index_cast %add3A_879 : i32 to index
        %swap3A_881 = arith.constant 32 : index
        %swap3A_882 = tpu.vector_load %arg8[%swap3A_880, %swap3A_881] {strides = array<i32>} : memref<80x144xf32, #tpu.memory_space<vmem>>, vector<16xf32>,
        tpu.vector_store %arg8[%swap3A_880, %swap3A_881], %mul3A_877 {strides = array<i32>} : memref<80x144xf32, #tpu.memory_space<vmem>>, vector<16xf32>,
        %add3A_883 = arith.constant 4 : i32
        %add3A_884 = arith.addi %add3A_477, %add3A_883 : i32
        %get3A_885 = arith.index_cast %add3A_884 : i32 to index
        %get3A_886 = arith.constant 48 : index
        %get3A_887 = tpu.vector_load %arg8[%get3A_885, %get3A_886] {strides = array<i32>} : memref<80x144xf32, #tpu.memory_space<vmem>>, vector<16xf32>,
        %mul3A_888 = arith.mulf %get3A_887, %gather3A_849 : vector<16xf32>
        %add3A_889 = arith.constant 4 : i32
        %add3A_890 = arith.addi %add3A_477, %add3A_889 : i32
        %swap3A_891 = arith.index_cast %add3A_890 : i32 to index
        %swap3A_892 = arith.constant 48 : index
        %swap3A_893 = tpu.vector_load %arg8[%swap3A_891, %swap3A_892] {strides = array<i32>} : memref<80x144xf32, #tpu.memory_space<vmem>>, vector<16xf32>,
        tpu.vector_store %arg8[%swap3A_891, %swap3A_892], %mul3A_888 {strides = array<i32>} : memref<80x144xf32, #tpu.memory_space<vmem>>, vector<16xf32>,
        %add3A_894 = arith.constant 4 : i32
        %add3A_895 = arith.addi %add3A_477, %add3A_894 : i32
        %get3A_896 = arith.index_cast %add3A_895 : i32 to index
        %get3A_897 = arith.constant 64 : index
        %get3A_898 = tpu.vector_load %arg8[%get3A_896, %get3A_897] {strides = array<i32>} : memref<80x144xf32, #tpu.memory_space<vmem>>, vector<16xf32>,
        %mul3A_899 = arith.mulf %get3A_898, %gather3A_849 : vector<16xf32>
        %add3A_900 = arith.constant 4 : i32
        %add3A_901 = arith.addi %add3A_477, %add3A_900 : i32
        %swap3A_902 = arith.index_cast %add3A_901 : i32 to index
        %swap3A_903 = arith.constant 64 : index
        %swap3A_904 = tpu.vector_load %arg8[%swap3A_902, %swap3A_903] {strides = array<i32>} : memref<80x144xf32, #tpu.memory_space<vmem>>, vector<16xf32>,
        tpu.vector_store %arg8[%swap3A_902, %swap3A_903], %mul3A_899 {strides = array<i32>} : memref<80x144xf32, #tpu.memory_space<vmem>>, vector<16xf32>,
        %add3A_905 = arith.constant 4 : i32
        %add3A_906 = arith.addi %add3A_477, %add3A_905 : i32
        %get3A_907 = arith.index_cast %add3A_906 : i32 to index
        %get3A_908 = arith.constant 80 : index
        %get3A_909 = tpu.vector_load %arg8[%get3A_907, %get3A_908] {strides = array<i32>} : memref<80x144xf32, #tpu.memory_space<vmem>>, vector<16xf32>,
        %mul3A_910 = arith.mulf %get3A_909, %gather3A_849 : vector<16xf32>
        %add3A_911 = arith.constant 4 : i32
        %add3A_912 = arith.addi %add3A_477, %add3A_911 : i32
        %swap3A_913 = arith.index_cast %add3A_912 : i32 to index
        %swap3A_914 = arith.constant 80 : index
        %swap3A_915 = tpu.vector_load %arg8[%swap3A_913, %swap3A_914] {strides = array<i32>} : memref<80x144xf32, #tpu.memory_space<vmem>>, vector<16xf32>,
        tpu.vector_store %arg8[%swap3A_913, %swap3A_914], %mul3A_910 {strides = array<i32>} : memref<80x144xf32, #tpu.memory_space<vmem>>, vector<16xf32>,
        %add3A_916 = arith.constant 4 : i32
        %add3A_917 = arith.addi %add3A_477, %add3A_916 : i32
        %get3A_918 = arith.index_cast %add3A_917 : i32 to index
        %get3A_919 = arith.constant 96 : index
        %get3A_920 = tpu.vector_load %arg8[%get3A_918, %get3A_919] {strides = array<i32>} : memref<80x144xf32, #tpu.memory_space<vmem>>, vector<16xf32>,
        %mul3A_921 = arith.mulf %get3A_920, %gather3A_849 : vector<16xf32>
        %add3A_922 = arith.constant 4 : i32
        %add3A_923 = arith.addi %add3A_477, %add3A_922 : i32
        %swap3A_924 = arith.index_cast %add3A_923 : i32 to index
        %swap3A_925 = arith.constant 96 : index
        %swap3A_926 = tpu.vector_load %arg8[%swap3A_924, %swap3A_925] {strides = array<i32>} : memref<80x144xf32, #tpu.memory_space<vmem>>, vector<16xf32>,
        tpu.vector_store %arg8[%swap3A_924, %swap3A_925], %mul3A_921 {strides = array<i32>} : memref<80x144xf32, #tpu.memory_space<vmem>>, vector<16xf32>,
        %add3A_927 = arith.constant 4 : i32
        %add3A_928 = arith.addi %add3A_477, %add3A_927 : i32
        %get3A_929 = arith.index_cast %add3A_928 : i32 to index
        %get3A_930 = arith.constant 112 : index
        %get3A_931 = tpu.vector_load %arg8[%get3A_929, %get3A_930] {strides = array<i32>} : memref<80x144xf32, #tpu.memory_space<vmem>>, vector<16xf32>,
        %mul3A_932 = arith.mulf %get3A_931, %gather3A_849 : vector<16xf32>
        %add3A_933 = arith.constant 4 : i32
        %add3A_934 = arith.addi %add3A_477, %add3A_933 : i32
        %swap3A_935 = arith.index_cast %add3A_934 : i32 to index
        %swap3A_936 = arith.constant 112 : index
        %swap3A_937 = tpu.vector_load %arg8[%swap3A_935, %swap3A_936] {strides = array<i32>} : memref<80x144xf32, #tpu.memory_space<vmem>>, vector<16xf32>,
        tpu.vector_store %arg8[%swap3A_935, %swap3A_936], %mul3A_932 {strides = array<i32>} : memref<80x144xf32, #tpu.memory_space<vmem>>, vector<16xf32>,
        %add3A_938 = arith.constant 5 : i32
        %add3A_939 = arith.addi %add3A_477, %add3A_938 : i32
        %broadcast_in_dim3A_940 = vector.broadcast %add3A_939 : i32 to vector<16xi32>
        %gather3A_941 = tpu.vector_load_idx %arg17[%broadcast_in_dim3A_940] : memref<80xf32, #tpu.memory_space<vmem>>[vector<16xi32>], vector<16xf32>,
        %add3A_942 = arith.constant 5 : i32
        %add3A_943 = arith.addi %add3A_477, %add3A_942 : i32
        %get3A_944 = arith.index_cast %add3A_943 : i32 to index
        %get3A_945 = arith.constant 0 : index
        %get3A_946 = tpu.vector_load %arg8[%get3A_944, %get3A_945] {strides = array<i32>} : memref<80x144xf32, #tpu.memory_space<vmem>>, vector<16xf32>,
        %mul3A_947 = arith.mulf %get3A_946, %gather3A_941 : vector<16xf32>
        %add3A_948 = arith.constant 5 : i32
        %add3A_949 = arith.addi %add3A_477, %add3A_948 : i32
        %swap3A_950 = arith.index_cast %add3A_949 : i32 to index
        %swap3A_951 = arith.constant 0 : index
        %swap3A_952 = tpu.vector_load %arg8[%swap3A_950, %swap3A_951] {strides = array<i32>} : memref<80x144xf32, #tpu.memory_space<vmem>>, vector<16xf32>,
        tpu.vector_store %arg8[%swap3A_950, %swap3A_951], %mul3A_947 {strides = array<i32>} : memref<80x144xf32, #tpu.memory_space<vmem>>, vector<16xf32>,
        %add3A_953 = arith.constant 5 : i32
        %add3A_954 = arith.addi %add3A_477, %add3A_953 : i32
        %get3A_955 = arith.index_cast %add3A_954 : i32 to index
        %get3A_956 = arith.constant 16 : index
        %get3A_957 = tpu.vector_load %arg8[%get3A_955, %get3A_956] {strides = array<i32>} : memref<80x144xf32, #tpu.memory_space<vmem>>, vector<16xf32>,
        %mul3A_958 = arith.mulf %get3A_957, %gather3A_941 : vector<16xf32>
        %add3A_959 = arith.constant 5 : i32
        %add3A_960 = arith.addi %add3A_477, %add3A_959 : i32
        %swap3A_961 = arith.index_cast %add3A_960 : i32 to index
        %swap3A_962 = arith.constant 16 : index
        %swap3A_963 = tpu.vector_load %arg8[%swap3A_961, %swap3A_962] {strides = array<i32>} : memref<80x144xf32, #tpu.memory_space<vmem>>, vector<16xf32>,
        tpu.vector_store %arg8[%swap3A_961, %swap3A_962], %mul3A_958 {strides = array<i32>} : memref<80x144xf32, #tpu.memory_space<vmem>>, vector<16xf32>,
        %add3A_964 = arith.constant 5 : i32
        %add3A_965 = arith.addi %add3A_477, %add3A_964 : i32
        %get3A_966 = arith.index_cast %add3A_965 : i32 to index
        %get3A_967 = arith.constant 32 : index
        %get3A_968 = tpu.vector_load %arg8[%get3A_966, %get3A_967] {strides = array<i32>} : memref<80x144xf32, #tpu.memory_space<vmem>>, vector<16xf32>,
        %mul3A_969 = arith.mulf %get3A_968, %gather3A_941 : vector<16xf32>
        %add3A_970 = arith.constant 5 : i32
        %add3A_971 = arith.addi %add3A_477, %add3A_970 : i32
        %swap3A_972 = arith.index_cast %add3A_971 : i32 to index
        %swap3A_973 = arith.constant 32 : index
        %swap3A_974 = tpu.vector_load %arg8[%swap3A_972, %swap3A_973] {strides = array<i32>} : memref<80x144xf32, #tpu.memory_space<vmem>>, vector<16xf32>,
        tpu.vector_store %arg8[%swap3A_972, %swap3A_973], %mul3A_969 {strides = array<i32>} : memref<80x144xf32, #tpu.memory_space<vmem>>, vector<16xf32>,
        %add3A_975 = arith.constant 5 : i32
        %add3A_976 = arith.addi %add3A_477, %add3A_975 : i32
        %get3A_977 = arith.index_cast %add3A_976 : i32 to index
        %get3A_978 = arith.constant 48 : index
        %get3A_979 = tpu.vector_load %arg8[%get3A_977, %get3A_978] {strides = array<i32>} : memref<80x144xf32, #tpu.memory_space<vmem>>, vector<16xf32>,
        %mul3A_980 = arith.mulf %get3A_979, %gather3A_941 : vector<16xf32>
        %add3A_981 = arith.constant 5 : i32
        %add3A_982 = arith.addi %add3A_477, %add3A_981 : i32
        %swap3A_983 = arith.index_cast %add3A_982 : i32 to index
        %swap3A_984 = arith.constant 48 : index
        %swap3A_985 = tpu.vector_load %arg8[%swap3A_983, %swap3A_984] {strides = array<i32>} : memref<80x144xf32, #tpu.memory_space<vmem>>, vector<16xf32>,
        tpu.vector_store %arg8[%swap3A_983, %swap3A_984], %mul3A_980 {strides = array<i32>} : memref<80x144xf32, #tpu.memory_space<vmem>>, vector<16xf32>,
        %add3A_986 = arith.constant 5 : i32
        %add3A_987 = arith.addi %add3A_477, %add3A_986 : i32
        %get3A_988 = arith.index_cast %add3A_987 : i32 to index
        %get3A_989 = arith.constant 64 : index
        %get3A_990 = tpu.vector_load %arg8[%get3A_988, %get3A_989] {strides = array<i32>} : memref<80x144xf32, #tpu.memory_space<vmem>>, vector<16xf32>,
        %mul3A_991 = arith.mulf %get3A_990, %gather3A_941 : vector<16xf32>
        %add3A_992 = arith.constant 5 : i32
        %add3A_993 = arith.addi %add3A_477, %add3A_992 : i32
        %swap3A_994 = arith.index_cast %add3A_993 : i32 to index
        %swap3A_995 = arith.constant 64 : index
        %swap3A_996 = tpu.vector_load %arg8[%swap3A_994, %swap3A_995] {strides = array<i32>} : memref<80x144xf32, #tpu.memory_space<vmem>>, vector<16xf32>,
        tpu.vector_store %arg8[%swap3A_994, %swap3A_995], %mul3A_991 {strides = array<i32>} : memref<80x144xf32, #tpu.memory_space<vmem>>, vector<16xf32>,
        %add3A_997 = arith.constant 5 : i32
        %add3A_998 = arith.addi %add3A_477, %add3A_997 : i32
        %get3A_999 = arith.index_cast %add3A_998 : i32 to index
        %get3A_1000 = arith.constant 80 : index
        %get3A_1001 = tpu.vector_load %arg8[%get3A_999, %get3A_1000] {strides = array<i32>} : memref<80x144xf32, #tpu.memory_space<vmem>>, vector<16xf32>,
        %mul3A_1002 = arith.mulf %get3A_1001, %gather3A_941 : vector<16xf32>
        %add3A_1003 = arith.constant 5 : i32
        %add3A_1004 = arith.addi %add3A_477, %add3A_1003 : i32
        %swap3A_1005 = arith.index_cast %add3A_1004 : i32 to index
        %swap3A_1006 = arith.constant 80 : index
        %swap3A_1007 = tpu.vector_load %arg8[%swap3A_1005, %swap3A_1006] {strides = array<i32>} : memref<80x144xf32, #tpu.memory_space<vmem>>, vector<16xf32>,
        tpu.vector_store %arg8[%swap3A_1005, %swap3A_1006], %mul3A_1002 {strides = array<i32>} : memref<80x144xf32, #tpu.memory_space<vmem>>, vector<16xf32>,
        %add3A_1008 = arith.constant 5 : i32
        %add3A_1009 = arith.addi %add3A_477, %add3A_1008 : i32
        %get3A_1010 = arith.index_cast %add3A_1009 : i32 to index
        %get3A_1011 = arith.constant 96 : index
        %get3A_1012 = tpu.vector_load %arg8[%get3A_1010, %get3A_1011] {strides = array<i32>} : memref<80x144xf32, #tpu.memory_space<vmem>>, vector<16xf32>,
        %mul3A_1013 = arith.mulf %get3A_1012, %gather3A_941 : vector<16xf32>
        %add3A_1014 = arith.constant 5 : i32
        %add3A_1015 = arith.addi %add3A_477, %add3A_1014 : i32
        %swap3A_1016 = arith.index_cast %add3A_1015 : i32 to index
        %swap3A_1017 = arith.constant 96 : index
        %swap3A_1018 = tpu.vector_load %arg8[%swap3A_1016, %swap3A_1017] {strides = array<i32>} : memref<80x144xf32, #tpu.memory_space<vmem>>, vector<16xf32>,
        tpu.vector_store %arg8[%swap3A_1016, %swap3A_1017], %mul3A_1013 {strides = array<i32>} : memref<80x144xf32, #tpu.memory_space<vmem>>, vector<16xf32>,
        %add3A_1019 = arith.constant 5 : i32
        %add3A_1020 = arith.addi %add3A_477, %add3A_1019 : i32
        %get3A_1021 = arith.index_cast %add3A_1020 : i32 to index
        %get3A_1022 = arith.constant 112 : index
        %get3A_1023 = tpu.vector_load %arg8[%get3A_1021, %get3A_1022] {strides = array<i32>} : memref<80x144xf32, #tpu.memory_space<vmem>>, vector<16xf32>,
        %mul3A_1024 = arith.mulf %get3A_1023, %gather3A_941 : vector<16xf32>
        %add3A_1025 = arith.constant 5 : i32
        %add3A_1026 = arith.addi %add3A_477, %add3A_1025 : i32
        %swap3A_1027 = arith.index_cast %add3A_1026 : i32 to index
        %swap3A_1028 = arith.constant 112 : index
        %swap3A_1029 = tpu.vector_load %arg8[%swap3A_1027, %swap3A_1028] {strides = array<i32>} : memref<80x144xf32, #tpu.memory_space<vmem>>, vector<16xf32>,
        tpu.vector_store %arg8[%swap3A_1027, %swap3A_1028], %mul3A_1024 {strides = array<i32>} : memref<80x144xf32, #tpu.memory_space<vmem>>, vector<16xf32>,
        %add3A_1030 = arith.constant 6 : i32
        %add3A_1031 = arith.addi %add3A_477, %add3A_1030 : i32
        %broadcast_in_dim3A_1032 = vector.broadcast %add3A_1031 : i32 to vector<16xi32>
        %gather3A_1033 = tpu.vector_load_idx %arg17[%broadcast_in_dim3A_1032] : memref<80xf32, #tpu.memory_space<vmem>>[vector<16xi32>], vector<16xf32>,
        %add3A_1034 = arith.constant 6 : i32
        %add3A_1035 = arith.addi %add3A_477, %add3A_1034 : i32
        %get3A_1036 = arith.index_cast %add3A_1035 : i32 to index
        %get3A_1037 = arith.constant 0 : index
        %get3A_1038 = tpu.vector_load %arg8[%get3A_1036, %get3A_1037] {strides = array<i32>} : memref<80x144xf32, #tpu.memory_space<vmem>>, vector<16xf32>,
        %mul3A_1039 = arith.mulf %get3A_1038, %gather3A_1033 : vector<16xf32>
        %add3A_1040 = arith.constant 6 : i32
        %add3A_1041 = arith.addi %add3A_477, %add3A_1040 : i32
        %swap3A_1042 = arith.index_cast %add3A_1041 : i32 to index
        %swap3A_1043 = arith.constant 0 : index
        %swap3A_1044 = tpu.vector_load %arg8[%swap3A_1042, %swap3A_1043] {strides = array<i32>} : memref<80x144xf32, #tpu.memory_space<vmem>>, vector<16xf32>,
        tpu.vector_store %arg8[%swap3A_1042, %swap3A_1043], %mul3A_1039 {strides = array<i32>} : memref<80x144xf32, #tpu.memory_space<vmem>>, vector<16xf32>,
        %add3A_1045 = arith.constant 6 : i32
        %add3A_1046 = arith.addi %add3A_477, %add3A_1045 : i32
        %get3A_1047 = arith.index_cast %add3A_1046 : i32 to index
        %get3A_1048 = arith.constant 16 : index
        %get3A_1049 = tpu.vector_load %arg8[%get3A_1047, %get3A_1048] {strides = array<i32>} : memref<80x144xf32, #tpu.memory_space<vmem>>, vector<16xf32>,
        %mul3A_1050 = arith.mulf %get3A_1049, %gather3A_1033 : vector<16xf32>
        %add3A_1051 = arith.constant 6 : i32
        %add3A_1052 = arith.addi %add3A_477, %add3A_1051 : i32
        %swap3A_1053 = arith.index_cast %add3A_1052 : i32 to index
        %swap3A_1054 = arith.constant 16 : index
        %swap3A_1055 = tpu.vector_load %arg8[%swap3A_1053, %swap3A_1054] {strides = array<i32>} : memref<80x144xf32, #tpu.memory_space<vmem>>, vector<16xf32>,
        tpu.vector_store %arg8[%swap3A_1053, %swap3A_1054], %mul3A_1050 {strides = array<i32>} : memref<80x144xf32, #tpu.memory_space<vmem>>, vector<16xf32>,
        %add3A_1056 = arith.constant 6 : i32
        %add3A_1057 = arith.addi %add3A_477, %add3A_1056 : i32
        %get3A_1058 = arith.index_cast %add3A_1057 : i32 to index
        %get3A_1059 = arith.constant 32 : index
        %get3A_1060 = tpu.vector_load %arg8[%get3A_1058, %get3A_1059] {strides = array<i32>} : memref<80x144xf32, #tpu.memory_space<vmem>>, vector<16xf32>,
        %mul3A_1061 = arith.mulf %get3A_1060, %gather3A_1033 : vector<16xf32>
        %add3A_1062 = arith.constant 6 : i32
        %add3A_1063 = arith.addi %add3A_477, %add3A_1062 : i32
        %swap3A_1064 = arith.index_cast %add3A_1063 : i32 to index
        %swap3A_1065 = arith.constant 32 : index
        %swap3A_1066 = tpu.vector_load %arg8[%swap3A_1064, %swap3A_1065] {strides = array<i32>} : memref<80x144xf32, #tpu.memory_space<vmem>>, vector<16xf32>,
        tpu.vector_store %arg8[%swap3A_1064, %swap3A_1065], %mul3A_1061 {strides = array<i32>} : memref<80x144xf32, #tpu.memory_space<vmem>>, vector<16xf32>,
        %add3A_1067 = arith.constant 6 : i32
        %add3A_1068 = arith.addi %add3A_477, %add3A_1067 : i32
        %get3A_1069 = arith.index_cast %add3A_1068 : i32 to index
        %get3A_1070 = arith.constant 48 : index
        %get3A_1071 = tpu.vector_load %arg8[%get3A_1069, %get3A_1070] {strides = array<i32>} : memref<80x144xf32, #tpu.memory_space<vmem>>, vector<16xf32>,
        %mul3A_1072 = arith.mulf %get3A_1071, %gather3A_1033 : vector<16xf32>
        %add3A_1073 = arith.constant 6 : i32
        %add3A_1074 = arith.addi %add3A_477, %add3A_1073 : i32
        %swap3A_1075 = arith.index_cast %add3A_1074 : i32 to index
        %swap3A_1076 = arith.constant 48 : index
        %swap3A_1077 = tpu.vector_load %arg8[%swap3A_1075, %swap3A_1076] {strides = array<i32>} : memref<80x144xf32, #tpu.memory_space<vmem>>, vector<16xf32>,
        tpu.vector_store %arg8[%swap3A_1075, %swap3A_1076], %mul3A_1072 {strides = array<i32>} : memref<80x144xf32, #tpu.memory_space<vmem>>, vector<16xf32>,
        %add3A_1078 = arith.constant 6 : i32
        %add3A_1079 = arith.addi %add3A_477, %add3A_1078 : i32
        %get3A_1080 = arith.index_cast %add3A_1079 : i32 to index
        %get3A_1081 = arith.constant 64 : index
        %get3A_1082 = tpu.vector_load %arg8[%get3A_1080, %get3A_1081] {strides = array<i32>} : memref<80x144xf32, #tpu.memory_space<vmem>>, vector<16xf32>,
        %mul3A_1083 = arith.mulf %get3A_1082, %gather3A_1033 : vector<16xf32>
        %add3A_1084 = arith.constant 6 : i32
        %add3A_1085 = arith.addi %add3A_477, %add3A_1084 : i32
        %swap3A_1086 = arith.index_cast %add3A_1085 : i32 to index
        %swap3A_1087 = arith.constant 64 : index
        %swap3A_1088 = tpu.vector_load %arg8[%swap3A_1086, %swap3A_1087] {strides = array<i32>} : memref<80x144xf32, #tpu.memory_space<vmem>>, vector<16xf32>,
        tpu.vector_store %arg8[%swap3A_1086, %swap3A_1087], %mul3A_1083 {strides = array<i32>} : memref<80x144xf32, #tpu.memory_space<vmem>>, vector<16xf32>,
        %add3A_1089 = arith.constant 6 : i32
        %add3A_1090 = arith.addi %add3A_477, %add3A_1089 : i32
        %get3A_1091 = arith.index_cast %add3A_1090 : i32 to index
        %get3A_1092 = arith.constant 80 : index
        %get3A_1093 = tpu.vector_load %arg8[%get3A_1091, %get3A_1092] {strides = array<i32>} : memref<80x144xf32, #tpu.memory_space<vmem>>, vector<16xf32>,
        %mul3A_1094 = arith.mulf %get3A_1093, %gather3A_1033 : vector<16xf32>
        %add3A_1095 = arith.constant 6 : i32
        %add3A_1096 = arith.addi %add3A_477, %add3A_1095 : i32
        %swap3A_1097 = arith.index_cast %add3A_1096 : i32 to index
        %swap3A_1098 = arith.constant 80 : index
        %swap3A_1099 = tpu.vector_load %arg8[%swap3A_1097, %swap3A_1098] {strides = array<i32>} : memref<80x144xf32, #tpu.memory_space<vmem>>, vector<16xf32>,
        tpu.vector_store %arg8[%swap3A_1097, %swap3A_1098], %mul3A_1094 {strides = array<i32>} : memref<80x144xf32, #tpu.memory_space<vmem>>, vector<16xf32>,
        %add3A_1100 = arith.constant 6 : i32
        %add3A_1101 = arith.addi %add3A_477, %add3A_1100 : i32
        %get3A_1102 = arith.index_cast %add3A_1101 : i32 to index
        %get3A_1103 = arith.constant 96 : index
        %get3A_1104 = tpu.vector_load %arg8[%get3A_1102, %get3A_1103] {strides = array<i32>} : memref<80x144xf32, #tpu.memory_space<vmem>>, vector<16xf32>,
        %mul3A_1105 = arith.mulf %get3A_1104, %gather3A_1033 : vector<16xf32>
        %add3A_1106 = arith.constant 6 : i32
        %add3A_1107 = arith.addi %add3A_477, %add3A_1106 : i32
        %swap3A_1108 = arith.index_cast %add3A_1107 : i32 to index
        %swap3A_1109 = arith.constant 96 : index
        %swap3A_1110 = tpu.vector_load %arg8[%swap3A_1108, %swap3A_1109] {strides = array<i32>} : memref<80x144xf32, #tpu.memory_space<vmem>>, vector<16xf32>,
        tpu.vector_store %arg8[%swap3A_1108, %swap3A_1109], %mul3A_1105 {strides = array<i32>} : memref<80x144xf32, #tpu.memory_space<vmem>>, vector<16xf32>,
        %add3A_1111 = arith.constant 6 : i32
        %add3A_1112 = arith.addi %add3A_477, %add3A_1111 : i32
        %get3A_1113 = arith.index_cast %add3A_1112 : i32 to index
        %get3A_1114 = arith.constant 112 : index
        %get3A_1115 = tpu.vector_load %arg8[%get3A_1113, %get3A_1114] {strides = array<i32>} : memref<80x144xf32, #tpu.memory_space<vmem>>, vector<16xf32>,
        %mul3A_1116 = arith.mulf %get3A_1115, %gather3A_1033 : vector<16xf32>
        %add3A_1117 = arith.constant 6 : i32
        %add3A_1118 = arith.addi %add3A_477, %add3A_1117 : i32
        %swap3A_1119 = arith.index_cast %add3A_1118 : i32 to index
        %swap3A_1120 = arith.constant 112 : index
        %swap3A_1121 = tpu.vector_load %arg8[%swap3A_1119, %swap3A_1120] {strides = array<i32>} : memref<80x144xf32, #tpu.memory_space<vmem>>, vector<16xf32>,
        tpu.vector_store %arg8[%swap3A_1119, %swap3A_1120], %mul3A_1116 {strides = array<i32>} : memref<80x144xf32, #tpu.memory_space<vmem>>, vector<16xf32>,
        %add3A_1122 = arith.constant 7 : i32
        %add3A_1123 = arith.addi %add3A_477, %add3A_1122 : i32
        %broadcast_in_dim3A_1124 = vector.broadcast %add3A_1123 : i32 to vector<16xi32>
        %gather3A_1125 = tpu.vector_load_idx %arg17[%broadcast_in_dim3A_1124] : memref<80xf32, #tpu.memory_space<vmem>>[vector<16xi32>], vector<16xf32>,
        %add3A_1126 = arith.constant 7 : i32
        %add3A_1127 = arith.addi %add3A_477, %add3A_1126 : i32
        %get3A_1128 = arith.index_cast %add3A_1127 : i32 to index
        %get3A_1129 = arith.constant 0 : index
        %get3A_1130 = tpu.vector_load %arg8[%get3A_1128, %get3A_1129] {strides = array<i32>} : memref<80x144xf32, #tpu.memory_space<vmem>>, vector<16xf32>,
        %mul3A_1131 = arith.mulf %get3A_1130, %gather3A_1125 : vector<16xf32>
        %add3A_1132 = arith.constant 7 : i32
        %add3A_1133 = arith.addi %add3A_477, %add3A_1132 : i32
        %swap3A_1134 = arith.index_cast %add3A_1133 : i32 to index
        %swap3A_1135 = arith.constant 0 : index
        %swap3A_1136 = tpu.vector_load %arg8[%swap3A_1134, %swap3A_1135] {strides = array<i32>} : memref<80x144xf32, #tpu.memory_space<vmem>>, vector<16xf32>,
        tpu.vector_store %arg8[%swap3A_1134, %swap3A_1135], %mul3A_1131 {strides = array<i32>} : memref<80x144xf32, #tpu.memory_space<vmem>>, vector<16xf32>,
        %add3A_1137 = arith.constant 7 : i32
        %add3A_1138 = arith.addi %add3A_477, %add3A_1137 : i32
        %get3A_1139 = arith.index_cast %add3A_1138 : i32 to index
        %get3A_1140 = arith.constant 16 : index
        %get3A_1141 = tpu.vector_load %arg8[%get3A_1139, %get3A_1140] {strides = array<i32>} : memref<80x144xf32, #tpu.memory_space<vmem>>, vector<16xf32>,
        %mul3A_1142 = arith.mulf %get3A_1141, %gather3A_1125 : vector<16xf32>
        %add3A_1143 = arith.constant 7 : i32
        %add3A_1144 = arith.addi %add3A_477, %add3A_1143 : i32
        %swap3A_1145 = arith.index_cast %add3A_1144 : i32 to index
        %swap3A_1146 = arith.constant 16 : index
        %swap3A_1147 = tpu.vector_load %arg8[%swap3A_1145, %swap3A_1146] {strides = array<i32>} : memref<80x144xf32, #tpu.memory_space<vmem>>, vector<16xf32>,
        tpu.vector_store %arg8[%swap3A_1145, %swap3A_1146], %mul3A_1142 {strides = array<i32>} : memref<80x144xf32, #tpu.memory_space<vmem>>, vector<16xf32>,
        %add3A_1148 = arith.constant 7 : i32
        %add3A_1149 = arith.addi %add3A_477, %add3A_1148 : i32
        %get3A_1150 = arith.index_cast %add3A_1149 : i32 to index
        %get3A_1151 = arith.constant 32 : index
        %get3A_1152 = tpu.vector_load %arg8[%get3A_1150, %get3A_1151] {strides = array<i32>} : memref<80x144xf32, #tpu.memory_space<vmem>>, vector<16xf32>,
        %mul3A_1153 = arith.mulf %get3A_1152, %gather3A_1125 : vector<16xf32>
        %add3A_1154 = arith.constant 7 : i32
        %add3A_1155 = arith.addi %add3A_477, %add3A_1154 : i32
        %swap3A_1156 = arith.index_cast %add3A_1155 : i32 to index
        %swap3A_1157 = arith.constant 32 : index
        %swap3A_1158 = tpu.vector_load %arg8[%swap3A_1156, %swap3A_1157] {strides = array<i32>} : memref<80x144xf32, #tpu.memory_space<vmem>>, vector<16xf32>,
        tpu.vector_store %arg8[%swap3A_1156, %swap3A_1157], %mul3A_1153 {strides = array<i32>} : memref<80x144xf32, #tpu.memory_space<vmem>>, vector<16xf32>,
        %add3A_1159 = arith.constant 7 : i32
        %add3A_1160 = arith.addi %add3A_477, %add3A_1159 : i32
        %get3A_1161 = arith.index_cast %add3A_1160 : i32 to index
        %get3A_1162 = arith.constant 48 : index
        %get3A_1163 = tpu.vector_load %arg8[%get3A_1161, %get3A_1162] {strides = array<i32>} : memref<80x144xf32, #tpu.memory_space<vmem>>, vector<16xf32>,
        %mul3A_1164 = arith.mulf %get3A_1163, %gather3A_1125 : vector<16xf32>
        %add3A_1165 = arith.constant 7 : i32
        %add3A_1166 = arith.addi %add3A_477, %add3A_1165 : i32
        %swap3A_1167 = arith.index_cast %add3A_1166 : i32 to index
        %swap3A_1168 = arith.constant 48 : index
        %swap3A_1169 = tpu.vector_load %arg8[%swap3A_1167, %swap3A_1168] {strides = array<i32>} : memref<80x144xf32, #tpu.memory_space<vmem>>, vector<16xf32>,
        tpu.vector_store %arg8[%swap3A_1167, %swap3A_1168], %mul3A_1164 {strides = array<i32>} : memref<80x144xf32, #tpu.memory_space<vmem>>, vector<16xf32>,
        %add3A_1170 = arith.constant 7 : i32
        %add3A_1171 = arith.addi %add3A_477, %add3A_1170 : i32
        %get3A_1172 = arith.index_cast %add3A_1171 : i32 to index
        %get3A_1173 = arith.constant 64 : index
        %get3A_1174 = tpu.vector_load %arg8[%get3A_1172, %get3A_1173] {strides = array<i32>} : memref<80x144xf32, #tpu.memory_space<vmem>>, vector<16xf32>,
        %mul3A_1175 = arith.mulf %get3A_1174, %gather3A_1125 : vector<16xf32>
        %add3A_1176 = arith.constant 7 : i32
        %add3A_1177 = arith.addi %add3A_477, %add3A_1176 : i32
        %swap3A_1178 = arith.index_cast %add3A_1177 : i32 to index
        %swap3A_1179 = arith.constant 64 : index
        %swap3A_1180 = tpu.vector_load %arg8[%swap3A_1178, %swap3A_1179] {strides = array<i32>} : memref<80x144xf32, #tpu.memory_space<vmem>>, vector<16xf32>,
        tpu.vector_store %arg8[%swap3A_1178, %swap3A_1179], %mul3A_1175 {strides = array<i32>} : memref<80x144xf32, #tpu.memory_space<vmem>>, vector<16xf32>,
        %add3A_1181 = arith.constant 7 : i32
        %add3A_1182 = arith.addi %add3A_477, %add3A_1181 : i32
        %get3A_1183 = arith.index_cast %add3A_1182 : i32 to index
        %get3A_1184 = arith.constant 80 : index
        %get3A_1185 = tpu.vector_load %arg8[%get3A_1183, %get3A_1184] {strides = array<i32>} : memref<80x144xf32, #tpu.memory_space<vmem>>, vector<16xf32>,
        %mul3A_1186 = arith.mulf %get3A_1185, %gather3A_1125 : vector<16xf32>
        %add3A_1187 = arith.constant 7 : i32
        %add3A_1188 = arith.addi %add3A_477, %add3A_1187 : i32
        %swap3A_1189 = arith.index_cast %add3A_1188 : i32 to index
        %swap3A_1190 = arith.constant 80 : index
        %swap3A_1191 = tpu.vector_load %arg8[%swap3A_1189, %swap3A_1190] {strides = array<i32>} : memref<80x144xf32, #tpu.memory_space<vmem>>, vector<16xf32>,
        tpu.vector_store %arg8[%swap3A_1189, %swap3A_1190], %mul3A_1186 {strides = array<i32>} : memref<80x144xf32, #tpu.memory_space<vmem>>, vector<16xf32>,
        %add3A_1192 = arith.constant 7 : i32
        %add3A_1193 = arith.addi %add3A_477, %add3A_1192 : i32
        %get3A_1194 = arith.index_cast %add3A_1193 : i32 to index
        %get3A_1195 = arith.constant 96 : index
        %get3A_1196 = tpu.vector_load %arg8[%get3A_1194, %get3A_1195] {strides = array<i32>} : memref<80x144xf32, #tpu.memory_space<vmem>>, vector<16xf32>,
        %mul3A_1197 = arith.mulf %get3A_1196, %gather3A_1125 : vector<16xf32>
        %add3A_1198 = arith.constant 7 : i32
        %add3A_1199 = arith.addi %add3A_477, %add3A_1198 : i32
        %swap3A_1200 = arith.index_cast %add3A_1199 : i32 to index
        %swap3A_1201 = arith.constant 96 : index
        %swap3A_1202 = tpu.vector_load %arg8[%swap3A_1200, %swap3A_1201] {strides = array<i32>} : memref<80x144xf32, #tpu.memory_space<vmem>>, vector<16xf32>,
        tpu.vector_store %arg8[%swap3A_1200, %swap3A_1201], %mul3A_1197 {strides = array<i32>} : memref<80x144xf32, #tpu.memory_space<vmem>>, vector<16xf32>,
        %add3A_1203 = arith.constant 7 : i32
        %add3A_1204 = arith.addi %add3A_477, %add3A_1203 : i32
        %get3A_1205 = arith.index_cast %add3A_1204 : i32 to index
        %get3A_1206 = arith.constant 112 : index
        %get3A_1207 = tpu.vector_load %arg8[%get3A_1205, %get3A_1206] {strides = array<i32>} : memref<80x144xf32, #tpu.memory_space<vmem>>, vector<16xf32>,
        %mul3A_1208 = arith.mulf %get3A_1207, %gather3A_1125 : vector<16xf32>
        %add3A_1209 = arith.constant 7 : i32
        %add3A_1210 = arith.addi %add3A_477, %add3A_1209 : i32
        %swap3A_1211 = arith.index_cast %add3A_1210 : i32 to index
        %swap3A_1212 = arith.constant 112 : index
        %swap3A_1213 = tpu.vector_load %arg8[%swap3A_1211, %swap3A_1212] {strides = array<i32>} : memref<80x144xf32, #tpu.memory_space<vmem>>, vector<16xf32>,
        tpu.vector_store %arg8[%swap3A_1211, %swap3A_1212], %mul3A_1208 {strides = array<i32>} : memref<80x144xf32, #tpu.memory_space<vmem>>, vector<16xf32>,
      }
      %scan3A_469 = arith.constant 10 : i32
      %dma_start3A_470 = arith.constant 0 : i32
      %dma_start3A_471 = arith.constant 0 : i32
      %dma_start3A_472 = tpu.memref_slice %arg18[%dma_start3A_470, %dma_start3A_471] : memref<10000x144xf32, #tpu.memory_space<vmem_shared>> -> memref<10000x144xf32, #tpu.memory_space<vmem_shared>>
      tpu.enqueue_indirect_dma source(%arg8 : memref<80x144xf32, #tpu.memory_space<vmem>>) target(%dma_start3A_472 : memref<10000x144xf32, #tpu.memory_space<vmem_shared>>) offsets(%arg16 : memref<80xi32, #tpu.memory_space<vmem>>) semaphore(%arg22 : memref<!tpu.dma_semaphore, #tpu.memory_space<semaphore_mem>>) {add = true}
    }
    %scan3A_54 = arith.constant 62 : i32
    %dma_wait3A = arith.constant 0 : i32
    %dma_wait3A_55 = arith.constant 0 : i32
    %dma_wait3A_56 = tpu.memref_slice %arg18[%dma_wait3A, %dma_wait3A_55] : memref<10000x144xf32, #tpu.memory_space<vmem_shared>> -> memref<10000x144xf32, #tpu.memory_space<vmem_shared>>
    tpu.wait_indirect_dma semaphore(%arg22 : memref<!tpu.dma_semaphore, #tpu.memory_space<semaphore_mem>>) src(%arg8 : memref<80x144xf32, #tpu.memory_space<vmem>>) dst(%dma_wait3A_56 : memref<10000x144xf32, #tpu.memory_space<vmem_shared>>)
    %dma_wait3A_57 = arith.constant 0 : i32
    %dma_wait3A_58 = arith.constant 0 : i32
    %dma_wait3A_59 = tpu.memref_slice %arg2[%dma_wait3A_57, %dma_wait3A_58] : memref<10000x144xf32, #tpu.memory_space<hbm>> -> memref<10000x144xf32, #tpu.memory_space<hbm>>
    tpu.wait_indirect_dma semaphore(%arg19 : memref<!tpu.dma_semaphore, #tpu.memory_space<semaphore_mem>>) src(%dma_wait3A_59 : memref<10000x144xf32, #tpu.memory_space<hbm>>) dst(%arg7 : memref<80x144xf32, #tpu.memory_space<vmem>>)
    %dma_wait3A_60 = arith.constant 0 : i32
    %dma_wait3A_61 = arith.constant 0 : i32
    %dma_wait3A_62 = tpu.memref_slice %arg3[%dma_wait3A_60, %dma_wait3A_61] : memref<10000x16xf32, #tpu.memory_space<hbm>> -> memref<10000x16xf32, #tpu.memory_space<hbm>>
    tpu.wait_indirect_dma semaphore(%arg19 : memref<!tpu.dma_semaphore, #tpu.memory_space<semaphore_mem>>) src(%dma_wait3A_62 : memref<10000x16xf32, #tpu.memory_space<hbm>>) dst(%arg9 : memref<80x16xf32, #tpu.memory_space<vmem>>)
    %get3A = arith.constant 0 : index
    %get3A_63 = tpu.vector_load %arg13[%get3A] {strides = array<i32>} : memref<80xi32, #tpu.memory_space<vmem>>, vector<16xi32>,
    %swap3A = arith.constant 0 : index
    %swap3A_64 = tpu.vector_load %arg15[%swap3A] {strides = array<i32>} : memref<80xi32, #tpu.memory_space<vmem>>, vector<16xi32>,
    tpu.vector_store %arg15[%swap3A], %get3A_63 {strides = array<i32>} : memref<80xi32, #tpu.memory_space<vmem>>, vector<16xi32>,
    %get3A_65 = arith.constant 16 : index
    %get3A_66 = tpu.vector_load %arg13[%get3A_65] {strides = array<i32>} : memref<80xi32, #tpu.memory_space<vmem>>, vector<16xi32>,
    %swap3A_67 = arith.constant 16 : index
    %swap3A_68 = tpu.vector_load %arg15[%swap3A_67] {strides = array<i32>} : memref<80xi32, #tpu.memory_space<vmem>>, vector<16xi32>,
    tpu.vector_store %arg15[%swap3A_67], %get3A_66 {strides = array<i32>} : memref<80xi32, #tpu.memory_space<vmem>>, vector<16xi32>,
    %get3A_69 = arith.constant 32 : index
    %get3A_70 = tpu.vector_load %arg13[%get3A_69] {strides = array<i32>} : memref<80xi32, #tpu.memory_space<vmem>>, vector<16xi32>,
    %swap3A_71 = arith.constant 32 : index
    %swap3A_72 = tpu.vector_load %arg15[%swap3A_71] {strides = array<i32>} : memref<80xi32, #tpu.memory_space<vmem>>, vector<16xi32>,
    tpu.vector_store %arg15[%swap3A_71], %get3A_70 {strides = array<i32>} : memref<80xi32, #tpu.memory_space<vmem>>, vector<16xi32>,
    %get3A_73 = arith.constant 48 : index
    %get3A_74 = tpu.vector_load %arg13[%get3A_73] {strides = array<i32>} : memref<80xi32, #tpu.memory_space<vmem>>, vector<16xi32>,
    %swap3A_75 = arith.constant 48 : index
    %swap3A_76 = tpu.vector_load %arg15[%swap3A_75] {strides = array<i32>} : memref<80xi32, #tpu.memory_space<vmem>>, vector<16xi32>,
    tpu.vector_store %arg15[%swap3A_75], %get3A_74 {strides = array<i32>} : memref<80xi32, #tpu.memory_space<vmem>>, vector<16xi32>,
    %get3A_77 = arith.constant 64 : index
    %get3A_78 = tpu.vector_load %arg13[%get3A_77] {strides = array<i32>} : memref<80xi32, #tpu.memory_space<vmem>>, vector<16xi32>,
    %swap3A_79 = arith.constant 64 : index
    %swap3A_80 = tpu.vector_load %arg15[%swap3A_79] {strides = array<i32>} : memref<80xi32, #tpu.memory_space<vmem>>, vector<16xi32>,
    tpu.vector_store %arg15[%swap3A_79], %get3A_78 {strides = array<i32>} : memref<80xi32, #tpu.memory_space<vmem>>, vector<16xi32>,
    %add3A_81 = arith.constant 0 : i32
    %add3A_82 = vector.broadcast %add3A_81 : i32 to vector<16xi32>
    %add3A_83 = arith.addi %iota3A, %add3A_82 : vector<16xi32>
    %gather3A = tpu.vector_load_idx %arg7[%add3A_83, %broadcast_in_dim3A_5] : memref<80x144xf32, #tpu.memory_space<vmem>>[vector<16xi32>, vector<16xi32>], vector<16xf32>,
    %gather3A_84 = tpu.vector_load_idx %arg9[%add3A_83, %broadcast_in_dim3A_7] : memref<80x16xf32, #tpu.memory_space<vmem>>[vector<16xi32>, vector<16xi32>], vector<16xf32>,
    %add3A_85 = arith.addf %gather3A, %gather3A_84 : vector<16xf32>
    %ge3A = arith.constant 0.000000e+00 : f32
    %ge3A_86 = vector.broadcast %ge3A : f32 to vector<16xf32>
    %ge3A_87 = arith.cmpf oge, %add3A_85, %ge3A_86 : vector<16xf32>
    %mul3A_88 = arith.constant 2.000000e-01 : f32
    %mul3A_89 = vector.broadcast %mul3A_88 : f32 to vector<16xf32>
    %mul3A_90 = arith.mulf %mul3A_89, %add3A_85 : vector<16xf32>
    %select_n3A = arith.select %ge3A_87, %add3A_85, %mul3A_90 : vector<16xi1>, vector<16xf32>
    %exp3A = math.exp %select_n3A : vector<16xf32>
    %swap3A_91 = arith.constant 0 : index
    %swap3A_92 = tpu.vector_load %arg17[%swap3A_91] {strides = array<i32>} : memref<80xf32, #tpu.memory_space<vmem>>, vector<16xf32>,
    tpu.vector_store %arg17[%swap3A_91], %exp3A {strides = array<i32>} : memref<80xf32, #tpu.memory_space<vmem>>, vector<16xf32>,
    tpu.vector_store_idx %arg7[%add3A_83, %broadcast_in_dim3A_5], %exp3A : memref<80x144xf32, #tpu.memory_space<vmem>>[vector<16xi32>, vector<16xi32>], vector<16xf32>,
    %add3A_93 = arith.constant 16 : i32
    %add3A_94 = vector.broadcast %add3A_93 : i32 to vector<16xi32>
    %add3A_95 = arith.addi %iota3A, %add3A_94 : vector<16xi32>
    %gather3A_96 = tpu.vector_load_idx %arg7[%add3A_95, %broadcast_in_dim3A_5] : memref<80x144xf32, #tpu.memory_space<vmem>>[vector<16xi32>, vector<16xi32>], vector<16xf32>,
    %gather3A_97 = tpu.vector_load_idx %arg9[%add3A_95, %broadcast_in_dim3A_7] : memref<80x16xf32, #tpu.memory_space<vmem>>[vector<16xi32>, vector<16xi32>], vector<16xf32>,
    %add3A_98 = arith.addf %gather3A_96, %gather3A_97 : vector<16xf32>
    %ge3A_99 = arith.constant 0.000000e+00 : f32
    %ge3A_100 = vector.broadcast %ge3A_99 : f32 to vector<16xf32>
    %ge3A_101 = arith.cmpf oge, %add3A_98, %ge3A_100 : vector<16xf32>
    %mul3A_102 = arith.constant 2.000000e-01 : f32
    %mul3A_103 = vector.broadcast %mul3A_102 : f32 to vector<16xf32>
    %mul3A_104 = arith.mulf %mul3A_103, %add3A_98 : vector<16xf32>
    %select_n3A_105 = arith.select %ge3A_101, %add3A_98, %mul3A_104 : vector<16xi1>, vector<16xf32>
    %exp3A_106 = math.exp %select_n3A_105 : vector<16xf32>
    %swap3A_107 = arith.constant 16 : index
    %swap3A_108 = tpu.vector_load %arg17[%swap3A_107] {strides = array<i32>} : memref<80xf32, #tpu.memory_space<vmem>>, vector<16xf32>,
    tpu.vector_store %arg17[%swap3A_107], %exp3A_106 {strides = array<i32>} : memref<80xf32, #tpu.memory_space<vmem>>, vector<16xf32>,
    tpu.vector_store_idx %arg7[%add3A_95, %broadcast_in_dim3A_5], %exp3A_106 : memref<80x144xf32, #tpu.memory_space<vmem>>[vector<16xi32>, vector<16xi32>], vector<16xf32>,
    %add3A_109 = arith.constant 32 : i32
    %add3A_110 = vector.broadcast %add3A_109 : i32 to vector<16xi32>
    %add3A_111 = arith.addi %iota3A, %add3A_110 : vector<16xi32>
    %gather3A_112 = tpu.vector_load_idx %arg7[%add3A_111, %broadcast_in_dim3A_5] : memref<80x144xf32, #tpu.memory_space<vmem>>[vector<16xi32>, vector<16xi32>], vector<16xf32>,
    %gather3A_113 = tpu.vector_load_idx %arg9[%add3A_111, %broadcast_in_dim3A_7] : memref<80x16xf32, #tpu.memory_space<vmem>>[vector<16xi32>, vector<16xi32>], vector<16xf32>,
    %add3A_114 = arith.addf %gather3A_112, %gather3A_113 : vector<16xf32>
    %ge3A_115 = arith.constant 0.000000e+00 : f32
    %ge3A_116 = vector.broadcast %ge3A_115 : f32 to vector<16xf32>
    %ge3A_117 = arith.cmpf oge, %add3A_114, %ge3A_116 : vector<16xf32>
    %mul3A_118 = arith.constant 2.000000e-01 : f32
    %mul3A_119 = vector.broadcast %mul3A_118 : f32 to vector<16xf32>
    %mul3A_120 = arith.mulf %mul3A_119, %add3A_114 : vector<16xf32>
    %select_n3A_121 = arith.select %ge3A_117, %add3A_114, %mul3A_120 : vector<16xi1>, vector<16xf32>
    %exp3A_122 = math.exp %select_n3A_121 : vector<16xf32>
    %swap3A_123 = arith.constant 32 : index
    %swap3A_124 = tpu.vector_load %arg17[%swap3A_123] {strides = array<i32>} : memref<80xf32, #tpu.memory_space<vmem>>, vector<16xf32>,
    tpu.vector_store %arg17[%swap3A_123], %exp3A_122 {strides = array<i32>} : memref<80xf32, #tpu.memory_space<vmem>>, vector<16xf32>,
    tpu.vector_store_idx %arg7[%add3A_111, %broadcast_in_dim3A_5], %exp3A_122 : memref<80x144xf32, #tpu.memory_space<vmem>>[vector<16xi32>, vector<16xi32>], vector<16xf32>,
    %add3A_125 = arith.constant 48 : i32
    %add3A_126 = vector.broadcast %add3A_125 : i32 to vector<16xi32>
    %add3A_127 = arith.addi %iota3A, %add3A_126 : vector<16xi32>
    %gather3A_128 = tpu.vector_load_idx %arg7[%add3A_127, %broadcast_in_dim3A_5] : memref<80x144xf32, #tpu.memory_space<vmem>>[vector<16xi32>, vector<16xi32>], vector<16xf32>,
    %gather3A_129 = tpu.vector_load_idx %arg9[%add3A_127, %broadcast_in_dim3A_7] : memref<80x16xf32, #tpu.memory_space<vmem>>[vector<16xi32>, vector<16xi32>], vector<16xf32>,
    %add3A_130 = arith.addf %gather3A_128, %gather3A_129 : vector<16xf32>
    %ge3A_131 = arith.constant 0.000000e+00 : f32
    %ge3A_132 = vector.broadcast %ge3A_131 : f32 to vector<16xf32>
    %ge3A_133 = arith.cmpf oge, %add3A_130, %ge3A_132 : vector<16xf32>
    %mul3A_134 = arith.constant 2.000000e-01 : f32
    %mul3A_135 = vector.broadcast %mul3A_134 : f32 to vector<16xf32>
    %mul3A_136 = arith.mulf %mul3A_135, %add3A_130 : vector<16xf32>
    %select_n3A_137 = arith.select %ge3A_133, %add3A_130, %mul3A_136 : vector<16xi1>, vector<16xf32>
    %exp3A_138 = math.exp %select_n3A_137 : vector<16xf32>
    %swap3A_139 = arith.constant 48 : index
    %swap3A_140 = tpu.vector_load %arg17[%swap3A_139] {strides = array<i32>} : memref<80xf32, #tpu.memory_space<vmem>>, vector<16xf32>,
    tpu.vector_store %arg17[%swap3A_139], %exp3A_138 {strides = array<i32>} : memref<80xf32, #tpu.memory_space<vmem>>, vector<16xf32>,
    tpu.vector_store_idx %arg7[%add3A_127, %broadcast_in_dim3A_5], %exp3A_138 : memref<80x144xf32, #tpu.memory_space<vmem>>[vector<16xi32>, vector<16xi32>], vector<16xf32>,
    %add3A_141 = arith.constant 64 : i32
    %add3A_142 = vector.broadcast %add3A_141 : i32 to vector<16xi32>
    %add3A_143 = arith.addi %iota3A, %add3A_142 : vector<16xi32>
    %gather3A_144 = tpu.vector_load_idx %arg7[%add3A_143, %broadcast_in_dim3A_5] : memref<80x144xf32, #tpu.memory_space<vmem>>[vector<16xi32>, vector<16xi32>], vector<16xf32>,
    %gather3A_145 = tpu.vector_load_idx %arg9[%add3A_143, %broadcast_in_dim3A_7] : memref<80x16xf32, #tpu.memory_space<vmem>>[vector<16xi32>, vector<16xi32>], vector<16xf32>,
    %add3A_146 = arith.addf %gather3A_144, %gather3A_145 : vector<16xf32>
    %ge3A_147 = arith.constant 0.000000e+00 : f32
    %ge3A_148 = vector.broadcast %ge3A_147 : f32 to vector<16xf32>
    %ge3A_149 = arith.cmpf oge, %add3A_146, %ge3A_148 : vector<16xf32>
    %mul3A_150 = arith.constant 2.000000e-01 : f32
    %mul3A_151 = vector.broadcast %mul3A_150 : f32 to vector<16xf32>
    %mul3A_152 = arith.mulf %mul3A_151, %add3A_146 : vector<16xf32>
    %select_n3A_153 = arith.select %ge3A_149, %add3A_146, %mul3A_152 : vector<16xi1>, vector<16xf32>
    %exp3A_154 = math.exp %select_n3A_153 : vector<16xf32>
    %swap3A_155 = arith.constant 64 : index
    %swap3A_156 = tpu.vector_load %arg17[%swap3A_155] {strides = array<i32>} : memref<80xf32, #tpu.memory_space<vmem>>, vector<16xf32>,
    tpu.vector_store %arg17[%swap3A_155], %exp3A_154 {strides = array<i32>} : memref<80xf32, #tpu.memory_space<vmem>>, vector<16xf32>,
    tpu.vector_store_idx %arg7[%add3A_143, %broadcast_in_dim3A_5], %exp3A_154 : memref<80x144xf32, #tpu.memory_space<vmem>>[vector<16xi32>, vector<16xi32>], vector<16xf32>,
    %scan3A_157 = arith.constant 0 : i32
    %scan3A_158 = arith.constant 10 : i32
    %scan3A_159 = arith.addi %scan3A_157, %scan3A_158 : i32
    %scan3A_160 = arith.constant 1 : i32
    scf.for %scan3A_175 = %scan3A_157 to %scan3A_159 step %scan3A_160  : i32 {
      %mul3A_176 = arith.constant 8 : i32
      %mul3A_177 = arith.muli %scan3A_175, %mul3A_176 : i32
      %add3A_178 = arith.constant 0 : i32
      %add3A_179 = arith.addi %add3A_178, %mul3A_177 : i32
      %add3A_180 = arith.constant 0 : i32
      %add3A_181 = arith.addi %add3A_179, %add3A_180 : i32
      %broadcast_in_dim3A_182 = vector.broadcast %add3A_181 : i32 to vector<16xi32>
      %gather3A_183 = tpu.vector_load_idx %arg17[%broadcast_in_dim3A_182] : memref<80xf32, #tpu.memory_space<vmem>>[vector<16xi32>], vector<16xf32>,
      %add3A_184 = arith.constant 0 : i32
      %add3A_185 = arith.addi %add3A_179, %add3A_184 : i32
      %get3A_186 = arith.index_cast %add3A_185 : i32 to index
      %get3A_187 = arith.constant 0 : index
      %get3A_188 = tpu.vector_load %arg7[%get3A_186, %get3A_187] {strides = array<i32>} : memref<80x144xf32, #tpu.memory_space<vmem>>, vector<16xf32>,
      %mul3A_189 = arith.mulf %get3A_188, %gather3A_183 : vector<16xf32>
      %add3A_190 = arith.constant 0 : i32
      %add3A_191 = arith.addi %add3A_179, %add3A_190 : i32
      %swap3A_192 = arith.index_cast %add3A_191 : i32 to index
      %swap3A_193 = arith.constant 0 : index
      %swap3A_194 = tpu.vector_load %arg7[%swap3A_192, %swap3A_193] {strides = array<i32>} : memref<80x144xf32, #tpu.memory_space<vmem>>, vector<16xf32>,
      tpu.vector_store %arg7[%swap3A_192, %swap3A_193], %mul3A_189 {strides = array<i32>} : memref<80x144xf32, #tpu.memory_space<vmem>>, vector<16xf32>,
      %add3A_195 = arith.constant 0 : i32
      %add3A_196 = arith.addi %add3A_179, %add3A_195 : i32
      %get3A_197 = arith.index_cast %add3A_196 : i32 to index
      %get3A_198 = arith.constant 16 : index
      %get3A_199 = tpu.vector_load %arg7[%get3A_197, %get3A_198] {strides = array<i32>} : memref<80x144xf32, #tpu.memory_space<vmem>>, vector<16xf32>,
      %mul3A_200 = arith.mulf %get3A_199, %gather3A_183 : vector<16xf32>
      %add3A_201 = arith.constant 0 : i32
      %add3A_202 = arith.addi %add3A_179, %add3A_201 : i32
      %swap3A_203 = arith.index_cast %add3A_202 : i32 to index
      %swap3A_204 = arith.constant 16 : index
      %swap3A_205 = tpu.vector_load %arg7[%swap3A_203, %swap3A_204] {strides = array<i32>} : memref<80x144xf32, #tpu.memory_space<vmem>>, vector<16xf32>,
      tpu.vector_store %arg7[%swap3A_203, %swap3A_204], %mul3A_200 {strides = array<i32>} : memref<80x144xf32, #tpu.memory_space<vmem>>, vector<16xf32>,
      %add3A_206 = arith.constant 0 : i32
      %add3A_207 = arith.addi %add3A_179, %add3A_206 : i32
      %get3A_208 = arith.index_cast %add3A_207 : i32 to index
      %get3A_209 = arith.constant 32 : index
      %get3A_210 = tpu.vector_load %arg7[%get3A_208, %get3A_209] {strides = array<i32>} : memref<80x144xf32, #tpu.memory_space<vmem>>, vector<16xf32>,
      %mul3A_211 = arith.mulf %get3A_210, %gather3A_183 : vector<16xf32>
      %add3A_212 = arith.constant 0 : i32
      %add3A_213 = arith.addi %add3A_179, %add3A_212 : i32
      %swap3A_214 = arith.index_cast %add3A_213 : i32 to index
      %swap3A_215 = arith.constant 32 : index
      %swap3A_216 = tpu.vector_load %arg7[%swap3A_214, %swap3A_215] {strides = array<i32>} : memref<80x144xf32, #tpu.memory_space<vmem>>, vector<16xf32>,
      tpu.vector_store %arg7[%swap3A_214, %swap3A_215], %mul3A_211 {strides = array<i32>} : memref<80x144xf32, #tpu.memory_space<vmem>>, vector<16xf32>,
      %add3A_217 = arith.constant 0 : i32
      %add3A_218 = arith.addi %add3A_179, %add3A_217 : i32
      %get3A_219 = arith.index_cast %add3A_218 : i32 to index
      %get3A_220 = arith.constant 48 : index
      %get3A_221 = tpu.vector_load %arg7[%get3A_219, %get3A_220] {strides = array<i32>} : memref<80x144xf32, #tpu.memory_space<vmem>>, vector<16xf32>,
      %mul3A_222 = arith.mulf %get3A_221, %gather3A_183 : vector<16xf32>
      %add3A_223 = arith.constant 0 : i32
      %add3A_224 = arith.addi %add3A_179, %add3A_223 : i32
      %swap3A_225 = arith.index_cast %add3A_224 : i32 to index
      %swap3A_226 = arith.constant 48 : index
      %swap3A_227 = tpu.vector_load %arg7[%swap3A_225, %swap3A_226] {strides = array<i32>} : memref<80x144xf32, #tpu.memory_space<vmem>>, vector<16xf32>,
      tpu.vector_store %arg7[%swap3A_225, %swap3A_226], %mul3A_222 {strides = array<i32>} : memref<80x144xf32, #tpu.memory_space<vmem>>, vector<16xf32>,
      %add3A_228 = arith.constant 0 : i32
      %add3A_229 = arith.addi %add3A_179, %add3A_228 : i32
      %get3A_230 = arith.index_cast %add3A_229 : i32 to index
      %get3A_231 = arith.constant 64 : index
      %get3A_232 = tpu.vector_load %arg7[%get3A_230, %get3A_231] {strides = array<i32>} : memref<80x144xf32, #tpu.memory_space<vmem>>, vector<16xf32>,
      %mul3A_233 = arith.mulf %get3A_232, %gather3A_183 : vector<16xf32>
      %add3A_234 = arith.constant 0 : i32
      %add3A_235 = arith.addi %add3A_179, %add3A_234 : i32
      %swap3A_236 = arith.index_cast %add3A_235 : i32 to index
      %swap3A_237 = arith.constant 64 : index
      %swap3A_238 = tpu.vector_load %arg7[%swap3A_236, %swap3A_237] {strides = array<i32>} : memref<80x144xf32, #tpu.memory_space<vmem>>, vector<16xf32>,
      tpu.vector_store %arg7[%swap3A_236, %swap3A_237], %mul3A_233 {strides = array<i32>} : memref<80x144xf32, #tpu.memory_space<vmem>>, vector<16xf32>,
      %add3A_239 = arith.constant 0 : i32
      %add3A_240 = arith.addi %add3A_179, %add3A_239 : i32
      %get3A_241 = arith.index_cast %add3A_240 : i32 to index
      %get3A_242 = arith.constant 80 : index
      %get3A_243 = tpu.vector_load %arg7[%get3A_241, %get3A_242] {strides = array<i32>} : memref<80x144xf32, #tpu.memory_space<vmem>>, vector<16xf32>,
      %mul3A_244 = arith.mulf %get3A_243, %gather3A_183 : vector<16xf32>
      %add3A_245 = arith.constant 0 : i32
      %add3A_246 = arith.addi %add3A_179, %add3A_245 : i32
      %swap3A_247 = arith.index_cast %add3A_246 : i32 to index
      %swap3A_248 = arith.constant 80 : index
      %swap3A_249 = tpu.vector_load %arg7[%swap3A_247, %swap3A_248] {strides = array<i32>} : memref<80x144xf32, #tpu.memory_space<vmem>>, vector<16xf32>,
      tpu.vector_store %arg7[%swap3A_247, %swap3A_248], %mul3A_244 {strides = array<i32>} : memref<80x144xf32, #tpu.memory_space<vmem>>, vector<16xf32>,
      %add3A_250 = arith.constant 0 : i32
      %add3A_251 = arith.addi %add3A_179, %add3A_250 : i32
      %get3A_252 = arith.index_cast %add3A_251 : i32 to index
      %get3A_253 = arith.constant 96 : index
      %get3A_254 = tpu.vector_load %arg7[%get3A_252, %get3A_253] {strides = array<i32>} : memref<80x144xf32, #tpu.memory_space<vmem>>, vector<16xf32>,
      %mul3A_255 = arith.mulf %get3A_254, %gather3A_183 : vector<16xf32>
      %add3A_256 = arith.constant 0 : i32
      %add3A_257 = arith.addi %add3A_179, %add3A_256 : i32
      %swap3A_258 = arith.index_cast %add3A_257 : i32 to index
      %swap3A_259 = arith.constant 96 : index
      %swap3A_260 = tpu.vector_load %arg7[%swap3A_258, %swap3A_259] {strides = array<i32>} : memref<80x144xf32, #tpu.memory_space<vmem>>, vector<16xf32>,
      tpu.vector_store %arg7[%swap3A_258, %swap3A_259], %mul3A_255 {strides = array<i32>} : memref<80x144xf32, #tpu.memory_space<vmem>>, vector<16xf32>,
      %add3A_261 = arith.constant 0 : i32
      %add3A_262 = arith.addi %add3A_179, %add3A_261 : i32
      %get3A_263 = arith.index_cast %add3A_262 : i32 to index
      %get3A_264 = arith.constant 112 : index
      %get3A_265 = tpu.vector_load %arg7[%get3A_263, %get3A_264] {strides = array<i32>} : memref<80x144xf32, #tpu.memory_space<vmem>>, vector<16xf32>,
      %mul3A_266 = arith.mulf %get3A_265, %gather3A_183 : vector<16xf32>
      %add3A_267 = arith.constant 0 : i32
      %add3A_268 = arith.addi %add3A_179, %add3A_267 : i32
      %swap3A_269 = arith.index_cast %add3A_268 : i32 to index
      %swap3A_270 = arith.constant 112 : index
      %swap3A_271 = tpu.vector_load %arg7[%swap3A_269, %swap3A_270] {strides = array<i32>} : memref<80x144xf32, #tpu.memory_space<vmem>>, vector<16xf32>,
      tpu.vector_store %arg7[%swap3A_269, %swap3A_270], %mul3A_266 {strides = array<i32>} : memref<80x144xf32, #tpu.memory_space<vmem>>, vector<16xf32>,
      %add3A_272 = arith.constant 1 : i32
      %add3A_273 = arith.addi %add3A_179, %add3A_272 : i32
      %broadcast_in_dim3A_274 = vector.broadcast %add3A_273 : i32 to vector<16xi32>
      %gather3A_275 = tpu.vector_load_idx %arg17[%broadcast_in_dim3A_274] : memref<80xf32, #tpu.memory_space<vmem>>[vector<16xi32>], vector<16xf32>,
      %add3A_276 = arith.constant 1 : i32
      %add3A_277 = arith.addi %add3A_179, %add3A_276 : i32
      %get3A_278 = arith.index_cast %add3A_277 : i32 to index
      %get3A_279 = arith.constant 0 : index
      %get3A_280 = tpu.vector_load %arg7[%get3A_278, %get3A_279] {strides = array<i32>} : memref<80x144xf32, #tpu.memory_space<vmem>>, vector<16xf32>,
      %mul3A_281 = arith.mulf %get3A_280, %gather3A_275 : vector<16xf32>
      %add3A_282 = arith.constant 1 : i32
      %add3A_283 = arith.addi %add3A_179, %add3A_282 : i32
      %swap3A_284 = arith.index_cast %add3A_283 : i32 to index
      %swap3A_285 = arith.constant 0 : index
      %swap3A_286 = tpu.vector_load %arg7[%swap3A_284, %swap3A_285] {strides = array<i32>} : memref<80x144xf32, #tpu.memory_space<vmem>>, vector<16xf32>,
      tpu.vector_store %arg7[%swap3A_284, %swap3A_285], %mul3A_281 {strides = array<i32>} : memref<80x144xf32, #tpu.memory_space<vmem>>, vector<16xf32>,
      %add3A_287 = arith.constant 1 : i32
      %add3A_288 = arith.addi %add3A_179, %add3A_287 : i32
      %get3A_289 = arith.index_cast %add3A_288 : i32 to index
      %get3A_290 = arith.constant 16 : index
      %get3A_291 = tpu.vector_load %arg7[%get3A_289, %get3A_290] {strides = array<i32>} : memref<80x144xf32, #tpu.memory_space<vmem>>, vector<16xf32>,
      %mul3A_292 = arith.mulf %get3A_291, %gather3A_275 : vector<16xf32>
      %add3A_293 = arith.constant 1 : i32
      %add3A_294 = arith.addi %add3A_179, %add3A_293 : i32
      %swap3A_295 = arith.index_cast %add3A_294 : i32 to index
      %swap3A_296 = arith.constant 16 : index
      %swap3A_297 = tpu.vector_load %arg7[%swap3A_295, %swap3A_296] {strides = array<i32>} : memref<80x144xf32, #tpu.memory_space<vmem>>, vector<16xf32>,
      tpu.vector_store %arg7[%swap3A_295, %swap3A_296], %mul3A_292 {strides = array<i32>} : memref<80x144xf32, #tpu.memory_space<vmem>>, vector<16xf32>,
      %add3A_298 = arith.constant 1 : i32
      %add3A_299 = arith.addi %add3A_179, %add3A_298 : i32
      %get3A_300 = arith.index_cast %add3A_299 : i32 to index
      %get3A_301 = arith.constant 32 : index
      %get3A_302 = tpu.vector_load %arg7[%get3A_300, %get3A_301] {strides = array<i32>} : memref<80x144xf32, #tpu.memory_space<vmem>>, vector<16xf32>,
      %mul3A_303 = arith.mulf %get3A_302, %gather3A_275 : vector<16xf32>
      %add3A_304 = arith.constant 1 : i32
      %add3A_305 = arith.addi %add3A_179, %add3A_304 : i32
      %swap3A_306 = arith.index_cast %add3A_305 : i32 to index
      %swap3A_307 = arith.constant 32 : index
      %swap3A_308 = tpu.vector_load %arg7[%swap3A_306, %swap3A_307] {strides = array<i32>} : memref<80x144xf32, #tpu.memory_space<vmem>>, vector<16xf32>,
      tpu.vector_store %arg7[%swap3A_306, %swap3A_307], %mul3A_303 {strides = array<i32>} : memref<80x144xf32, #tpu.memory_space<vmem>>, vector<16xf32>,
      %add3A_309 = arith.constant 1 : i32
      %add3A_310 = arith.addi %add3A_179, %add3A_309 : i32
      %get3A_311 = arith.index_cast %add3A_310 : i32 to index
      %get3A_312 = arith.constant 48 : index
      %get3A_313 = tpu.vector_load %arg7[%get3A_311, %get3A_312] {strides = array<i32>} : memref<80x144xf32, #tpu.memory_space<vmem>>, vector<16xf32>,
      %mul3A_314 = arith.mulf %get3A_313, %gather3A_275 : vector<16xf32>
      %add3A_315 = arith.constant 1 : i32
      %add3A_316 = arith.addi %add3A_179, %add3A_315 : i32
      %swap3A_317 = arith.index_cast %add3A_316 : i32 to index
      %swap3A_318 = arith.constant 48 : index
      %swap3A_319 = tpu.vector_load %arg7[%swap3A_317, %swap3A_318] {strides = array<i32>} : memref<80x144xf32, #tpu.memory_space<vmem>>, vector<16xf32>,
      tpu.vector_store %arg7[%swap3A_317, %swap3A_318], %mul3A_314 {strides = array<i32>} : memref<80x144xf32, #tpu.memory_space<vmem>>, vector<16xf32>,
      %add3A_320 = arith.constant 1 : i32
      %add3A_321 = arith.addi %add3A_179, %add3A_320 : i32
      %get3A_322 = arith.index_cast %add3A_321 : i32 to index
      %get3A_323 = arith.constant 64 : index
      %get3A_324 = tpu.vector_load %arg7[%get3A_322, %get3A_323] {strides = array<i32>} : memref<80x144xf32, #tpu.memory_space<vmem>>, vector<16xf32>,
      %mul3A_325 = arith.mulf %get3A_324, %gather3A_275 : vector<16xf32>
      %add3A_326 = arith.constant 1 : i32
      %add3A_327 = arith.addi %add3A_179, %add3A_326 : i32
      %swap3A_328 = arith.index_cast %add3A_327 : i32 to index
      %swap3A_329 = arith.constant 64 : index
      %swap3A_330 = tpu.vector_load %arg7[%swap3A_328, %swap3A_329] {strides = array<i32>} : memref<80x144xf32, #tpu.memory_space<vmem>>, vector<16xf32>,
      tpu.vector_store %arg7[%swap3A_328, %swap3A_329], %mul3A_325 {strides = array<i32>} : memref<80x144xf32, #tpu.memory_space<vmem>>, vector<16xf32>,
      %add3A_331 = arith.constant 1 : i32
      %add3A_332 = arith.addi %add3A_179, %add3A_331 : i32
      %get3A_333 = arith.index_cast %add3A_332 : i32 to index
      %get3A_334 = arith.constant 80 : index
      %get3A_335 = tpu.vector_load %arg7[%get3A_333, %get3A_334] {strides = array<i32>} : memref<80x144xf32, #tpu.memory_space<vmem>>, vector<16xf32>,
      %mul3A_336 = arith.mulf %get3A_335, %gather3A_275 : vector<16xf32>
      %add3A_337 = arith.constant 1 : i32
      %add3A_338 = arith.addi %add3A_179, %add3A_337 : i32
      %swap3A_339 = arith.index_cast %add3A_338 : i32 to index
      %swap3A_340 = arith.constant 80 : index
      %swap3A_341 = tpu.vector_load %arg7[%swap3A_339, %swap3A_340] {strides = array<i32>} : memref<80x144xf32, #tpu.memory_space<vmem>>, vector<16xf32>,
      tpu.vector_store %arg7[%swap3A_339, %swap3A_340], %mul3A_336 {strides = array<i32>} : memref<80x144xf32, #tpu.memory_space<vmem>>, vector<16xf32>,
      %add3A_342 = arith.constant 1 : i32
      %add3A_343 = arith.addi %add3A_179, %add3A_342 : i32
      %get3A_344 = arith.index_cast %add3A_343 : i32 to index
      %get3A_345 = arith.constant 96 : index
      %get3A_346 = tpu.vector_load %arg7[%get3A_344, %get3A_345] {strides = array<i32>} : memref<80x144xf32, #tpu.memory_space<vmem>>, vector<16xf32>,
      %mul3A_347 = arith.mulf %get3A_346, %gather3A_275 : vector<16xf32>
      %add3A_348 = arith.constant 1 : i32
      %add3A_349 = arith.addi %add3A_179, %add3A_348 : i32
      %swap3A_350 = arith.index_cast %add3A_349 : i32 to index
      %swap3A_351 = arith.constant 96 : index
      %swap3A_352 = tpu.vector_load %arg7[%swap3A_350, %swap3A_351] {strides = array<i32>} : memref<80x144xf32, #tpu.memory_space<vmem>>, vector<16xf32>,
      tpu.vector_store %arg7[%swap3A_350, %swap3A_351], %mul3A_347 {strides = array<i32>} : memref<80x144xf32, #tpu.memory_space<vmem>>, vector<16xf32>,
      %add3A_353 = arith.constant 1 : i32
      %add3A_354 = arith.addi %add3A_179, %add3A_353 : i32
      %get3A_355 = arith.index_cast %add3A_354 : i32 to index
      %get3A_356 = arith.constant 112 : index
      %get3A_357 = tpu.vector_load %arg7[%get3A_355, %get3A_356] {strides = array<i32>} : memref<80x144xf32, #tpu.memory_space<vmem>>, vector<16xf32>,
      %mul3A_358 = arith.mulf %get3A_357, %gather3A_275 : vector<16xf32>
      %add3A_359 = arith.constant 1 : i32
      %add3A_360 = arith.addi %add3A_179, %add3A_359 : i32
      %swap3A_361 = arith.index_cast %add3A_360 : i32 to index
      %swap3A_362 = arith.constant 112 : index
      %swap3A_363 = tpu.vector_load %arg7[%swap3A_361, %swap3A_362] {strides = array<i32>} : memref<80x144xf32, #tpu.memory_space<vmem>>, vector<16xf32>,
      tpu.vector_store %arg7[%swap3A_361, %swap3A_362], %mul3A_358 {strides = array<i32>} : memref<80x144xf32, #tpu.memory_space<vmem>>, vector<16xf32>,
      %add3A_364 = arith.constant 2 : i32
      %add3A_365 = arith.addi %add3A_179, %add3A_364 : i32
      %broadcast_in_dim3A_366 = vector.broadcast %add3A_365 : i32 to vector<16xi32>
      %gather3A_367 = tpu.vector_load_idx %arg17[%broadcast_in_dim3A_366] : memref<80xf32, #tpu.memory_space<vmem>>[vector<16xi32>], vector<16xf32>,
      %add3A_368 = arith.constant 2 : i32
      %add3A_369 = arith.addi %add3A_179, %add3A_368 : i32
      %get3A_370 = arith.index_cast %add3A_369 : i32 to index
      %get3A_371 = arith.constant 0 : index
      %get3A_372 = tpu.vector_load %arg7[%get3A_370, %get3A_371] {strides = array<i32>} : memref<80x144xf32, #tpu.memory_space<vmem>>, vector<16xf32>,
      %mul3A_373 = arith.mulf %get3A_372, %gather3A_367 : vector<16xf32>
      %add3A_374 = arith.constant 2 : i32
      %add3A_375 = arith.addi %add3A_179, %add3A_374 : i32
      %swap3A_376 = arith.index_cast %add3A_375 : i32 to index
      %swap3A_377 = arith.constant 0 : index
      %swap3A_378 = tpu.vector_load %arg7[%swap3A_376, %swap3A_377] {strides = array<i32>} : memref<80x144xf32, #tpu.memory_space<vmem>>, vector<16xf32>,
      tpu.vector_store %arg7[%swap3A_376, %swap3A_377], %mul3A_373 {strides = array<i32>} : memref<80x144xf32, #tpu.memory_space<vmem>>, vector<16xf32>,
      %add3A_379 = arith.constant 2 : i32
      %add3A_380 = arith.addi %add3A_179, %add3A_379 : i32
      %get3A_381 = arith.index_cast %add3A_380 : i32 to index
      %get3A_382 = arith.constant 16 : index
      %get3A_383 = tpu.vector_load %arg7[%get3A_381, %get3A_382] {strides = array<i32>} : memref<80x144xf32, #tpu.memory_space<vmem>>, vector<16xf32>,
      %mul3A_384 = arith.mulf %get3A_383, %gather3A_367 : vector<16xf32>
      %add3A_385 = arith.constant 2 : i32
      %add3A_386 = arith.addi %add3A_179, %add3A_385 : i32
      %swap3A_387 = arith.index_cast %add3A_386 : i32 to index
      %swap3A_388 = arith.constant 16 : index
      %swap3A_389 = tpu.vector_load %arg7[%swap3A_387, %swap3A_388] {strides = array<i32>} : memref<80x144xf32, #tpu.memory_space<vmem>>, vector<16xf32>,
      tpu.vector_store %arg7[%swap3A_387, %swap3A_388], %mul3A_384 {strides = array<i32>} : memref<80x144xf32, #tpu.memory_space<vmem>>, vector<16xf32>,
      %add3A_390 = arith.constant 2 : i32
      %add3A_391 = arith.addi %add3A_179, %add3A_390 : i32
      %get3A_392 = arith.index_cast %add3A_391 : i32 to index
      %get3A_393 = arith.constant 32 : index
      %get3A_394 = tpu.vector_load %arg7[%get3A_392, %get3A_393] {strides = array<i32>} : memref<80x144xf32, #tpu.memory_space<vmem>>, vector<16xf32>,
      %mul3A_395 = arith.mulf %get3A_394, %gather3A_367 : vector<16xf32>
      %add3A_396 = arith.constant 2 : i32
      %add3A_397 = arith.addi %add3A_179, %add3A_396 : i32
      %swap3A_398 = arith.index_cast %add3A_397 : i32 to index
      %swap3A_399 = arith.constant 32 : index
      %swap3A_400 = tpu.vector_load %arg7[%swap3A_398, %swap3A_399] {strides = array<i32>} : memref<80x144xf32, #tpu.memory_space<vmem>>, vector<16xf32>,
      tpu.vector_store %arg7[%swap3A_398, %swap3A_399], %mul3A_395 {strides = array<i32>} : memref<80x144xf32, #tpu.memory_space<vmem>>, vector<16xf32>,
      %add3A_401 = arith.constant 2 : i32
      %add3A_402 = arith.addi %add3A_179, %add3A_401 : i32
      %get3A_403 = arith.index_cast %add3A_402 : i32 to index
      %get3A_404 = arith.constant 48 : index
      %get3A_405 = tpu.vector_load %arg7[%get3A_403, %get3A_404] {strides = array<i32>} : memref<80x144xf32, #tpu.memory_space<vmem>>, vector<16xf32>,
      %mul3A_406 = arith.mulf %get3A_405, %gather3A_367 : vector<16xf32>
      %add3A_407 = arith.constant 2 : i32
      %add3A_408 = arith.addi %add3A_179, %add3A_407 : i32
      %swap3A_409 = arith.index_cast %add3A_408 : i32 to index
      %swap3A_410 = arith.constant 48 : index
      %swap3A_411 = tpu.vector_load %arg7[%swap3A_409, %swap3A_410] {strides = array<i32>} : memref<80x144xf32, #tpu.memory_space<vmem>>, vector<16xf32>,
      tpu.vector_store %arg7[%swap3A_409, %swap3A_410], %mul3A_406 {strides = array<i32>} : memref<80x144xf32, #tpu.memory_space<vmem>>, vector<16xf32>,
      %add3A_412 = arith.constant 2 : i32
      %add3A_413 = arith.addi %add3A_179, %add3A_412 : i32
      %get3A_414 = arith.index_cast %add3A_413 : i32 to index
      %get3A_415 = arith.constant 64 : index
      %get3A_416 = tpu.vector_load %arg7[%get3A_414, %get3A_415] {strides = array<i32>} : memref<80x144xf32, #tpu.memory_space<vmem>>, vector<16xf32>,
      %mul3A_417 = arith.mulf %get3A_416, %gather3A_367 : vector<16xf32>
      %add3A_418 = arith.constant 2 : i32
      %add3A_419 = arith.addi %add3A_179, %add3A_418 : i32
      %swap3A_420 = arith.index_cast %add3A_419 : i32 to index
      %swap3A_421 = arith.constant 64 : index
      %swap3A_422 = tpu.vector_load %arg7[%swap3A_420, %swap3A_421] {strides = array<i32>} : memref<80x144xf32, #tpu.memory_space<vmem>>, vector<16xf32>,
      tpu.vector_store %arg7[%swap3A_420, %swap3A_421], %mul3A_417 {strides = array<i32>} : memref<80x144xf32, #tpu.memory_space<vmem>>, vector<16xf32>,
      %add3A_423 = arith.constant 2 : i32
      %add3A_424 = arith.addi %add3A_179, %add3A_423 : i32
      %get3A_425 = arith.index_cast %add3A_424 : i32 to index
      %get3A_426 = arith.constant 80 : index
      %get3A_427 = tpu.vector_load %arg7[%get3A_425, %get3A_426] {strides = array<i32>} : memref<80x144xf32, #tpu.memory_space<vmem>>, vector<16xf32>,
      %mul3A_428 = arith.mulf %get3A_427, %gather3A_367 : vector<16xf32>
      %add3A_429 = arith.constant 2 : i32
      %add3A_430 = arith.addi %add3A_179, %add3A_429 : i32
      %swap3A_431 = arith.index_cast %add3A_430 : i32 to index
      %swap3A_432 = arith.constant 80 : index
      %swap3A_433 = tpu.vector_load %arg7[%swap3A_431, %swap3A_432] {strides = array<i32>} : memref<80x144xf32, #tpu.memory_space<vmem>>, vector<16xf32>,
      tpu.vector_store %arg7[%swap3A_431, %swap3A_432], %mul3A_428 {strides = array<i32>} : memref<80x144xf32, #tpu.memory_space<vmem>>, vector<16xf32>,
      %add3A_434 = arith.constant 2 : i32
      %add3A_435 = arith.addi %add3A_179, %add3A_434 : i32
      %get3A_436 = arith.index_cast %add3A_435 : i32 to index
      %get3A_437 = arith.constant 96 : index
      %get3A_438 = tpu.vector_load %arg7[%get3A_436, %get3A_437] {strides = array<i32>} : memref<80x144xf32, #tpu.memory_space<vmem>>, vector<16xf32>,
      %mul3A_439 = arith.mulf %get3A_438, %gather3A_367 : vector<16xf32>
      %add3A_440 = arith.constant 2 : i32
      %add3A_441 = arith.addi %add3A_179, %add3A_440 : i32
      %swap3A_442 = arith.index_cast %add3A_441 : i32 to index
      %swap3A_443 = arith.constant 96 : index
      %swap3A_444 = tpu.vector_load %arg7[%swap3A_442, %swap3A_443] {strides = array<i32>} : memref<80x144xf32, #tpu.memory_space<vmem>>, vector<16xf32>,
      tpu.vector_store %arg7[%swap3A_442, %swap3A_443], %mul3A_439 {strides = array<i32>} : memref<80x144xf32, #tpu.memory_space<vmem>>, vector<16xf32>,
      %add3A_445 = arith.constant 2 : i32
      %add3A_446 = arith.addi %add3A_179, %add3A_445 : i32
      %get3A_447 = arith.index_cast %add3A_446 : i32 to index
      %get3A_448 = arith.constant 112 : index
      %get3A_449 = tpu.vector_load %arg7[%get3A_447, %get3A_448] {strides = array<i32>} : memref<80x144xf32, #tpu.memory_space<vmem>>, vector<16xf32>,
      %mul3A_450 = arith.mulf %get3A_449, %gather3A_367 : vector<16xf32>
      %add3A_451 = arith.constant 2 : i32
      %add3A_452 = arith.addi %add3A_179, %add3A_451 : i32
      %swap3A_453 = arith.index_cast %add3A_452 : i32 to index
      %swap3A_454 = arith.constant 112 : index
      %swap3A_455 = tpu.vector_load %arg7[%swap3A_453, %swap3A_454] {strides = array<i32>} : memref<80x144xf32, #tpu.memory_space<vmem>>, vector<16xf32>,
      tpu.vector_store %arg7[%swap3A_453, %swap3A_454], %mul3A_450 {strides = array<i32>} : memref<80x144xf32, #tpu.memory_space<vmem>>, vector<16xf32>,
      %add3A_456 = arith.constant 3 : i32
      %add3A_457 = arith.addi %add3A_179, %add3A_456 : i32
      %broadcast_in_dim3A_458 = vector.broadcast %add3A_457 : i32 to vector<16xi32>
      %gather3A_459 = tpu.vector_load_idx %arg17[%broadcast_in_dim3A_458] : memref<80xf32, #tpu.memory_space<vmem>>[vector<16xi32>], vector<16xf32>,
      %add3A_460 = arith.constant 3 : i32
      %add3A_461 = arith.addi %add3A_179, %add3A_460 : i32
      %get3A_462 = arith.index_cast %add3A_461 : i32 to index
      %get3A_463 = arith.constant 0 : index
      %get3A_464 = tpu.vector_load %arg7[%get3A_462, %get3A_463] {strides = array<i32>} : memref<80x144xf32, #tpu.memory_space<vmem>>, vector<16xf32>,
      %mul3A_465 = arith.mulf %get3A_464, %gather3A_459 : vector<16xf32>
      %add3A_466 = arith.constant 3 : i32
      %add3A_467 = arith.addi %add3A_179, %add3A_466 : i32
      %swap3A_468 = arith.index_cast %add3A_467 : i32 to index
      %swap3A_469 = arith.constant 0 : index
      %swap3A_470 = tpu.vector_load %arg7[%swap3A_468, %swap3A_469] {strides = array<i32>} : memref<80x144xf32, #tpu.memory_space<vmem>>, vector<16xf32>,
      tpu.vector_store %arg7[%swap3A_468, %swap3A_469], %mul3A_465 {strides = array<i32>} : memref<80x144xf32, #tpu.memory_space<vmem>>, vector<16xf32>,
      %add3A_471 = arith.constant 3 : i32
      %add3A_472 = arith.addi %add3A_179, %add3A_471 : i32
      %get3A_473 = arith.index_cast %add3A_472 : i32 to index
      %get3A_474 = arith.constant 16 : index
      %get3A_475 = tpu.vector_load %arg7[%get3A_473, %get3A_474] {strides = array<i32>} : memref<80x144xf32, #tpu.memory_space<vmem>>, vector<16xf32>,
      %mul3A_476 = arith.mulf %get3A_475, %gather3A_459 : vector<16xf32>
      %add3A_477 = arith.constant 3 : i32
      %add3A_478 = arith.addi %add3A_179, %add3A_477 : i32
      %swap3A_479 = arith.index_cast %add3A_478 : i32 to index
      %swap3A_480 = arith.constant 16 : index
      %swap3A_481 = tpu.vector_load %arg7[%swap3A_479, %swap3A_480] {strides = array<i32>} : memref<80x144xf32, #tpu.memory_space<vmem>>, vector<16xf32>,
      tpu.vector_store %arg7[%swap3A_479, %swap3A_480], %mul3A_476 {strides = array<i32>} : memref<80x144xf32, #tpu.memory_space<vmem>>, vector<16xf32>,
      %add3A_482 = arith.constant 3 : i32
      %add3A_483 = arith.addi %add3A_179, %add3A_482 : i32
      %get3A_484 = arith.index_cast %add3A_483 : i32 to index
      %get3A_485 = arith.constant 32 : index
      %get3A_486 = tpu.vector_load %arg7[%get3A_484, %get3A_485] {strides = array<i32>} : memref<80x144xf32, #tpu.memory_space<vmem>>, vector<16xf32>,
      %mul3A_487 = arith.mulf %get3A_486, %gather3A_459 : vector<16xf32>
      %add3A_488 = arith.constant 3 : i32
      %add3A_489 = arith.addi %add3A_179, %add3A_488 : i32
      %swap3A_490 = arith.index_cast %add3A_489 : i32 to index
      %swap3A_491 = arith.constant 32 : index
      %swap3A_492 = tpu.vector_load %arg7[%swap3A_490, %swap3A_491] {strides = array<i32>} : memref<80x144xf32, #tpu.memory_space<vmem>>, vector<16xf32>,
      tpu.vector_store %arg7[%swap3A_490, %swap3A_491], %mul3A_487 {strides = array<i32>} : memref<80x144xf32, #tpu.memory_space<vmem>>, vector<16xf32>,
      %add3A_493 = arith.constant 3 : i32
      %add3A_494 = arith.addi %add3A_179, %add3A_493 : i32
      %get3A_495 = arith.index_cast %add3A_494 : i32 to index
      %get3A_496 = arith.constant 48 : index
      %get3A_497 = tpu.vector_load %arg7[%get3A_495, %get3A_496] {strides = array<i32>} : memref<80x144xf32, #tpu.memory_space<vmem>>, vector<16xf32>,
      %mul3A_498 = arith.mulf %get3A_497, %gather3A_459 : vector<16xf32>
      %add3A_499 = arith.constant 3 : i32
      %add3A_500 = arith.addi %add3A_179, %add3A_499 : i32
      %swap3A_501 = arith.index_cast %add3A_500 : i32 to index
      %swap3A_502 = arith.constant 48 : index
      %swap3A_503 = tpu.vector_load %arg7[%swap3A_501, %swap3A_502] {strides = array<i32>} : memref<80x144xf32, #tpu.memory_space<vmem>>, vector<16xf32>,
      tpu.vector_store %arg7[%swap3A_501, %swap3A_502], %mul3A_498 {strides = array<i32>} : memref<80x144xf32, #tpu.memory_space<vmem>>, vector<16xf32>,
      %add3A_504 = arith.constant 3 : i32
      %add3A_505 = arith.addi %add3A_179, %add3A_504 : i32
      %get3A_506 = arith.index_cast %add3A_505 : i32 to index
      %get3A_507 = arith.constant 64 : index
      %get3A_508 = tpu.vector_load %arg7[%get3A_506, %get3A_507] {strides = array<i32>} : memref<80x144xf32, #tpu.memory_space<vmem>>, vector<16xf32>,
      %mul3A_509 = arith.mulf %get3A_508, %gather3A_459 : vector<16xf32>
      %add3A_510 = arith.constant 3 : i32
      %add3A_511 = arith.addi %add3A_179, %add3A_510 : i32
      %swap3A_512 = arith.index_cast %add3A_511 : i32 to index
      %swap3A_513 = arith.constant 64 : index
      %swap3A_514 = tpu.vector_load %arg7[%swap3A_512, %swap3A_513] {strides = array<i32>} : memref<80x144xf32, #tpu.memory_space<vmem>>, vector<16xf32>,
      tpu.vector_store %arg7[%swap3A_512, %swap3A_513], %mul3A_509 {strides = array<i32>} : memref<80x144xf32, #tpu.memory_space<vmem>>, vector<16xf32>,
      %add3A_515 = arith.constant 3 : i32
      %add3A_516 = arith.addi %add3A_179, %add3A_515 : i32
      %get3A_517 = arith.index_cast %add3A_516 : i32 to index
      %get3A_518 = arith.constant 80 : index
      %get3A_519 = tpu.vector_load %arg7[%get3A_517, %get3A_518] {strides = array<i32>} : memref<80x144xf32, #tpu.memory_space<vmem>>, vector<16xf32>,
      %mul3A_520 = arith.mulf %get3A_519, %gather3A_459 : vector<16xf32>
      %add3A_521 = arith.constant 3 : i32
      %add3A_522 = arith.addi %add3A_179, %add3A_521 : i32
      %swap3A_523 = arith.index_cast %add3A_522 : i32 to index
      %swap3A_524 = arith.constant 80 : index
      %swap3A_525 = tpu.vector_load %arg7[%swap3A_523, %swap3A_524] {strides = array<i32>} : memref<80x144xf32, #tpu.memory_space<vmem>>, vector<16xf32>,
      tpu.vector_store %arg7[%swap3A_523, %swap3A_524], %mul3A_520 {strides = array<i32>} : memref<80x144xf32, #tpu.memory_space<vmem>>, vector<16xf32>,
      %add3A_526 = arith.constant 3 : i32
      %add3A_527 = arith.addi %add3A_179, %add3A_526 : i32
      %get3A_528 = arith.index_cast %add3A_527 : i32 to index
      %get3A_529 = arith.constant 96 : index
      %get3A_530 = tpu.vector_load %arg7[%get3A_528, %get3A_529] {strides = array<i32>} : memref<80x144xf32, #tpu.memory_space<vmem>>, vector<16xf32>,
      %mul3A_531 = arith.mulf %get3A_530, %gather3A_459 : vector<16xf32>
      %add3A_532 = arith.constant 3 : i32
      %add3A_533 = arith.addi %add3A_179, %add3A_532 : i32
      %swap3A_534 = arith.index_cast %add3A_533 : i32 to index
      %swap3A_535 = arith.constant 96 : index
      %swap3A_536 = tpu.vector_load %arg7[%swap3A_534, %swap3A_535] {strides = array<i32>} : memref<80x144xf32, #tpu.memory_space<vmem>>, vector<16xf32>,
      tpu.vector_store %arg7[%swap3A_534, %swap3A_535], %mul3A_531 {strides = array<i32>} : memref<80x144xf32, #tpu.memory_space<vmem>>, vector<16xf32>,
      %add3A_537 = arith.constant 3 : i32
      %add3A_538 = arith.addi %add3A_179, %add3A_537 : i32
      %get3A_539 = arith.index_cast %add3A_538 : i32 to index
      %get3A_540 = arith.constant 112 : index
      %get3A_541 = tpu.vector_load %arg7[%get3A_539, %get3A_540] {strides = array<i32>} : memref<80x144xf32, #tpu.memory_space<vmem>>, vector<16xf32>,
      %mul3A_542 = arith.mulf %get3A_541, %gather3A_459 : vector<16xf32>
      %add3A_543 = arith.constant 3 : i32
      %add3A_544 = arith.addi %add3A_179, %add3A_543 : i32
      %swap3A_545 = arith.index_cast %add3A_544 : i32 to index
      %swap3A_546 = arith.constant 112 : index
      %swap3A_547 = tpu.vector_load %arg7[%swap3A_545, %swap3A_546] {strides = array<i32>} : memref<80x144xf32, #tpu.memory_space<vmem>>, vector<16xf32>,
      tpu.vector_store %arg7[%swap3A_545, %swap3A_546], %mul3A_542 {strides = array<i32>} : memref<80x144xf32, #tpu.memory_space<vmem>>, vector<16xf32>,
      %add3A_548 = arith.constant 4 : i32
      %add3A_549 = arith.addi %add3A_179, %add3A_548 : i32
      %broadcast_in_dim3A_550 = vector.broadcast %add3A_549 : i32 to vector<16xi32>
      %gather3A_551 = tpu.vector_load_idx %arg17[%broadcast_in_dim3A_550] : memref<80xf32, #tpu.memory_space<vmem>>[vector<16xi32>], vector<16xf32>,
      %add3A_552 = arith.constant 4 : i32
      %add3A_553 = arith.addi %add3A_179, %add3A_552 : i32
      %get3A_554 = arith.index_cast %add3A_553 : i32 to index
      %get3A_555 = arith.constant 0 : index
      %get3A_556 = tpu.vector_load %arg7[%get3A_554, %get3A_555] {strides = array<i32>} : memref<80x144xf32, #tpu.memory_space<vmem>>, vector<16xf32>,
      %mul3A_557 = arith.mulf %get3A_556, %gather3A_551 : vector<16xf32>
      %add3A_558 = arith.constant 4 : i32
      %add3A_559 = arith.addi %add3A_179, %add3A_558 : i32
      %swap3A_560 = arith.index_cast %add3A_559 : i32 to index
      %swap3A_561 = arith.constant 0 : index
      %swap3A_562 = tpu.vector_load %arg7[%swap3A_560, %swap3A_561] {strides = array<i32>} : memref<80x144xf32, #tpu.memory_space<vmem>>, vector<16xf32>,
      tpu.vector_store %arg7[%swap3A_560, %swap3A_561], %mul3A_557 {strides = array<i32>} : memref<80x144xf32, #tpu.memory_space<vmem>>, vector<16xf32>,
      %add3A_563 = arith.constant 4 : i32
      %add3A_564 = arith.addi %add3A_179, %add3A_563 : i32
      %get3A_565 = arith.index_cast %add3A_564 : i32 to index
      %get3A_566 = arith.constant 16 : index
      %get3A_567 = tpu.vector_load %arg7[%get3A_565, %get3A_566] {strides = array<i32>} : memref<80x144xf32, #tpu.memory_space<vmem>>, vector<16xf32>,
      %mul3A_568 = arith.mulf %get3A_567, %gather3A_551 : vector<16xf32>
      %add3A_569 = arith.constant 4 : i32
      %add3A_570 = arith.addi %add3A_179, %add3A_569 : i32
      %swap3A_571 = arith.index_cast %add3A_570 : i32 to index
      %swap3A_572 = arith.constant 16 : index
      %swap3A_573 = tpu.vector_load %arg7[%swap3A_571, %swap3A_572] {strides = array<i32>} : memref<80x144xf32, #tpu.memory_space<vmem>>, vector<16xf32>,
      tpu.vector_store %arg7[%swap3A_571, %swap3A_572], %mul3A_568 {strides = array<i32>} : memref<80x144xf32, #tpu.memory_space<vmem>>, vector<16xf32>,
      %add3A_574 = arith.constant 4 : i32
      %add3A_575 = arith.addi %add3A_179, %add3A_574 : i32
      %get3A_576 = arith.index_cast %add3A_575 : i32 to index
      %get3A_577 = arith.constant 32 : index
      %get3A_578 = tpu.vector_load %arg7[%get3A_576, %get3A_577] {strides = array<i32>} : memref<80x144xf32, #tpu.memory_space<vmem>>, vector<16xf32>,
      %mul3A_579 = arith.mulf %get3A_578, %gather3A_551 : vector<16xf32>
      %add3A_580 = arith.constant 4 : i32
      %add3A_581 = arith.addi %add3A_179, %add3A_580 : i32
      %swap3A_582 = arith.index_cast %add3A_581 : i32 to index
      %swap3A_583 = arith.constant 32 : index
      %swap3A_584 = tpu.vector_load %arg7[%swap3A_582, %swap3A_583] {strides = array<i32>} : memref<80x144xf32, #tpu.memory_space<vmem>>, vector<16xf32>,
      tpu.vector_store %arg7[%swap3A_582, %swap3A_583], %mul3A_579 {strides = array<i32>} : memref<80x144xf32, #tpu.memory_space<vmem>>, vector<16xf32>,
      %add3A_585 = arith.constant 4 : i32
      %add3A_586 = arith.addi %add3A_179, %add3A_585 : i32
      %get3A_587 = arith.index_cast %add3A_586 : i32 to index
      %get3A_588 = arith.constant 48 : index
      %get3A_589 = tpu.vector_load %arg7[%get3A_587, %get3A_588] {strides = array<i32>} : memref<80x144xf32, #tpu.memory_space<vmem>>, vector<16xf32>,
      %mul3A_590 = arith.mulf %get3A_589, %gather3A_551 : vector<16xf32>
      %add3A_591 = arith.constant 4 : i32
      %add3A_592 = arith.addi %add3A_179, %add3A_591 : i32
      %swap3A_593 = arith.index_cast %add3A_592 : i32 to index
      %swap3A_594 = arith.constant 48 : index
      %swap3A_595 = tpu.vector_load %arg7[%swap3A_593, %swap3A_594] {strides = array<i32>} : memref<80x144xf32, #tpu.memory_space<vmem>>, vector<16xf32>,
      tpu.vector_store %arg7[%swap3A_593, %swap3A_594], %mul3A_590 {strides = array<i32>} : memref<80x144xf32, #tpu.memory_space<vmem>>, vector<16xf32>,
      %add3A_596 = arith.constant 4 : i32
      %add3A_597 = arith.addi %add3A_179, %add3A_596 : i32
      %get3A_598 = arith.index_cast %add3A_597 : i32 to index
      %get3A_599 = arith.constant 64 : index
      %get3A_600 = tpu.vector_load %arg7[%get3A_598, %get3A_599] {strides = array<i32>} : memref<80x144xf32, #tpu.memory_space<vmem>>, vector<16xf32>,
      %mul3A_601 = arith.mulf %get3A_600, %gather3A_551 : vector<16xf32>
      %add3A_602 = arith.constant 4 : i32
      %add3A_603 = arith.addi %add3A_179, %add3A_602 : i32
      %swap3A_604 = arith.index_cast %add3A_603 : i32 to index
      %swap3A_605 = arith.constant 64 : index
      %swap3A_606 = tpu.vector_load %arg7[%swap3A_604, %swap3A_605] {strides = array<i32>} : memref<80x144xf32, #tpu.memory_space<vmem>>, vector<16xf32>,
      tpu.vector_store %arg7[%swap3A_604, %swap3A_605], %mul3A_601 {strides = array<i32>} : memref<80x144xf32, #tpu.memory_space<vmem>>, vector<16xf32>,
      %add3A_607 = arith.constant 4 : i32
      %add3A_608 = arith.addi %add3A_179, %add3A_607 : i32
      %get3A_609 = arith.index_cast %add3A_608 : i32 to index
      %get3A_610 = arith.constant 80 : index
      %get3A_611 = tpu.vector_load %arg7[%get3A_609, %get3A_610] {strides = array<i32>} : memref<80x144xf32, #tpu.memory_space<vmem>>, vector<16xf32>,
      %mul3A_612 = arith.mulf %get3A_611, %gather3A_551 : vector<16xf32>
      %add3A_613 = arith.constant 4 : i32
      %add3A_614 = arith.addi %add3A_179, %add3A_613 : i32
      %swap3A_615 = arith.index_cast %add3A_614 : i32 to index
      %swap3A_616 = arith.constant 80 : index
      %swap3A_617 = tpu.vector_load %arg7[%swap3A_615, %swap3A_616] {strides = array<i32>} : memref<80x144xf32, #tpu.memory_space<vmem>>, vector<16xf32>,
      tpu.vector_store %arg7[%swap3A_615, %swap3A_616], %mul3A_612 {strides = array<i32>} : memref<80x144xf32, #tpu.memory_space<vmem>>, vector<16xf32>,
      %add3A_618 = arith.constant 4 : i32
      %add3A_619 = arith.addi %add3A_179, %add3A_618 : i32
      %get3A_620 = arith.index_cast %add3A_619 : i32 to index
      %get3A_621 = arith.constant 96 : index
      %get3A_622 = tpu.vector_load %arg7[%get3A_620, %get3A_621] {strides = array<i32>} : memref<80x144xf32, #tpu.memory_space<vmem>>, vector<16xf32>,
      %mul3A_623 = arith.mulf %get3A_622, %gather3A_551 : vector<16xf32>
      %add3A_624 = arith.constant 4 : i32
      %add3A_625 = arith.addi %add3A_179, %add3A_624 : i32
      %swap3A_626 = arith.index_cast %add3A_625 : i32 to index
      %swap3A_627 = arith.constant 96 : index
      %swap3A_628 = tpu.vector_load %arg7[%swap3A_626, %swap3A_627] {strides = array<i32>} : memref<80x144xf32, #tpu.memory_space<vmem>>, vector<16xf32>,
      tpu.vector_store %arg7[%swap3A_626, %swap3A_627], %mul3A_623 {strides = array<i32>} : memref<80x144xf32, #tpu.memory_space<vmem>>, vector<16xf32>,
      %add3A_629 = arith.constant 4 : i32
      %add3A_630 = arith.addi %add3A_179, %add3A_629 : i32
      %get3A_631 = arith.index_cast %add3A_630 : i32 to index
      %get3A_632 = arith.constant 112 : index
      %get3A_633 = tpu.vector_load %arg7[%get3A_631, %get3A_632] {strides = array<i32>} : memref<80x144xf32, #tpu.memory_space<vmem>>, vector<16xf32>,
      %mul3A_634 = arith.mulf %get3A_633, %gather3A_551 : vector<16xf32>
      %add3A_635 = arith.constant 4 : i32
      %add3A_636 = arith.addi %add3A_179, %add3A_635 : i32
      %swap3A_637 = arith.index_cast %add3A_636 : i32 to index
      %swap3A_638 = arith.constant 112 : index
      %swap3A_639 = tpu.vector_load %arg7[%swap3A_637, %swap3A_638] {strides = array<i32>} : memref<80x144xf32, #tpu.memory_space<vmem>>, vector<16xf32>,
      tpu.vector_store %arg7[%swap3A_637, %swap3A_638], %mul3A_634 {strides = array<i32>} : memref<80x144xf32, #tpu.memory_space<vmem>>, vector<16xf32>,
      %add3A_640 = arith.constant 5 : i32
      %add3A_641 = arith.addi %add3A_179, %add3A_640 : i32
      %broadcast_in_dim3A_642 = vector.broadcast %add3A_641 : i32 to vector<16xi32>
      %gather3A_643 = tpu.vector_load_idx %arg17[%broadcast_in_dim3A_642] : memref<80xf32, #tpu.memory_space<vmem>>[vector<16xi32>], vector<16xf32>,
      %add3A_644 = arith.constant 5 : i32
      %add3A_645 = arith.addi %add3A_179, %add3A_644 : i32
      %get3A_646 = arith.index_cast %add3A_645 : i32 to index
      %get3A_647 = arith.constant 0 : index
      %get3A_648 = tpu.vector_load %arg7[%get3A_646, %get3A_647] {strides = array<i32>} : memref<80x144xf32, #tpu.memory_space<vmem>>, vector<16xf32>,
      %mul3A_649 = arith.mulf %get3A_648, %gather3A_643 : vector<16xf32>
      %add3A_650 = arith.constant 5 : i32
      %add3A_651 = arith.addi %add3A_179, %add3A_650 : i32
      %swap3A_652 = arith.index_cast %add3A_651 : i32 to index
      %swap3A_653 = arith.constant 0 : index
      %swap3A_654 = tpu.vector_load %arg7[%swap3A_652, %swap3A_653] {strides = array<i32>} : memref<80x144xf32, #tpu.memory_space<vmem>>, vector<16xf32>,
      tpu.vector_store %arg7[%swap3A_652, %swap3A_653], %mul3A_649 {strides = array<i32>} : memref<80x144xf32, #tpu.memory_space<vmem>>, vector<16xf32>,
      %add3A_655 = arith.constant 5 : i32
      %add3A_656 = arith.addi %add3A_179, %add3A_655 : i32
      %get3A_657 = arith.index_cast %add3A_656 : i32 to index
      %get3A_658 = arith.constant 16 : index
      %get3A_659 = tpu.vector_load %arg7[%get3A_657, %get3A_658] {strides = array<i32>} : memref<80x144xf32, #tpu.memory_space<vmem>>, vector<16xf32>,
      %mul3A_660 = arith.mulf %get3A_659, %gather3A_643 : vector<16xf32>
      %add3A_661 = arith.constant 5 : i32
      %add3A_662 = arith.addi %add3A_179, %add3A_661 : i32
      %swap3A_663 = arith.index_cast %add3A_662 : i32 to index
      %swap3A_664 = arith.constant 16 : index
      %swap3A_665 = tpu.vector_load %arg7[%swap3A_663, %swap3A_664] {strides = array<i32>} : memref<80x144xf32, #tpu.memory_space<vmem>>, vector<16xf32>,
      tpu.vector_store %arg7[%swap3A_663, %swap3A_664], %mul3A_660 {strides = array<i32>} : memref<80x144xf32, #tpu.memory_space<vmem>>, vector<16xf32>,
      %add3A_666 = arith.constant 5 : i32
      %add3A_667 = arith.addi %add3A_179, %add3A_666 : i32
      %get3A_668 = arith.index_cast %add3A_667 : i32 to index
      %get3A_669 = arith.constant 32 : index
      %get3A_670 = tpu.vector_load %arg7[%get3A_668, %get3A_669] {strides = array<i32>} : memref<80x144xf32, #tpu.memory_space<vmem>>, vector<16xf32>,
      %mul3A_671 = arith.mulf %get3A_670, %gather3A_643 : vector<16xf32>
      %add3A_672 = arith.constant 5 : i32
      %add3A_673 = arith.addi %add3A_179, %add3A_672 : i32
      %swap3A_674 = arith.index_cast %add3A_673 : i32 to index
      %swap3A_675 = arith.constant 32 : index
      %swap3A_676 = tpu.vector_load %arg7[%swap3A_674, %swap3A_675] {strides = array<i32>} : memref<80x144xf32, #tpu.memory_space<vmem>>, vector<16xf32>,
      tpu.vector_store %arg7[%swap3A_674, %swap3A_675], %mul3A_671 {strides = array<i32>} : memref<80x144xf32, #tpu.memory_space<vmem>>, vector<16xf32>,
      %add3A_677 = arith.constant 5 : i32
      %add3A_678 = arith.addi %add3A_179, %add3A_677 : i32
      %get3A_679 = arith.index_cast %add3A_678 : i32 to index
      %get3A_680 = arith.constant 48 : index
      %get3A_681 = tpu.vector_load %arg7[%get3A_679, %get3A_680] {strides = array<i32>} : memref<80x144xf32, #tpu.memory_space<vmem>>, vector<16xf32>,
      %mul3A_682 = arith.mulf %get3A_681, %gather3A_643 : vector<16xf32>
      %add3A_683 = arith.constant 5 : i32
      %add3A_684 = arith.addi %add3A_179, %add3A_683 : i32
      %swap3A_685 = arith.index_cast %add3A_684 : i32 to index
      %swap3A_686 = arith.constant 48 : index
      %swap3A_687 = tpu.vector_load %arg7[%swap3A_685, %swap3A_686] {strides = array<i32>} : memref<80x144xf32, #tpu.memory_space<vmem>>, vector<16xf32>,
      tpu.vector_store %arg7[%swap3A_685, %swap3A_686], %mul3A_682 {strides = array<i32>} : memref<80x144xf32, #tpu.memory_space<vmem>>, vector<16xf32>,
      %add3A_688 = arith.constant 5 : i32
      %add3A_689 = arith.addi %add3A_179, %add3A_688 : i32
      %get3A_690 = arith.index_cast %add3A_689 : i32 to index
      %get3A_691 = arith.constant 64 : index
      %get3A_692 = tpu.vector_load %arg7[%get3A_690, %get3A_691] {strides = array<i32>} : memref<80x144xf32, #tpu.memory_space<vmem>>, vector<16xf32>,
      %mul3A_693 = arith.mulf %get3A_692, %gather3A_643 : vector<16xf32>
      %add3A_694 = arith.constant 5 : i32
      %add3A_695 = arith.addi %add3A_179, %add3A_694 : i32
      %swap3A_696 = arith.index_cast %add3A_695 : i32 to index
      %swap3A_697 = arith.constant 64 : index
      %swap3A_698 = tpu.vector_load %arg7[%swap3A_696, %swap3A_697] {strides = array<i32>} : memref<80x144xf32, #tpu.memory_space<vmem>>, vector<16xf32>,
      tpu.vector_store %arg7[%swap3A_696, %swap3A_697], %mul3A_693 {strides = array<i32>} : memref<80x144xf32, #tpu.memory_space<vmem>>, vector<16xf32>,
      %add3A_699 = arith.constant 5 : i32
      %add3A_700 = arith.addi %add3A_179, %add3A_699 : i32
      %get3A_701 = arith.index_cast %add3A_700 : i32 to index
      %get3A_702 = arith.constant 80 : index
      %get3A_703 = tpu.vector_load %arg7[%get3A_701, %get3A_702] {strides = array<i32>} : memref<80x144xf32, #tpu.memory_space<vmem>>, vector<16xf32>,
      %mul3A_704 = arith.mulf %get3A_703, %gather3A_643 : vector<16xf32>
      %add3A_705 = arith.constant 5 : i32
      %add3A_706 = arith.addi %add3A_179, %add3A_705 : i32
      %swap3A_707 = arith.index_cast %add3A_706 : i32 to index
      %swap3A_708 = arith.constant 80 : index
      %swap3A_709 = tpu.vector_load %arg7[%swap3A_707, %swap3A_708] {strides = array<i32>} : memref<80x144xf32, #tpu.memory_space<vmem>>, vector<16xf32>,
      tpu.vector_store %arg7[%swap3A_707, %swap3A_708], %mul3A_704 {strides = array<i32>} : memref<80x144xf32, #tpu.memory_space<vmem>>, vector<16xf32>,
      %add3A_710 = arith.constant 5 : i32
      %add3A_711 = arith.addi %add3A_179, %add3A_710 : i32
      %get3A_712 = arith.index_cast %add3A_711 : i32 to index
      %get3A_713 = arith.constant 96 : index
      %get3A_714 = tpu.vector_load %arg7[%get3A_712, %get3A_713] {strides = array<i32>} : memref<80x144xf32, #tpu.memory_space<vmem>>, vector<16xf32>,
      %mul3A_715 = arith.mulf %get3A_714, %gather3A_643 : vector<16xf32>
      %add3A_716 = arith.constant 5 : i32
      %add3A_717 = arith.addi %add3A_179, %add3A_716 : i32
      %swap3A_718 = arith.index_cast %add3A_717 : i32 to index
      %swap3A_719 = arith.constant 96 : index
      %swap3A_720 = tpu.vector_load %arg7[%swap3A_718, %swap3A_719] {strides = array<i32>} : memref<80x144xf32, #tpu.memory_space<vmem>>, vector<16xf32>,
      tpu.vector_store %arg7[%swap3A_718, %swap3A_719], %mul3A_715 {strides = array<i32>} : memref<80x144xf32, #tpu.memory_space<vmem>>, vector<16xf32>,
      %add3A_721 = arith.constant 5 : i32
      %add3A_722 = arith.addi %add3A_179, %add3A_721 : i32
      %get3A_723 = arith.index_cast %add3A_722 : i32 to index
      %get3A_724 = arith.constant 112 : index
      %get3A_725 = tpu.vector_load %arg7[%get3A_723, %get3A_724] {strides = array<i32>} : memref<80x144xf32, #tpu.memory_space<vmem>>, vector<16xf32>,
      %mul3A_726 = arith.mulf %get3A_725, %gather3A_643 : vector<16xf32>
      %add3A_727 = arith.constant 5 : i32
      %add3A_728 = arith.addi %add3A_179, %add3A_727 : i32
      %swap3A_729 = arith.index_cast %add3A_728 : i32 to index
      %swap3A_730 = arith.constant 112 : index
      %swap3A_731 = tpu.vector_load %arg7[%swap3A_729, %swap3A_730] {strides = array<i32>} : memref<80x144xf32, #tpu.memory_space<vmem>>, vector<16xf32>,
      tpu.vector_store %arg7[%swap3A_729, %swap3A_730], %mul3A_726 {strides = array<i32>} : memref<80x144xf32, #tpu.memory_space<vmem>>, vector<16xf32>,
      %add3A_732 = arith.constant 6 : i32
      %add3A_733 = arith.addi %add3A_179, %add3A_732 : i32
      %broadcast_in_dim3A_734 = vector.broadcast %add3A_733 : i32 to vector<16xi32>
      %gather3A_735 = tpu.vector_load_idx %arg17[%broadcast_in_dim3A_734] : memref<80xf32, #tpu.memory_space<vmem>>[vector<16xi32>], vector<16xf32>,
      %add3A_736 = arith.constant 6 : i32
      %add3A_737 = arith.addi %add3A_179, %add3A_736 : i32
      %get3A_738 = arith.index_cast %add3A_737 : i32 to index
      %get3A_739 = arith.constant 0 : index
      %get3A_740 = tpu.vector_load %arg7[%get3A_738, %get3A_739] {strides = array<i32>} : memref<80x144xf32, #tpu.memory_space<vmem>>, vector<16xf32>,
      %mul3A_741 = arith.mulf %get3A_740, %gather3A_735 : vector<16xf32>
      %add3A_742 = arith.constant 6 : i32
      %add3A_743 = arith.addi %add3A_179, %add3A_742 : i32
      %swap3A_744 = arith.index_cast %add3A_743 : i32 to index
      %swap3A_745 = arith.constant 0 : index
      %swap3A_746 = tpu.vector_load %arg7[%swap3A_744, %swap3A_745] {strides = array<i32>} : memref<80x144xf32, #tpu.memory_space<vmem>>, vector<16xf32>,
      tpu.vector_store %arg7[%swap3A_744, %swap3A_745], %mul3A_741 {strides = array<i32>} : memref<80x144xf32, #tpu.memory_space<vmem>>, vector<16xf32>,
      %add3A_747 = arith.constant 6 : i32
      %add3A_748 = arith.addi %add3A_179, %add3A_747 : i32
      %get3A_749 = arith.index_cast %add3A_748 : i32 to index
      %get3A_750 = arith.constant 16 : index
      %get3A_751 = tpu.vector_load %arg7[%get3A_749, %get3A_750] {strides = array<i32>} : memref<80x144xf32, #tpu.memory_space<vmem>>, vector<16xf32>,
      %mul3A_752 = arith.mulf %get3A_751, %gather3A_735 : vector<16xf32>
      %add3A_753 = arith.constant 6 : i32
      %add3A_754 = arith.addi %add3A_179, %add3A_753 : i32
      %swap3A_755 = arith.index_cast %add3A_754 : i32 to index
      %swap3A_756 = arith.constant 16 : index
      %swap3A_757 = tpu.vector_load %arg7[%swap3A_755, %swap3A_756] {strides = array<i32>} : memref<80x144xf32, #tpu.memory_space<vmem>>, vector<16xf32>,
      tpu.vector_store %arg7[%swap3A_755, %swap3A_756], %mul3A_752 {strides = array<i32>} : memref<80x144xf32, #tpu.memory_space<vmem>>, vector<16xf32>,
      %add3A_758 = arith.constant 6 : i32
      %add3A_759 = arith.addi %add3A_179, %add3A_758 : i32
      %get3A_760 = arith.index_cast %add3A_759 : i32 to index
      %get3A_761 = arith.constant 32 : index
      %get3A_762 = tpu.vector_load %arg7[%get3A_760, %get3A_761] {strides = array<i32>} : memref<80x144xf32, #tpu.memory_space<vmem>>, vector<16xf32>,
      %mul3A_763 = arith.mulf %get3A_762, %gather3A_735 : vector<16xf32>
      %add3A_764 = arith.constant 6 : i32
      %add3A_765 = arith.addi %add3A_179, %add3A_764 : i32
      %swap3A_766 = arith.index_cast %add3A_765 : i32 to index
      %swap3A_767 = arith.constant 32 : index
      %swap3A_768 = tpu.vector_load %arg7[%swap3A_766, %swap3A_767] {strides = array<i32>} : memref<80x144xf32, #tpu.memory_space<vmem>>, vector<16xf32>,
      tpu.vector_store %arg7[%swap3A_766, %swap3A_767], %mul3A_763 {strides = array<i32>} : memref<80x144xf32, #tpu.memory_space<vmem>>, vector<16xf32>,
      %add3A_769 = arith.constant 6 : i32
      %add3A_770 = arith.addi %add3A_179, %add3A_769 : i32
      %get3A_771 = arith.index_cast %add3A_770 : i32 to index
      %get3A_772 = arith.constant 48 : index
      %get3A_773 = tpu.vector_load %arg7[%get3A_771, %get3A_772] {strides = array<i32>} : memref<80x144xf32, #tpu.memory_space<vmem>>, vector<16xf32>,
      %mul3A_774 = arith.mulf %get3A_773, %gather3A_735 : vector<16xf32>
      %add3A_775 = arith.constant 6 : i32
      %add3A_776 = arith.addi %add3A_179, %add3A_775 : i32
      %swap3A_777 = arith.index_cast %add3A_776 : i32 to index
      %swap3A_778 = arith.constant 48 : index
      %swap3A_779 = tpu.vector_load %arg7[%swap3A_777, %swap3A_778] {strides = array<i32>} : memref<80x144xf32, #tpu.memory_space<vmem>>, vector<16xf32>,
      tpu.vector_store %arg7[%swap3A_777, %swap3A_778], %mul3A_774 {strides = array<i32>} : memref<80x144xf32, #tpu.memory_space<vmem>>, vector<16xf32>,
      %add3A_780 = arith.constant 6 : i32
      %add3A_781 = arith.addi %add3A_179, %add3A_780 : i32
      %get3A_782 = arith.index_cast %add3A_781 : i32 to index
      %get3A_783 = arith.constant 64 : index
      %get3A_784 = tpu.vector_load %arg7[%get3A_782, %get3A_783] {strides = array<i32>} : memref<80x144xf32, #tpu.memory_space<vmem>>, vector<16xf32>,
      %mul3A_785 = arith.mulf %get3A_784, %gather3A_735 : vector<16xf32>
      %add3A_786 = arith.constant 6 : i32
      %add3A_787 = arith.addi %add3A_179, %add3A_786 : i32
      %swap3A_788 = arith.index_cast %add3A_787 : i32 to index
      %swap3A_789 = arith.constant 64 : index
      %swap3A_790 = tpu.vector_load %arg7[%swap3A_788, %swap3A_789] {strides = array<i32>} : memref<80x144xf32, #tpu.memory_space<vmem>>, vector<16xf32>,
      tpu.vector_store %arg7[%swap3A_788, %swap3A_789], %mul3A_785 {strides = array<i32>} : memref<80x144xf32, #tpu.memory_space<vmem>>, vector<16xf32>,
      %add3A_791 = arith.constant 6 : i32
      %add3A_792 = arith.addi %add3A_179, %add3A_791 : i32
      %get3A_793 = arith.index_cast %add3A_792 : i32 to index
      %get3A_794 = arith.constant 80 : index
      %get3A_795 = tpu.vector_load %arg7[%get3A_793, %get3A_794] {strides = array<i32>} : memref<80x144xf32, #tpu.memory_space<vmem>>, vector<16xf32>,
      %mul3A_796 = arith.mulf %get3A_795, %gather3A_735 : vector<16xf32>
      %add3A_797 = arith.constant 6 : i32
      %add3A_798 = arith.addi %add3A_179, %add3A_797 : i32
      %swap3A_799 = arith.index_cast %add3A_798 : i32 to index
      %swap3A_800 = arith.constant 80 : index
      %swap3A_801 = tpu.vector_load %arg7[%swap3A_799, %swap3A_800] {strides = array<i32>} : memref<80x144xf32, #tpu.memory_space<vmem>>, vector<16xf32>,
      tpu.vector_store %arg7[%swap3A_799, %swap3A_800], %mul3A_796 {strides = array<i32>} : memref<80x144xf32, #tpu.memory_space<vmem>>, vector<16xf32>,
      %add3A_802 = arith.constant 6 : i32
      %add3A_803 = arith.addi %add3A_179, %add3A_802 : i32
      %get3A_804 = arith.index_cast %add3A_803 : i32 to index
      %get3A_805 = arith.constant 96 : index
      %get3A_806 = tpu.vector_load %arg7[%get3A_804, %get3A_805] {strides = array<i32>} : memref<80x144xf32, #tpu.memory_space<vmem>>, vector<16xf32>,
      %mul3A_807 = arith.mulf %get3A_806, %gather3A_735 : vector<16xf32>
      %add3A_808 = arith.constant 6 : i32
      %add3A_809 = arith.addi %add3A_179, %add3A_808 : i32
      %swap3A_810 = arith.index_cast %add3A_809 : i32 to index
      %swap3A_811 = arith.constant 96 : index
      %swap3A_812 = tpu.vector_load %arg7[%swap3A_810, %swap3A_811] {strides = array<i32>} : memref<80x144xf32, #tpu.memory_space<vmem>>, vector<16xf32>,
      tpu.vector_store %arg7[%swap3A_810, %swap3A_811], %mul3A_807 {strides = array<i32>} : memref<80x144xf32, #tpu.memory_space<vmem>>, vector<16xf32>,
      %add3A_813 = arith.constant 6 : i32
      %add3A_814 = arith.addi %add3A_179, %add3A_813 : i32
      %get3A_815 = arith.index_cast %add3A_814 : i32 to index
      %get3A_816 = arith.constant 112 : index
      %get3A_817 = tpu.vector_load %arg7[%get3A_815, %get3A_816] {strides = array<i32>} : memref<80x144xf32, #tpu.memory_space<vmem>>, vector<16xf32>,
      %mul3A_818 = arith.mulf %get3A_817, %gather3A_735 : vector<16xf32>
      %add3A_819 = arith.constant 6 : i32
      %add3A_820 = arith.addi %add3A_179, %add3A_819 : i32
      %swap3A_821 = arith.index_cast %add3A_820 : i32 to index
      %swap3A_822 = arith.constant 112 : index
      %swap3A_823 = tpu.vector_load %arg7[%swap3A_821, %swap3A_822] {strides = array<i32>} : memref<80x144xf32, #tpu.memory_space<vmem>>, vector<16xf32>,
      tpu.vector_store %arg7[%swap3A_821, %swap3A_822], %mul3A_818 {strides = array<i32>} : memref<80x144xf32, #tpu.memory_space<vmem>>, vector<16xf32>,
      %add3A_824 = arith.constant 7 : i32
      %add3A_825 = arith.addi %add3A_179, %add3A_824 : i32
      %broadcast_in_dim3A_826 = vector.broadcast %add3A_825 : i32 to vector<16xi32>
      %gather3A_827 = tpu.vector_load_idx %arg17[%broadcast_in_dim3A_826] : memref<80xf32, #tpu.memory_space<vmem>>[vector<16xi32>], vector<16xf32>,
      %add3A_828 = arith.constant 7 : i32
      %add3A_829 = arith.addi %add3A_179, %add3A_828 : i32
      %get3A_830 = arith.index_cast %add3A_829 : i32 to index
      %get3A_831 = arith.constant 0 : index
      %get3A_832 = tpu.vector_load %arg7[%get3A_830, %get3A_831] {strides = array<i32>} : memref<80x144xf32, #tpu.memory_space<vmem>>, vector<16xf32>,
      %mul3A_833 = arith.mulf %get3A_832, %gather3A_827 : vector<16xf32>
      %add3A_834 = arith.constant 7 : i32
      %add3A_835 = arith.addi %add3A_179, %add3A_834 : i32
      %swap3A_836 = arith.index_cast %add3A_835 : i32 to index
      %swap3A_837 = arith.constant 0 : index
      %swap3A_838 = tpu.vector_load %arg7[%swap3A_836, %swap3A_837] {strides = array<i32>} : memref<80x144xf32, #tpu.memory_space<vmem>>, vector<16xf32>,
      tpu.vector_store %arg7[%swap3A_836, %swap3A_837], %mul3A_833 {strides = array<i32>} : memref<80x144xf32, #tpu.memory_space<vmem>>, vector<16xf32>,
      %add3A_839 = arith.constant 7 : i32
      %add3A_840 = arith.addi %add3A_179, %add3A_839 : i32
      %get3A_841 = arith.index_cast %add3A_840 : i32 to index
      %get3A_842 = arith.constant 16 : index
      %get3A_843 = tpu.vector_load %arg7[%get3A_841, %get3A_842] {strides = array<i32>} : memref<80x144xf32, #tpu.memory_space<vmem>>, vector<16xf32>,
      %mul3A_844 = arith.mulf %get3A_843, %gather3A_827 : vector<16xf32>
      %add3A_845 = arith.constant 7 : i32
      %add3A_846 = arith.addi %add3A_179, %add3A_845 : i32
      %swap3A_847 = arith.index_cast %add3A_846 : i32 to index
      %swap3A_848 = arith.constant 16 : index
      %swap3A_849 = tpu.vector_load %arg7[%swap3A_847, %swap3A_848] {strides = array<i32>} : memref<80x144xf32, #tpu.memory_space<vmem>>, vector<16xf32>,
      tpu.vector_store %arg7[%swap3A_847, %swap3A_848], %mul3A_844 {strides = array<i32>} : memref<80x144xf32, #tpu.memory_space<vmem>>, vector<16xf32>,
      %add3A_850 = arith.constant 7 : i32
      %add3A_851 = arith.addi %add3A_179, %add3A_850 : i32
      %get3A_852 = arith.index_cast %add3A_851 : i32 to index
      %get3A_853 = arith.constant 32 : index
      %get3A_854 = tpu.vector_load %arg7[%get3A_852, %get3A_853] {strides = array<i32>} : memref<80x144xf32, #tpu.memory_space<vmem>>, vector<16xf32>,
      %mul3A_855 = arith.mulf %get3A_854, %gather3A_827 : vector<16xf32>
      %add3A_856 = arith.constant 7 : i32
      %add3A_857 = arith.addi %add3A_179, %add3A_856 : i32
      %swap3A_858 = arith.index_cast %add3A_857 : i32 to index
      %swap3A_859 = arith.constant 32 : index
      %swap3A_860 = tpu.vector_load %arg7[%swap3A_858, %swap3A_859] {strides = array<i32>} : memref<80x144xf32, #tpu.memory_space<vmem>>, vector<16xf32>,
      tpu.vector_store %arg7[%swap3A_858, %swap3A_859], %mul3A_855 {strides = array<i32>} : memref<80x144xf32, #tpu.memory_space<vmem>>, vector<16xf32>,
      %add3A_861 = arith.constant 7 : i32
      %add3A_862 = arith.addi %add3A_179, %add3A_861 : i32
      %get3A_863 = arith.index_cast %add3A_862 : i32 to index
      %get3A_864 = arith.constant 48 : index
      %get3A_865 = tpu.vector_load %arg7[%get3A_863, %get3A_864] {strides = array<i32>} : memref<80x144xf32, #tpu.memory_space<vmem>>, vector<16xf32>,
      %mul3A_866 = arith.mulf %get3A_865, %gather3A_827 : vector<16xf32>
      %add3A_867 = arith.constant 7 : i32
      %add3A_868 = arith.addi %add3A_179, %add3A_867 : i32
      %swap3A_869 = arith.index_cast %add3A_868 : i32 to index
      %swap3A_870 = arith.constant 48 : index
      %swap3A_871 = tpu.vector_load %arg7[%swap3A_869, %swap3A_870] {strides = array<i32>} : memref<80x144xf32, #tpu.memory_space<vmem>>, vector<16xf32>,
      tpu.vector_store %arg7[%swap3A_869, %swap3A_870], %mul3A_866 {strides = array<i32>} : memref<80x144xf32, #tpu.memory_space<vmem>>, vector<16xf32>,
      %add3A_872 = arith.constant 7 : i32
      %add3A_873 = arith.addi %add3A_179, %add3A_872 : i32
      %get3A_874 = arith.index_cast %add3A_873 : i32 to index
      %get3A_875 = arith.constant 64 : index
      %get3A_876 = tpu.vector_load %arg7[%get3A_874, %get3A_875] {strides = array<i32>} : memref<80x144xf32, #tpu.memory_space<vmem>>, vector<16xf32>,
      %mul3A_877 = arith.mulf %get3A_876, %gather3A_827 : vector<16xf32>
      %add3A_878 = arith.constant 7 : i32
      %add3A_879 = arith.addi %add3A_179, %add3A_878 : i32
      %swap3A_880 = arith.index_cast %add3A_879 : i32 to index
      %swap3A_881 = arith.constant 64 : index
      %swap3A_882 = tpu.vector_load %arg7[%swap3A_880, %swap3A_881] {strides = array<i32>} : memref<80x144xf32, #tpu.memory_space<vmem>>, vector<16xf32>,
      tpu.vector_store %arg7[%swap3A_880, %swap3A_881], %mul3A_877 {strides = array<i32>} : memref<80x144xf32, #tpu.memory_space<vmem>>, vector<16xf32>,
      %add3A_883 = arith.constant 7 : i32
      %add3A_884 = arith.addi %add3A_179, %add3A_883 : i32
      %get3A_885 = arith.index_cast %add3A_884 : i32 to index
      %get3A_886 = arith.constant 80 : index
      %get3A_887 = tpu.vector_load %arg7[%get3A_885, %get3A_886] {strides = array<i32>} : memref<80x144xf32, #tpu.memory_space<vmem>>, vector<16xf32>,
      %mul3A_888 = arith.mulf %get3A_887, %gather3A_827 : vector<16xf32>
      %add3A_889 = arith.constant 7 : i32
      %add3A_890 = arith.addi %add3A_179, %add3A_889 : i32
      %swap3A_891 = arith.index_cast %add3A_890 : i32 to index
      %swap3A_892 = arith.constant 80 : index
      %swap3A_893 = tpu.vector_load %arg7[%swap3A_891, %swap3A_892] {strides = array<i32>} : memref<80x144xf32, #tpu.memory_space<vmem>>, vector<16xf32>,
      tpu.vector_store %arg7[%swap3A_891, %swap3A_892], %mul3A_888 {strides = array<i32>} : memref<80x144xf32, #tpu.memory_space<vmem>>, vector<16xf32>,
      %add3A_894 = arith.constant 7 : i32
      %add3A_895 = arith.addi %add3A_179, %add3A_894 : i32
      %get3A_896 = arith.index_cast %add3A_895 : i32 to index
      %get3A_897 = arith.constant 96 : index
      %get3A_898 = tpu.vector_load %arg7[%get3A_896, %get3A_897] {strides = array<i32>} : memref<80x144xf32, #tpu.memory_space<vmem>>, vector<16xf32>,
      %mul3A_899 = arith.mulf %get3A_898, %gather3A_827 : vector<16xf32>
      %add3A_900 = arith.constant 7 : i32
      %add3A_901 = arith.addi %add3A_179, %add3A_900 : i32
      %swap3A_902 = arith.index_cast %add3A_901 : i32 to index
      %swap3A_903 = arith.constant 96 : index
      %swap3A_904 = tpu.vector_load %arg7[%swap3A_902, %swap3A_903] {strides = array<i32>} : memref<80x144xf32, #tpu.memory_space<vmem>>, vector<16xf32>,
      tpu.vector_store %arg7[%swap3A_902, %swap3A_903], %mul3A_899 {strides = array<i32>} : memref<80x144xf32, #tpu.memory_space<vmem>>, vector<16xf32>,
      %add3A_905 = arith.constant 7 : i32
      %add3A_906 = arith.addi %add3A_179, %add3A_905 : i32
      %get3A_907 = arith.index_cast %add3A_906 : i32 to index
      %get3A_908 = arith.constant 112 : index
      %get3A_909 = tpu.vector_load %arg7[%get3A_907, %get3A_908] {strides = array<i32>} : memref<80x144xf32, #tpu.memory_space<vmem>>, vector<16xf32>,
      %mul3A_910 = arith.mulf %get3A_909, %gather3A_827 : vector<16xf32>
      %add3A_911 = arith.constant 7 : i32
      %add3A_912 = arith.addi %add3A_179, %add3A_911 : i32
      %swap3A_913 = arith.index_cast %add3A_912 : i32 to index
      %swap3A_914 = arith.constant 112 : index
      %swap3A_915 = tpu.vector_load %arg7[%swap3A_913, %swap3A_914] {strides = array<i32>} : memref<80x144xf32, #tpu.memory_space<vmem>>, vector<16xf32>,
      tpu.vector_store %arg7[%swap3A_913, %swap3A_914], %mul3A_910 {strides = array<i32>} : memref<80x144xf32, #tpu.memory_space<vmem>>, vector<16xf32>,
    }
    %scan3A_161 = arith.constant 10 : i32
    %dma_start3A_162 = arith.constant 0 : i32
    %dma_start3A_163 = arith.constant 0 : i32
    %dma_start3A_164 = tpu.memref_slice %arg18[%dma_start3A_162, %dma_start3A_163] : memref<10000x144xf32, #tpu.memory_space<vmem_shared>> -> memref<10000x144xf32, #tpu.memory_space<vmem_shared>>
    tpu.enqueue_indirect_dma source(%arg7 : memref<80x144xf32, #tpu.memory_space<vmem>>) target(%dma_start3A_164 : memref<10000x144xf32, #tpu.memory_space<vmem_shared>>) offsets(%arg15 : memref<80xi32, #tpu.memory_space<vmem>>) semaphore(%arg21 : memref<!tpu.dma_semaphore, #tpu.memory_space<semaphore_mem>>) {add = true}
    %dma_wait3A_165 = arith.constant 0 : i32
    %dma_wait3A_166 = arith.constant 0 : i32
    %dma_wait3A_167 = tpu.memref_slice %arg18[%dma_wait3A_165, %dma_wait3A_166] : memref<10000x144xf32, #tpu.memory_space<vmem_shared>> -> memref<10000x144xf32, #tpu.memory_space<vmem_shared>>
    tpu.wait_indirect_dma semaphore(%arg21 : memref<!tpu.dma_semaphore, #tpu.memory_space<semaphore_mem>>) src(%arg7 : memref<80x144xf32, #tpu.memory_space<vmem>>) dst(%dma_wait3A_167 : memref<10000x144xf32, #tpu.memory_space<vmem_shared>>)
    %barrier3A_168 = arith.constant 0 : index
    tpu.barrier barrier_id(%barrier3A_168)
    %mul3A_169 = arith.constant 10000 : i32
    %mul3A_170 = arith.muli %arg0, %mul3A_169 : i32
    %add3A_171 = arith.addi %mul3A_170, %mul3A_13 : i32
    "tpu.region"() ({
      %run_scoped3A_175 = tpu.sem_alloc : memref<!tpu.dma_semaphore, #tpu.memory_space<semaphore_mem>>
      %dma_start3A_176 = arith.constant 0 : i32
      %dma_start3A_177 = tpu.memref_slice %arg5[%add3A_171, %dma_start3A_176] : memref<20000x128xf32, #tpu.memory_space<hbm>> -> memref<625x128xf32, #tpu.memory_space<hbm>>
      %dma_start3A_178 = arith.constant 0 : i32
      %dma_start3A_179 = tpu.memref_slice %arg18[%mul3A_13, %dma_start3A_178] : memref<10000x144xf32, #tpu.memory_space<vmem_shared>> -> memref<625x128xf32, #tpu.memory_space<vmem_shared>>
      tpu.enqueue_dma source(%dma_start3A_179 : memref<625x128xf32, #tpu.memory_space<vmem_shared>>) target(%dma_start3A_177 : memref<625x128xf32, #tpu.memory_space<hbm>>) target_semaphore(%run_scoped3A_175 : memref<!tpu.dma_semaphore, #tpu.memory_space<semaphore_mem>>)
      %dma_wait3A_180 = arith.constant 0 : i32
      %dma_wait3A_181 = tpu.memref_slice %arg5[%add3A_171, %dma_wait3A_180] : memref<20000x128xf32, #tpu.memory_space<hbm>> -> memref<625x128xf32, #tpu.memory_space<hbm>>
      %dma_wait3A_182 = arith.constant 0 : i32
      %dma_wait3A_183 = tpu.memref_slice %arg18[%mul3A_13, %dma_wait3A_182] : memref<10000x144xf32, #tpu.memory_space<vmem_shared>> -> memref<625x128xf32, #tpu.memory_space<vmem_shared>>
      tpu.wait_dma2 semaphore(%run_scoped3A_175 : memref<!tpu.dma_semaphore, #tpu.memory_space<semaphore_mem>>) src(%dma_wait3A_183 : memref<625x128xf32, #tpu.memory_space<vmem_shared>>) dst(%dma_wait3A_181 : memref<625x128xf32, #tpu.memory_space<hbm>>)
      tpu.yield
    }) : () -> ()
    %mul3A_172 = arith.constant 10000 : i32
    %mul3A_173 = arith.muli %arg0, %mul3A_172 : i32
    %add3A_174 = arith.addi %mul3A_173, %mul3A_13 : i32
    "tpu.region"() ({
      %run_scoped3A_175 = tpu.sem_alloc : memref<!tpu.dma_semaphore, #tpu.memory_space<semaphore_mem>>
      %dma_start3A_176 = arith.constant 0 : i32
      %dma_start3A_177 = tpu.memref_slice %arg6[%add3A_174, %dma_start3A_176] : memref<20000x16xf32, #tpu.memory_space<hbm>> -> memref<625x16xf32, #tpu.memory_space<hbm>>
      %dma_start3A_178 = arith.constant 128 : i32
      %dma_start3A_179 = tpu.memref_slice %arg18[%mul3A_13, %dma_start3A_178] : memref<10000x144xf32, #tpu.memory_space<vmem_shared>> -> memref<625x16xf32, #tpu.memory_space<vmem_shared>>
      tpu.enqueue_dma source(%dma_start3A_179 : memref<625x16xf32, #tpu.memory_space<vmem_shared>>) target(%dma_start3A_177 : memref<625x16xf32, #tpu.memory_space<hbm>>) target_semaphore(%run_scoped3A_175 : memref<!tpu.dma_semaphore, #tpu.memory_space<semaphore_mem>>)
      %dma_wait3A_180 = arith.constant 0 : i32
      %dma_wait3A_181 = tpu.memref_slice %arg6[%add3A_174, %dma_wait3A_180] : memref<20000x16xf32, #tpu.memory_space<hbm>> -> memref<625x16xf32, #tpu.memory_space<hbm>>
      %dma_wait3A_182 = arith.constant 128 : i32
      %dma_wait3A_183 = tpu.memref_slice %arg18[%mul3A_13, %dma_wait3A_182] : memref<10000x144xf32, #tpu.memory_space<vmem_shared>> -> memref<625x16xf32, #tpu.memory_space<vmem_shared>>
      tpu.wait_dma2 semaphore(%run_scoped3A_175 : memref<!tpu.dma_semaphore, #tpu.memory_space<semaphore_mem>>) src(%dma_wait3A_183 : memref<625x16xf32, #tpu.memory_space<vmem_shared>>) dst(%dma_wait3A_181 : memref<625x16xf32, #tpu.memory_space<hbm>>)
      tpu.yield
    }) : () -> ()
    return
  }
}

module attributes {stable_mosaic.version = 14 : i64} {
  func.func @_pre_body(%arg0: i32, %arg1: memref<2000x128xf32, #tpu.memory_space<vmem>>, %arg2: memref<128x128xf32, #tpu.memory_space<vmem>>, %arg3: memref<128x128xf32, #tpu.memory_space<vmem>>, %arg4: memref<128x16xf32, #tpu.memory_space<vmem>>, %arg5: memref<128x16xf32, #tpu.memory_space<vmem>>, %arg6: memref<2000x144xf32, #tpu.memory_space<vmem>>, %arg7: memref<2000x16xf32, #tpu.memory_space<vmem>>) attributes {dimension_semantics = [#tpu.dimension_semantics<arbitrary>], iteration_bounds = array<i64: 5>, scalar_prefetch = 0 : i64, scratch_operands = 0 : i64, tpu.core_type = #tpu.core_type<tc>, window_params = [{transform_indices = @transform_0, window_bounds = array<i64: 2000, 128>}, {pipeline_mode = #tpu.pipeline_mode<synchronous>, transform_indices = @transform_1, window_bounds = array<i64: 128, 128>}, {pipeline_mode = #tpu.pipeline_mode<synchronous>, transform_indices = @transform_2, window_bounds = array<i64: 128, 128>}, {pipeline_mode = #tpu.pipeline_mode<synchronous>, transform_indices = @transform_3, window_bounds = array<i64: 128, 16>}, {pipeline_mode = #tpu.pipeline_mode<synchronous>, transform_indices = @transform_4, window_bounds = array<i64: 128, 16>}, {transform_indices = @transform_5, window_bounds = array<i64: 2000, 144>}, {transform_indices = @transform_6, window_bounds = array<i64: 2000, 16>}]} {
    %get3A = arith.constant 0 : index
    %get3A_0 = arith.constant 0 : index
    %get3A_1 = vector.load %arg1[%get3A, %get3A_0] : memref<2000x128xf32, #tpu.memory_space<vmem>>, vector<2000x128xf32>
    %get3A_2 = arith.constant 0 : index
    %get3A_3 = arith.constant 0 : index
    %get3A_4 = vector.load %arg2[%get3A_2, %get3A_3] : memref<128x128xf32, #tpu.memory_space<vmem>>, vector<128x128xf32>
    %dot_general3A = arith.constant dense<0.000000e+00> : vector<2000x128xf32>
    %dot_general3A_5 = tpu.matmul %get3A_1, %get3A_4, %dot_general3A {dimension_numbers = #tpu.dot_dimension_numbers<[1], [0], [0], [1], [0, 0, 1, 1], [], []>, transpose_lhs_hint = false} : vector<2000x128xf32>, vector<128x128xf32>, vector<2000x128xf32> -> vector<2000x128xf32>
    %get3A_6 = arith.constant 0 : index
    %get3A_7 = arith.constant 0 : index
    %get3A_8 = vector.load %arg4[%get3A_6, %get3A_7] : memref<128x16xf32, #tpu.memory_space<vmem>>, vector<128x16xf32>
    %dot_general3A_9 = arith.constant dense<0.000000e+00> : vector<2000x16xf32>
    %dot_general3A_10 = tpu.matmul %dot_general3A_5, %get3A_8, %dot_general3A_9 {dimension_numbers = #tpu.dot_dimension_numbers<[1], [0], [0], [1], [0, 0, 1, 1], [], []>, transpose_lhs_hint = false} : vector<2000x128xf32>, vector<128x16xf32>, vector<2000x16xf32> -> vector<2000x16xf32>
    %concatenate3A = tpu.concatenate %dot_general3A_5, %dot_general3A_10 in 1 : vector<2000x128xf32>, vector<2000x16xf32> -> vector<2000x144xf32>
    %swap3A = arith.constant 0 : index
    %swap3A_11 = arith.constant 0 : index
    %swap3A_12 = vector.load %arg6[%swap3A, %swap3A_11] : memref<2000x144xf32, #tpu.memory_space<vmem>>, vector<2000x144xf32>
    tpu.vector_store %arg6[%swap3A, %swap3A_11], %concatenate3A {strides = array<i32>} : memref<2000x144xf32, #tpu.memory_space<vmem>>, vector<2000x144xf32>,
    %get3A_13 = arith.constant 0 : index
    %get3A_14 = arith.constant 0 : index
    %get3A_15 = vector.load %arg3[%get3A_13, %get3A_14] : memref<128x128xf32, #tpu.memory_space<vmem>>, vector<128x128xf32>
    %dot_general3A_16 = arith.constant dense<0.000000e+00> : vector<2000x128xf32>
    %dot_general3A_17 = tpu.matmul %get3A_1, %get3A_15, %dot_general3A_16 {dimension_numbers = #tpu.dot_dimension_numbers<[1], [0], [0], [1], [0, 0, 1, 1], [], []>, transpose_lhs_hint = false} : vector<2000x128xf32>, vector<128x128xf32>, vector<2000x128xf32> -> vector<2000x128xf32>
    %get3A_18 = arith.constant 0 : index
    %get3A_19 = arith.constant 0 : index
    %get3A_20 = vector.load %arg5[%get3A_18, %get3A_19] : memref<128x16xf32, #tpu.memory_space<vmem>>, vector<128x16xf32>
    %dot_general3A_21 = arith.constant dense<0.000000e+00> : vector<2000x16xf32>
    %dot_general3A_22 = tpu.matmul %dot_general3A_17, %get3A_20, %dot_general3A_21 {dimension_numbers = #tpu.dot_dimension_numbers<[1], [0], [0], [1], [0, 0, 1, 1], [], []>, transpose_lhs_hint = false} : vector<2000x128xf32>, vector<128x16xf32>, vector<2000x16xf32> -> vector<2000x16xf32>
    %swap3A_23 = arith.constant 0 : index
    %swap3A_24 = arith.constant 0 : index
    %swap3A_25 = vector.load %arg7[%swap3A_23, %swap3A_24] : memref<2000x16xf32, #tpu.memory_space<vmem>>, vector<2000x16xf32>
    tpu.vector_store %arg7[%swap3A_23, %swap3A_24], %dot_general3A_22 {strides = array<i32>} : memref<2000x16xf32, #tpu.memory_space<vmem>>, vector<2000x16xf32>,
    return
  }
  func.func @transform_0(%arg0: i32) -> (i32, i32) {
    %c0_i32 = arith.constant 0 : i32
    %c0_i32_0 = arith.constant 0 : i32
    return %arg0, %c0_i32 : i32, i32
  }
  func.func @transform_1(%arg0: i32) -> (i32, i32) {
    %c0_i32 = arith.constant 0 : i32
    %c0_i32_0 = arith.constant 0 : i32
    %c0_i32_1 = arith.constant 0 : i32
    return %c0_i32, %c0_i32_0 : i32, i32
  }
  func.func @transform_2(%arg0: i32) -> (i32, i32) {
    %c0_i32 = arith.constant 0 : i32
    %c0_i32_0 = arith.constant 0 : i32
    %c0_i32_1 = arith.constant 0 : i32
    return %c0_i32, %c0_i32_0 : i32, i32
  }
  func.func @transform_3(%arg0: i32) -> (i32, i32) {
    %c0_i32 = arith.constant 0 : i32
    %c0_i32_0 = arith.constant 0 : i32
    %c0_i32_1 = arith.constant 0 : i32
    return %c0_i32, %c0_i32_0 : i32, i32
  }
  func.func @transform_4(%arg0: i32) -> (i32, i32) {
    %c0_i32 = arith.constant 0 : i32
    %c0_i32_0 = arith.constant 0 : i32
    %c0_i32_1 = arith.constant 0 : i32
    return %c0_i32, %c0_i32_0 : i32, i32
  }
  func.func @transform_5(%arg0: i32) -> (i32, i32) {
    %c0_i32 = arith.constant 0 : i32
    %c0_i32_0 = arith.constant 0 : i32
    return %arg0, %c0_i32 : i32, i32
  }
  func.func @transform_6(%arg0: i32) -> (i32, i32) {
    %c0_i32 = arith.constant 0 : i32
    %c0_i32_0 = arith.constant 0 : i32
    return %arg0, %c0_i32 : i32, i32
  }
}

module attributes {stable_mosaic.version = 14 : i64} {
  func.func @_post_body(%arg0: i32, %arg1: memref<2000x128xf32, #tpu.memory_space<vmem>>, %arg2: memref<2000x128xf32, #tpu.memory_space<vmem>>, %arg3: memref<2000x16xf32, #tpu.memory_space<vmem>>, %arg4: memref<2000x16xf32, #tpu.memory_space<vmem>>, %arg5: memref<1x128xf32, #tpu.memory_space<vmem>>, %arg6: memref<128x128xf32, #tpu.memory_space<vmem>>, %arg7: memref<1x128xf32, #tpu.memory_space<vmem>>, %arg8: memref<2000x128xf32, #tpu.memory_space<vmem>>) attributes {dimension_semantics = [#tpu.dimension_semantics<arbitrary>], iteration_bounds = array<i64: 5>, scalar_prefetch = 0 : i64, scratch_operands = 0 : i64, tpu.core_type = #tpu.core_type<tc>, window_params = [{transform_indices = @transform_0, window_bounds = array<i64: 2000, 128>}, {transform_indices = @transform_1, window_bounds = array<i64: 2000, 128>}, {transform_indices = @transform_2, window_bounds = array<i64: 2000, 16>}, {transform_indices = @transform_3, window_bounds = array<i64: 2000, 16>}, {pipeline_mode = #tpu.pipeline_mode<synchronous>, transform_indices = @transform_4, window_bounds = array<i64: 1, 128>}, {pipeline_mode = #tpu.pipeline_mode<synchronous>, transform_indices = @transform_5, window_bounds = array<i64: 128, 128>}, {pipeline_mode = #tpu.pipeline_mode<synchronous>, transform_indices = @transform_6, window_bounds = array<i64: 1, 128>}, {transform_indices = @transform_7, window_bounds = array<i64: 2000, 128>}]} {
    %get3A = arith.constant 0 : index
    %get3A_0 = arith.constant 0 : index
    %get3A_1 = vector.load %arg1[%get3A, %get3A_0] : memref<2000x128xf32, #tpu.memory_space<vmem>>, vector<2000x128xf32>
    %get3A_2 = arith.constant 0 : index
    %get3A_3 = arith.constant 0 : index
    %get3A_4 = vector.load %arg2[%get3A_2, %get3A_3] : memref<2000x128xf32, #tpu.memory_space<vmem>>, vector<2000x128xf32>
    %add3A = arith.addf %get3A_1, %get3A_4 : vector<2000x128xf32>
    %get3A_5 = arith.constant 0 : index
    %get3A_6 = arith.constant 0 : index
    %get3A_7 = vector.load %arg3[%get3A_5, %get3A_6] : memref<2000x16xf32, #tpu.memory_space<vmem>>, vector<2000x16xf32>
    %get3A_8 = arith.constant 0 : index
    %get3A_9 = arith.constant 0 : index
    %get3A_10 = vector.load %arg4[%get3A_8, %get3A_9] : memref<2000x16xf32, #tpu.memory_space<vmem>>, vector<2000x16xf32>
    %add3A_11 = arith.addf %get3A_7, %get3A_10 : vector<2000x16xf32>
    %reduce_sum3A = arith.constant dense<0.000000e+00> : vector<2000xf32>
    %reduce_sum3A_12 = vector.multi_reduction <add>, %add3A_11, %reduce_sum3A [1] : vector<2000x16xf32> to vector<2000xf32>
    %broadcast_in_dim3A = vector.shape_cast %reduce_sum3A_12 : vector<2000xf32> to vector<2000x1xf32>
    %add3A_13 = arith.constant 1.000000e-16 : f32
    %add3A_14 = vector.broadcast %add3A_13 : f32 to vector<2000x1xf32>
    %add3A_15 = arith.addf %broadcast_in_dim3A, %add3A_14 : vector<2000x1xf32>
    %div3A = vector.broadcast %add3A_15 : vector<2000x1xf32> to vector<2000x128xf32>
    %div3A_16 = arith.divf %add3A, %div3A : vector<2000x128xf32>
    %get3A_17 = arith.constant 0 : index
    %get3A_18 = arith.constant 0 : index
    %get3A_19 = vector.load %arg5[%get3A_17, %get3A_18] : memref<1x128xf32, #tpu.memory_space<vmem>>, vector<1x128xf32>
    %add3A_20 = vector.broadcast %get3A_19 : vector<1x128xf32> to vector<2000x128xf32>
    %add3A_21 = arith.addf %div3A_16, %add3A_20 : vector<2000x128xf32>
    %max3A = arith.constant 0.000000e+00 : f32
    %max3A_22 = vector.broadcast %max3A : f32 to vector<2000x128xf32>
    %max3A_23 = arith.maximumf %add3A_21, %max3A_22 : vector<2000x128xf32>
    %get3A_24 = arith.constant 0 : index
    %get3A_25 = arith.constant 0 : index
    %get3A_26 = vector.load %arg6[%get3A_24, %get3A_25] : memref<128x128xf32, #tpu.memory_space<vmem>>, vector<128x128xf32>
    %dot_general3A = arith.constant dense<0.000000e+00> : vector<2000x128xf32>
    %dot_general3A_27 = tpu.matmul %max3A_23, %get3A_26, %dot_general3A {dimension_numbers = #tpu.dot_dimension_numbers<[1], [0], [0], [1], [0, 0, 1, 1], [], []>, transpose_lhs_hint = false} : vector<2000x128xf32>, vector<128x128xf32>, vector<2000x128xf32> -> vector<2000x128xf32>
    %get3A_28 = arith.constant 0 : index
    %get3A_29 = arith.constant 0 : index
    %get3A_30 = vector.load %arg7[%get3A_28, %get3A_29] : memref<1x128xf32, #tpu.memory_space<vmem>>, vector<1x128xf32>
    %add3A_31 = vector.broadcast %get3A_30 : vector<1x128xf32> to vector<2000x128xf32>
    %add3A_32 = arith.addf %dot_general3A_27, %add3A_31 : vector<2000x128xf32>
    %swap3A = arith.constant 0 : index
    %swap3A_33 = arith.constant 0 : index
    %swap3A_34 = vector.load %arg8[%swap3A, %swap3A_33] : memref<2000x128xf32, #tpu.memory_space<vmem>>, vector<2000x128xf32>
    tpu.vector_store %arg8[%swap3A, %swap3A_33], %add3A_32 {strides = array<i32>} : memref<2000x128xf32, #tpu.memory_space<vmem>>, vector<2000x128xf32>,
    return
  }
  func.func @transform_0(%arg0: i32) -> (i32, i32) {
    %c0_i32 = arith.constant 0 : i32
    %c0_i32_0 = arith.constant 0 : i32
    return %arg0, %c0_i32 : i32, i32
  }
  func.func @transform_1(%arg0: i32) -> (i32, i32) {
    %add3A = arith.constant 5 : i32
    %add3A_0 = arith.addi %arg0, %add3A : i32
    %c0_i32 = arith.constant 0 : i32
    %c0_i32_1 = arith.constant 0 : i32
    return %add3A_0, %c0_i32 : i32, i32
  }
  func.func @transform_2(%arg0: i32) -> (i32, i32) {
    %c0_i32 = arith.constant 0 : i32
    %c0_i32_0 = arith.constant 0 : i32
    return %arg0, %c0_i32 : i32, i32
  }
  func.func @transform_3(%arg0: i32) -> (i32, i32) {
    %add3A = arith.constant 5 : i32
    %add3A_0 = arith.addi %arg0, %add3A : i32
    %c0_i32 = arith.constant 0 : i32
    %c0_i32_1 = arith.constant 0 : i32
    return %add3A_0, %c0_i32 : i32, i32
  }
  func.func @transform_4(%arg0: i32) -> (i32, i32) {
    %c0_i32 = arith.constant 0 : i32
    %c0_i32_0 = arith.constant 0 : i32
    %c0_i32_1 = arith.constant 0 : i32
    return %c0_i32, %c0_i32_0 : i32, i32
  }
  func.func @transform_5(%arg0: i32) -> (i32, i32) {
    %c0_i32 = arith.constant 0 : i32
    %c0_i32_0 = arith.constant 0 : i32
    %c0_i32_1 = arith.constant 0 : i32
    return %c0_i32, %c0_i32_0 : i32, i32
  }
  func.func @transform_6(%arg0: i32) -> (i32, i32) {
    %c0_i32 = arith.constant 0 : i32
    %c0_i32_0 = arith.constant 0 : i32
    %c0_i32_1 = arith.constant 0 : i32
    return %c0_i32, %c0_i32_0 : i32, i32
  }
  func.func @transform_7(%arg0: i32) -> (i32, i32) {
    %c0_i32 = arith.constant 0 : i32
    %c0_i32_0 = arith.constant 0 : i32
    return %arg0, %c0_i32 : i32, i32
  }
}

</mosaic_0001>

<sc_bundles>
// kernel: kernel.5.cloned.1.call-start
scs
__scs_entry_jumppad:
0x0: {  	(pc) =	sbr.rel $0x88, $3  }
0x1: {  	(tag) =	ssettag $0x0;
	lr =	simm.s32 $0x1  }
0x2: {  	[smem:$0x3F98] =	sst lr;
	_ =	strace $0xD0000000  }
0x3: {  	_ = 	snop  }
0x4: {  	_ = 	snop  }
0x5: {  	_ = 	snop  }
0x6: {  	_ = 	snop  }
0x7: {  	_ = 	snop  }
__scs_overlays_trampoline_lowered:
0x8: {  	[smem:$0x3FA7] =	sst s0  }
0x9: {  	[smem:$0x3FA8] =	sst s1  }
0xa: {  	[smem:$0x3FA9] =	sst s2  }
0xb: {  	[smem:$0x3FAA] =	sst s3  }
0xc: {  	[smem:$0x3FAB] =	sst s4  }
0xd: {  	[smem:$0x3FAC] =	sst s5  }
0xe: {  	[smem:$0x3FAD] =	sst s6  }
0xf: {  	[smem:$0x3FAE] =	sst s7  }
0x10: {  	[smem:$0x3FAF] =	sst s8  }
0x11: {  	[smem:$0x3FB0] =	sst s9;
	s0 =	simm.s32 @!p0 $0x0  }
0x12: {  	s1 =	sld [smem:$0x3F96];
	s0 =	simm.s32 @p0 $0x1  }
0x13: {  	[smem:$0x3FB1] =	sst s0;
	s0 =	simm.s32 @!p1 $0x0  }
0x14: {  	s2 =	sld [smem:$0x3F95];
	s0 =	simm.s32 @p1 $0x1  }
0x15: {  	[smem:$0x3FB2] =	sst s0;
	s0 =	simm.s32 @!p2 $0x0  }
0x16: {  	s3 =	sld [smem:$0x3FDB];
	s0 =	simm.s32 @p2 $0x1  }
0x17: {  	s4 =	simm.s32 $0x1BF5;
	[smem:$0x3FB4] =	sst s0  }
0x18: {  	s0 =	sld [smem:$0x3F97];
	_ =	swait.ge [sflag:s4], $0x0  }
0x19: {  	s7 =	sld [smem:$0x3F98]  }
0x1a: {  	s8 =	sadd.s32 $0xFFFFE003, lr  }
0x1b: {  	s9 =	sadd.s32 $0xFFFFFEF7, lr;
	s5 =	simm.s32 $0xFFFFFFFF;
	p2 =	slt.u32 s8, $0xFFFFF086  }
0x1c: {  	p1 =	slt.u32 s9, $0xF7A;
	s5 =	simm.s32 @!p2 $0x0  }
0x1d: {  	s5 =	simm.s32 @p1 $0x1;
	p0 =	seq.s32 s7, s2  }
0x1e: {  	s7 =	smul.u32 @!p0 $0xF7A, s2;
	p2 =	seq.s32 @!p0 s5, $0x0  }
0x1f: {  	s9 =	smul.u32 $0xF7A, s1;
	s8 =	simm.s32 @!p0 $0x1BF5;
	p2 =	por !p2, p0  }
0x20: {  	[sflag:s8] =	ssyncset.s32 @!p0 $0xFFFFF086;
	s6 =	sadd.s32 @!p0 s3, s7;
	s7 =	simm.s32 @!p0 $0x108  }
0x21: {  	s3 =	sadd.s32 s3, s9;
	s6 =	sadd.s32 @!p0 $0x88, s6;
	s7 =	simm.s32 @p2 $0x1082  }
0x22: {  	[simem:s7], [sflag:s8] =	dma.local @!p0 [hbm:s6], $0xF7A  }
0x23: {  	s9 =	sor.u32 $0xD0000000, s2;
	s6 =	simm.s32 $0x108;
	_ =	swait.ge @!p0 [sflag:s8], $0x0  }
0x24: {  	s3 =	sadd.s32 $0x88, s3;
	s6 =	simm.s32 @!p1 $0x1082;
	[sflag:s4] =	ssyncset.s32 $0xFFFFF086  }
0x25: {  	[simem:s6], [sflag:s4] =	dma.local [hbm:s3], $0xF7A  }
0x26: {  	[smem:$0x3F98] =	sst s1;
	(tag) =	ssettag s2;
	_ =	strace s9  }
0x27: {  	s1 =	sld [smem:$0x3FA8]  }
0x28: {  	s2 =	sld [smem:$0x3FA9]  }
0x29: {  	s4 =	sld [smem:$0x3FAB]  }
0x2a: {  	p0 =	seq.s32 s5, $0x0;
	s5 =	sld [smem:$0x3FAC]  }
0x2b: {  	s6 =	sld [smem:$0x3FAD]  }
0x2c: {  	s7 =	sld [smem:$0x3FAE]  }
0x2d: {  	s3 =	simm.s32 $0x108;
	s8 =	sld [smem:$0x3FAF]  }
0x2e: {  	s3 =	simm.s32 @!p0 $0x1082;
	s9 =	sld [smem:$0x3FB0]  }
0x2f: {  	lr =	sadd.s32 s0, s3;
	s0 =	sld [smem:$0x3FA7]  }
0x30: {  	s3 =	sld [smem:$0x3FAA]  }
0x31: {  	[smem:$0x3FB3] =	sst s10  }
0x32: {  	s10 =	sld [smem:$0x3FB1];
	_ =	sdelay $0x3  }
0x33: {  	p0 =	seq.s32 s10, $0x1;
	s10 =	sld [smem:$0x3FB3];
	_ =	sdelay $0x3  }
0x34: {  	[smem:$0x3FB3] =	sst s10  }
0x35: {  	s10 =	sld [smem:$0x3FB2];
	_ =	sdelay $0x3  }
0x36: {  	p1 =	seq.s32 s10, $0x1;
	s10 =	sld [smem:$0x3FB3];
	_ =	sdelay $0x3  }
0x37: {  	[smem:$0x3FB3] =	sst s10  }
0x38: {  	s10 =	sld [smem:$0x3FB4]  }
0x39: {  	_ = 	snop;
	(pc) =	sbr.ind lr, $3  }
0x3a: {  	_ = 	snop  }
0x3b: {  	_ = 	snop  }
0x3c: {  	p2 =	seq.s32 s10, $0x1;
	s10 =	sld [smem:$0x3FB3]  }
0x3d: {  	_ =	shalt  }
0x3e: {  	_ =	shalt  }
0x3f: {  	_ =	shalt  }
0x40: {  	_ =	shalt  }
0x41: {  	_ =	shalt  }
0x42: {  	_ =	shalt  }
0x43: {  	_ =	shalt  }
0x44: {  	_ =	shalt  }
0x45: {  	_ =	shalt  }
0x46: {  	_ =	shalt  }
0x47: {  	_ =	shalt  }
0x48: {  	_ =	shalt  }
0x49: {  	_ =	shalt  }
0x4a: {  	_ =	shalt  }
0x4b: {  	_ =	shalt  }
0x4c: {  	_ =	shalt  }
0x4d: {  	_ =	shalt  }
0x4e: {  	_ =	shalt  }
0x4f: {  	_ =	shalt  }
0x50: {  	_ =	shalt  }
0x51: {  	_ =	shalt  }
0x52: {  	_ =	shalt  }
0x53: {  	_ =	shalt  }
0x54: {  	_ =	shalt  }
0x55: {  	_ =	shalt  }
0x56: {  	_ =	shalt  }
0x57: {  	_ =	shalt  }
0x58: {  	_ =	shalt  }
0x59: {  	_ =	shalt  }
0x5a: {  	_ =	shalt  }
0x5b: {  	_ =	shalt  }
0x5c: {  	_ =	shalt  }
0x5d: {  	_ =	shalt  }
0x5e: {  	_ =	shalt  }
0x5f: {  	_ =	shalt  }
0x60: {  	_ =	shalt  }
0x61: {  	_ =	shalt  }
0x62: {  	_ =	shalt  }
0x63: {  	_ =	shalt  }
0x64: {  	_ =	shalt  }
0x65: {  	_ =	shalt  }
0x66: {  	_ =	shalt  }
0x67: {  	_ =	shalt  }
0x68: {  	_ =	shalt  }
0x69: {  	_ =	shalt  }
0x6a: {  	_ =	shalt  }
0x6b: {  	_ =	shalt  }
0x6c: {  	_ =	shalt  }
0x6d: {  	_ =	shalt  }
0x6e: {  	_ =	shalt  }
0x6f: {  	_ =	shalt  }
0x70: {  	_ =	shalt  }
0x71: {  	_ =	shalt  }
0x72: {  	_ =	shalt  }
0x73: {  	_ =	shalt  }
0x74: {  	_ =	shalt  }
0x75: {  	_ =	shalt  }
0x76: {  	_ =	shalt  }
0x77: {  	_ =	shalt  }
0x78: {  	_ =	shalt  }
0x79: {  	_ =	shalt  }
0x7a: {  	_ =	shalt  }
0x7b: {  	_ =	shalt  }
0x7c: {  	_ =	shalt  }
0x7d: {  	_ =	shalt  }
0x7e: {  	_ =	shalt  }
0x7f: {  	_ =	shalt  }
0x80: {  	_ =	shalt  }
0x81: {  	_ =	shalt  }
0x82: {  	_ =	shalt  }
0x83: {  	_ =	shalt  }
0x84: {  	_ =	shalt  }
0x85: {  	_ =	shalt  }
0x86: {  	_ =	shalt  }
0x87: {  	_ =	shalt  }
.Lfunc_end0:
.L_simem_size_0:
called_computation_lowered:
.L_overlay_start_0:
0x88: {  	s2 =	sld [smem:$0x3FD9]  }
0x89: {  	s3 =	sld [smem:$0x3FFE];
	_ =	sdelay $0x1  }
0x8a: {  	s1 =	srdreg.scid  }
0x8b: {  	s0 =	sand.u32 $0x1, s1  }
0x8c: {  	s17 =	sshll.u32 s0, $0xA;
	s2 =	sadd.s32 s3, s2  }
0x8d: {  	s2 =	sadd.s32 s2, s17  }
0x8e: {  	[smem:$0x3FBF] =	sst s2  }
0x8f: {  	_ = 	snop  }
0x90: {  	s2 =	sld [smem:$0x3FD0];
	(tm) =	ssettm $0x1  }
0x91: {  	s18 =	sld [smem:$0x3FFB];
	_ =	sdelay $0x3  }
0x92: {  	_ =	strace s18  }
0x93: {  	s3 =	sld [smem:$0x3FFC];
	_ =	sdelay $0x3  }
0x94: {  	_ =	strace s3  }
0x95: {  	s3 =	sld [smem:$0x3FFD];
	_ =	sdelay $0x3  }
0x96: {  	_ =	strace s3  }
0x97: {  	_ =	strace $0x8FFFFFFF  }
0x98: {  	s19 =	sld [smem:$0x3FDB];
	_ =	sdelay $0x1  }
0x99: {  	s4 =	simm.s32 $_scs_section_size  }
0x9a: {  	s5 =	simm.s32 $_size__tile_overlayer_lowered;
	s6 =	simm.s32 $_tile_overlayer_lowered  }
0x9b: {  	s22 =	simm.s32 $0x1BFF;
	s21 =	sshll.u32 s6, $0x1;
	s3 =	sadd.s32 s4, s19  }
0x9c: {  	s7 =	simm.s32 $0x0;
	s20 =	sshll.u32 s5, $0x1;
	s5 =	sadd.s32 s21, s3  }
0x9d: {  	[timem:s7], [sflag:s22] =	dma.local [hbm:s5], s20  }
0x9e: {  	_ =	swait.ge [sflag:s22], s20  }
0x9f: {  	s4 =	ssub.s32 $0x0, s20;
	[sflag:s22] =	ssyncset.done $0x0  }
0xa0: {  	[sflag:s22] =	ssyncadd.s32 s4;
	_ =	sdelay $0x1  }
0xa1: {  	s23 =	simm.s32 $0x1B8B  }
0xa2: {  	_ =	swait.ge [sflag:s23], $0x1  }
0xa3: {  	[sflag:s23] =	ssyncset.done $0x0  }
0xa4: {  	s25 =	simm.s32 $0x1B8E;
	s24 =	sld [smem:$0x3FFE];
	[sflag:s23] =	ssyncadd.s32 $0xFFFFFFFF  }
0xa5: {  	s26 =	simm.s32 $execute0_lowered;
	[smem:$0x3FD2] =	sst s25  }
0xa6: {  	s5 =	sshll.u32 s26, $0x1;
	_ =	strace $0x80000046;
	[dreg:$0x1] =	wrdreg $0xFFFFFFFF  }
0xa7: {  	s28 =	simm.s32 $_size_execute0_lowered;
	s3 =	sadd.s32 s3, s5;
	[dreg:$0x0] =	wrdreg $0x0  }
0xa8: {  	s5 =	sshll.u32 s28, $0x1;
	[dreg:$0x2] =	wrdreg s3  }
0xa9: {  	[dreg:$0x3] =	wrdreg s5  }
0xaa: {  	[dreg:$0x4] =	wrdreg $0xC0  }
0xab: {  	_ =	task [dreg:s7], $0x5FFFF  }
0xac: {  	[dreg:$0x1] =	wrdreg $0xFFFFFFFF  }
0xad: {  	[dreg:$0x0] =	wrdreg $0x60  }
0xae: {  	[dreg:$0x2] =	wrdreg s24  }
0xaf: {  	[dreg:$0x3] =	wrdreg s2  }
0xb0: {  	[dreg:$0x4] =	wrdreg $0x66300  }
0xb1: {  	[dreg:$0x5] =	wrdreg $0x9  }
0xb2: {  	_ =	task.clear_ibuf [dreg:s7], $0x6FFFF;
	_ =	strace $0x90000046  }
0xb3: {  	s29 =	simm.s32 $0x9;
	_ =	strace $0x80000048  }
0xb4: {  	_ =	swait.ge [sflag:s29], $0x1  }
0xb5: {  	[sflag:s29] =	ssyncadd.s32 $0xFFFFFFFF  }
0xb6: {  	_ =	strace $0x90000048  }
0xb7: {  	_ =	sfence  }
0xb8: {  	s30 =	sld [smem:$0x0];
	_ =	sdelay $0x2  }
0xb9: {  	s31 =	sshll.u32 s1, $0xD;
	s1 =	sshrl.u32 s1, $0x2  }
0xba: {  	s3 =	sand.u32 $0x4000, s31;
	s1 =	sadd.s32 s1, s30  }
0xbb: {  	s0 =	sor.u32 s3, s0;
	s1 =	sshll.u32 s1, $0x11  }
0xbc: {  	s0 =	sor.u32 s1, s0  }
0xbd: {  	s0 =	sadd.s32 $0x8F2B, s0  }
0xbe: {  	[sflag:s0] =	ssyncadd.remote.s32 $0x1  }
0xbf: {  	_ =	sfence.sel $0xFFFF  }
0xc0: {  	[dreg:$0x0] =	wrdreg $0xFFFFFFFF;
	(pc) =	sbr.abs _section_cstart, $3  }
0xc1: {  	[dreg:$0x1] =	wrdreg $0xFFFFFFFF  }
0xc2: {  	_ =	task.clear_ibuf [dreg:s7], $0x2FFFF;
	_ =	strace $0x9FFFFFFF  }
0xc3: {  	(tm) =	ssettm $0x7FFFFFFF  }
tec
execute0_lowered:
.L_overlay_start_1:
0x0: {  	(tag) =	ssettag $0x1  }
0x1: {  	s0 =	rddreg [dreg:$0x0]  }
0x2: {  	s2 =	rddreg [dreg:$0x1]  }
0x3: {  	s1 =	srdreg.scid;
	s11 =	stileid.u32  }
0x4: {  	s3 =	rddreg [dreg:$0x2];
	s4 =	simm.s32 $0x0;
	s28 =	simm.s32 $0x64A0  }
0x5: {  	s29 =	simm.s32 $0x50;
	s30 =	simm.s32 $0x5A00;
	s31 =	simm.s32 $0x6450  }
0x6: {  	s12 =	simm.s32 $0x6540;
	s13 =	simm.s32 $0x0;
	s6 =	smul.u32 $0x271, s11  }
0x7: {  	s1 =	sand.u32 $0x1, s1;
	[smem:$0x7FF] =	sst s4;
	s9 =	smul.u32 $0x57E40, s11  }
0x8: {  	s5 =	sadd.s32 $0x1600, s0;
	s7 =	smul.u32 $0x2710, s1;
	s10 =	sshll.u32 s1, $0x4  }
0x9: {  	_ =	strace $0x80000047;
	s1 =	ssub.s32 $0x2, s1;
	s10 =	sor.u32 s11, s10  }
0xa: {  	s9 =	sshrl.u32 s9, $0x2;
	s14 =	sshrl.u32 s1, $0x1;
	s11 =	simm.s32 $0x65E0  }
0xb: {  	s7 =	sadd.s32 s6, s7;
	s6 =	sadd.s32 $0x2D600, s0;
	s17 =	sadd.s32 s9, s3  }
0xc: {  	s10 =	smul.u32 $0x2710, s10;
	s15 =	sadd.s32 $0x2D00, s17;
	[dreg:$0x4] =	wrdreg s17  }
0xd: {  	s1 =	ssub.s32 s1, s14;
	s16 =	sadd.s32 $0x5A00, s17;
	[dreg:$0x5] =	wrdreg s15  }
0xe: {  	s14 =	simm.s32 $0x5;
	s18 =	sadd.s32 $0x8700, s17;
	[dreg:$0x6] =	wrdreg s16  }
0xf: {  	s8 =	sshll.u32 s7, $0x4;
	s9 =	sadd.s32 $0xB400, s17;
	[dreg:$0x7] =	wrdreg s18  }
0x10: {  	s7 =	sshll.u32 s7, $0x1;
	s20 =	sadd.s32 $0xE100, s17;
	[dreg:$0x8] =	wrdreg s9  }
0x11: {  	s21 =	sadd.s32 $0x10E00, s17;
	s22 =	sadd.s32 $0x13B00, s17;
	[dreg:$0x9] =	wrdreg s20  }
0x12: {  	s26 =	sadd.s32 $0x80, s17;
	s1 =	smax.u32 s1, $0x1;
	[dreg:$0xb] =	wrdreg s21  }
0x13: {  	s8 =	sadd.s32 s8, s0;
	s0 =	sadd.s32 s7, s0;
	[dreg:$0xc] =	wrdreg s22  }
0x14: {  	s19 =	sshrl.u32 s10, $0x3;
	s20 =	sadd.s32 $0xF0, s10;
	[dreg:$0x12] =	wrdreg s1  }
0x15: {  	s1 =	simm.s32 $0x64F0;
	s9 =	simm.s32 $0x5F00;
	s7 =	sadd.s32 s2, s19  }
0x16: {  	s15 =	simm.s32 $0x3;
	s25 =	sadd.s32 $0x3C400, s8;
	[dreg:$0xa] =	wrdreg s7  }
0x17: {  	v0 =	vlaneseq.u32;
	v11 =	vimm.s32 $0x0;
	s16 =	simm.s32 $0x2;
	s0 =	sadd.s32 $0x32600, s0;
	[dreg:$0x10] =	wrdreg s25  }
0x18: {  	vm0 =	vcmask $0x300;
	v9 =	vmul.u32 $0x90, v0;
	v0 =	vmul.u32 $0x10, v0;
	s19 =	sadd.s32 $0xA0, s10;
	s23 =	sadd.s32 $0x9C40, s7;
	[dreg:$0x11] =	wrdreg s0  }
0x19: {  	v1 =	vimm.f32 $0.0e+00;
	v11 =	vsel vm0, $0x3, v11;
	s8 =	simm.s32 $0x2D00;
	s24 =	sadd.s32 $0xA, s7;
	[dreg:$0xd] =	wrdreg s23  }
0x1a: {  	v2 =	vadd.s32 $0x80, v9;
	v3 =	vadd.s32 $0x980, v9;
	v4 =	vor.u32 $0x100, v0;
	s10 =	simm.s32 $0x1;
	s7 =	sadd.s32 $0x9C4A, s7;
	[dreg:$0xe] =	wrdreg s24  }
0x1b: {  	v5 =	vadd.s32 $0x1280, v9;
	v6 =	vor.u32 $0x200, v0;
	v7 =	vadd.s32 $0x1B80, v9;
	s0 =	sshrl.u32 s26, $0x3;
	s26 =	simm.s32 $0x6400;
	[dreg:$0xf] =	wrdreg s7  }
0x1c: {  	v8 =	vor.u32 $0x300, v0;
	v9 =	vadd.s32 $0x2480, v9;
	v10 =	vor.u32 $0x400, v0;
	s24 =	simm.s32 $0x7;
	[dreg:$0x13] =	wrdreg s0;
	s0 =	simm.s32 $0x6  }
.LBB2_1:
0x1d: {  	[dreg:$0x14] =	wrdreg s13;
	s7 =	simm.s32 $0x0;
	s13 =	simm.s32 $0x240  }
.LBB2_2:
0x1e: {  	p0 =	sne.s32 s13, $0xB1C0;
	[tilespmem:s7+$0x80] =	vst v1  }
0x1f: {  	[tilespmem:s7+$0x0] =	vst v1  }
0x20: {  	[tilespmem:s7+$0x10] =	vst v1  }
0x21: {  	[tilespmem:s7+$0x20] =	vst v1  }
.Ltmp0:
0x22: {  	[tilespmem:s7+$0x30] =	vst v1;
	(pc) =	sbr.rel @p0 .LBB2_2-.Ltmp0, $4  }
0x23: {  	[tilespmem:s7+$0x40] =	vst v1  }
0x24: {  	[tilespmem:s7+$0x50] =	vst v1  }
0x25: {  	[tilespmem:s7+$0x60] =	vst v1  }
0x26: {  	[tilespmem:s7+$0x70] =	vst v1;
	s7 =	sshra.s32 s13, $0x2;
	s13 =	sadd.s32 $0x240, s13  }
0x27: {  	[tilespmem:s7+$0x80] =	vst v1  }
0x28: {  	[tilespmem:s7+$0x0] =	vst v1  }
0x29: {  	[tilespmem:s7+$0x10] =	vst v1  }
0x2a: {  	[tilespmem:s7+$0x20] =	vst v1  }
0x2b: {  	[tilespmem:s7+$0x30] =	vst v1  }
0x2c: {  	[tilespmem:s7+$0x40] =	vst v1  }
0x2d: {  	[tilespmem:s7+$0x50] =	vst v1  }
0x2e: {  	[tilespmem:s7+$0x60] =	vst v1  }
0x2f: {  	[tilespmem:s7+$0x70] =	vst v1;
	s23 =	simm.s32 $0x0  }
0x30: {  	[spmem:s17] =	stream.linear.scatter [tilespmem:s23], [sflag:$0x7], $0x2D00, $0x38;
	[tilespmem:$0x1C5C0] =	vst v63  }
0x31: {  	_ =	swait.ge [sflag:s24], $0x2D00  }
0x32: {  	[sflag:s24] =	ssyncset.done $0x0  }
0x33: {  	s17 =	rddreg [dreg:$0x5];
	[sflag:s24] =	ssyncadd.s32 $0xFFFFD300  }
0x34: {  	[spmem:s17] =	stream.linear.scatter [tilespmem:s23], [sflag:$0x7], $0x2D00, $0x38;
	[tilespmem:$0x1C5C0] =	vst v63  }
0x35: {  	_ =	swait.ge [sflag:s24], $0x2D00  }
0x36: {  	[sflag:s24] =	ssyncset.done $0x0  }
0x37: {  	s18 =	rddreg [dreg:$0x6];
	[sflag:s24] =	ssyncadd.s32 $0xFFFFD300  }
0x38: {  	[spmem:s18] =	stream.linear.scatter [tilespmem:s23], [sflag:$0x7], $0x2D00, $0x38;
	[tilespmem:$0x1C5C0] =	vst v63  }
0x39: {  	_ =	swait.ge [sflag:s24], $0x2D00  }
0x3a: {  	[sflag:s24] =	ssyncset.done $0x0  }
0x3b: {  	s21 =	rddreg [dreg:$0x7];
	[sflag:s24] =	ssyncadd.s32 $0xFFFFD300  }
0x3c: {  	[spmem:s21] =	stream.linear.scatter [tilespmem:s23], [sflag:$0x7], $0x2D00, $0x38;
	[tilespmem:$0x1C5C0] =	vst v63  }
0x3d: {  	_ =	swait.ge [sflag:s24], $0x2D00  }
0x3e: {  	[sflag:s24] =	ssyncset.done $0x0  }
0x3f: {  	s22 =	rddreg [dreg:$0x8];
	[sflag:s24] =	ssyncadd.s32 $0xFFFFD300  }
0x40: {  	[spmem:s22] =	stream.linear.scatter [tilespmem:s23], [sflag:$0x7], $0x2D00, $0x38;
	[tilespmem:$0x1C5C0] =	vst v63  }
0x41: {  	_ =	swait.ge [sflag:s24], $0x2D00  }
0x42: {  	[sflag:s24] =	ssyncset.done $0x0  }
0x43: {  	s25 =	rddreg [dreg:$0x9];
	[sflag:s24] =	ssyncadd.s32 $0xFFFFD300  }
0x44: {  	[spmem:s25] =	stream.linear.scatter [tilespmem:s23], [sflag:$0x7], $0x2D00, $0x38;
	[tilespmem:$0x1C5C0] =	vst v63  }
0x45: {  	_ =	swait.ge [sflag:s24], $0x2D00  }
0x46: {  	[sflag:s24] =	ssyncset.done $0x0  }
0x47: {  	s13 =	rddreg [dreg:$0xb];
	[sflag:s24] =	ssyncadd.s32 $0xFFFFD300  }
0x48: {  	[spmem:s13] =	stream.linear.scatter [tilespmem:s23], [sflag:$0x7], $0x2D00, $0x38;
	[tilespmem:$0x1C5C0] =	vst v63  }
0x49: {  	_ =	swait.ge [sflag:s24], $0x2D00  }
0x4a: {  	[sflag:s24] =	ssyncset.done $0x0  }
0x4b: {  	s17 =	rddreg [dreg:$0xc];
	[sflag:s24] =	ssyncadd.s32 $0xFFFFD300  }
0x4c: {  	[spmem:s17] =	stream.linear.scatter [tilespmem:s23], [sflag:$0x7], $0x2490, $0x38;
	[tilespmem:$0x1C5C0] =	vst v63  }
0x4d: {  	_ =	swait.ge [sflag:s24], $0x2490  }
0x4e: {  	[sflag:s24] =	ssyncset.done $0x0  }
0x4f: {  	[sflag:s24] =	ssyncadd.s32 $0xFFFFDB70  }
0x50: {  	[bflag:$0x0] =	sbarrier.arrive $0xFFFF  }
0x51: {  	s18 =	rddreg [dreg:$0xa]  }
0x52: {  	[tilespmem:s26], [sflag:$0x7] =	stream.linear.gather [hbm4b:s18+s23], $0x50, $0x38;
	[tilespmem:$0x1C5C0] =	vst v63  }
0x53: {  	_ =	swait.ge [sflag:s24], $0x50  }
0x54: {  	[sflag:s24] =	ssyncset.done $0x0  }
0x55: {  	s21 =	rddreg [dreg:$0xd];
	[sflag:s24] =	ssyncadd.s32 $0xFFFFFFB0  }
0x56: {  	[tilespmem:s28], [sflag:$0x7] =	stream.linear.gather [hbm4b:s21+s23], $0x50, $0x38;
	[tilespmem:$0x1C5C0] =	vst v63  }
0x57: {  	_ =	swait.ge [sflag:s24], $0x50  }
0x58: {  	[sflag:s24] =	ssyncset.done $0x0  }
0x59: {  	[sflag:s24] =	ssyncadd.s32 $0xFFFFFFB0  }
0x5a: {  	[tilespmem:s23], [sflag:$0x1] =	stream.indirect.gather [hbm4b:s5+s29], $0x90, s26, s29, $0xb8;
	[tilespmem:$0x1C5C0] =	vst v63  }
0x5b: {  	_ = 	snop  }
0x5c: {  	[tilespmem:s30], [sflag:$0x1] =	stream.indirect.gather [hbm4b:s6+s29], $0x10, s28, s29, $0xb8;
	[tilespmem:$0x1C5C0] =	vst v63  }
0x5d: {  	s22 =	rddreg [dreg:$0xe]  }
0x5e: {  	[tilespmem:s31], [sflag:$0x6] =	stream.linear.gather [hbm4b:s22+s23], $0x50, $0x38;
	[tilespmem:$0x1C5C0] =	vst v63  }
0x5f: {  	s25 =	rddreg [dreg:$0xf]  }
0x60: {  	[tilespmem:s1], [sflag:$0x6] =	stream.linear.gather [hbm4b:s25+s23], $0x50, $0x38;
	[tilespmem:$0x1C5C0] =	vst v63  }
.LBB2_4:
0x61: {  	_ =	swait.ge [sflag:s0], $0x50  }
0x62: {  	[sflag:s0] =	ssyncset.done $0x0  }
0x63: {  	[sflag:s0] =	ssyncadd.s32 $0xFFFFFFB0  }
0x64: {  	_ =	swait.ge [sflag:s0], $0x50  }
0x65: {  	p0 =	seq.s32 s23, $0x0;
	[sflag:s0] =	ssyncset.done $0x0  }
0x66: {  	s7 =	simm.s32 @!p0 $0x4;
	[sflag:s0] =	ssyncadd.s32 $0xFFFFFFB0  }
0x67: {  	_ =	swait.ge @!p0 [sflag:s7], $0x2D00  }
0x68: {  	[sflag:s7] =	ssyncset.done @!p0 $0x0  }
0x69: {  	[sflag:s7] =	ssyncadd.s32 @!p0 $0xFFFFD300  }
0x6a: {  	[tilespmem:s8], [sflag:$0x2] =	stream.indirect.gather [hbm4b:s5+s29], $0x90, s31, s29, $0xb8;
	[tilespmem:$0x1C5C0] =	vst v63  }
0x6b: {  	_ = 	snop  }
0x6c: {  	[tilespmem:s9], [sflag:$0x2] =	stream.indirect.gather [hbm4b:s6+s29], $0x10, s1, s29, $0xb8;
	[tilespmem:$0x1C5C0] =	vst v63  }
0x6d: {  	_ =	swait.ge [sflag:s10], $0x2D00  }
0x6e: {  	[sflag:s10] =	ssyncset.done $0x0  }
0x6f: {  	[sflag:s10] =	ssyncadd.s32 $0xFFFFD300  }
0x70: {  	_ =	swait.ge [sflag:s10], $0x500  }
0x71: {  	[sflag:s10] =	ssyncset.done $0x0  }
0x72: {  	[sflag:s10] =	ssyncadd.s32 $0xFFFFFB00  }
0x73: {  	v12 =	vld [tilespmem:$0x64A0]  }
0x74: {  	v13 =	vld [tilespmem:$0x64B0]  }
0x75: {  	v14 =	vld [tilespmem:$0x64C0]  }
0x76: {  	v15 =	vld [tilespmem:$0x64D0]  }
0x77: {  	v16 =	vld [tilespmem:$0x64E0]  }
0x78: {  	s21 =	smul.u32 $0xA0, s23;
	[tilespmem:$0x6540] =	vst v12  }
0x79: {  	[tilespmem:$0x6550] =	vst v13  }
0x7a: {  	s22 =	sadd.s32 s21, s19;
	[tilespmem:$0x6560] =	vst v14  }
0x7b: {  	s7 =	sshrl.u32 s22, $0x3;
	[tilespmem:$0x6570] =	vst v15  }
0x7c: {  	s7 =	sadd.s32 s2, s7;
	[tilespmem:$0x6580] =	vst v16  }
0x7d: {  	[tilespmem:s26], [sflag:$0x5] =	stream.linear.gather [hbm4b:s7+s4], $0x50, $0x38;
	[tilespmem:$0x1C5C0] =	vst v63  }
0x7e: {  	s7 =	sadd.s32 $0x9C40, s7  }
0x7f: {  	[tilespmem:s28], [sflag:$0x5] =	stream.linear.gather [hbm4b:s7+s4], $0x50, $0x38;
	[tilespmem:$0x1C5C0] =	vst v63  }
0x80: {  	v12 =	vld.idx.msk [tilespmem:v2+s4+$0x0], $0xffff  }
0x81: {  	v13 =	vld.idx.msk [tilespmem:v0+s30+$0x0], $0xffff;
	_ =	sdelay $0x4  }
0x82: {  	v12 =	vadd.f32 v13, v12;
	_ =	sdelay $0x1  }
0x83: {  	v13 =	vmul.f32 $2.000000030e-01, v12  }
0x84: {  	vm0 =	vge.f32 v12, $0.0e+00  }
0x85: {  	v12 =	vsel vm0, v12, v13  }
0x86: {  	v12 =	vmul.f32 $1.442695020e+00, v12;
	_ =	sdelay $0x1  }
0x87: {  	(erf) = vpow2.f32 v12;
	_ =	sdelay $0x8  }
0x88: {  	v12 =	vpop (erf)  }
0x89: {  	[tilespmem:$0x65E0] =	vst v12  }
0x8a: {  	[tilespmem:v2+s4+$0x0] =	vst.idx.msk $0xffff, v12  }
0x8b: {  	v12 =	vld.idx.msk [tilespmem:v3+s4+$0x0], $0xffff  }
0x8c: {  	v13 =	vld.idx.msk [tilespmem:v4+s30+$0x0], $0xffff;
	_ =	sdelay $0x4  }
0x8d: {  	v12 =	vadd.f32 v13, v12;
	_ =	sdelay $0x1  }
0x8e: {  	v13 =	vmul.f32 $2.000000030e-01, v12  }
0x8f: {  	vm12 =	vge.f32 v12, $0.0e+00  }
0x90: {  	v12 =	vsel vm12, v12, v13  }
0x91: {  	v12 =	vmul.f32 $1.442695020e+00, v12;
	_ =	sdelay $0x1  }
0x92: {  	(erf) = vpow2.f32 v12;
	_ =	sdelay $0x8  }
0x93: {  	v12 =	vpop (erf)  }
0x94: {  	[tilespmem:$0x65F0] =	vst v12  }
0x95: {  	[tilespmem:v3+s4+$0x0] =	vst.idx.msk $0xffff, v12  }
0x96: {  	v12 =	vld.idx.msk [tilespmem:v5+s4+$0x0], $0xffff  }
0x97: {  	v13 =	vld.idx.msk [tilespmem:v6+s30+$0x0], $0xffff;
	_ =	sdelay $0x4  }
0x98: {  	v12 =	vadd.f32 v13, v12;
	_ =	sdelay $0x1  }
0x99: {  	v13 =	vmul.f32 $2.000000030e-01, v12  }
0x9a: {  	vm13 =	vge.f32 v12, $0.0e+00  }
0x9b: {  	v12 =	vsel vm13, v12, v13  }
0x9c: {  	v12 =	vmul.f32 $1.442695020e+00, v12;
	_ =	sdelay $0x1  }
0x9d: {  	(erf) = vpow2.f32 v12;
	_ =	sdelay $0x8  }
0x9e: {  	v12 =	vpop (erf)  }
0x9f: {  	[tilespmem:$0x6600] =	vst v12  }
0xa0: {  	[tilespmem:v5+s4+$0x0] =	vst.idx.msk $0xffff, v12  }
0xa1: {  	v12 =	vld.idx.msk [tilespmem:v7+s4+$0x0], $0xffff  }
0xa2: {  	v13 =	vld.idx.msk [tilespmem:v8+s30+$0x0], $0xffff;
	_ =	sdelay $0x4  }
0xa3: {  	v12 =	vadd.f32 v13, v12;
	_ =	sdelay $0x1  }
0xa4: {  	v13 =	vmul.f32 $2.000000030e-01, v12  }
0xa5: {  	vm14 =	vge.f32 v12, $0.0e+00  }
0xa6: {  	v12 =	vsel vm14, v12, v13  }
0xa7: {  	v12 =	vmul.f32 $1.442695020e+00, v12;
	_ =	sdelay $0x1  }
0xa8: {  	(erf) = vpow2.f32 v12;
	_ =	sdelay $0x8  }
0xa9: {  	v12 =	vpop (erf)  }
0xaa: {  	[tilespmem:$0x6610] =	vst v12  }
0xab: {  	[tilespmem:v7+s4+$0x0] =	vst.idx.msk $0xffff, v12  }
0xac: {  	v12 =	vld.idx.msk [tilespmem:v9+s4+$0x0], $0xffff  }
0xad: {  	v13 =	vld.idx.msk [tilespmem:v10+s30+$0x0], $0xffff;
	_ =	sdelay $0x4  }
0xae: {  	v12 =	vadd.f32 v13, v12;
	_ =	sdelay $0x1  }
0xaf: {  	v13 =	vmul.f32 $2.000000030e-01, v12  }
0xb0: {  	vm15 =	vge.f32 v12, $0.0e+00  }
0xb1: {  	v12 =	vsel vm15, v12, v13  }
0xb2: {  	v12 =	vmul.f32 $1.442695020e+00, v12;
	_ =	sdelay $0x1  }
0xb3: {  	(erf) = vpow2.f32 v12;
	_ =	sdelay $0x2  }
0xb4: {  	s25 =	simm.s32 $0x0  }
0xb5: {  	v12 =	vmov s25  }
0xb6: {  	v12 =	vshrl.u32 v12, $0x3  }
0xb7: {  	v12 =	vshll.u32 v12, v11  }
0xb8: {  	v12 =	vbroadcast v12, $0x0;
	_ =	sdelay $0x1  }
0xb9: {  	v13 =	vpop (erf)  }
0xba: {  	[tilespmem:$0x6620] =	vst v13  }
0xbb: {  	s25 =	simm.s32 $0x240;
	[tilespmem:v9+s4+$0x0] =	vst.idx.msk $0xffff, v13  }
0xbc: {  	v14 =	vld [tilespmem:s25+$0xFFFFFE30]  }
0xbd: {  	v12 =	vld.idx.msk [tilespmem:v12+s11+$0x0], $0xffff  }
0xbe: {  	v15 =	vld [tilespmem:s25+$0xFFFFFDC0]  }
0xbf: {  	v16 =	vld [tilespmem:s25+$0xFFFFFDE0]  }
0xc0: {  	v17 =	vld [tilespmem:s25+$0xFFFFFDF0]  }
0xc1: {  	s13 =	simm.s32 $0x1;
	v13 =	vld [tilespmem:s25+$0xFFFFFE10]  }
0xc2: {  	v20 =	vmov s13;
	v19 =	vld [tilespmem:s25+$0xFFFFFDD0];
	v14 =	vmul.f32 v14, v12  }
0xc3: {  	v20 =	vshrl.u32 v20, $0x3;
	v18 =	vld [tilespmem:s25+$0xFFFFFE20];
	v15 =	vmul.f32 v15, v12  }
0xc4: {  	v21 =	vld [tilespmem:s25+$0xFFFFFE00];
	v16 =	vmul.f32 v16, v12;
	[tilespmem:s25+$0xFFFFFE30] =	vst v14;
	v14 =	vshll.u32 v20, v11  }
0xc5: {  	v17 =	vmul.f32 v17, v12;
	[tilespmem:s25+$0xFFFFFDC0] =	vst v15;
	v14 =	vadd.s32 $0x1, v14  }
0xc6: {  	v13 =	vmul.f32 v13, v12;
	[tilespmem:s25+$0xFFFFFDE0] =	vst v16;
	v14 =	vbroadcast v14, $0x0  }
0xc7: {  	v15 =	vmul.f32 v19, v12;
	[tilespmem:s25+$0xFFFFFDF0] =	vst v17  }
0xc8: {  	v16 =	vmul.f32 v18, v12;
	[tilespmem:s25+$0xFFFFFE10] =	vst v13  }
0xc9: {  	v12 =	vmul.f32 v21, v12;
	[tilespmem:s25+$0xFFFFFDD0] =	vst v15  }
0xca: {  	[tilespmem:s25+$0xFFFFFE20] =	vst v16  }
0xcb: {  	[tilespmem:s25+$0xFFFFFE00] =	vst v12  }
0xcc: {  	v12 =	vld.idx.msk [tilespmem:v14+s11+$0x0], $0xffff  }
0xcd: {  	v14 =	vld [tilespmem:s25+$0xFFFFFE50]  }
0xce: {  	v15 =	vld [tilespmem:s25+$0xFFFFFEB0]  }
0xcf: {  	v16 =	vld [tilespmem:s25+$0xFFFFFE60]  }
0xd0: {  	v17 =	vld [tilespmem:s25+$0xFFFFFEA0]  }
0xd1: {  	s17 =	simm.s32 $0x2;
	v13 =	vld [tilespmem:s25+$0xFFFFFEC0]  }
0xd2: {  	v18 =	vld [tilespmem:s25+$0xFFFFFE80];
	v20 =	vmov s17;
	v14 =	vmul.f32 v14, v12  }
0xd3: {  	v21 =	vld [tilespmem:s25+$0xFFFFFE90];
	v20 =	vshrl.u32 v20, $0x3;
	v15 =	vmul.f32 v15, v12  }
0xd4: {  	v19 =	vld [tilespmem:s25+$0xFFFFFE70];
	v16 =	vmul.f32 v16, v12;
	[tilespmem:s25+$0xFFFFFE50] =	vst v14;
	v14 =	vshll.u32 v20, v11  }
0xd5: {  	v17 =	vmul.f32 v17, v12;
	[tilespmem:s25+$0xFFFFFEB0] =	vst v15;
	v14 =	vadd.s32 $0x2, v14  }
0xd6: {  	v13 =	vmul.f32 v13, v12;
	[tilespmem:s25+$0xFFFFFE60] =	vst v16;
	v14 =	vbroadcast v14, $0x0  }
0xd7: {  	v15 =	vmul.f32 v18, v12;
	[tilespmem:s25+$0xFFFFFEA0] =	vst v17  }
0xd8: {  	v16 =	vmul.f32 v21, v12;
	[tilespmem:s25+$0xFFFFFEC0] =	vst v13  }
0xd9: {  	v12 =	vmul.f32 v19, v12;
	[tilespmem:s25+$0xFFFFFE80] =	vst v15  }
0xda: {  	[tilespmem:s25+$0xFFFFFE90] =	vst v16  }
0xdb: {  	v13 =	vld [tilespmem:s25+$0xFFFFFEF0];
	[tilespmem:s25+$0xFFFFFE70] =	vst v12  }
0xdc: {  	v12 =	vld.idx.msk [tilespmem:v14+s11+$0x0], $0xffff  }
0xdd: {  	v14 =	vld [tilespmem:s25+$0xFFFFFF20]  }
0xde: {  	v15 =	vld [tilespmem:s25+$0xFFFFFF00]  }
0xdf: {  	v16 =	vld [tilespmem:s25+$0xFFFFFF30]  }
0xe0: {  	s18 =	simm.s32 $0x3;
	v17 =	vld [tilespmem:s25+$0xFFFFFEE0]  }
0xe1: {  	v18 =	vld [tilespmem:s25+$0xFFFFFF10];
	v19 =	vmov s18;
	v13 =	vmul.f32 v13, v12  }
0xe2: {  	v20 =	vld [tilespmem:s25+$0xFFFFFF50];
	v19 =	vshrl.u32 v19, $0x3;
	v14 =	vmul.f32 v14, v12  }
0xe3: {  	v21 =	vld [tilespmem:s25+$0xFFFFFF40];
	v15 =	vmul.f32 v15, v12;
	[tilespmem:s25+$0xFFFFFEF0] =	vst v13;
	v13 =	vshll.u32 v19, v11  }
0xe4: {  	v16 =	vmul.f32 v16, v12;
	[tilespmem:s25+$0xFFFFFF20] =	vst v14;
	v13 =	vadd.s32 $0x3, v13  }
0xe5: {  	v14 =	vmul.f32 v17, v12;
	[tilespmem:s25+$0xFFFFFF00] =	vst v15;
	v13 =	vbroadcast v13, $0x0  }
0xe6: {  	v15 =	vmul.f32 v18, v12;
	[tilespmem:s25+$0xFFFFFF30] =	vst v16  }
0xe7: {  	v16 =	vmul.f32 v20, v12;
	[tilespmem:s25+$0xFFFFFEE0] =	vst v14  }
0xe8: {  	v12 =	vmul.f32 v21, v12;
	[tilespmem:s25+$0xFFFFFF10] =	vst v15  }
0xe9: {  	[tilespmem:s25+$0xFFFFFF50] =	vst v16  }
0xea: {  	[tilespmem:s25+$0xFFFFFF40] =	vst v12  }
0xeb: {  	v12 =	vld.idx.msk [tilespmem:v13+s11+$0x0], $0xffff  }
0xec: {  	v13 =	vld [tilespmem:s25+$0xFFFFFF80]  }
0xed: {  	v15 =	vld [tilespmem:s25+$0xFFFFFFD0]  }
0xee: {  	v16 =	vld [tilespmem:s25+$0xFFFFFF70]  }
0xef: {  	v17 =	vld [tilespmem:s25+$0xFFFFFFC0]  }
0xf0: {  	s22 =	simm.s32 $0x4;
	v14 =	vld [tilespmem:s25+$0xFFFFFFE0]  }
0xf1: {  	v18 =	vld [tilespmem:s25+$0xFFFFFF90];
	v20 =	vmov s22;
	v13 =	vmul.f32 v13, v12  }
0xf2: {  	v21 =	vld [tilespmem:s25+$0xFFFFFFB0];
	v20 =	vshrl.u32 v20, $0x3;
	v15 =	vmul.f32 v15, v12  }
0xf3: {  	v19 =	vld [tilespmem:s25+$0xFFFFFFA0];
	v16 =	vmul.f32 v16, v12;
	[tilespmem:s25+$0xFFFFFF80] =	vst v13;
	v13 =	vshll.u32 v20, v11  }
0xf4: {  	v17 =	vmul.f32 v17, v12;
	[tilespmem:s25+$0xFFFFFFD0] =	vst v15;
	v13 =	vadd.s32 $0x4, v13  }
0xf5: {  	v14 =	vmul.f32 v14, v12;
	[tilespmem:s25+$0xFFFFFF70] =	vst v16;
	v13 =	vbroadcast v13, $0x0  }
0xf6: {  	v15 =	vmul.f32 v18, v12;
	[tilespmem:s25+$0xFFFFFFC0] =	vst v17  }
0xf7: {  	v16 =	vmul.f32 v21, v12;
	[tilespmem:s25+$0xFFFFFFE0] =	vst v14;
	v14 =	vld [tilespmem:s25+$0x10]  }
0xf8: {  	v12 =	vmul.f32 v19, v12;
	v18 =	vld [tilespmem:s25+$0x0];
	[tilespmem:s25+$0xFFFFFF90] =	vst v15  }
0xf9: {  	v21 =	vld [tilespmem:s25+$0x30];
	[tilespmem:s25+$0xFFFFFFB0] =	vst v16  }
0xfa: {  	v19 =	vld [tilespmem:s25+$0x20];
	[tilespmem:s25+$0xFFFFFFA0] =	vst v12  }
0xfb: {  	v12 =	vld.idx.msk [tilespmem:v13+s11+$0x0], $0xffff  }
0xfc: {  	v17 =	vld [tilespmem:s25+$0x40]  }
0xfd: {  	v15 =	vld [tilespmem:s25+$0x50]  }
0xfe: {  	v16 =	vld [tilespmem:s25+$0x60]  }
0xff: {  	s13 =	simm.s32 $0x5;
	v13 =	vld [tilespmem:s25+$0x70]  }
0x100: {  	s7 =	simm.s32 $0xF;
	s18 =	simm.s32 $0x7;
	v20 =	vmul.f32 v18, v12;
	v18 =	vmul.f32 v21, v12;
	v21 =	vmov s13;
	s13 =	simm.s32 $0x240  }
.LBB2_5:
0x101: {  	p0 =	sne.s32 s7, $0x4F  }
0x102: {  	v14 =	vmul.f32 v14, v12;
	v19 =	vmul.f32 v19, v12;
	v21 =	vshrl.u32 v21, $0x3;
	s25 =	sadd.s32 $0x480, s25;
	s22 =	smov.u32 s7;
	s7 =	sadd.s32 $0x8, s7  }
0x103: {  	v15 =	vmul.f32 v15, v12;
	[tilespmem:s13+$0x0] =	vst v20;
	v17 =	vmul.f32 v17, v12;
	v20 =	vshll.u32 v21, v11  }
0x104: {  	[tilespmem:s13+$0x10] =	vst v14;
	v14 =	vmul.f32 v16, v12;
	v12 =	vmul.f32 v13, v12;
	v13 =	vadd.s32 $0x5, v20  }
0x105: {  	[tilespmem:s13+$0x20] =	vst v19;
	v13 =	vbroadcast v13, $0x0  }
0x106: {  	[tilespmem:s13+$0x30] =	vst v18  }
0x107: {  	[tilespmem:s13+$0x70] =	vst v12;
	v12 =	vld [tilespmem:s13+$0x90]  }
0x108: {  	[tilespmem:s13+$0x50] =	vst v15;
	v15 =	vld [tilespmem:s13+$0x100]  }
0x109: {  	[tilespmem:s13+$0x40] =	vst v17;
	v16 =	vld [tilespmem:s13+$0xE0]  }
0x10a: {  	[tilespmem:s13+$0x60] =	vst v14;
	v14 =	vld [tilespmem:s13+$0xB0]  }
0x10b: {  	v13 =	vld.idx.msk [tilespmem:v13+s11+$0x0], $0xffff  }
0x10c: {  	v17 =	vld [tilespmem:s13+$0xD0]  }
0x10d: {  	v18 =	vld [tilespmem:s13+$0xC0]  }
0x10e: {  	v19 =	vld [tilespmem:s13+$0xA0]  }
0x10f: {  	v20 =	vld [tilespmem:s13+$0xF0]  }
0x110: {  	s17 =	sadd.s32 $0xFFFFFFFF, s18  }
0x111: {  	v21 =	vmov s17;
	v12 =	vmul.f32 v12, v13;
	v17 =	vmul.f32 v17, v13  }
0x112: {  	v21 =	vshrl.u32 v21, $0x3;
	v14 =	vmul.f32 v14, v13;
	v18 =	vmul.f32 v18, v13  }
0x113: {  	v16 =	vmul.f32 v16, v13;
	[tilespmem:s13+$0x90] =	vst v12;
	v12 =	vmul.f32 v19, v13;
	v19 =	vshll.u32 v21, v11  }
0x114: {  	[tilespmem:s13+$0xD0] =	vst v17;
	v17 =	vmul.f32 v20, v13;
	v13 =	vmul.f32 v15, v13;
	v15 =	vadd.s32 $0x6, v19  }
0x115: {  	[tilespmem:s13+$0xB0] =	vst v14;
	v14 =	vbroadcast v15, $0x0  }
0x116: {  	[tilespmem:s13+$0xE0] =	vst v16  }
0x117: {  	[tilespmem:s13+$0x100] =	vst v13;
	v13 =	vld [tilespmem:s13+$0x120]  }
0x118: {  	[tilespmem:s13+$0xC0] =	vst v18;
	v15 =	vld [tilespmem:s13+$0x180]  }
0x119: {  	[tilespmem:s13+$0xF0] =	vst v17;
	v16 =	vld [tilespmem:s13+$0x170]  }
0x11a: {  	[tilespmem:s13+$0xA0] =	vst v12;
	v12 =	vld [tilespmem:s13+$0x150]  }
0x11b: {  	v14 =	vld.idx.msk [tilespmem:v14+s11+$0x0], $0xffff  }
0x11c: {  	v17 =	vld [tilespmem:s13+$0x130]  }
0x11d: {  	v18 =	vld [tilespmem:s13+$0x140]  }
0x11e: {  	v19 =	vld [tilespmem:s13+$0x160]  }
0x11f: {  	v20 =	vld [tilespmem:s13+$0x190];
	_ =	sdelay $0x1  }
0x120: {  	v21 =	vmov s18;
	s18 =	smov.u32 s22;
	v13 =	vmul.f32 v13, v14;
	v17 =	vmul.f32 v17, v14  }
0x121: {  	v21 =	vshrl.u32 v21, $0x3;
	v12 =	vmul.f32 v12, v14;
	v18 =	vmul.f32 v18, v14  }
0x122: {  	v16 =	vmul.f32 v16, v14;
	[tilespmem:s13+$0x120] =	vst v13;
	v13 =	vmul.f32 v19, v14;
	v19 =	vshll.u32 v21, v11  }
0x123: {  	[tilespmem:s13+$0x150] =	vst v12;
	v12 =	vmul.f32 v15, v14;
	v14 =	vmul.f32 v20, v14;
	v15 =	vadd.s32 $0x7, v19  }
0x124: {  	[tilespmem:s13+$0x160] =	vst v13;
	v13 =	vbroadcast v15, $0x0  }
0x125: {  	[tilespmem:s13+$0x170] =	vst v16  }
0x126: {  	[tilespmem:s13+$0x180] =	vst v12;
	v12 =	vld [tilespmem:s13+$0x1F0]  }
0x127: {  	[tilespmem:s13+$0x190] =	vst v14;
	v14 =	vld [tilespmem:s13+$0x1B0]  }
0x128: {  	[tilespmem:s13+$0x130] =	vst v17;
	v15 =	vld [tilespmem:s13+$0x210]  }
0x129: {  	[tilespmem:s13+$0x140] =	vst v18;
	v16 =	vld [tilespmem:s13+$0x1C0]  }
0x12a: {  	v13 =	vld.idx.msk [tilespmem:v13+s11+$0x0], $0xffff  }
0x12b: {  	v17 =	vld [tilespmem:s13+$0x1E0]  }
0x12c: {  	v18 =	vld [tilespmem:s13+$0x1D0]  }
0x12d: {  	v19 =	vld [tilespmem:s13+$0x200]  }
0x12e: {  	v20 =	vld [tilespmem:s13+$0x220];
	_ =	sdelay $0x1  }
0x12f: {  	s17 =	sadd.s32 $0xFFFFFFF9, s18;
	v14 =	vmul.f32 v14, v13;
	v16 =	vmul.f32 v16, v13  }
0x130: {  	v21 =	vmov s17;
	v17 =	vmul.f32 v17, v13;
	v18 =	vmul.f32 v18, v13  }
0x131: {  	v21 =	vshrl.u32 v21, $0x3;
	v12 =	vmul.f32 v12, v13;
	[tilespmem:s13+$0x1B0] =	vst v14;
	v14 =	vmul.f32 v19, v13  }
0x132: {  	v15 =	vmul.f32 v15, v13;
	v19 =	vshll.u32 v21, v11;
	[tilespmem:s13+$0x1C0] =	vst v16;
	v13 =	vmul.f32 v20, v13  }
0x133: {  	v16 =	vbroadcast v19, $0x0;
	[tilespmem:s13+$0x1F0] =	vst v12  }
0x134: {  	[tilespmem:s13+$0x200] =	vst v14  }
0x135: {  	v12 =	vld [tilespmem:s25+$0xFFFFFE10];
	[tilespmem:s13+$0x210] =	vst v15  }
0x136: {  	v14 =	vld [tilespmem:s25+$0xFFFFFDF0];
	[tilespmem:s13+$0x1E0] =	vst v17  }
0x137: {  	v15 =	vld [tilespmem:s25+$0xFFFFFE20];
	[tilespmem:s13+$0x1D0] =	vst v18  }
0x138: {  	v17 =	vld [tilespmem:s25+$0xFFFFFE30];
	[tilespmem:s13+$0x220] =	vst v13;
	s13 =	smov.u32 s25  }
0x139: {  	v13 =	vld.idx.msk [tilespmem:v16+s11+$0x0], $0xffff  }
0x13a: {  	v16 =	vld [tilespmem:s25+$0xFFFFFDC0]  }
0x13b: {  	v18 =	vld [tilespmem:s25+$0xFFFFFDE0]  }
0x13c: {  	v19 =	vld [tilespmem:s25+$0xFFFFFDD0]  }
0x13d: {  	v20 =	vld [tilespmem:s25+$0xFFFFFE00]  }
0x13e: {  	s17 =	sadd.s32 $0xFFFFFFFA, s18  }
0x13f: {  	v21 =	vmov s17;
	v17 =	vmul.f32 v17, v13;
	v16 =	vmul.f32 v16, v13  }
0x140: {  	v21 =	vshrl.u32 v21, $0x3;
	v15 =	vmul.f32 v15, v13;
	v18 =	vmul.f32 v18, v13  }
0x141: {  	v14 =	vmul.f32 v14, v13;
	v19 =	vmul.f32 v19, v13;
	[tilespmem:s25+$0xFFFFFE30] =	vst v17;
	v17 =	vshll.u32 v21, v11  }
0x142: {  	v12 =	vmul.f32 v12, v13;
	[tilespmem:s25+$0xFFFFFDC0] =	vst v16;
	v16 =	vmul.f32 v20, v13;
	v13 =	vadd.s32 $0x1, v17  }
0x143: {  	[tilespmem:s25+$0xFFFFFDE0] =	vst v18;
	v13 =	vbroadcast v13, $0x0  }
0x144: {  	[tilespmem:s25+$0xFFFFFDF0] =	vst v14  }
0x145: {  	[tilespmem:s25+$0xFFFFFE10] =	vst v12;
	v12 =	vld [tilespmem:s25+$0xFFFFFEC0]  }
0x146: {  	[tilespmem:s25+$0xFFFFFDD0] =	vst v19;
	v14 =	vld [tilespmem:s25+$0xFFFFFEA0]  }
0x147: {  	[tilespmem:s25+$0xFFFFFE20] =	vst v15;
	v15 =	vld [tilespmem:s25+$0xFFFFFE80]  }
0x148: {  	[tilespmem:s25+$0xFFFFFE00] =	vst v16;
	v16 =	vld [tilespmem:s25+$0xFFFFFEB0]  }
0x149: {  	v13 =	vld.idx.msk [tilespmem:v13+s11+$0x0], $0xffff  }
0x14a: {  	v17 =	vld [tilespmem:s25+$0xFFFFFE50]  }
0x14b: {  	v18 =	vld [tilespmem:s25+$0xFFFFFE60]  }
0x14c: {  	v19 =	vld [tilespmem:s25+$0xFFFFFE70]  }
0x14d: {  	v20 =	vld [tilespmem:s25+$0xFFFFFE90]  }
0x14e: {  	s17 =	sadd.s32 $0xFFFFFFFB, s18  }
0x14f: {  	v21 =	vmov s17;
	v16 =	vmul.f32 v16, v13;
	v17 =	vmul.f32 v17, v13  }
0x150: {  	v21 =	vshrl.u32 v21, $0x3;
	v15 =	vmul.f32 v15, v13;
	v18 =	vmul.f32 v18, v13  }
0x151: {  	v14 =	vmul.f32 v14, v13;
	[tilespmem:s25+$0xFFFFFE50] =	vst v17;
	v17 =	vmul.f32 v19, v13;
	v19 =	vshll.u32 v21, v11  }
0x152: {  	v12 =	vmul.f32 v12, v13;
	v20 =	vmul.f32 v20, v13;
	[tilespmem:s25+$0xFFFFFEB0] =	vst v16;
	v13 =	vadd.s32 $0x2, v19  }
0x153: {  	[tilespmem:s25+$0xFFFFFE60] =	vst v18;
	v13 =	vbroadcast v13, $0x0  }
0x154: {  	[tilespmem:s25+$0xFFFFFEA0] =	vst v14  }
0x155: {  	[tilespmem:s25+$0xFFFFFEC0] =	vst v12;
	v12 =	vld [tilespmem:s25+$0xFFFFFF50]  }
0x156: {  	[tilespmem:s25+$0xFFFFFE80] =	vst v15;
	v14 =	vld [tilespmem:s25+$0xFFFFFF30]  }
0x157: {  	[tilespmem:s25+$0xFFFFFE90] =	vst v20;
	v15 =	vld [tilespmem:s25+$0xFFFFFF10]  }
0x158: {  	[tilespmem:s25+$0xFFFFFE70] =	vst v17;
	v16 =	vld [tilespmem:s25+$0xFFFFFF20]  }
0x159: {  	v13 =	vld.idx.msk [tilespmem:v13+s11+$0x0], $0xffff  }
0x15a: {  	v17 =	vld [tilespmem:s25+$0xFFFFFEF0]  }
0x15b: {  	v18 =	vld [tilespmem:s25+$0xFFFFFF00]  }
0x15c: {  	v19 =	vld [tilespmem:s25+$0xFFFFFEE0]  }
0x15d: {  	v20 =	vld [tilespmem:s25+$0xFFFFFF40]  }
0x15e: {  	s17 =	sadd.s32 $0xFFFFFFFC, s18  }
0x15f: {  	v21 =	vmov s17;
	v16 =	vmul.f32 v16, v13;
	v17 =	vmul.f32 v17, v13  }
0x160: {  	v21 =	vshrl.u32 v21, $0x3;
	v15 =	vmul.f32 v15, v13;
	v18 =	vmul.f32 v18, v13  }
0x161: {  	v14 =	vmul.f32 v14, v13;
	v19 =	vmul.f32 v19, v13;
	[tilespmem:s25+$0xFFFFFEF0] =	vst v17;
	v17 =	vshll.u32 v21, v11  }
0x162: {  	v12 =	vmul.f32 v12, v13;
	[tilespmem:s25+$0xFFFFFF20] =	vst v16;
	v16 =	vmul.f32 v20, v13;
	v13 =	vadd.s32 $0x3, v17  }
0x163: {  	[tilespmem:s25+$0xFFFFFF00] =	vst v18;
	v13 =	vbroadcast v13, $0x0  }
0x164: {  	[tilespmem:s25+$0xFFFFFF30] =	vst v14  }
0x165: {  	[tilespmem:s25+$0xFFFFFEE0] =	vst v19;
	v14 =	vld [tilespmem:s25+$0xFFFFFFE0]  }
0x166: {  	[tilespmem:s25+$0xFFFFFF10] =	vst v15;
	v15 =	vld [tilespmem:s25+$0xFFFFFFC0]  }
0x167: {  	[tilespmem:s25+$0xFFFFFF50] =	vst v12;
	v12 =	vld [tilespmem:s25+$0xFFFFFF90]  }
0x168: {  	[tilespmem:s25+$0xFFFFFF40] =	vst v16;
	v16 =	vld [tilespmem:s25+$0xFFFFFFD0]  }
0x169: {  	v13 =	vld.idx.msk [tilespmem:v13+s11+$0x0], $0xffff  }
0x16a: {  	v17 =	vld [tilespmem:s25+$0xFFFFFF80]  }
0x16b: {  	v18 =	vld [tilespmem:s25+$0xFFFFFF70]  }
0x16c: {  	v19 =	vld [tilespmem:s25+$0xFFFFFFA0]  }
0x16d: {  	v20 =	vld [tilespmem:s25+$0xFFFFFFB0]  }
0x16e: {  	s17 =	sadd.s32 $0xFFFFFFFD, s18  }
0x16f: {  	v21 =	vmov s17;
	v16 =	vmul.f32 v16, v13;
	v17 =	vmul.f32 v17, v13  }
0x170: {  	v21 =	vshrl.u32 v21, $0x3;
	v12 =	vmul.f32 v12, v13;
	v18 =	vmul.f32 v18, v13  }
0x171: {  	v15 =	vmul.f32 v15, v13;
	[tilespmem:s25+$0xFFFFFF80] =	vst v17;
	v17 =	vmul.f32 v19, v13;
	v19 =	vshll.u32 v21, v11  }
0x172: {  	v20 =	vmul.f32 v20, v13;
	[tilespmem:s25+$0xFFFFFFD0] =	vst v16;
	v13 =	vmul.f32 v14, v13;
	v14 =	vadd.s32 $0x4, v19  }
0x173: {  	[tilespmem:s25+$0xFFFFFF70] =	vst v18;
	v16 =	vbroadcast v14, $0x0  }
0x174: {  	[tilespmem:s25+$0xFFFFFFC0] =	vst v15  }
0x175: {  	[tilespmem:s25+$0xFFFFFFE0] =	vst v13;
	v14 =	vld [tilespmem:s25+$0x10]  }
0x176: {  	[tilespmem:s25+$0xFFFFFF90] =	vst v12;
	v18 =	vld [tilespmem:s25+$0x0]  }
0x177: {  	[tilespmem:s25+$0xFFFFFFB0] =	vst v20;
	v13 =	vld [tilespmem:s25+$0x70]  }
0x178: {  	[tilespmem:s25+$0xFFFFFFA0] =	vst v17;
	v19 =	vld [tilespmem:s25+$0x20]  }
0x179: {  	v12 =	vld.idx.msk [tilespmem:v16+s11+$0x0], $0xffff  }
0x17a: {  	v21 =	vld [tilespmem:s25+$0x30]  }
.Ltmp1:
0x17b: {  	v15 =	vld [tilespmem:s25+$0x50];
	(pc) =	sbr.rel @p0 .LBB2_5-.Ltmp1, $4  }
0x17c: {  	v17 =	vld [tilespmem:s25+$0x40]  }
0x17d: {  	v16 =	vld [tilespmem:s25+$0x60]  }
0x17e: {  	s17 =	sadd.s32 $0xFFFFFFFE, s18  }
0x17f: {  	v20 =	vmul.f32 v18, v12;
	v18 =	vmul.f32 v21, v12;
	v21 =	vmov s17  }
0x180: {  	v14 =	vmul.f32 v14, v12;
	v21 =	vshrl.u32 v21, $0x3  }
0x181: {  	[tilespmem:s13+$0x0] =	vst v20;
	v20 =	vshll.u32 v21, v11  }
0x182: {  	v19 =	vmul.f32 v19, v12;
	[tilespmem:s13+$0x10] =	vst v14;
	v14 =	vadd.s32 $0x5, v20  }
0x183: {  	v13 =	vmul.f32 v13, v12;
	[tilespmem:s13+$0x30] =	vst v18;
	v14 =	vbroadcast v14, $0x0  }
0x184: {  	v15 =	vmul.f32 v15, v12;
	[tilespmem:s13+$0x20] =	vst v19  }
0x185: {  	v17 =	vmul.f32 v17, v12;
	[tilespmem:s13+$0x70] =	vst v13  }
0x186: {  	v12 =	vmul.f32 v16, v12;
	[tilespmem:s13+$0x50] =	vst v15  }
0x187: {  	[tilespmem:s13+$0x40] =	vst v17  }
0x188: {  	v13 =	vld [tilespmem:s13+$0x90];
	[tilespmem:s13+$0x60] =	vst v12  }
0x189: {  	v12 =	vld.idx.msk [tilespmem:v14+s11+$0x0], $0xffff  }
0x18a: {  	v14 =	vld [tilespmem:s13+$0xD0]  }
0x18b: {  	v16 =	vld [tilespmem:s13+$0xB0]  }
0x18c: {  	v17 =	vld [tilespmem:s13+$0xE0]  }
0x18d: {  	s7 =	sadd.s32 $0xFFFFFFFF, s18;
	v15 =	vld [tilespmem:s13+$0x100]  }
0x18e: {  	v18 =	vld [tilespmem:s13+$0xC0];
	v20 =	vmov s7;
	v13 =	vmul.f32 v13, v12  }
0x18f: {  	v21 =	vld [tilespmem:s13+$0xF0];
	v20 =	vshrl.u32 v20, $0x3;
	v14 =	vmul.f32 v14, v12  }
0x190: {  	v19 =	vld [tilespmem:s13+$0xA0];
	v16 =	vmul.f32 v16, v12;
	[tilespmem:s13+$0x90] =	vst v13;
	v13 =	vshll.u32 v20, v11  }
0x191: {  	v17 =	vmul.f32 v17, v12;
	[tilespmem:s13+$0xD0] =	vst v14;
	v13 =	vadd.s32 $0x6, v13  }
0x192: {  	v14 =	vmul.f32 v15, v12;
	[tilespmem:s13+$0xB0] =	vst v16;
	v13 =	vbroadcast v13, $0x0  }
0x193: {  	v15 =	vmul.f32 v18, v12;
	[tilespmem:s13+$0xE0] =	vst v17  }
0x194: {  	v16 =	vmul.f32 v21, v12;
	[tilespmem:s13+$0x100] =	vst v14  }
0x195: {  	v12 =	vmul.f32 v19, v12;
	[tilespmem:s13+$0xC0] =	vst v15  }
0x196: {  	v17 =	vld [tilespmem:s13+$0x170];
	[tilespmem:s13+$0xF0] =	vst v16  }
0x197: {  	v14 =	vld [tilespmem:s13+$0x120];
	[tilespmem:s13+$0xA0] =	vst v12  }
0x198: {  	v12 =	vld.idx.msk [tilespmem:v13+s11+$0x0], $0xffff  }
0x199: {  	v13 =	vld [tilespmem:s13+$0x150]  }
0x19a: {  	v16 =	vld [tilespmem:s13+$0x160]  }
0x19b: {  	v15 =	vld [tilespmem:s13+$0x180];
	_ =	sdelay $0x1  }
0x19c: {  	v18 =	vld [tilespmem:s13+$0x130];
	v20 =	vmov s18;
	v14 =	vmul.f32 v14, v12  }
0x19d: {  	v19 =	vld [tilespmem:s13+$0x190];
	v20 =	vshrl.u32 v20, $0x3;
	v13 =	vmul.f32 v13, v12  }
0x19e: {  	v21 =	vld [tilespmem:s13+$0x140];
	v17 =	vmul.f32 v17, v12;
	[tilespmem:s13+$0x120] =	vst v14;
	v14 =	vmul.f32 v16, v12;
	v16 =	vshll.u32 v20, v11  }
0x19f: {  	v15 =	vmul.f32 v15, v12;
	[tilespmem:s13+$0x150] =	vst v13;
	v13 =	vadd.s32 $0x7, v16  }
0x1a0: {  	[tilespmem:s13+$0x170] =	vst v17;
	v13 =	vbroadcast v13, $0x0  }
0x1a1: {  	[tilespmem:s13+$0x180] =	vst v15;
	v16 =	vmul.f32 v18, v12  }
0x1a2: {  	[tilespmem:s13+$0x160] =	vst v14;
	v14 =	vmul.f32 v19, v12  }
0x1a3: {  	v12 =	vmul.f32 v21, v12;
	[tilespmem:s13+$0x130] =	vst v16  }
0x1a4: {  	[tilespmem:s13+$0x190] =	vst v14  }
0x1a5: {  	v14 =	vld [tilespmem:s13+$0x1B0];
	[tilespmem:s13+$0x140] =	vst v12  }
0x1a6: {  	v12 =	vld.idx.msk [tilespmem:v13+s11+$0x0], $0xffff  }
0x1a7: {  	v13 =	vld [tilespmem:s13+$0x1C0]  }
0x1a8: {  	v15 =	vld [tilespmem:s13+$0x1F0]  }
0x1a9: {  	v16 =	vld [tilespmem:s13+$0x200]  }
0x1aa: {  	v17 =	vld [tilespmem:s13+$0x210]  }
0x1ab: {  	v18 =	vld [tilespmem:s13+$0x1E0];
	v14 =	vmul.f32 v14, v12  }
0x1ac: {  	v19 =	vld [tilespmem:s13+$0x1D0];
	v13 =	vmul.f32 v13, v12  }
0x1ad: {  	v20 =	vld [tilespmem:s13+$0x220];
	[tilespmem:s13+$0x1B0] =	vst v14;
	v14 =	vmul.f32 v15, v12  }
0x1ae: {  	v15 =	vmul.f32 v16, v12;
	[tilespmem:s13+$0x1C0] =	vst v13  }
0x1af: {  	v13 =	vmul.f32 v17, v12;
	[tilespmem:s13+$0x1F0] =	vst v14  }
0x1b0: {  	v14 =	vmul.f32 v18, v12;
	[tilespmem:s13+$0x200] =	vst v15  }
0x1b1: {  	v15 =	vmul.f32 v19, v12;
	[tilespmem:s13+$0x210] =	vst v13  }
0x1b2: {  	v12 =	vmul.f32 v20, v12;
	[tilespmem:s13+$0x1E0] =	vst v14  }
0x1b3: {  	[tilespmem:s13+$0x1D0] =	vst v15  }
0x1b4: {  	[tilespmem:s13+$0x220] =	vst v12  }
0x1b5: {  	[spmem:s3] =	stream.indirect.scatter.add.f32 [tilespmem:s4], [sflag:$0x3], $0x90, s12, s29, $0xb8;
	[tilespmem:$0x1C5C0] =	vst v63  }
0x1b6: {  	_ =	swait.ge [sflag:s14], $0x50  }
0x1b7: {  	[sflag:s14] =	ssyncset.done $0x0  }
0x1b8: {  	[sflag:s14] =	ssyncadd.s32 $0xFFFFFFB0  }
0x1b9: {  	_ =	swait.ge [sflag:s14], $0x50  }
0x1ba: {  	[sflag:s14] =	ssyncset.done $0x0  }
0x1bb: {  	[sflag:s14] =	ssyncadd.s32 $0xFFFFFFB0  }
0x1bc: {  	_ =	swait.ge [sflag:s15], $0x2D00  }
0x1bd: {  	[sflag:s15] =	ssyncset.done $0x0  }
0x1be: {  	[sflag:s15] =	ssyncadd.s32 $0xFFFFD300  }
0x1bf: {  	[tilespmem:s4], [sflag:$0x1] =	stream.indirect.gather [hbm4b:s5+s29], $0x90, s26, s29, $0xb8;
	[tilespmem:$0x1C5C0] =	vst v63  }
0x1c0: {  	_ = 	snop  }
0x1c1: {  	[tilespmem:s30], [sflag:$0x1] =	stream.indirect.gather [hbm4b:s6+s29], $0x10, s28, s29, $0xb8;
	[tilespmem:$0x1C5C0] =	vst v63  }
0x1c2: {  	_ =	swait.ge [sflag:s16], $0x2D00  }
0x1c3: {  	[sflag:s16] =	ssyncset.done $0x0  }
0x1c4: {  	[sflag:s16] =	ssyncadd.s32 $0xFFFFD300  }
0x1c5: {  	_ =	swait.ge [sflag:s16], $0x500  }
0x1c6: {  	[sflag:s16] =	ssyncset.done $0x0  }
0x1c7: {  	[sflag:s16] =	ssyncadd.s32 $0xFFFFFB00  }
0x1c8: {  	v12 =	vld [tilespmem:$0x64F0]  }
0x1c9: {  	v13 =	vld [tilespmem:$0x6500]  }
0x1ca: {  	v14 =	vld [tilespmem:$0x6510]  }
0x1cb: {  	v15 =	vld [tilespmem:$0x6520]  }
0x1cc: {  	v16 =	vld [tilespmem:$0x6530]  }
0x1cd: {  	[tilespmem:$0x6590] =	vst v12  }
0x1ce: {  	p0 =	seq.s32 s23, $0x3D;
	[tilespmem:$0x65A0] =	vst v13  }
0x1cf: {  	s7 =	sadd.s32 @!p0 s21, s20;
	[tilespmem:$0x65B0] =	vst v14  }
0x1d0: {  	s7 =	sshrl.u32 @!p0 s7, $0x3;
	[tilespmem:$0x65C0] =	vst v15  }
0x1d1: {  	s17 =	simm.s32 @!p0 $0x6450;
	s7 =	sadd.s32 @!p0 s2, s7;
	s13 =	simm.s32 @!p0 $0x0;
	[tilespmem:$0x65D0] =	vst v16  }
0x1d2: {  	[tilespmem:s17], [sflag:$0x6] =	stream.linear.gather @!p0 [hbm4b:s7+s13], $0x50, $0x38;
	[tilespmem:$0x1C5C0] =	vst v63  }
0x1d3: {  	s7 =	sadd.s32 @!p0 $0x9C40, s7;
	s17 =	simm.s32 @!p0 $0x64F0  }
0x1d4: {  	[tilespmem:s17], [sflag:$0x6] =	stream.linear.gather @!p0 [hbm4b:s7+s13], $0x50, $0x38;
	[tilespmem:$0x1C5C0] =	vst v63  }
0x1d5: {  	v12 =	vld.idx.msk [tilespmem:v2+s8+$0x0], $0xffff  }
0x1d6: {  	v13 =	vld.idx.msk [tilespmem:v0+s9+$0x0], $0xffff;
	_ =	sdelay $0x4  }
0x1d7: {  	v12 =	vadd.f32 v13, v12;
	_ =	sdelay $0x1  }
0x1d8: {  	v13 =	vmul.f32 $2.000000030e-01, v12  }
0x1d9: {  	vm0 =	vge.f32 v12, $0.0e+00  }
0x1da: {  	v12 =	vsel vm0, v12, v13  }
0x1db: {  	v12 =	vmul.f32 $1.442695020e+00, v12;
	_ =	sdelay $0x1  }
0x1dc: {  	(erf) = vpow2.f32 v12;
	_ =	sdelay $0x8  }
0x1dd: {  	v12 =	vpop (erf)  }
0x1de: {  	[tilespmem:$0x65E0] =	vst v12  }
0x1df: {  	[tilespmem:v2+s8+$0x0] =	vst.idx.msk $0xffff, v12  }
0x1e0: {  	v12 =	vld.idx.msk [tilespmem:v3+s8+$0x0], $0xffff  }
0x1e1: {  	v13 =	vld.idx.msk [tilespmem:v4+s9+$0x0], $0xffff;
	_ =	sdelay $0x4  }
0x1e2: {  	v12 =	vadd.f32 v13, v12;
	_ =	sdelay $0x1  }
0x1e3: {  	v13 =	vmul.f32 $2.000000030e-01, v12  }
0x1e4: {  	vm12 =	vge.f32 v12, $0.0e+00  }
0x1e5: {  	v12 =	vsel vm12, v12, v13  }
0x1e6: {  	v12 =	vmul.f32 $1.442695020e+00, v12;
	_ =	sdelay $0x1  }
0x1e7: {  	(erf) = vpow2.f32 v12;
	_ =	sdelay $0x8  }
0x1e8: {  	v12 =	vpop (erf)  }
0x1e9: {  	[tilespmem:$0x65F0] =	vst v12  }
0x1ea: {  	[tilespmem:v3+s8+$0x0] =	vst.idx.msk $0xffff, v12  }
0x1eb: {  	v12 =	vld.idx.msk [tilespmem:v5+s8+$0x0], $0xffff  }
0x1ec: {  	v13 =	vld.idx.msk [tilespmem:v6+s9+$0x0], $0xffff;
	_ =	sdelay $0x4  }
0x1ed: {  	v12 =	vadd.f32 v13, v12;
	_ =	sdelay $0x1  }
0x1ee: {  	v13 =	vmul.f32 $2.000000030e-01, v12  }
0x1ef: {  	vm13 =	vge.f32 v12, $0.0e+00  }
0x1f0: {  	v12 =	vsel vm13, v12, v13  }
0x1f1: {  	v12 =	vmul.f32 $1.442695020e+00, v12;
	_ =	sdelay $0x1  }
0x1f2: {  	(erf) = vpow2.f32 v12;
	_ =	sdelay $0x8  }
0x1f3: {  	v12 =	vpop (erf)  }
0x1f4: {  	[tilespmem:$0x6600] =	vst v12  }
0x1f5: {  	[tilespmem:v5+s8+$0x0] =	vst.idx.msk $0xffff, v12  }
0x1f6: {  	v12 =	vld.idx.msk [tilespmem:v7+s8+$0x0], $0xffff  }
0x1f7: {  	v13 =	vld.idx.msk [tilespmem:v8+s9+$0x0], $0xffff;
	_ =	sdelay $0x4  }
0x1f8: {  	v12 =	vadd.f32 v13, v12;
	_ =	sdelay $0x1  }
0x1f9: {  	v13 =	vmul.f32 $2.000000030e-01, v12  }
0x1fa: {  	vm14 =	vge.f32 v12, $0.0e+00  }
0x1fb: {  	v12 =	vsel vm14, v12, v13  }
0x1fc: {  	v12 =	vmul.f32 $1.442695020e+00, v12;
	_ =	sdelay $0x1  }
0x1fd: {  	(erf) = vpow2.f32 v12;
	_ =	sdelay $0x8  }
0x1fe: {  	v12 =	vpop (erf)  }
0x1ff: {  	[tilespmem:$0x6610] =	vst v12  }
0x200: {  	[tilespmem:v7+s8+$0x0] =	vst.idx.msk $0xffff, v12  }
0x201: {  	v12 =	vld.idx.msk [tilespmem:v9+s8+$0x0], $0xffff  }
0x202: {  	v13 =	vld.idx.msk [tilespmem:v10+s9+$0x0], $0xffff;
	_ =	sdelay $0x4  }
0x203: {  	v12 =	vadd.f32 v13, v12;
	_ =	sdelay $0x1  }
0x204: {  	v13 =	vmul.f32 $2.000000030e-01, v12  }
0x205: {  	vm15 =	vge.f32 v12, $0.0e+00  }
0x206: {  	v12 =	vsel vm15, v12, v13  }
0x207: {  	v12 =	vmul.f32 $1.442695020e+00, v12;
	_ =	sdelay $0x1  }
0x208: {  	(erf) = vpow2.f32 v12;
	_ =	sdelay $0x2  }
0x209: {  	s25 =	simm.s32 $0x0  }
0x20a: {  	v12 =	vmov s25  }
0x20b: {  	v12 =	vshrl.u32 v12, $0x3  }
0x20c: {  	v12 =	vshll.u32 v12, v11  }
0x20d: {  	v12 =	vbroadcast v12, $0x0;
	_ =	sdelay $0x1  }
0x20e: {  	v13 =	vpop (erf)  }
0x20f: {  	[tilespmem:$0x6620] =	vst v13  }
0x210: {  	s21 =	simm.s32 $0x2F40;
	[tilespmem:v9+s8+$0x0] =	vst.idx.msk $0xffff, v13  }
0x211: {  	v14 =	vld [tilespmem:s21+$0xFFFFFE30]  }
0x212: {  	v12 =	vld.idx.msk [tilespmem:v12+s11+$0x0], $0xffff  }
0x213: {  	v15 =	vld [tilespmem:s21+$0xFFFFFDC0]  }
0x214: {  	v16 =	vld [tilespmem:s21+$0xFFFFFDE0]  }
0x215: {  	v17 =	vld [tilespmem:s21+$0xFFFFFDF0]  }
0x216: {  	s13 =	simm.s32 $0x1;
	v13 =	vld [tilespmem:s21+$0xFFFFFE10]  }
0x217: {  	v20 =	vmov s13;
	v19 =	vld [tilespmem:s21+$0xFFFFFDD0];
	v14 =	vmul.f32 v14, v12  }
0x218: {  	v20 =	vshrl.u32 v20, $0x3;
	v18 =	vld [tilespmem:s21+$0xFFFFFE20];
	v15 =	vmul.f32 v15, v12  }
0x219: {  	v21 =	vld [tilespmem:s21+$0xFFFFFE00];
	v16 =	vmul.f32 v16, v12;
	[tilespmem:s21+$0xFFFFFE30] =	vst v14;
	v14 =	vshll.u32 v20, v11  }
0x21a: {  	v17 =	vmul.f32 v17, v12;
	[tilespmem:s21+$0xFFFFFDC0] =	vst v15;
	v14 =	vadd.s32 $0x1, v14  }
0x21b: {  	v13 =	vmul.f32 v13, v12;
	[tilespmem:s21+$0xFFFFFDE0] =	vst v16;
	v14 =	vbroadcast v14, $0x0  }
0x21c: {  	v15 =	vmul.f32 v19, v12;
	[tilespmem:s21+$0xFFFFFDF0] =	vst v17  }
0x21d: {  	v16 =	vmul.f32 v18, v12;
	[tilespmem:s21+$0xFFFFFE10] =	vst v13  }
0x21e: {  	v12 =	vmul.f32 v21, v12;
	[tilespmem:s21+$0xFFFFFDD0] =	vst v15  }
0x21f: {  	[tilespmem:s21+$0xFFFFFE20] =	vst v16  }
0x220: {  	[tilespmem:s21+$0xFFFFFE00] =	vst v12  }
0x221: {  	v12 =	vld.idx.msk [tilespmem:v14+s11+$0x0], $0xffff  }
0x222: {  	v14 =	vld [tilespmem:s21+$0xFFFFFE50]  }
0x223: {  	v15 =	vld [tilespmem:s21+$0xFFFFFEB0]  }
0x224: {  	v16 =	vld [tilespmem:s21+$0xFFFFFE60]  }
0x225: {  	v17 =	vld [tilespmem:s21+$0xFFFFFEA0]  }
0x226: {  	s17 =	simm.s32 $0x2;
	v13 =	vld [tilespmem:s21+$0xFFFFFEC0]  }
0x227: {  	v18 =	vld [tilespmem:s21+$0xFFFFFE80];
	v20 =	vmov s17;
	v14 =	vmul.f32 v14, v12  }
0x228: {  	v21 =	vld [tilespmem:s21+$0xFFFFFE90];
	v20 =	vshrl.u32 v20, $0x3;
	v15 =	vmul.f32 v15, v12  }
0x229: {  	v19 =	vld [tilespmem:s21+$0xFFFFFE70];
	v16 =	vmul.f32 v16, v12;
	[tilespmem:s21+$0xFFFFFE50] =	vst v14;
	v14 =	vshll.u32 v20, v11  }
0x22a: {  	v17 =	vmul.f32 v17, v12;
	[tilespmem:s21+$0xFFFFFEB0] =	vst v15;
	v14 =	vadd.s32 $0x2, v14  }
0x22b: {  	v13 =	vmul.f32 v13, v12;
	[tilespmem:s21+$0xFFFFFE60] =	vst v16;
	v14 =	vbroadcast v14, $0x0  }
0x22c: {  	v15 =	vmul.f32 v18, v12;
	[tilespmem:s21+$0xFFFFFEA0] =	vst v17  }
0x22d: {  	v16 =	vmul.f32 v21, v12;
	[tilespmem:s21+$0xFFFFFEC0] =	vst v13  }
0x22e: {  	v12 =	vmul.f32 v19, v12;
	[tilespmem:s21+$0xFFFFFE80] =	vst v15  }
0x22f: {  	[tilespmem:s21+$0xFFFFFE90] =	vst v16  }
0x230: {  	v13 =	vld [tilespmem:s21+$0xFFFFFEF0];
	[tilespmem:s21+$0xFFFFFE70] =	vst v12  }
0x231: {  	v12 =	vld.idx.msk [tilespmem:v14+s11+$0x0], $0xffff  }
0x232: {  	v14 =	vld [tilespmem:s21+$0xFFFFFF20]  }
0x233: {  	v15 =	vld [tilespmem:s21+$0xFFFFFF00]  }
0x234: {  	v16 =	vld [tilespmem:s21+$0xFFFFFF30]  }
0x235: {  	s18 =	simm.s32 $0x3;
	v17 =	vld [tilespmem:s21+$0xFFFFFEE0]  }
0x236: {  	v18 =	vld [tilespmem:s21+$0xFFFFFF10];
	v19 =	vmov s18;
	v13 =	vmul.f32 v13, v12  }
0x237: {  	v20 =	vld [tilespmem:s21+$0xFFFFFF50];
	v19 =	vshrl.u32 v19, $0x3;
	v14 =	vmul.f32 v14, v12  }
0x238: {  	v21 =	vld [tilespmem:s21+$0xFFFFFF40];
	v15 =	vmul.f32 v15, v12;
	[tilespmem:s21+$0xFFFFFEF0] =	vst v13;
	v13 =	vshll.u32 v19, v11  }
0x239: {  	v16 =	vmul.f32 v16, v12;
	[tilespmem:s21+$0xFFFFFF20] =	vst v14;
	v13 =	vadd.s32 $0x3, v13  }
0x23a: {  	v14 =	vmul.f32 v17, v12;
	[tilespmem:s21+$0xFFFFFF00] =	vst v15;
	v13 =	vbroadcast v13, $0x0  }
0x23b: {  	v15 =	vmul.f32 v18, v12;
	[tilespmem:s21+$0xFFFFFF30] =	vst v16  }
0x23c: {  	v16 =	vmul.f32 v20, v12;
	[tilespmem:s21+$0xFFFFFEE0] =	vst v14  }
0x23d: {  	v12 =	vmul.f32 v21, v12;
	[tilespmem:s21+$0xFFFFFF10] =	vst v15  }
0x23e: {  	[tilespmem:s21+$0xFFFFFF50] =	vst v16  }
0x23f: {  	[tilespmem:s21+$0xFFFFFF40] =	vst v12  }
0x240: {  	v12 =	vld.idx.msk [tilespmem:v13+s11+$0x0], $0xffff  }
0x241: {  	v13 =	vld [tilespmem:s21+$0xFFFFFF80]  }
0x242: {  	v15 =	vld [tilespmem:s21+$0xFFFFFFD0]  }
0x243: {  	v16 =	vld [tilespmem:s21+$0xFFFFFF70]  }
0x244: {  	v17 =	vld [tilespmem:s21+$0xFFFFFFC0]  }
0x245: {  	s22 =	simm.s32 $0x4;
	v14 =	vld [tilespmem:s21+$0xFFFFFFE0]  }
0x246: {  	v18 =	vld [tilespmem:s21+$0xFFFFFF90];
	v20 =	vmov s22;
	v13 =	vmul.f32 v13, v12  }
0x247: {  	v21 =	vld [tilespmem:s21+$0xFFFFFFB0];
	v20 =	vshrl.u32 v20, $0x3;
	v15 =	vmul.f32 v15, v12  }
0x248: {  	v19 =	vld [tilespmem:s21+$0xFFFFFFA0];
	v16 =	vmul.f32 v16, v12;
	[tilespmem:s21+$0xFFFFFF80] =	vst v13;
	v13 =	vshll.u32 v20, v11  }
0x249: {  	v17 =	vmul.f32 v17, v12;
	[tilespmem:s21+$0xFFFFFFD0] =	vst v15;
	v13 =	vadd.s32 $0x4, v13  }
0x24a: {  	v14 =	vmul.f32 v14, v12;
	[tilespmem:s21+$0xFFFFFF70] =	vst v16;
	v13 =	vbroadcast v13, $0x0  }
0x24b: {  	v15 =	vmul.f32 v18, v12;
	[tilespmem:s21+$0xFFFFFFC0] =	vst v17  }
0x24c: {  	v16 =	vmul.f32 v21, v12;
	[tilespmem:s21+$0xFFFFFFE0] =	vst v14;
	v14 =	vld [tilespmem:s21+$0x10]  }
0x24d: {  	v12 =	vmul.f32 v19, v12;
	v18 =	vld [tilespmem:s21+$0x0];
	[tilespmem:s21+$0xFFFFFF90] =	vst v15  }
0x24e: {  	v21 =	vld [tilespmem:s21+$0x30];
	[tilespmem:s21+$0xFFFFFFB0] =	vst v16  }
0x24f: {  	v19 =	vld [tilespmem:s21+$0x20];
	[tilespmem:s21+$0xFFFFFFA0] =	vst v12  }
0x250: {  	v12 =	vld.idx.msk [tilespmem:v13+s11+$0x0], $0xffff  }
0x251: {  	v17 =	vld [tilespmem:s21+$0x40]  }
0x252: {  	v15 =	vld [tilespmem:s21+$0x50]  }
0x253: {  	v16 =	vld [tilespmem:s21+$0x60]  }
0x254: {  	s25 =	simm.s32 $0x5;
	v13 =	vld [tilespmem:s21+$0x70]  }
0x255: {  	s7 =	simm.s32 $0xF;
	s13 =	simm.s32 $0x2F40;
	s18 =	simm.s32 $0x7;
	v20 =	vmul.f32 v18, v12;
	v18 =	vmul.f32 v21, v12;
	v21 =	vmov s25  }
.LBB2_7:
0x256: {  	p0 =	sne.s32 s7, $0x4F  }
0x257: {  	v14 =	vmul.f32 v14, v12;
	v19 =	vmul.f32 v19, v12;
	v21 =	vshrl.u32 v21, $0x3;
	s21 =	sadd.s32 $0x480, s21;
	s22 =	smov.u32 s7;
	s7 =	sadd.s32 $0x8, s7  }
0x258: {  	v15 =	vmul.f32 v15, v12;
	[tilespmem:s13+$0x0] =	vst v20;
	v17 =	vmul.f32 v17, v12;
	v20 =	vshll.u32 v21, v11  }
0x259: {  	[tilespmem:s13+$0x10] =	vst v14;
	v14 =	vmul.f32 v16, v12;
	v12 =	vmul.f32 v13, v12;
	v13 =	vadd.s32 $0x5, v20  }
0x25a: {  	[tilespmem:s13+$0x20] =	vst v19;
	v13 =	vbroadcast v13, $0x0  }
0x25b: {  	[tilespmem:s13+$0x30] =	vst v18  }
0x25c: {  	[tilespmem:s13+$0x70] =	vst v12;
	v12 =	vld [tilespmem:s13+$0x90]  }
0x25d: {  	[tilespmem:s13+$0x50] =	vst v15;
	v15 =	vld [tilespmem:s13+$0x100]  }
0x25e: {  	[tilespmem:s13+$0x40] =	vst v17;
	v16 =	vld [tilespmem:s13+$0xE0]  }
0x25f: {  	[tilespmem:s13+$0x60] =	vst v14;
	v14 =	vld [tilespmem:s13+$0xB0]  }
0x260: {  	v13 =	vld.idx.msk [tilespmem:v13+s11+$0x0], $0xffff  }
0x261: {  	v17 =	vld [tilespmem:s13+$0xD0]  }
0x262: {  	v18 =	vld [tilespmem:s13+$0xC0]  }
0x263: {  	v19 =	vld [tilespmem:s13+$0xA0]  }
0x264: {  	v20 =	vld [tilespmem:s13+$0xF0]  }
0x265: {  	s17 =	sadd.s32 $0xFFFFFFFF, s18  }
0x266: {  	v21 =	vmov s17;
	v12 =	vmul.f32 v12, v13;
	v17 =	vmul.f32 v17, v13  }
0x267: {  	v21 =	vshrl.u32 v21, $0x3;
	v14 =	vmul.f32 v14, v13;
	v18 =	vmul.f32 v18, v13  }
0x268: {  	v16 =	vmul.f32 v16, v13;
	[tilespmem:s13+$0x90] =	vst v12;
	v12 =	vmul.f32 v19, v13;
	v19 =	vshll.u32 v21, v11  }
0x269: {  	[tilespmem:s13+$0xD0] =	vst v17;
	v17 =	vmul.f32 v20, v13;
	v13 =	vmul.f32 v15, v13;
	v15 =	vadd.s32 $0x6, v19  }
0x26a: {  	[tilespmem:s13+$0xB0] =	vst v14;
	v14 =	vbroadcast v15, $0x0  }
0x26b: {  	[tilespmem:s13+$0xE0] =	vst v16  }
0x26c: {  	[tilespmem:s13+$0x100] =	vst v13;
	v13 =	vld [tilespmem:s13+$0x120]  }
0x26d: {  	[tilespmem:s13+$0xC0] =	vst v18;
	v15 =	vld [tilespmem:s13+$0x180]  }
0x26e: {  	[tilespmem:s13+$0xF0] =	vst v17;
	v16 =	vld [tilespmem:s13+$0x170]  }
0x26f: {  	[tilespmem:s13+$0xA0] =	vst v12;
	v12 =	vld [tilespmem:s13+$0x150]  }
0x270: {  	v14 =	vld.idx.msk [tilespmem:v14+s11+$0x0], $0xffff  }
0x271: {  	v17 =	vld [tilespmem:s13+$0x130]  }
0x272: {  	v18 =	vld [tilespmem:s13+$0x140]  }
0x273: {  	v19 =	vld [tilespmem:s13+$0x160]  }
0x274: {  	v20 =	vld [tilespmem:s13+$0x190];
	_ =	sdelay $0x1  }
0x275: {  	v21 =	vmov s18;
	s18 =	smov.u32 s22;
	v13 =	vmul.f32 v13, v14;
	v17 =	vmul.f32 v17, v14  }
0x276: {  	v21 =	vshrl.u32 v21, $0x3;
	v12 =	vmul.f32 v12, v14;
	v18 =	vmul.f32 v18, v14  }
0x277: {  	v16 =	vmul.f32 v16, v14;
	[tilespmem:s13+$0x120] =	vst v13;
	v13 =	vmul.f32 v19, v14;
	v19 =	vshll.u32 v21, v11  }
0x278: {  	[tilespmem:s13+$0x150] =	vst v12;
	v12 =	vmul.f32 v15, v14;
	v14 =	vmul.f32 v20, v14;
	v15 =	vadd.s32 $0x7, v19  }
0x279: {  	[tilespmem:s13+$0x160] =	vst v13;
	v13 =	vbroadcast v15, $0x0  }
0x27a: {  	[tilespmem:s13+$0x170] =	vst v16  }
0x27b: {  	[tilespmem:s13+$0x180] =	vst v12;
	v12 =	vld [tilespmem:s13+$0x1F0]  }
0x27c: {  	[tilespmem:s13+$0x190] =	vst v14;
	v14 =	vld [tilespmem:s13+$0x1B0]  }
0x27d: {  	[tilespmem:s13+$0x130] =	vst v17;
	v15 =	vld [tilespmem:s13+$0x210]  }
0x27e: {  	[tilespmem:s13+$0x140] =	vst v18;
	v16 =	vld [tilespmem:s13+$0x1C0]  }
0x27f: {  	v13 =	vld.idx.msk [tilespmem:v13+s11+$0x0], $0xffff  }
0x280: {  	v17 =	vld [tilespmem:s13+$0x1E0]  }
0x281: {  	v18 =	vld [tilespmem:s13+$0x1D0]  }
0x282: {  	v19 =	vld [tilespmem:s13+$0x200]  }
0x283: {  	v20 =	vld [tilespmem:s13+$0x220];
	_ =	sdelay $0x1  }
0x284: {  	s17 =	sadd.s32 $0xFFFFFFF9, s18;
	v14 =	vmul.f32 v14, v13;
	v16 =	vmul.f32 v16, v13  }
0x285: {  	v21 =	vmov s17;
	v17 =	vmul.f32 v17, v13;
	v18 =	vmul.f32 v18, v13  }
0x286: {  	v21 =	vshrl.u32 v21, $0x3;
	v12 =	vmul.f32 v12, v13;
	[tilespmem:s13+$0x1B0] =	vst v14;
	v14 =	vmul.f32 v19, v13  }
0x287: {  	v15 =	vmul.f32 v15, v13;
	v19 =	vshll.u32 v21, v11;
	[tilespmem:s13+$0x1C0] =	vst v16;
	v13 =	vmul.f32 v20, v13  }
0x288: {  	v16 =	vbroadcast v19, $0x0;
	[tilespmem:s13+$0x1F0] =	vst v12  }
0x289: {  	[tilespmem:s13+$0x200] =	vst v14  }
0x28a: {  	v12 =	vld [tilespmem:s21+$0xFFFFFE10];
	[tilespmem:s13+$0x210] =	vst v15  }
0x28b: {  	v14 =	vld [tilespmem:s21+$0xFFFFFDF0];
	[tilespmem:s13+$0x1E0] =	vst v17  }
0x28c: {  	v15 =	vld [tilespmem:s21+$0xFFFFFE20];
	[tilespmem:s13+$0x1D0] =	vst v18  }
0x28d: {  	v17 =	vld [tilespmem:s21+$0xFFFFFE30];
	[tilespmem:s13+$0x220] =	vst v13;
	s13 =	smov.u32 s21  }
0x28e: {  	v13 =	vld.idx.msk [tilespmem:v16+s11+$0x0], $0xffff  }
0x28f: {  	v16 =	vld [tilespmem:s21+$0xFFFFFDC0]  }
0x290: {  	v18 =	vld [tilespmem:s21+$0xFFFFFDE0]  }
0x291: {  	v19 =	vld [tilespmem:s21+$0xFFFFFDD0]  }
0x292: {  	v20 =	vld [tilespmem:s21+$0xFFFFFE00]  }
0x293: {  	s17 =	sadd.s32 $0xFFFFFFFA, s18  }
0x294: {  	v21 =	vmov s17;
	v17 =	vmul.f32 v17, v13;
	v16 =	vmul.f32 v16, v13  }
0x295: {  	v21 =	vshrl.u32 v21, $0x3;
	v15 =	vmul.f32 v15, v13;
	v18 =	vmul.f32 v18, v13  }
0x296: {  	v14 =	vmul.f32 v14, v13;
	v19 =	vmul.f32 v19, v13;
	[tilespmem:s21+$0xFFFFFE30] =	vst v17;
	v17 =	vshll.u32 v21, v11  }
0x297: {  	v12 =	vmul.f32 v12, v13;
	[tilespmem:s21+$0xFFFFFDC0] =	vst v16;
	v16 =	vmul.f32 v20, v13;
	v13 =	vadd.s32 $0x1, v17  }
0x298: {  	[tilespmem:s21+$0xFFFFFDE0] =	vst v18;
	v13 =	vbroadcast v13, $0x0  }
0x299: {  	[tilespmem:s21+$0xFFFFFDF0] =	vst v14  }
0x29a: {  	[tilespmem:s21+$0xFFFFFE10] =	vst v12;
	v12 =	vld [tilespmem:s21+$0xFFFFFEC0]  }
0x29b: {  	[tilespmem:s21+$0xFFFFFDD0] =	vst v19;
	v14 =	vld [tilespmem:s21+$0xFFFFFEA0]  }
0x29c: {  	[tilespmem:s21+$0xFFFFFE20] =	vst v15;
	v15 =	vld [tilespmem:s21+$0xFFFFFE80]  }
0x29d: {  	[tilespmem:s21+$0xFFFFFE00] =	vst v16;
	v16 =	vld [tilespmem:s21+$0xFFFFFEB0]  }
0x29e: {  	v13 =	vld.idx.msk [tilespmem:v13+s11+$0x0], $0xffff  }
0x29f: {  	v17 =	vld [tilespmem:s21+$0xFFFFFE50]  }
0x2a0: {  	v18 =	vld [tilespmem:s21+$0xFFFFFE60]  }
0x2a1: {  	v19 =	vld [tilespmem:s21+$0xFFFFFE70]  }
0x2a2: {  	v20 =	vld [tilespmem:s21+$0xFFFFFE90]  }
0x2a3: {  	s17 =	sadd.s32 $0xFFFFFFFB, s18  }
0x2a4: {  	v21 =	vmov s17;
	v16 =	vmul.f32 v16, v13;
	v17 =	vmul.f32 v17, v13  }
0x2a5: {  	v21 =	vshrl.u32 v21, $0x3;
	v15 =	vmul.f32 v15, v13;
	v18 =	vmul.f32 v18, v13  }
0x2a6: {  	v14 =	vmul.f32 v14, v13;
	[tilespmem:s21+$0xFFFFFE50] =	vst v17;
	v17 =	vmul.f32 v19, v13;
	v19 =	vshll.u32 v21, v11  }
0x2a7: {  	v12 =	vmul.f32 v12, v13;
	v20 =	vmul.f32 v20, v13;
	[tilespmem:s21+$0xFFFFFEB0] =	vst v16;
	v13 =	vadd.s32 $0x2, v19  }
0x2a8: {  	[tilespmem:s21+$0xFFFFFE60] =	vst v18;
	v13 =	vbroadcast v13, $0x0  }
0x2a9: {  	[tilespmem:s21+$0xFFFFFEA0] =	vst v14  }
0x2aa: {  	[tilespmem:s21+$0xFFFFFEC0] =	vst v12;
	v12 =	vld [tilespmem:s21+$0xFFFFFF50]  }
0x2ab: {  	[tilespmem:s21+$0xFFFFFE80] =	vst v15;
	v14 =	vld [tilespmem:s21+$0xFFFFFF30]  }
0x2ac: {  	[tilespmem:s21+$0xFFFFFE90] =	vst v20;
	v15 =	vld [tilespmem:s21+$0xFFFFFF10]  }
0x2ad: {  	[tilespmem:s21+$0xFFFFFE70] =	vst v17;
	v16 =	vld [tilespmem:s21+$0xFFFFFF20]  }
0x2ae: {  	v13 =	vld.idx.msk [tilespmem:v13+s11+$0x0], $0xffff  }
0x2af: {  	v17 =	vld [tilespmem:s21+$0xFFFFFEF0]  }
0x2b0: {  	v18 =	vld [tilespmem:s21+$0xFFFFFF00]  }
0x2b1: {  	v19 =	vld [tilespmem:s21+$0xFFFFFEE0]  }
0x2b2: {  	v20 =	vld [tilespmem:s21+$0xFFFFFF40]  }
0x2b3: {  	s17 =	sadd.s32 $0xFFFFFFFC, s18  }
0x2b4: {  	v21 =	vmov s17;
	v16 =	vmul.f32 v16, v13;
	v17 =	vmul.f32 v17, v13  }
0x2b5: {  	v21 =	vshrl.u32 v21, $0x3;
	v15 =	vmul.f32 v15, v13;
	v18 =	vmul.f32 v18, v13  }
0x2b6: {  	v14 =	vmul.f32 v14, v13;
	v19 =	vmul.f32 v19, v13;
	[tilespmem:s21+$0xFFFFFEF0] =	vst v17;
	v17 =	vshll.u32 v21, v11  }
0x2b7: {  	v12 =	vmul.f32 v12, v13;
	[tilespmem:s21+$0xFFFFFF20] =	vst v16;
	v16 =	vmul.f32 v20, v13;
	v13 =	vadd.s32 $0x3, v17  }
0x2b8: {  	[tilespmem:s21+$0xFFFFFF00] =	vst v18;
	v13 =	vbroadcast v13, $0x0  }
0x2b9: {  	[tilespmem:s21+$0xFFFFFF30] =	vst v14  }
0x2ba: {  	[tilespmem:s21+$0xFFFFFEE0] =	vst v19;
	v14 =	vld [tilespmem:s21+$0xFFFFFFE0]  }
0x2bb: {  	[tilespmem:s21+$0xFFFFFF10] =	vst v15;
	v15 =	vld [tilespmem:s21+$0xFFFFFFC0]  }
0x2bc: {  	[tilespmem:s21+$0xFFFFFF50] =	vst v12;
	v12 =	vld [tilespmem:s21+$0xFFFFFF90]  }
0x2bd: {  	[tilespmem:s21+$0xFFFFFF40] =	vst v16;
	v16 =	vld [tilespmem:s21+$0xFFFFFFD0]  }
0x2be: {  	v13 =	vld.idx.msk [tilespmem:v13+s11+$0x0], $0xffff  }
0x2bf: {  	v17 =	vld [tilespmem:s21+$0xFFFFFF80]  }
0x2c0: {  	v18 =	vld [tilespmem:s21+$0xFFFFFF70]  }
0x2c1: {  	v19 =	vld [tilespmem:s21+$0xFFFFFFA0]  }
0x2c2: {  	v20 =	vld [tilespmem:s21+$0xFFFFFFB0]  }
0x2c3: {  	s17 =	sadd.s32 $0xFFFFFFFD, s18  }
0x2c4: {  	v21 =	vmov s17;
	v16 =	vmul.f32 v16, v13;
	v17 =	vmul.f32 v17, v13  }
0x2c5: {  	v21 =	vshrl.u32 v21, $0x3;
	v12 =	vmul.f32 v12, v13;
	v18 =	vmul.f32 v18, v13  }
0x2c6: {  	v15 =	vmul.f32 v15, v13;
	[tilespmem:s21+$0xFFFFFF80] =	vst v17;
	v17 =	vmul.f32 v19, v13;
	v19 =	vshll.u32 v21, v11  }
0x2c7: {  	v20 =	vmul.f32 v20, v13;
	[tilespmem:s21+$0xFFFFFFD0] =	vst v16;
	v13 =	vmul.f32 v14, v13;
	v14 =	vadd.s32 $0x4, v19  }
0x2c8: {  	[tilespmem:s21+$0xFFFFFF70] =	vst v18;
	v16 =	vbroadcast v14, $0x0  }
0x2c9: {  	[tilespmem:s21+$0xFFFFFFC0] =	vst v15  }
0x2ca: {  	[tilespmem:s21+$0xFFFFFFE0] =	vst v13;
	v14 =	vld [tilespmem:s21+$0x10]  }
0x2cb: {  	[tilespmem:s21+$0xFFFFFF90] =	vst v12;
	v18 =	vld [tilespmem:s21+$0x0]  }
0x2cc: {  	[tilespmem:s21+$0xFFFFFFB0] =	vst v20;
	v13 =	vld [tilespmem:s21+$0x70]  }
0x2cd: {  	[tilespmem:s21+$0xFFFFFFA0] =	vst v17;
	v19 =	vld [tilespmem:s21+$0x20]  }
0x2ce: {  	v12 =	vld.idx.msk [tilespmem:v16+s11+$0x0], $0xffff  }
0x2cf: {  	v21 =	vld [tilespmem:s21+$0x30]  }
.Ltmp2:
0x2d0: {  	v15 =	vld [tilespmem:s21+$0x50];
	(pc) =	sbr.rel @p0 .LBB2_7-.Ltmp2, $4  }
0x2d1: {  	v17 =	vld [tilespmem:s21+$0x40]  }
0x2d2: {  	v16 =	vld [tilespmem:s21+$0x60]  }
0x2d3: {  	s17 =	sadd.s32 $0xFFFFFFFE, s18  }
0x2d4: {  	v20 =	vmul.f32 v18, v12;
	v18 =	vmul.f32 v21, v12;
	v21 =	vmov s17  }
0x2d5: {  	v21 =	vshrl.u32 v21, $0x3  }
0x2d6: {  	v14 =	vmul.f32 v14, v12;
	[tilespmem:s13+$0x0] =	vst v20;
	v63 =	vshll.u32 v21, v11  }
0x2d7: {  	v19 =	vmul.f32 v19, v12;
	[tilespmem:s13+$0x30] =	vst v18;
	v22 =	vadd.s32 $0x5, v63  }
0x2d8: {  	v13 =	vmul.f32 v13, v12;
	[tilespmem:s13+$0x10] =	vst v14;
	v14 =	vbroadcast v22, $0x0  }
0x2d9: {  	v15 =	vmul.f32 v15, v12;
	[tilespmem:s13+$0x20] =	vst v19  }
0x2da: {  	v17 =	vmul.f32 v17, v12;
	[tilespmem:s13+$0x70] =	vst v13  }
0x2db: {  	v23 =	vmul.f32 v16, v12;
	[tilespmem:s13+$0x50] =	vst v15  }
0x2dc: {  	[tilespmem:s13+$0x40] =	vst v17  }
0x2dd: {  	v24 =	vld [tilespmem:s13+$0x90];
	[tilespmem:s13+$0x60] =	vst v23  }
0x2de: {  	v12 =	vld.idx.msk [tilespmem:v14+s11+$0x0], $0xffff  }
0x2df: {  	v26 =	vld [tilespmem:s13+$0xD0]  }
0x2e0: {  	v27 =	vld [tilespmem:s13+$0xB0]  }
0x2e1: {  	v28 =	vld [tilespmem:s13+$0xE0]  }
0x2e2: {  	v25 =	vld [tilespmem:s13+$0x100];
	s7 =	sadd.s32 $0xFFFFFFFF, s18  }
0x2e3: {  	v29 =	vld [tilespmem:s13+$0xC0];
	v31 =	vmov s7;
	v13 =	vmul.f32 v24, v12  }
0x2e4: {  	v32 =	vld [tilespmem:s13+$0xF0];
	v20 =	vshrl.u32 v31, $0x3;
	v14 =	vmul.f32 v26, v12  }
0x2e5: {  	v30 =	vld [tilespmem:s13+$0xA0];
	v33 =	vshll.u32 v20, v11;
	v16 =	vmul.f32 v27, v12;
	[tilespmem:s13+$0x90] =	vst v13  }
0x2e6: {  	v17 =	vmul.f32 v28, v12;
	[tilespmem:s13+$0xD0] =	vst v14;
	v13 =	vadd.s32 $0x6, v33  }
0x2e7: {  	v34 =	vmul.f32 v25, v12;
	[tilespmem:s13+$0xB0] =	vst v16;
	v13 =	vbroadcast v13, $0x0  }
0x2e8: {  	v35 =	vmul.f32 v29, v12;
	[tilespmem:s13+$0xE0] =	vst v17  }
0x2e9: {  	v36 =	vmul.f32 v32, v12;
	[tilespmem:s13+$0x100] =	vst v34  }
0x2ea: {  	v12 =	vmul.f32 v30, v12;
	[tilespmem:s13+$0xC0] =	vst v35  }
0x2eb: {  	[tilespmem:s13+$0xF0] =	vst v36  }
0x2ec: {  	v37 =	vld [tilespmem:s13+$0x120];
	[tilespmem:s13+$0xA0] =	vst v12  }
0x2ed: {  	v12 =	vld.idx.msk [tilespmem:v13+s11+$0x0], $0xffff  }
0x2ee: {  	v39 =	vld [tilespmem:s13+$0x150]  }
0x2ef: {  	v40 =	vld [tilespmem:s13+$0x160]  }
0x2f0: {  	v41 =	vld [tilespmem:s13+$0x170]  }
0x2f1: {  	v38 =	vld [tilespmem:s13+$0x180]  }
0x2f2: {  	v43 =	vld [tilespmem:s13+$0x190];
	v44 =	vmov s18;
	v14 =	vmul.f32 v37, v12  }
0x2f3: {  	v42 =	vld [tilespmem:s13+$0x130];
	v20 =	vshrl.u32 v44, $0x3;
	v13 =	vmul.f32 v39, v12  }
0x2f4: {  	v45 =	vld [tilespmem:s13+$0x140];
	v47 =	vshll.u32 v20, v11;
	v46 =	vmul.f32 v40, v12;
	[tilespmem:s13+$0x120] =	vst v14  }
0x2f5: {  	v48 =	vadd.s32 $0x7, v47;
	v17 =	vmul.f32 v41, v12;
	[tilespmem:s13+$0x150] =	vst v13  }
0x2f6: {  	v15 =	vmul.f32 v38, v12;
	[tilespmem:s13+$0x160] =	vst v46;
	v13 =	vbroadcast v48, $0x0  }
0x2f7: {  	v49 =	vmul.f32 v43, v12;
	[tilespmem:s13+$0x170] =	vst v17  }
0x2f8: {  	v50 =	vmul.f32 v42, v12;
	[tilespmem:s13+$0x180] =	vst v15  }
0x2f9: {  	v12 =	vmul.f32 v45, v12;
	[tilespmem:s13+$0x190] =	vst v49  }
0x2fa: {  	[tilespmem:s13+$0x130] =	vst v50  }
0x2fb: {  	v51 =	vld [tilespmem:s13+$0x1B0];
	[tilespmem:s13+$0x140] =	vst v12  }
0x2fc: {  	v12 =	vld.idx.msk [tilespmem:v13+s11+$0x0], $0xffff  }
0x2fd: {  	v52 =	vld [tilespmem:s13+$0x1C0]  }
0x2fe: {  	v53 =	vld [tilespmem:s13+$0x1F0]  }
0x2ff: {  	v54 =	vld [tilespmem:s13+$0x200]  }
0x300: {  	v55 =	vld [tilespmem:s13+$0x210]  }
0x301: {  	v56 =	vld [tilespmem:s13+$0x1E0];
	v14 =	vmul.f32 v51, v12  }
0x302: {  	v57 =	vld [tilespmem:s13+$0x1D0];
	v13 =	vmul.f32 v52, v12  }
0x303: {  	v58 =	vld [tilespmem:s13+$0x220];
	v59 =	vmul.f32 v53, v12;
	[tilespmem:s13+$0x1B0] =	vst v14  }
0x304: {  	v60 =	vmul.f32 v54, v12;
	[tilespmem:s13+$0x1C0] =	vst v13  }
0x305: {  	s23 =	sadd.s32 $0x1, s23;
	v61 =	vmul.f32 v55, v12;
	[tilespmem:s13+$0x1F0] =	vst v59  }
0x306: {  	p0 =	sne.s32 s23, $0x3E;
	v62 =	vmul.f32 v56, v12;
	[tilespmem:s13+$0x200] =	vst v60  }
.Ltmp3:
0x307: {  	v63 =	vmul.f32 v57, v12;
	[tilespmem:s13+$0x210] =	vst v61;
	(pc) =	sbr.rel @p0 .LBB2_4-.Ltmp3, $4  }
0x308: {  	v12 =	vmul.f32 v58, v12;
	[tilespmem:s13+$0x1E0] =	vst v62  }
0x309: {  	[tilespmem:s13+$0x1D0] =	vst v63  }
0x30a: {  	s25 =	simm.s32 $0x6590;
	[tilespmem:s13+$0x220] =	vst v12  }
0x30b: {  	[spmem:s3] =	stream.indirect.scatter.add.f32 [tilespmem:s8], [sflag:$0x4], $0x90, s25, s29, $0xb8;
	[tilespmem:$0x1C5C0] =	vst v63  }
0x30c: {  	s7 =	simm.s32 $0x4  }
0x30d: {  	_ =	swait.ge [sflag:s7], $0x2D00  }
0x30e: {  	[sflag:s7] =	ssyncset.done $0x0  }
0x30f: {  	[sflag:s7] =	ssyncadd.s32 $0xFFFFD300  }
0x310: {  	_ =	swait.ge [sflag:s10], $0x2D00  }
0x311: {  	[sflag:s10] =	ssyncset.done $0x0  }
0x312: {  	[sflag:s10] =	ssyncadd.s32 $0xFFFFD300  }
0x313: {  	_ =	swait.ge [sflag:s10], $0x500  }
0x314: {  	[sflag:s10] =	ssyncset.done $0x0  }
0x315: {  	[sflag:s10] =	ssyncadd.s32 $0xFFFFFB00  }
0x316: {  	v12 =	vld [tilespmem:$0x64A0]  }
0x317: {  	v13 =	vld [tilespmem:$0x64B0]  }
0x318: {  	v14 =	vld [tilespmem:$0x64C0]  }
0x319: {  	v15 =	vld [tilespmem:$0x64D0]  }
0x31a: {  	v16 =	vld [tilespmem:$0x64E0]  }
0x31b: {  	[tilespmem:$0x6540] =	vst v12  }
0x31c: {  	[tilespmem:$0x6550] =	vst v13  }
0x31d: {  	[tilespmem:$0x6560] =	vst v14  }
0x31e: {  	[tilespmem:$0x6570] =	vst v15  }
0x31f: {  	[tilespmem:$0x6580] =	vst v16  }
0x320: {  	v12 =	vld.idx.msk [tilespmem:v2+s4+$0x0], $0xffff  }
0x321: {  	v13 =	vld.idx.msk [tilespmem:v0+s30+$0x0], $0xffff;
	_ =	sdelay $0x4  }
0x322: {  	v12 =	vadd.f32 v13, v12;
	_ =	sdelay $0x1  }
0x323: {  	v13 =	vmul.f32 $2.000000030e-01, v12  }
0x324: {  	vm0 =	vge.f32 v12, $0.0e+00  }
0x325: {  	v12 =	vsel vm0, v12, v13  }
0x326: {  	v12 =	vmul.f32 $1.442695020e+00, v12;
	_ =	sdelay $0x1  }
0x327: {  	(erf) = vpow2.f32 v12;
	_ =	sdelay $0x8  }
0x328: {  	v12 =	vpop (erf)  }
0x329: {  	[tilespmem:$0x65E0] =	vst v12  }
0x32a: {  	[tilespmem:v2+s4+$0x0] =	vst.idx.msk $0xffff, v12  }
0x32b: {  	v12 =	vld.idx.msk [tilespmem:v3+s4+$0x0], $0xffff  }
0x32c: {  	v13 =	vld.idx.msk [tilespmem:v4+s30+$0x0], $0xffff;
	_ =	sdelay $0x4  }
0x32d: {  	v12 =	vadd.f32 v13, v12;
	_ =	sdelay $0x1  }
0x32e: {  	v13 =	vmul.f32 $2.000000030e-01, v12  }
0x32f: {  	vm12 =	vge.f32 v12, $0.0e+00  }
0x330: {  	v12 =	vsel vm12, v12, v13  }
0x331: {  	v12 =	vmul.f32 $1.442695020e+00, v12;
	_ =	sdelay $0x1  }
0x332: {  	(erf) = vpow2.f32 v12;
	_ =	sdelay $0x8  }
0x333: {  	v12 =	vpop (erf)  }
0x334: {  	[tilespmem:$0x65F0] =	vst v12  }
0x335: {  	[tilespmem:v3+s4+$0x0] =	vst.idx.msk $0xffff, v12  }
0x336: {  	v12 =	vld.idx.msk [tilespmem:v5+s4+$0x0], $0xffff  }
0x337: {  	v13 =	vld.idx.msk [tilespmem:v6+s30+$0x0], $0xffff;
	_ =	sdelay $0x4  }
0x338: {  	v12 =	vadd.f32 v13, v12;
	_ =	sdelay $0x1  }
0x339: {  	v13 =	vmul.f32 $2.000000030e-01, v12  }
0x33a: {  	vm13 =	vge.f32 v12, $0.0e+00  }
0x33b: {  	v12 =	vsel vm13, v12, v13  }
0x33c: {  	v12 =	vmul.f32 $1.442695020e+00, v12;
	_ =	sdelay $0x1  }
0x33d: {  	(erf) = vpow2.f32 v12;
	_ =	sdelay $0x8  }
0x33e: {  	v12 =	vpop (erf)  }
0x33f: {  	[tilespmem:$0x6600] =	vst v12  }
0x340: {  	[tilespmem:v5+s4+$0x0] =	vst.idx.msk $0xffff, v12  }
0x341: {  	v12 =	vld.idx.msk [tilespmem:v7+s4+$0x0], $0xffff  }
0x342: {  	v13 =	vld.idx.msk [tilespmem:v8+s30+$0x0], $0xffff;
	_ =	sdelay $0x4  }
0x343: {  	v12 =	vadd.f32 v13, v12;
	_ =	sdelay $0x1  }
0x344: {  	v13 =	vmul.f32 $2.000000030e-01, v12  }
0x345: {  	vm14 =	vge.f32 v12, $0.0e+00  }
0x346: {  	v12 =	vsel vm14, v12, v13  }
0x347: {  	v12 =	vmul.f32 $1.442695020e+00, v12;
	_ =	sdelay $0x1  }
0x348: {  	(erf) = vpow2.f32 v12;
	_ =	sdelay $0x8  }
0x349: {  	v12 =	vpop (erf)  }
0x34a: {  	[tilespmem:$0x6610] =	vst v12  }
0x34b: {  	[tilespmem:v7+s4+$0x0] =	vst.idx.msk $0xffff, v12  }
0x34c: {  	v12 =	vld.idx.msk [tilespmem:v9+s4+$0x0], $0xffff  }
0x34d: {  	v13 =	vld.idx.msk [tilespmem:v10+s30+$0x0], $0xffff;
	_ =	sdelay $0x4  }
0x34e: {  	v12 =	vadd.f32 v13, v12;
	_ =	sdelay $0x1  }
0x34f: {  	v13 =	vmul.f32 $2.000000030e-01, v12  }
0x350: {  	vm15 =	vge.f32 v12, $0.0e+00  }
0x351: {  	v12 =	vsel vm15, v12, v13  }
0x352: {  	v12 =	vmul.f32 $1.442695020e+00, v12;
	_ =	sdelay $0x1  }
0x353: {  	(erf) = vpow2.f32 v12;
	_ =	sdelay $0x2  }
0x354: {  	s17 =	simm.s32 $0x0  }
0x355: {  	v12 =	vmov s17  }
0x356: {  	v12 =	vshrl.u32 v12, $0x3  }
0x357: {  	v12 =	vshll.u32 v12, v11  }
0x358: {  	v12 =	vbroadcast v12, $0x0;
	_ =	sdelay $0x1  }
0x359: {  	v13 =	vpop (erf)  }
0x35a: {  	[tilespmem:$0x6620] =	vst v13  }
0x35b: {  	s21 =	simm.s32 $0x240;
	[tilespmem:v9+s4+$0x0] =	vst.idx.msk $0xffff, v13  }
0x35c: {  	v14 =	vld [tilespmem:s21+$0xFFFFFE30]  }
0x35d: {  	v12 =	vld.idx.msk [tilespmem:v12+s11+$0x0], $0xffff  }
0x35e: {  	v15 =	vld [tilespmem:s21+$0xFFFFFDC0]  }
0x35f: {  	v16 =	vld [tilespmem:s21+$0xFFFFFDE0]  }
0x360: {  	v17 =	vld [tilespmem:s21+$0xFFFFFDF0]  }
0x361: {  	s18 =	simm.s32 $0x1;
	v13 =	vld [tilespmem:s21+$0xFFFFFE10]  }
0x362: {  	v20 =	vmov s18;
	v19 =	vld [tilespmem:s21+$0xFFFFFDD0];
	v14 =	vmul.f32 v14, v12  }
0x363: {  	v20 =	vshrl.u32 v20, $0x3;
	v18 =	vld [tilespmem:s21+$0xFFFFFE20];
	v15 =	vmul.f32 v15, v12  }
0x364: {  	v21 =	vld [tilespmem:s21+$0xFFFFFE00];
	v16 =	vmul.f32 v16, v12;
	[tilespmem:s21+$0xFFFFFE30] =	vst v14;
	v14 =	vshll.u32 v20, v11  }
0x365: {  	v17 =	vmul.f32 v17, v12;
	[tilespmem:s21+$0xFFFFFDC0] =	vst v15;
	v14 =	vadd.s32 $0x1, v14  }
0x366: {  	v13 =	vmul.f32 v13, v12;
	[tilespmem:s21+$0xFFFFFDE0] =	vst v16;
	v14 =	vbroadcast v14, $0x0  }
0x367: {  	v15 =	vmul.f32 v19, v12;
	[tilespmem:s21+$0xFFFFFDF0] =	vst v17  }
0x368: {  	v16 =	vmul.f32 v18, v12;
	[tilespmem:s21+$0xFFFFFE10] =	vst v13  }
0x369: {  	v12 =	vmul.f32 v21, v12;
	[tilespmem:s21+$0xFFFFFDD0] =	vst v15  }
0x36a: {  	[tilespmem:s21+$0xFFFFFE20] =	vst v16  }
0x36b: {  	[tilespmem:s21+$0xFFFFFE00] =	vst v12  }
0x36c: {  	v12 =	vld.idx.msk [tilespmem:v14+s11+$0x0], $0xffff  }
0x36d: {  	v14 =	vld [tilespmem:s21+$0xFFFFFE50]  }
0x36e: {  	v15 =	vld [tilespmem:s21+$0xFFFFFEB0]  }
0x36f: {  	v16 =	vld [tilespmem:s21+$0xFFFFFE60]  }
0x370: {  	v17 =	vld [tilespmem:s21+$0xFFFFFEA0]  }
0x371: {  	s22 =	simm.s32 $0x2;
	v13 =	vld [tilespmem:s21+$0xFFFFFEC0]  }
0x372: {  	v18 =	vld [tilespmem:s21+$0xFFFFFE80];
	v20 =	vmov s22;
	v14 =	vmul.f32 v14, v12  }
0x373: {  	v21 =	vld [tilespmem:s21+$0xFFFFFE90];
	v20 =	vshrl.u32 v20, $0x3;
	v15 =	vmul.f32 v15, v12  }
0x374: {  	v19 =	vld [tilespmem:s21+$0xFFFFFE70];
	v16 =	vmul.f32 v16, v12;
	[tilespmem:s21+$0xFFFFFE50] =	vst v14;
	v14 =	vshll.u32 v20, v11  }
0x375: {  	v17 =	vmul.f32 v17, v12;
	[tilespmem:s21+$0xFFFFFEB0] =	vst v15;
	v14 =	vadd.s32 $0x2, v14  }
0x376: {  	v13 =	vmul.f32 v13, v12;
	[tilespmem:s21+$0xFFFFFE60] =	vst v16;
	v14 =	vbroadcast v14, $0x0  }
0x377: {  	v15 =	vmul.f32 v18, v12;
	[tilespmem:s21+$0xFFFFFEA0] =	vst v17  }
0x378: {  	v16 =	vmul.f32 v21, v12;
	[tilespmem:s21+$0xFFFFFEC0] =	vst v13  }
0x379: {  	v12 =	vmul.f32 v19, v12;
	[tilespmem:s21+$0xFFFFFE80] =	vst v15  }
0x37a: {  	[tilespmem:s21+$0xFFFFFE90] =	vst v16  }
0x37b: {  	v13 =	vld [tilespmem:s21+$0xFFFFFEF0];
	[tilespmem:s21+$0xFFFFFE70] =	vst v12  }
0x37c: {  	v12 =	vld.idx.msk [tilespmem:v14+s11+$0x0], $0xffff  }
0x37d: {  	v14 =	vld [tilespmem:s21+$0xFFFFFF20]  }
0x37e: {  	v15 =	vld [tilespmem:s21+$0xFFFFFF00]  }
0x37f: {  	v16 =	vld [tilespmem:s21+$0xFFFFFF30]  }
0x380: {  	s23 =	simm.s32 $0x3;
	v17 =	vld [tilespmem:s21+$0xFFFFFEE0]  }
0x381: {  	v18 =	vld [tilespmem:s21+$0xFFFFFF10];
	v19 =	vmov s23;
	v13 =	vmul.f32 v13, v12  }
0x382: {  	v20 =	vld [tilespmem:s21+$0xFFFFFF50];
	v19 =	vshrl.u32 v19, $0x3;
	v14 =	vmul.f32 v14, v12  }
0x383: {  	v21 =	vld [tilespmem:s21+$0xFFFFFF40];
	v15 =	vmul.f32 v15, v12;
	[tilespmem:s21+$0xFFFFFEF0] =	vst v13;
	v13 =	vshll.u32 v19, v11  }
0x384: {  	v16 =	vmul.f32 v16, v12;
	[tilespmem:s21+$0xFFFFFF20] =	vst v14;
	v13 =	vadd.s32 $0x3, v13  }
0x385: {  	v14 =	vmul.f32 v17, v12;
	[tilespmem:s21+$0xFFFFFF00] =	vst v15;
	v13 =	vbroadcast v13, $0x0  }
0x386: {  	v15 =	vmul.f32 v18, v12;
	[tilespmem:s21+$0xFFFFFF30] =	vst v16  }
0x387: {  	v16 =	vmul.f32 v20, v12;
	[tilespmem:s21+$0xFFFFFEE0] =	vst v14  }
0x388: {  	v12 =	vmul.f32 v21, v12;
	[tilespmem:s21+$0xFFFFFF10] =	vst v15  }
0x389: {  	[tilespmem:s21+$0xFFFFFF50] =	vst v16  }
0x38a: {  	[tilespmem:s21+$0xFFFFFF40] =	vst v12  }
0x38b: {  	v12 =	vld.idx.msk [tilespmem:v13+s11+$0x0], $0xffff  }
0x38c: {  	v13 =	vld [tilespmem:s21+$0xFFFFFF80]  }
0x38d: {  	v15 =	vld [tilespmem:s21+$0xFFFFFFD0]  }
0x38e: {  	v16 =	vld [tilespmem:s21+$0xFFFFFF70]  }
0x38f: {  	v17 =	vld [tilespmem:s21+$0xFFFFFFC0]  }
0x390: {  	s25 =	simm.s32 $0x4;
	v14 =	vld [tilespmem:s21+$0xFFFFFFE0]  }
0x391: {  	v18 =	vld [tilespmem:s21+$0xFFFFFF90];
	v20 =	vmov s25;
	v13 =	vmul.f32 v13, v12  }
0x392: {  	v21 =	vld [tilespmem:s21+$0xFFFFFFB0];
	v20 =	vshrl.u32 v20, $0x3;
	v15 =	vmul.f32 v15, v12  }
0x393: {  	v19 =	vld [tilespmem:s21+$0xFFFFFFA0];
	v16 =	vmul.f32 v16, v12;
	[tilespmem:s21+$0xFFFFFF80] =	vst v13;
	v13 =	vshll.u32 v20, v11  }
0x394: {  	v17 =	vmul.f32 v17, v12;
	[tilespmem:s21+$0xFFFFFFD0] =	vst v15;
	v13 =	vadd.s32 $0x4, v13  }
0x395: {  	v14 =	vmul.f32 v14, v12;
	[tilespmem:s21+$0xFFFFFF70] =	vst v16;
	v13 =	vbroadcast v13, $0x0  }
0x396: {  	v15 =	vmul.f32 v18, v12;
	[tilespmem:s21+$0xFFFFFFC0] =	vst v17  }
0x397: {  	v16 =	vmul.f32 v21, v12;
	[tilespmem:s21+$0xFFFFFFE0] =	vst v14;
	v14 =	vld [tilespmem:s21+$0x10]  }
0x398: {  	v12 =	vmul.f32 v19, v12;
	v18 =	vld [tilespmem:s21+$0x0];
	[tilespmem:s21+$0xFFFFFF90] =	vst v15  }
0x399: {  	v21 =	vld [tilespmem:s21+$0x30];
	[tilespmem:s21+$0xFFFFFFB0] =	vst v16  }
0x39a: {  	v19 =	vld [tilespmem:s21+$0x20];
	[tilespmem:s21+$0xFFFFFFA0] =	vst v12  }
0x39b: {  	v12 =	vld.idx.msk [tilespmem:v13+s11+$0x0], $0xffff  }
0x39c: {  	v17 =	vld [tilespmem:s21+$0x40]  }
0x39d: {  	v15 =	vld [tilespmem:s21+$0x50]  }
0x39e: {  	v16 =	vld [tilespmem:s21+$0x60]  }
0x39f: {  	s13 =	simm.s32 $0x5;
	v13 =	vld [tilespmem:s21+$0x70]  }
0x3a0: {  	s18 =	simm.s32 $0x7;
	s7 =	simm.s32 $0xF;
	v20 =	vmul.f32 v18, v12;
	v18 =	vmul.f32 v21, v12;
	v21 =	vmov s13;
	s13 =	simm.s32 $0x240  }
.LBB2_10:
0x3a1: {  	p0 =	sne.s32 s7, $0x4F  }
0x3a2: {  	v14 =	vmul.f32 v14, v12;
	v19 =	vmul.f32 v19, v12;
	v21 =	vshrl.u32 v21, $0x3;
	s21 =	sadd.s32 $0x480, s21;
	s22 =	smov.u32 s7;
	s7 =	sadd.s32 $0x8, s7  }
0x3a3: {  	v15 =	vmul.f32 v15, v12;
	[tilespmem:s13+$0x0] =	vst v20;
	v17 =	vmul.f32 v17, v12;
	v20 =	vshll.u32 v21, v11  }
0x3a4: {  	[tilespmem:s13+$0x10] =	vst v14;
	v14 =	vmul.f32 v16, v12;
	v12 =	vmul.f32 v13, v12;
	v13 =	vadd.s32 $0x5, v20  }
0x3a5: {  	[tilespmem:s13+$0x20] =	vst v19;
	v13 =	vbroadcast v13, $0x0  }
0x3a6: {  	[tilespmem:s13+$0x30] =	vst v18  }
0x3a7: {  	[tilespmem:s13+$0x70] =	vst v12;
	v12 =	vld [tilespmem:s13+$0x90]  }
0x3a8: {  	[tilespmem:s13+$0x50] =	vst v15;
	v15 =	vld [tilespmem:s13+$0x100]  }
0x3a9: {  	[tilespmem:s13+$0x40] =	vst v17;
	v16 =	vld [tilespmem:s13+$0xE0]  }
0x3aa: {  	[tilespmem:s13+$0x60] =	vst v14;
	v14 =	vld [tilespmem:s13+$0xB0]  }
0x3ab: {  	v13 =	vld.idx.msk [tilespmem:v13+s11+$0x0], $0xffff  }
0x3ac: {  	v17 =	vld [tilespmem:s13+$0xD0]  }
0x3ad: {  	v18 =	vld [tilespmem:s13+$0xC0]  }
0x3ae: {  	v19 =	vld [tilespmem:s13+$0xA0]  }
0x3af: {  	v20 =	vld [tilespmem:s13+$0xF0]  }
0x3b0: {  	s17 =	sadd.s32 $0xFFFFFFFF, s18  }
0x3b1: {  	v21 =	vmov s17;
	v12 =	vmul.f32 v12, v13;
	v17 =	vmul.f32 v17, v13  }
0x3b2: {  	v21 =	vshrl.u32 v21, $0x3;
	v14 =	vmul.f32 v14, v13;
	v18 =	vmul.f32 v18, v13  }
0x3b3: {  	v16 =	vmul.f32 v16, v13;
	[tilespmem:s13+$0x90] =	vst v12;
	v12 =	vmul.f32 v19, v13;
	v19 =	vshll.u32 v21, v11  }
0x3b4: {  	[tilespmem:s13+$0xD0] =	vst v17;
	v17 =	vmul.f32 v20, v13;
	v13 =	vmul.f32 v15, v13;
	v15 =	vadd.s32 $0x6, v19  }
0x3b5: {  	[tilespmem:s13+$0xB0] =	vst v14;
	v14 =	vbroadcast v15, $0x0  }
0x3b6: {  	[tilespmem:s13+$0xE0] =	vst v16  }
0x3b7: {  	[tilespmem:s13+$0x100] =	vst v13;
	v13 =	vld [tilespmem:s13+$0x120]  }
0x3b8: {  	[tilespmem:s13+$0xC0] =	vst v18;
	v15 =	vld [tilespmem:s13+$0x180]  }
0x3b9: {  	[tilespmem:s13+$0xF0] =	vst v17;
	v16 =	vld [tilespmem:s13+$0x170]  }
0x3ba: {  	[tilespmem:s13+$0xA0] =	vst v12;
	v12 =	vld [tilespmem:s13+$0x150]  }
0x3bb: {  	v14 =	vld.idx.msk [tilespmem:v14+s11+$0x0], $0xffff  }
0x3bc: {  	v17 =	vld [tilespmem:s13+$0x130]  }
0x3bd: {  	v18 =	vld [tilespmem:s13+$0x140]  }
0x3be: {  	v19 =	vld [tilespmem:s13+$0x160]  }
0x3bf: {  	v20 =	vld [tilespmem:s13+$0x190];
	_ =	sdelay $0x1  }
0x3c0: {  	v21 =	vmov s18;
	s18 =	smov.u32 s22;
	v13 =	vmul.f32 v13, v14;
	v17 =	vmul.f32 v17, v14  }
0x3c1: {  	v21 =	vshrl.u32 v21, $0x3;
	v12 =	vmul.f32 v12, v14;
	v18 =	vmul.f32 v18, v14  }
0x3c2: {  	v16 =	vmul.f32 v16, v14;
	[tilespmem:s13+$0x120] =	vst v13;
	v13 =	vmul.f32 v19, v14;
	v19 =	vshll.u32 v21, v11  }
0x3c3: {  	[tilespmem:s13+$0x150] =	vst v12;
	v12 =	vmul.f32 v15, v14;
	v14 =	vmul.f32 v20, v14;
	v15 =	vadd.s32 $0x7, v19  }
0x3c4: {  	[tilespmem:s13+$0x160] =	vst v13;
	v13 =	vbroadcast v15, $0x0  }
0x3c5: {  	[tilespmem:s13+$0x170] =	vst v16  }
0x3c6: {  	[tilespmem:s13+$0x180] =	vst v12;
	v12 =	vld [tilespmem:s13+$0x1F0]  }
0x3c7: {  	[tilespmem:s13+$0x190] =	vst v14;
	v14 =	vld [tilespmem:s13+$0x1B0]  }
0x3c8: {  	[tilespmem:s13+$0x130] =	vst v17;
	v15 =	vld [tilespmem:s13+$0x210]  }
0x3c9: {  	[tilespmem:s13+$0x140] =	vst v18;
	v16 =	vld [tilespmem:s13+$0x1C0]  }
0x3ca: {  	v13 =	vld.idx.msk [tilespmem:v13+s11+$0x0], $0xffff  }
0x3cb: {  	v17 =	vld [tilespmem:s13+$0x1E0]  }
0x3cc: {  	v18 =	vld [tilespmem:s13+$0x1D0]  }
0x3cd: {  	v19 =	vld [tilespmem:s13+$0x200]  }
0x3ce: {  	v20 =	vld [tilespmem:s13+$0x220];
	_ =	sdelay $0x1  }
0x3cf: {  	s17 =	sadd.s32 $0xFFFFFFF9, s18;
	v14 =	vmul.f32 v14, v13;
	v16 =	vmul.f32 v16, v13  }
0x3d0: {  	v21 =	vmov s17;
	v17 =	vmul.f32 v17, v13;
	v18 =	vmul.f32 v18, v13  }
0x3d1: {  	v21 =	vshrl.u32 v21, $0x3;
	v12 =	vmul.f32 v12, v13;
	[tilespmem:s13+$0x1B0] =	vst v14;
	v14 =	vmul.f32 v19, v13  }
0x3d2: {  	v15 =	vmul.f32 v15, v13;
	v19 =	vshll.u32 v21, v11;
	[tilespmem:s13+$0x1C0] =	vst v16;
	v13 =	vmul.f32 v20, v13  }
0x3d3: {  	v16 =	vbroadcast v19, $0x0;
	[tilespmem:s13+$0x1F0] =	vst v12  }
0x3d4: {  	[tilespmem:s13+$0x200] =	vst v14  }
0x3d5: {  	v12 =	vld [tilespmem:s21+$0xFFFFFE10];
	[tilespmem:s13+$0x210] =	vst v15  }
0x3d6: {  	v14 =	vld [tilespmem:s21+$0xFFFFFDF0];
	[tilespmem:s13+$0x1E0] =	vst v17  }
0x3d7: {  	v15 =	vld [tilespmem:s21+$0xFFFFFE20];
	[tilespmem:s13+$0x1D0] =	vst v18  }
0x3d8: {  	v17 =	vld [tilespmem:s21+$0xFFFFFE30];
	[tilespmem:s13+$0x220] =	vst v13;
	s13 =	smov.u32 s21  }
0x3d9: {  	v13 =	vld.idx.msk [tilespmem:v16+s11+$0x0], $0xffff  }
0x3da: {  	v16 =	vld [tilespmem:s21+$0xFFFFFDC0]  }
0x3db: {  	v18 =	vld [tilespmem:s21+$0xFFFFFDE0]  }
0x3dc: {  	v19 =	vld [tilespmem:s21+$0xFFFFFDD0]  }
0x3dd: {  	v20 =	vld [tilespmem:s21+$0xFFFFFE00]  }
0x3de: {  	s17 =	sadd.s32 $0xFFFFFFFA, s18  }
0x3df: {  	v21 =	vmov s17;
	v17 =	vmul.f32 v17, v13;
	v16 =	vmul.f32 v16, v13  }
0x3e0: {  	v21 =	vshrl.u32 v21, $0x3;
	v15 =	vmul.f32 v15, v13;
	v18 =	vmul.f32 v18, v13  }
0x3e1: {  	v14 =	vmul.f32 v14, v13;
	v19 =	vmul.f32 v19, v13;
	[tilespmem:s21+$0xFFFFFE30] =	vst v17;
	v17 =	vshll.u32 v21, v11  }
0x3e2: {  	v12 =	vmul.f32 v12, v13;
	[tilespmem:s21+$0xFFFFFDC0] =	vst v16;
	v16 =	vmul.f32 v20, v13;
	v13 =	vadd.s32 $0x1, v17  }
0x3e3: {  	[tilespmem:s21+$0xFFFFFDE0] =	vst v18;
	v13 =	vbroadcast v13, $0x0  }
0x3e4: {  	[tilespmem:s21+$0xFFFFFDF0] =	vst v14  }
0x3e5: {  	[tilespmem:s21+$0xFFFFFE10] =	vst v12;
	v12 =	vld [tilespmem:s21+$0xFFFFFEC0]  }
0x3e6: {  	[tilespmem:s21+$0xFFFFFDD0] =	vst v19;
	v14 =	vld [tilespmem:s21+$0xFFFFFEA0]  }
0x3e7: {  	[tilespmem:s21+$0xFFFFFE20] =	vst v15;
	v15 =	vld [tilespmem:s21+$0xFFFFFE80]  }
0x3e8: {  	[tilespmem:s21+$0xFFFFFE00] =	vst v16;
	v16 =	vld [tilespmem:s21+$0xFFFFFEB0]  }
0x3e9: {  	v13 =	vld.idx.msk [tilespmem:v13+s11+$0x0], $0xffff  }
0x3ea: {  	v17 =	vld [tilespmem:s21+$0xFFFFFE50]  }
0x3eb: {  	v18 =	vld [tilespmem:s21+$0xFFFFFE60]  }
0x3ec: {  	v19 =	vld [tilespmem:s21+$0xFFFFFE70]  }
0x3ed: {  	v20 =	vld [tilespmem:s21+$0xFFFFFE90]  }
0x3ee: {  	s17 =	sadd.s32 $0xFFFFFFFB, s18  }
0x3ef: {  	v21 =	vmov s17;
	v16 =	vmul.f32 v16, v13;
	v17 =	vmul.f32 v17, v13  }
0x3f0: {  	v21 =	vshrl.u32 v21, $0x3;
	v15 =	vmul.f32 v15, v13;
	v18 =	vmul.f32 v18, v13  }
0x3f1: {  	v14 =	vmul.f32 v14, v13;
	[tilespmem:s21+$0xFFFFFE50] =	vst v17;
	v17 =	vmul.f32 v19, v13;
	v19 =	vshll.u32 v21, v11  }
0x3f2: {  	v12 =	vmul.f32 v12, v13;
	v20 =	vmul.f32 v20, v13;
	[tilespmem:s21+$0xFFFFFEB0] =	vst v16;
	v13 =	vadd.s32 $0x2, v19  }
0x3f3: {  	[tilespmem:s21+$0xFFFFFE60] =	vst v18;
	v13 =	vbroadcast v13, $0x0  }
0x3f4: {  	[tilespmem:s21+$0xFFFFFEA0] =	vst v14  }
0x3f5: {  	[tilespmem:s21+$0xFFFFFEC0] =	vst v12;
	v12 =	vld [tilespmem:s21+$0xFFFFFF50]  }
0x3f6: {  	[tilespmem:s21+$0xFFFFFE80] =	vst v15;
	v14 =	vld [tilespmem:s21+$0xFFFFFF30]  }
0x3f7: {  	[tilespmem:s21+$0xFFFFFE90] =	vst v20;
	v15 =	vld [tilespmem:s21+$0xFFFFFF10]  }
0x3f8: {  	[tilespmem:s21+$0xFFFFFE70] =	vst v17;
	v16 =	vld [tilespmem:s21+$0xFFFFFF20]  }
0x3f9: {  	v13 =	vld.idx.msk [tilespmem:v13+s11+$0x0], $0xffff  }
0x3fa: {  	v17 =	vld [tilespmem:s21+$0xFFFFFEF0]  }
0x3fb: {  	v18 =	vld [tilespmem:s21+$0xFFFFFF00]  }
0x3fc: {  	v19 =	vld [tilespmem:s21+$0xFFFFFEE0]  }
0x3fd: {  	v20 =	vld [tilespmem:s21+$0xFFFFFF40]  }
0x3fe: {  	s17 =	sadd.s32 $0xFFFFFFFC, s18  }
0x3ff: {  	v21 =	vmov s17;
	v16 =	vmul.f32 v16, v13;
	v17 =	vmul.f32 v17, v13  }
0x400: {  	v21 =	vshrl.u32 v21, $0x3;
	v15 =	vmul.f32 v15, v13;
	v18 =	vmul.f32 v18, v13  }
0x401: {  	v14 =	vmul.f32 v14, v13;
	v19 =	vmul.f32 v19, v13;
	[tilespmem:s21+$0xFFFFFEF0] =	vst v17;
	v17 =	vshll.u32 v21, v11  }
0x402: {  	v12 =	vmul.f32 v12, v13;
	[tilespmem:s21+$0xFFFFFF20] =	vst v16;
	v16 =	vmul.f32 v20, v13;
	v13 =	vadd.s32 $0x3, v17  }
0x403: {  	[tilespmem:s21+$0xFFFFFF00] =	vst v18;
	v13 =	vbroadcast v13, $0x0  }
0x404: {  	[tilespmem:s21+$0xFFFFFF30] =	vst v14  }
0x405: {  	[tilespmem:s21+$0xFFFFFEE0] =	vst v19;
	v14 =	vld [tilespmem:s21+$0xFFFFFFE0]  }
0x406: {  	[tilespmem:s21+$0xFFFFFF10] =	vst v15;
	v15 =	vld [tilespmem:s21+$0xFFFFFFC0]  }
0x407: {  	[tilespmem:s21+$0xFFFFFF50] =	vst v12;
	v12 =	vld [tilespmem:s21+$0xFFFFFF90]  }
0x408: {  	[tilespmem:s21+$0xFFFFFF40] =	vst v16;
	v16 =	vld [tilespmem:s21+$0xFFFFFFD0]  }
0x409: {  	v13 =	vld.idx.msk [tilespmem:v13+s11+$0x0], $0xffff  }
0x40a: {  	v17 =	vld [tilespmem:s21+$0xFFFFFF80]  }
0x40b: {  	v18 =	vld [tilespmem:s21+$0xFFFFFF70]  }
0x40c: {  	v19 =	vld [tilespmem:s21+$0xFFFFFFA0]  }
0x40d: {  	v20 =	vld [tilespmem:s21+$0xFFFFFFB0]  }
0x40e: {  	s17 =	sadd.s32 $0xFFFFFFFD, s18  }
0x40f: {  	v21 =	vmov s17;
	v16 =	vmul.f32 v16, v13;
	v17 =	vmul.f32 v17, v13  }
0x410: {  	v21 =	vshrl.u32 v21, $0x3;
	v12 =	vmul.f32 v12, v13;
	v18 =	vmul.f32 v18, v13  }
0x411: {  	v15 =	vmul.f32 v15, v13;
	[tilespmem:s21+$0xFFFFFF80] =	vst v17;
	v17 =	vmul.f32 v19, v13;
	v19 =	vshll.u32 v21, v11  }
0x412: {  	v20 =	vmul.f32 v20, v13;
	[tilespmem:s21+$0xFFFFFFD0] =	vst v16;
	v13 =	vmul.f32 v14, v13;
	v14 =	vadd.s32 $0x4, v19  }
0x413: {  	[tilespmem:s21+$0xFFFFFF70] =	vst v18;
	v16 =	vbroadcast v14, $0x0  }
0x414: {  	[tilespmem:s21+$0xFFFFFFC0] =	vst v15  }
0x415: {  	[tilespmem:s21+$0xFFFFFFE0] =	vst v13;
	v14 =	vld [tilespmem:s21+$0x10]  }
0x416: {  	[tilespmem:s21+$0xFFFFFF90] =	vst v12;
	v18 =	vld [tilespmem:s21+$0x0]  }
0x417: {  	[tilespmem:s21+$0xFFFFFFB0] =	vst v20;
	v13 =	vld [tilespmem:s21+$0x70]  }
0x418: {  	[tilespmem:s21+$0xFFFFFFA0] =	vst v17;
	v19 =	vld [tilespmem:s21+$0x20]  }
0x419: {  	v12 =	vld.idx.msk [tilespmem:v16+s11+$0x0], $0xffff  }
0x41a: {  	v21 =	vld [tilespmem:s21+$0x30]  }
.Ltmp4:
0x41b: {  	v15 =	vld [tilespmem:s21+$0x50];
	(pc) =	sbr.rel @p0 .LBB2_10-.Ltmp4, $4  }
0x41c: {  	v17 =	vld [tilespmem:s21+$0x40]  }
0x41d: {  	v16 =	vld [tilespmem:s21+$0x60]  }
0x41e: {  	s17 =	sadd.s32 $0xFFFFFFFE, s18  }
0x41f: {  	v20 =	vmul.f32 v18, v12;
	v18 =	vmul.f32 v21, v12;
	v21 =	vmov s17  }
0x420: {  	v21 =	vshrl.u32 v21, $0x3  }
0x421: {  	v14 =	vmul.f32 v14, v12;
	[tilespmem:s13+$0x0] =	vst v20;
	v63 =	vshll.u32 v21, v11  }
0x422: {  	v19 =	vmul.f32 v19, v12;
	[tilespmem:s13+$0x30] =	vst v18;
	v22 =	vadd.s32 $0x5, v63  }
0x423: {  	v13 =	vmul.f32 v13, v12;
	[tilespmem:s13+$0x10] =	vst v14;
	v14 =	vbroadcast v22, $0x0  }
0x424: {  	v15 =	vmul.f32 v15, v12;
	[tilespmem:s13+$0x20] =	vst v19  }
0x425: {  	v17 =	vmul.f32 v17, v12;
	[tilespmem:s13+$0x70] =	vst v13  }
0x426: {  	v23 =	vmul.f32 v16, v12;
	[tilespmem:s13+$0x50] =	vst v15  }
0x427: {  	[tilespmem:s13+$0x40] =	vst v17  }
0x428: {  	v24 =	vld [tilespmem:s13+$0x90];
	[tilespmem:s13+$0x60] =	vst v23  }
0x429: {  	v12 =	vld.idx.msk [tilespmem:v14+s11+$0x0], $0xffff  }
0x42a: {  	v26 =	vld [tilespmem:s13+$0xD0]  }
0x42b: {  	v27 =	vld [tilespmem:s13+$0xB0]  }
0x42c: {  	v28 =	vld [tilespmem:s13+$0xE0]  }
0x42d: {  	v25 =	vld [tilespmem:s13+$0x100];
	s7 =	sadd.s32 $0xFFFFFFFF, s18  }
0x42e: {  	v29 =	vld [tilespmem:s13+$0xC0];
	v31 =	vmov s7;
	v13 =	vmul.f32 v24, v12  }
0x42f: {  	v32 =	vld [tilespmem:s13+$0xF0];
	v20 =	vshrl.u32 v31, $0x3;
	v14 =	vmul.f32 v26, v12  }
0x430: {  	v30 =	vld [tilespmem:s13+$0xA0];
	v33 =	vshll.u32 v20, v11;
	v16 =	vmul.f32 v27, v12;
	[tilespmem:s13+$0x90] =	vst v13  }
0x431: {  	v17 =	vmul.f32 v28, v12;
	[tilespmem:s13+$0xD0] =	vst v14;
	v13 =	vadd.s32 $0x6, v33  }
0x432: {  	v34 =	vmul.f32 v25, v12;
	[tilespmem:s13+$0xB0] =	vst v16;
	v13 =	vbroadcast v13, $0x0  }
0x433: {  	v35 =	vmul.f32 v29, v12;
	[tilespmem:s13+$0xE0] =	vst v17  }
0x434: {  	v36 =	vmul.f32 v32, v12;
	[tilespmem:s13+$0x100] =	vst v34  }
0x435: {  	v12 =	vmul.f32 v30, v12;
	[tilespmem:s13+$0xC0] =	vst v35  }
0x436: {  	[tilespmem:s13+$0xF0] =	vst v36  }
0x437: {  	v37 =	vld [tilespmem:s13+$0x120];
	[tilespmem:s13+$0xA0] =	vst v12  }
0x438: {  	v12 =	vld.idx.msk [tilespmem:v13+s11+$0x0], $0xffff  }
0x439: {  	v39 =	vld [tilespmem:s13+$0x150]  }
0x43a: {  	v40 =	vld [tilespmem:s13+$0x160]  }
0x43b: {  	v41 =	vld [tilespmem:s13+$0x170]  }
0x43c: {  	v38 =	vld [tilespmem:s13+$0x180]  }
0x43d: {  	v43 =	vld [tilespmem:s13+$0x190];
	v44 =	vmov s18;
	v14 =	vmul.f32 v37, v12  }
0x43e: {  	v42 =	vld [tilespmem:s13+$0x130];
	v20 =	vshrl.u32 v44, $0x3;
	v13 =	vmul.f32 v39, v12  }
0x43f: {  	v45 =	vld [tilespmem:s13+$0x140];
	v47 =	vshll.u32 v20, v11;
	v46 =	vmul.f32 v40, v12;
	[tilespmem:s13+$0x120] =	vst v14  }
0x440: {  	v48 =	vadd.s32 $0x7, v47;
	v17 =	vmul.f32 v41, v12;
	[tilespmem:s13+$0x150] =	vst v13  }
0x441: {  	v15 =	vmul.f32 v38, v12;
	[tilespmem:s13+$0x160] =	vst v46;
	v13 =	vbroadcast v48, $0x0  }
0x442: {  	v49 =	vmul.f32 v43, v12;
	[tilespmem:s13+$0x170] =	vst v17  }
0x443: {  	v50 =	vmul.f32 v42, v12;
	[tilespmem:s13+$0x180] =	vst v15  }
0x444: {  	v12 =	vmul.f32 v45, v12;
	[tilespmem:s13+$0x190] =	vst v49  }
0x445: {  	[tilespmem:s13+$0x130] =	vst v50  }
0x446: {  	v51 =	vld [tilespmem:s13+$0x1B0];
	[tilespmem:s13+$0x140] =	vst v12  }
0x447: {  	v12 =	vld.idx.msk [tilespmem:v13+s11+$0x0], $0xffff  }
0x448: {  	v52 =	vld [tilespmem:s13+$0x1C0]  }
0x449: {  	v53 =	vld [tilespmem:s13+$0x1F0]  }
0x44a: {  	v54 =	vld [tilespmem:s13+$0x200]  }
0x44b: {  	v55 =	vld [tilespmem:s13+$0x210]  }
0x44c: {  	v56 =	vld [tilespmem:s13+$0x1E0];
	v14 =	vmul.f32 v51, v12  }
0x44d: {  	v57 =	vld [tilespmem:s13+$0x1D0];
	v13 =	vmul.f32 v52, v12  }
0x44e: {  	v58 =	vld [tilespmem:s13+$0x220];
	v59 =	vmul.f32 v53, v12;
	[tilespmem:s13+$0x1B0] =	vst v14  }
0x44f: {  	v60 =	vmul.f32 v54, v12;
	[tilespmem:s13+$0x1C0] =	vst v13  }
0x450: {  	v61 =	vmul.f32 v55, v12;
	[tilespmem:s13+$0x1F0] =	vst v59  }
0x451: {  	v62 =	vmul.f32 v56, v12;
	[tilespmem:s13+$0x200] =	vst v60  }
0x452: {  	v63 =	vmul.f32 v57, v12;
	[tilespmem:s13+$0x210] =	vst v61  }
0x453: {  	v12 =	vmul.f32 v58, v12;
	[tilespmem:s13+$0x1E0] =	vst v62  }
0x454: {  	[tilespmem:s13+$0x1D0] =	vst v63  }
0x455: {  	[tilespmem:s13+$0x220] =	vst v12  }
0x456: {  	[spmem:s3] =	stream.indirect.scatter.add.f32 [tilespmem:s4], [sflag:$0x3], $0x90, s12, s29, $0xb8;
	[tilespmem:$0x1C5C0] =	vst v63  }
0x457: {  	_ =	swait.ge [sflag:s15], $0x2D00  }
0x458: {  	[sflag:s15] =	ssyncset.done $0x0  }
0x459: {  	[sflag:s15] =	ssyncadd.s32 $0xFFFFD300  }
0x45a: {  	s22 =	stileid.u32;
	s21 =	simm.s32 $0x10;
	[bflag:$0x0] =	sbarrier.arrive $0xFFFF  }
0x45b: {  	s7 =	sshll.u32 s22, $0x6;
	s22 =	simm.s32 $0x12;
	s17 =	rddreg [dreg:$0x4]  }
0x45c: {  	s7 =	sor.u32 $0x1C07, s7;
	s25 =	rddreg [dreg:$0x10];
	s23 =	sshrl.u32 s17, $0x3  }
0x45d: {  	[hbm:s25@s21], [sflag:s7] =	dma.strided [spmem:s23@s22], $0x2710, s10, $0x10   }
0x45e: {  	_ =	swait.ge [sflag:s24], $0x2710  }
0x45f: {  	[sflag:s24] =	ssyncset.done $0x0;
	s18 =	rddreg [dreg:$0x11]  }
0x460: {  	s21 =	rddreg [dreg:$0x13];
	[sflag:s24] =	ssyncadd.s32 $0xFFFFD8F0  }
0x461: {  	[hbm:s18@s16], [sflag:s7] =	dma.strided [spmem:s21@s22], $0x4E2, s10, $0x2   }
0x462: {  	_ =	swait.ge [sflag:s24], $0x4E2  }
0x463: {  	s23 =	rddreg [dreg:$0x14]  }
0x464: {  	s25 =	rddreg [dreg:$0x12];
	s13 =	sadd.s32 $0x1, s23  }
0x465: {  	p0 =	sne.s32 s13, s25  }
.Ltmp5:
0x466: {  	_ = 	snop;
	(pc) =	sbr.rel @p0 .LBB2_1-.Ltmp5, $3  }
0x467: {  	_ =	sdelay $0x1  }
0x468: {  	[sflag:s24] =	ssyncset.done $0x0  }
0x469: {  	[sflag:s24] =	ssyncadd.s32 $0xFFFFFB1E  }
0x46a: {  	_ =	sfence.sel $0x180000  }
0x46b: {  	[bflag:$0x0] =	sbarrier.arrive $0xFFFF  }
0x46c: {  	_ =	strace $0x90000047  }
0x46d: {  	s0 =	stileid.u32;
	[bflag:$0x2] =	sbarrier.arrive $0xFFFF  }
0x46e: {  	p0 =	sne.s32 s0, $0x0;
	s0 =	rddreg [dreg:$0x3]  }
0x46f: {  	s0 =	sadd.s32 @!p0 $0x100000, s0  }
0x470: {  	[sflag:s0] =	ssyncadd.tile.s32 @!p0 $0x1;
	_ =	shalt  }
.Lfunc_end2:
_tile_overlayer_lowered:
.L_overlay_start_2:
0x471: {  	(tag) =	ssettag $0x2  }
0x472: {  	s0 =	rddreg [dreg:$0x0];
	s2 =	stileid.u32  }
0x473: {  	s1 =	rddreg [dreg:$0x1];
	p0 =	sne.s32 s2, $0x0  }
0x474: {  	s3 =	rddreg [dreg:$0x2];
	[bflag:$0x3] =	sbarrier.arrive $0xFFFF;
	s2 =	simm.s32 @!p0 $0x1C07  }
0x475: {  	[timem:s3], [sflag:s2] =	dma.local @!p0 [hbm:s0], s1  }
0x476: {  	s0 =	simm.s32 @!p0 $0x7  }
0x477: {  	_ =	swait.ge @!p0 [sflag:s0], s1  }
0x478: {  	s1 =	ssub.s32 @!p0 $0x0, s1;
	[sflag:s0] =	ssyncset.done @!p0 $0x0  }
0x479: {  	[sflag:s0] =	ssyncadd.s32 @!p0 s1  }
0x47a: {  	[bflag:$0x3] =	sbarrier.arrive $0xFFFF  }
0x47b: {  	_ =	shalt  }

</sc_bundles>
